<compile_context>
chip_gen: v7x
topology: tpu7x:2x2x1
jax: 0.10.2.dev20260603
libtpu: 0.0.44.dev20260713+nightly
codegen_flags: <defaults>
</compile_context>

<pallas_src>
import jax
import jax.numpy as jnp
from jax import lax
from jax.experimental import pallas as pl
from jax.experimental.pallas import tpu as pltpu
from jax.experimental.pallas import tpu_sc as plsc

_B, _S = 16384, 200
_D = 16
_NC, _NS, _L = 2, 16, 16
_NW = _NC * _NS
_IW = _B // _NW
_NG = _IW // _L
_NBLK = _S // 8

_GDN = lax.GatherDimensionNumbers(
    offset_dims=(), collapsed_slice_dims=(0,), start_index_map=(0,))


def _lane_lookup(col, iv):
    return lax.gather(col, iv[:, None], _GDN, (1,),
                      mode=lax.GatherScatterMode.PROMISE_IN_BOUNDS)


def _body(tl_idx, ag_idx, tabcols, tl_out, ag_out,
          tab_v, idx_v, out_v, sin0, sin1, sout0, sout1):
    wid = lax.axis_index("s") * _NC + lax.axis_index("c")
    i0 = wid * _IW
    pltpu.sync_copy(tabcols, tab_v)
    sin = (sin0, sin1)
    sout = (sout0, sout1)

    for f, (idx_hbm, out_hbm) in enumerate(((tl_idx, tl_out),
                                            (ag_idx, ag_out))):
        cols = [tab_v[f * _D + d, pl.ds(0, _L)] for d in range(_D)]

        def start_in(b, q, idx_hbm=idx_hbm):
            pltpu.async_copy(idx_hbm.at[pl.ds(b * 8, 8), pl.ds(i0, _IW)],
                             idx_v.at[q], sin[q])

        def wait_in(q, idx_hbm=idx_hbm):
            pltpu.make_async_copy(
                idx_hbm.at[pl.ds(0, 8), pl.ds(i0, _IW)],
                idx_v.at[q], sin[q]).wait()

        def wait_out(p, out_hbm=out_hbm):
            pltpu.make_async_copy(
                out_v.at[p], out_hbm.at[0, :, pl.ds(i0, _IW)],
                sout[p]).wait()

        def do_block(b, q, cols=cols, out_hbm=out_hbm):
            wait_in(q)

            def h_body(h, _):
                for p in (0, 1):
                    jl = 2 * h + p
                    not_first = jnp.logical_not(
                        jnp.logical_and(b == 0, h == 0))

                    @pl.when(not_first)
                    def _(p=p):
                        wait_out(p)

                    def g_body(g, _, p=p, q=q, jl=jl):
                        iv = idx_v[q, jl, pl.ds(g * _L, _L)]
                        for d in range(_D):
                            out_v[p, d, pl.ds(g * _L, _L)] = _lane_lookup(
                                cols[d], iv)
                        return 0

                    lax.fori_loop(0, _NG, g_body, 0)
                    pltpu.async_copy(
                        out_v.at[p],
                        out_hbm.at[b * 8 + jl, :, pl.ds(i0, _IW)],
                        sout[p])
                return 0

            lax.fori_loop(0, 4, h_body, 0)

            @pl.when(b + 2 < _NBLK)
            def _():
                start_in(b + 2, q)

        start_in(0, 0)
        start_in(1, 1)

        def k_body(k, _):
            do_block(2 * k, 0)
            do_block(2 * k + 1, 1)
            return 0

        lax.fori_loop(0, (_NBLK - 1) // 2, k_body, 0)
        do_block(jnp.int32(_NBLK - 1), 0)
        wait_out(0)
        wait_out(1)


@jax.jit
def _run(tl_idx_t, ag_idx_t, tabcols):
    mesh = plsc.VectorSubcoreMesh(core_axis_name="c", subcore_axis_name="s",
                                  num_cores=_NC, num_subcores=_NS)
    fn = pl.kernel(
        _body,
        out_type=(
            jax.ShapeDtypeStruct((_S, _D, _B), jnp.float32),
            jax.ShapeDtypeStruct((_S, _D, _B), jnp.float32),
        ),
        mesh=mesh,
        scratch_types=[
            pltpu.VMEM((2 * _D, 128), jnp.float32),
            pltpu.VMEM((2, 8, _IW), jnp.int32),
            pltpu.VMEM((2, _D, _IW), jnp.float32),
            pltpu.SemaphoreType.DMA,
            pltpu.SemaphoreType.DMA,
            pltpu.SemaphoreType.DMA,
            pltpu.SemaphoreType.DMA,
        ],
        compiler_params=pltpu.CompilerParams(
            needs_layout_passes=False,
            use_tc_tiling_on_sc=True,
        ),
    )
    return fn(tl_idx_t, ag_idx_t, tabcols)


def kernel(traffic_light_state, agent_type, tl_table, agent_table):
    tabcols = jnp.zeros((2 * _D, 128), jnp.float32)
    tabcols = tabcols.at[:_D, :9].set(tl_table.T)
    tabcols = tabcols.at[_D:, :5].set(agent_table.T)
    tl_p, ag_p = _run(traffic_light_state.T, agent_type.T, tabcols)
    return (jnp.transpose(tl_p, (2, 0, 1)), jnp.transpose(ag_p, (2, 0, 1)))

# --- scband reference (transcript-rebuilt; emitter-appended) ---
"""Pipeline reference for scband-categorical-embedder-4286377361678 (READ-ONLY COPY).

The authoritative reference and input builder live on the scoring server;
editing this copy changes nothing except your own understanding.
"""

import jax, jax.numpy as jnp
import numpy as np

NUM_TL_CATEGORIES = 9
NUM_AGENT_CATEGORIES = 5
EMBED_DIM = 16

def setup_inputs(seed: int = 0) -> dict:
    key = jax.random.key(seed)
    k1, k2, k3, k4 = jax.random.split(key, 4)
    traffic_light_state = jax.random.randint(k1, (16384, 200), 0, NUM_TL_CATEGORIES, dtype=jnp.int64 if jax.config.jax_enable_x64 else jnp.int32).astype(jnp.int32)
    agent_type = jax.random.randint(k2, (16384, 200), 0, NUM_AGENT_CATEGORIES, dtype=jnp.int32)
    tl_table = jax.random.normal(k3, (NUM_TL_CATEGORIES, EMBED_DIM), dtype=jnp.float32)
    agent_table = jax.random.normal(k4, (NUM_AGENT_CATEGORIES, EMBED_DIM), dtype=jnp.float32)
    return {
        "traffic_light_state": traffic_light_state,
        "agent_type": agent_type,
        "tl_table": tl_table,
        "agent_table": agent_table,
    }

def reference(traffic_light_state, agent_type, tl_table, agent_table):
    # Faithful translation of CategoricalEmbedder.forward: two embedding lookups.
    tl_emb = jnp.take(tl_table, traffic_light_state, axis=0)
    agent_emb = jnp.take(agent_table, agent_type, axis=0)
    return (tl_emb, agent_emb)

if __name__ == "__main__":
    import jax
    _d = setup_inputs()
    print(jax.jit(kernel)(*tuple(_d.values())))

</pallas_src>

<mosaic_0001>
#map = affine_map<(d0, d1) -> (0, 0)>
#map1 = affine_map<(d0, d1) -> (0, 0, 0)>
module attributes {stable_mosaic.version = 14 : i64} {
  func.func @_body(%arg0: i32, %arg1: i32, %arg2: memref<200x16384xi32, #tpu.memory_space<hbm>>, %arg3: memref<200x16384xi32, #tpu.memory_space<hbm>>, %arg4: memref<32x128xf32, #tpu.memory_space<hbm>>, %arg5: memref<200x16x16384xf32, #tpu.memory_space<hbm>>, %arg6: memref<200x16x16384xf32, #tpu.memory_space<hbm>>, %arg7: memref<32x128xf32, #tpu.memory_space<vmem>>, %arg8: memref<2x8x512xi32, #tpu.memory_space<vmem>>, %arg9: memref<2x16x512xf32, #tpu.memory_space<vmem>>, %arg10: memref<!tpu.dma_semaphore, #tpu.memory_space<semaphore_mem>>, %arg11: memref<!tpu.dma_semaphore, #tpu.memory_space<semaphore_mem>>, %arg12: memref<!tpu.dma_semaphore, #tpu.memory_space<semaphore_mem>>, %arg13: memref<!tpu.dma_semaphore, #tpu.memory_space<semaphore_mem>>) attributes {dimension_semantics = [#tpu.dimension_semantics<core_parallel>, #tpu.dimension_semantics<subcore_parallel>], iteration_bounds = array<i64: 2, 16>, scalar_prefetch = 0 : i64, scratch_operands = 7 : i64, tpu.core_type = #tpu.core_type<sc_vector_subcore>, window_params = [{transform_indices = #map}, {transform_indices = #map}, {transform_indices = #map}, {transform_indices = #map1}, {transform_indices = #map1}]} {
    %mul3A = arith.constant 2 : i32
    %mul3A_0 = arith.muli %arg1, %mul3A : i32
    %add3A = arith.addi %mul3A_0, %arg0 : i32
    %mul3A_1 = arith.constant 512 : i32
    %mul3A_2 = arith.muli %add3A, %mul3A_1 : i32
    "tpu.region"() ({
      %run_scoped3A = tpu.sem_alloc : memref<!tpu.dma_semaphore, #tpu.memory_space<semaphore_mem>>
      tpu.enqueue_dma source(%arg4 : memref<32x128xf32, #tpu.memory_space<hbm>>) target(%arg7 : memref<32x128xf32, #tpu.memory_space<vmem>>) target_semaphore(%run_scoped3A : memref<!tpu.dma_semaphore, #tpu.memory_space<semaphore_mem>>)
      tpu.wait_dma2 semaphore(%run_scoped3A : memref<!tpu.dma_semaphore, #tpu.memory_space<semaphore_mem>>) src(%arg4 : memref<32x128xf32, #tpu.memory_space<hbm>>) dst(%arg7 : memref<32x128xf32, #tpu.memory_space<vmem>>)
      tpu.yield
    }) : () -> ()
    %get3A = arith.constant 0 : i32
    %get3A_3 = arith.index_cast %get3A : i32 to index
    %get3A_4 = arith.constant 0 : index
    %get3A_5 = tpu.vector_load %arg7[%get3A_3, %get3A_4] {strides = array<i32>} : memref<32x128xf32, #tpu.memory_space<vmem>>, vector<16xf32>,
    %get3A_6 = arith.constant 1 : i32
    %get3A_7 = arith.index_cast %get3A_6 : i32 to index
    %get3A_8 = arith.constant 0 : index
    %get3A_9 = tpu.vector_load %arg7[%get3A_7, %get3A_8] {strides = array<i32>} : memref<32x128xf32, #tpu.memory_space<vmem>>, vector<16xf32>,
    %get3A_10 = arith.constant 2 : i32
    %get3A_11 = arith.index_cast %get3A_10 : i32 to index
    %get3A_12 = arith.constant 0 : index
    %get3A_13 = tpu.vector_load %arg7[%get3A_11, %get3A_12] {strides = array<i32>} : memref<32x128xf32, #tpu.memory_space<vmem>>, vector<16xf32>,
    %get3A_14 = arith.constant 3 : i32
    %get3A_15 = arith.index_cast %get3A_14 : i32 to index
    %get3A_16 = arith.constant 0 : index
    %get3A_17 = tpu.vector_load %arg7[%get3A_15, %get3A_16] {strides = array<i32>} : memref<32x128xf32, #tpu.memory_space<vmem>>, vector<16xf32>,
    %get3A_18 = arith.constant 4 : i32
    %get3A_19 = arith.index_cast %get3A_18 : i32 to index
    %get3A_20 = arith.constant 0 : index
    %get3A_21 = tpu.vector_load %arg7[%get3A_19, %get3A_20] {strides = array<i32>} : memref<32x128xf32, #tpu.memory_space<vmem>>, vector<16xf32>,
    %get3A_22 = arith.constant 5 : i32
    %get3A_23 = arith.index_cast %get3A_22 : i32 to index
    %get3A_24 = arith.constant 0 : index
    %get3A_25 = tpu.vector_load %arg7[%get3A_23, %get3A_24] {strides = array<i32>} : memref<32x128xf32, #tpu.memory_space<vmem>>, vector<16xf32>,
    %get3A_26 = arith.constant 6 : i32
    %get3A_27 = arith.index_cast %get3A_26 : i32 to index
    %get3A_28 = arith.constant 0 : index
    %get3A_29 = tpu.vector_load %arg7[%get3A_27, %get3A_28] {strides = array<i32>} : memref<32x128xf32, #tpu.memory_space<vmem>>, vector<16xf32>,
    %get3A_30 = arith.constant 7 : i32
    %get3A_31 = arith.index_cast %get3A_30 : i32 to index
    %get3A_32 = arith.constant 0 : index
    %get3A_33 = tpu.vector_load %arg7[%get3A_31, %get3A_32] {strides = array<i32>} : memref<32x128xf32, #tpu.memory_space<vmem>>, vector<16xf32>,
    %get3A_34 = arith.constant 8 : i32
    %get3A_35 = arith.index_cast %get3A_34 : i32 to index
    %get3A_36 = arith.constant 0 : index
    %get3A_37 = tpu.vector_load %arg7[%get3A_35, %get3A_36] {strides = array<i32>} : memref<32x128xf32, #tpu.memory_space<vmem>>, vector<16xf32>,
    %get3A_38 = arith.constant 9 : i32
    %get3A_39 = arith.index_cast %get3A_38 : i32 to index
    %get3A_40 = arith.constant 0 : index
    %get3A_41 = tpu.vector_load %arg7[%get3A_39, %get3A_40] {strides = array<i32>} : memref<32x128xf32, #tpu.memory_space<vmem>>, vector<16xf32>,
    %get3A_42 = arith.constant 10 : i32
    %get3A_43 = arith.index_cast %get3A_42 : i32 to index
    %get3A_44 = arith.constant 0 : index
    %get3A_45 = tpu.vector_load %arg7[%get3A_43, %get3A_44] {strides = array<i32>} : memref<32x128xf32, #tpu.memory_space<vmem>>, vector<16xf32>,
    %get3A_46 = arith.constant 11 : i32
    %get3A_47 = arith.index_cast %get3A_46 : i32 to index
    %get3A_48 = arith.constant 0 : index
    %get3A_49 = tpu.vector_load %arg7[%get3A_47, %get3A_48] {strides = array<i32>} : memref<32x128xf32, #tpu.memory_space<vmem>>, vector<16xf32>,
    %get3A_50 = arith.constant 12 : i32
    %get3A_51 = arith.index_cast %get3A_50 : i32 to index
    %get3A_52 = arith.constant 0 : index
    %get3A_53 = tpu.vector_load %arg7[%get3A_51, %get3A_52] {strides = array<i32>} : memref<32x128xf32, #tpu.memory_space<vmem>>, vector<16xf32>,
    %get3A_54 = arith.constant 13 : i32
    %get3A_55 = arith.index_cast %get3A_54 : i32 to index
    %get3A_56 = arith.constant 0 : index
    %get3A_57 = tpu.vector_load %arg7[%get3A_55, %get3A_56] {strides = array<i32>} : memref<32x128xf32, #tpu.memory_space<vmem>>, vector<16xf32>,
    %get3A_58 = arith.constant 14 : i32
    %get3A_59 = arith.index_cast %get3A_58 : i32 to index
    %get3A_60 = arith.constant 0 : index
    %get3A_61 = tpu.vector_load %arg7[%get3A_59, %get3A_60] {strides = array<i32>} : memref<32x128xf32, #tpu.memory_space<vmem>>, vector<16xf32>,
    %get3A_62 = arith.constant 15 : i32
    %get3A_63 = arith.index_cast %get3A_62 : i32 to index
    %get3A_64 = arith.constant 0 : index
    %get3A_65 = tpu.vector_load %arg7[%get3A_63, %get3A_64] {strides = array<i32>} : memref<32x128xf32, #tpu.memory_space<vmem>>, vector<16xf32>,
    %dma_start3A = arith.constant 0 : i32
    %dma_start3A_66 = arith.constant 0 : i32
    %dma_start3A_67 = arith.constant 0 : i32
    %dma_start3A_68 = tpu.memref_slice %arg8[%dma_start3A, %dma_start3A_66, %dma_start3A_67] : memref<2x8x512xi32, #tpu.memory_space<vmem>> -> memref<1x8x512xi32, #tpu.memory_space<vmem>>
    %dma_start3A_69 = tpu.memref_squeeze %dma_start3A_68 : memref<1x8x512xi32, #tpu.memory_space<vmem>> -> memref<8x512xi32, #tpu.memory_space<vmem>>
    %dma_start3A_70 = arith.constant 0 : i32
    %dma_start3A_71 = tpu.memref_slice %arg2[%dma_start3A_70, %mul3A_2] : memref<200x16384xi32, #tpu.memory_space<hbm>> -> memref<8x512xi32, #tpu.memory_space<hbm>>
    %dma_start3A_72 = arith.constant 0 : i32
    %dma_start3A_73 = arith.constant 0 : i32
    %dma_start3A_74 = tpu.memref_slice %arg8[%dma_start3A, %dma_start3A_72, %dma_start3A_73] : memref<2x8x512xi32, #tpu.memory_space<vmem>> -> memref<1x8x512xi32, #tpu.memory_space<vmem>>
    %dma_start3A_75 = tpu.memref_squeeze %dma_start3A_74 : memref<1x8x512xi32, #tpu.memory_space<vmem>> -> memref<8x512xi32, #tpu.memory_space<vmem>>
    %dma_start3A_76 = arith.constant 0 : i32
    %dma_start3A_77 = tpu.memref_slice %arg2[%dma_start3A_76, %mul3A_2] : memref<200x16384xi32, #tpu.memory_space<hbm>> -> memref<8x512xi32, #tpu.memory_space<hbm>>
    tpu.enqueue_dma source(%dma_start3A_77 : memref<8x512xi32, #tpu.memory_space<hbm>>) target(%dma_start3A_75 : memref<8x512xi32, #tpu.memory_space<vmem>>) target_semaphore(%arg10 : memref<!tpu.dma_semaphore, #tpu.memory_space<semaphore_mem>>)
    %dma_start3A_78 = arith.constant 1 : i32
    %dma_start3A_79 = arith.constant 0 : i32
    %dma_start3A_80 = arith.constant 0 : i32
    %dma_start3A_81 = tpu.memref_slice %arg8[%dma_start3A_78, %dma_start3A_79, %dma_start3A_80] : memref<2x8x512xi32, #tpu.memory_space<vmem>> -> memref<1x8x512xi32, #tpu.memory_space<vmem>>
    %dma_start3A_82 = tpu.memref_squeeze %dma_start3A_81 : memref<1x8x512xi32, #tpu.memory_space<vmem>> -> memref<8x512xi32, #tpu.memory_space<vmem>>
    %dma_start3A_83 = arith.constant 8 : i32
    %dma_start3A_84 = tpu.memref_slice %arg2[%dma_start3A_83, %mul3A_2] : memref<200x16384xi32, #tpu.memory_space<hbm>> -> memref<8x512xi32, #tpu.memory_space<hbm>>
    %dma_start3A_85 = arith.constant 0 : i32
    %dma_start3A_86 = arith.constant 0 : i32
    %dma_start3A_87 = tpu.memref_slice %arg8[%dma_start3A_78, %dma_start3A_85, %dma_start3A_86] : memref<2x8x512xi32, #tpu.memory_space<vmem>> -> memref<1x8x512xi32, #tpu.memory_space<vmem>>
    %dma_start3A_88 = tpu.memref_squeeze %dma_start3A_87 : memref<1x8x512xi32, #tpu.memory_space<vmem>> -> memref<8x512xi32, #tpu.memory_space<vmem>>
    %dma_start3A_89 = arith.constant 8 : i32
    %dma_start3A_90 = tpu.memref_slice %arg2[%dma_start3A_89, %mul3A_2] : memref<200x16384xi32, #tpu.memory_space<hbm>> -> memref<8x512xi32, #tpu.memory_space<hbm>>
    tpu.enqueue_dma source(%dma_start3A_90 : memref<8x512xi32, #tpu.memory_space<hbm>>) target(%dma_start3A_88 : memref<8x512xi32, #tpu.memory_space<vmem>>) target_semaphore(%arg11 : memref<!tpu.dma_semaphore, #tpu.memory_space<semaphore_mem>>)
    %scan3A = arith.constant 0 : i32
    %scan3A_91 = arith.constant 0 : i32
    %scan3A_92 = arith.constant 12 : i32
    %scan3A_93 = arith.addi %scan3A_91, %scan3A_92 : i32
    %scan3A_94 = arith.constant 1 : i32
    %scan3A_95 = scf.for %scan3A_314 = %scan3A_91 to %scan3A_93 step %scan3A_94 iter_args(%scan3A_315 = %scan3A) -> (i32)  : i32 {
      %mul3A_316 = arith.constant 2 : i32
      %mul3A_317 = arith.muli %mul3A_316, %scan3A_314 : i32
      %dma_wait3A_318 = arith.constant 0 : i32
      %dma_wait3A_319 = arith.constant 0 : i32
      %dma_wait3A_320 = arith.constant 0 : i32
      %dma_wait3A_321 = tpu.memref_slice %arg8[%dma_wait3A_318, %dma_wait3A_319, %dma_wait3A_320] : memref<2x8x512xi32, #tpu.memory_space<vmem>> -> memref<1x8x512xi32, #tpu.memory_space<vmem>>
      %dma_wait3A_322 = tpu.memref_squeeze %dma_wait3A_321 : memref<1x8x512xi32, #tpu.memory_space<vmem>> -> memref<8x512xi32, #tpu.memory_space<vmem>>
      %dma_wait3A_323 = arith.constant 0 : i32
      %dma_wait3A_324 = tpu.memref_slice %arg2[%dma_wait3A_323, %mul3A_2] : memref<200x16384xi32, #tpu.memory_space<hbm>> -> memref<8x512xi32, #tpu.memory_space<hbm>>
      %dma_wait3A_325 = arith.constant 0 : i32
      %dma_wait3A_326 = arith.constant 0 : i32
      %dma_wait3A_327 = tpu.memref_slice %arg8[%dma_wait3A_318, %dma_wait3A_325, %dma_wait3A_326] : memref<2x8x512xi32, #tpu.memory_space<vmem>> -> memref<1x8x512xi32, #tpu.memory_space<vmem>>
      %dma_wait3A_328 = tpu.memref_squeeze %dma_wait3A_327 : memref<1x8x512xi32, #tpu.memory_space<vmem>> -> memref<8x512xi32, #tpu.memory_space<vmem>>
      %dma_wait3A_329 = arith.constant 0 : i32
      %dma_wait3A_330 = tpu.memref_slice %arg2[%dma_wait3A_329, %mul3A_2] : memref<200x16384xi32, #tpu.memory_space<hbm>> -> memref<8x512xi32, #tpu.memory_space<hbm>>
      tpu.wait_dma2 semaphore(%arg10 : memref<!tpu.dma_semaphore, #tpu.memory_space<semaphore_mem>>) src(%dma_wait3A_330 : memref<8x512xi32, #tpu.memory_space<hbm>>) dst(%dma_wait3A_328 : memref<8x512xi32, #tpu.memory_space<vmem>>)
      %scan3A_331 = arith.constant 0 : i32
      %scan3A_332 = arith.constant 0 : i32
      %scan3A_333 = arith.constant 4 : i32
      %scan3A_334 = arith.addi %scan3A_332, %scan3A_333 : i32
      %scan3A_335 = arith.constant 1 : i32
      %scan3A_336 = scf.for %scan3A_377 = %scan3A_332 to %scan3A_334 step %scan3A_335 iter_args(%scan3A_378 = %scan3A_331) -> (i32)  : i32 {
        %mul3A_379 = arith.constant 2 : i32
        %mul3A_380 = arith.muli %mul3A_379, %scan3A_377 : i32
        %add3A_381 = arith.constant 0 : i32
        %add3A_382 = arith.addi %mul3A_380, %add3A_381 : i32
        %eq3A = arith.constant 0 : i32
        %eq3A_383 = arith.cmpi eq, %mul3A_317, %eq3A : i32
        %eq3A_384 = arith.constant 0 : i32
        %eq3A_385 = arith.cmpi eq, %scan3A_377, %eq3A_384 : i32
        %and3A = arith.andi %eq3A_383, %eq3A_385 : i1
        %not3A = arith.constant true
        %not3A_386 = arith.xori %and3A, %not3A : i1
        %convert_element_type3A_387 = arith.extui %not3A_386 : i1 to i32
        %cond3A_388 = arith.constant 0 : i32
        %cond3A_389 = arith.cmpi ne, %convert_element_type3A_387, %cond3A_388 : i32
        scf.if %cond3A_389 {
          %dma_wait3A_455 = arith.constant 0 : i32
          %dma_wait3A_456 = arith.constant 0 : i32
          %dma_wait3A_457 = arith.constant 0 : i32
          %dma_wait3A_458 = arith.constant 0 : i32
          %dma_wait3A_459 = tpu.memref_slice %arg9[%dma_wait3A_455, %dma_wait3A_457, %dma_wait3A_458] : memref<2x16x512xf32, #tpu.memory_space<vmem>> -> memref<1x16x512xf32, #tpu.memory_space<vmem>>
          %dma_wait3A_460 = tpu.memref_squeeze %dma_wait3A_459 : memref<1x16x512xf32, #tpu.memory_space<vmem>> -> memref<16x512xf32, #tpu.memory_space<vmem>>
          %dma_wait3A_461 = arith.constant 0 : i32
          %dma_wait3A_462 = tpu.memref_slice %arg5[%dma_wait3A_456, %dma_wait3A_461, %mul3A_2] : memref<200x16x16384xf32, #tpu.memory_space<hbm>> -> memref<1x16x512xf32, #tpu.memory_space<hbm>>
          %dma_wait3A_463 = tpu.memref_squeeze %dma_wait3A_462 : memref<1x16x512xf32, #tpu.memory_space<hbm>> -> memref<16x512xf32, #tpu.memory_space<hbm>>
          %dma_wait3A_464 = arith.constant 0 : i32
          %dma_wait3A_465 = tpu.memref_slice %arg5[%dma_wait3A_456, %dma_wait3A_464, %mul3A_2] : memref<200x16x16384xf32, #tpu.memory_space<hbm>> -> memref<1x16x512xf32, #tpu.memory_space<hbm>>
          %dma_wait3A_466 = tpu.memref_squeeze %dma_wait3A_465 : memref<1x16x512xf32, #tpu.memory_space<hbm>> -> memref<16x512xf32, #tpu.memory_space<hbm>>
          %dma_wait3A_467 = arith.constant 0 : i32
          %dma_wait3A_468 = arith.constant 0 : i32
          %dma_wait3A_469 = tpu.memref_slice %arg9[%dma_wait3A_455, %dma_wait3A_467, %dma_wait3A_468] : memref<2x16x512xf32, #tpu.memory_space<vmem>> -> memref<1x16x512xf32, #tpu.memory_space<vmem>>
          %dma_wait3A_470 = tpu.memref_squeeze %dma_wait3A_469 : memref<1x16x512xf32, #tpu.memory_space<vmem>> -> memref<16x512xf32, #tpu.memory_space<vmem>>
          tpu.wait_dma2 semaphore(%arg12 : memref<!tpu.dma_semaphore, #tpu.memory_space<semaphore_mem>>) src(%dma_wait3A_470 : memref<16x512xf32, #tpu.memory_space<vmem>>) dst(%dma_wait3A_466 : memref<16x512xf32, #tpu.memory_space<hbm>>)
        } else {
        }
        %scan3A_390 = arith.constant 0 : i32
        %scan3A_391 = arith.constant 0 : i32
        %scan3A_392 = arith.constant 32 : i32
        %scan3A_393 = arith.addi %scan3A_391, %scan3A_392 : i32
        %scan3A_394 = arith.constant 1 : i32
        %scan3A_395 = scf.for %scan3A_455 = %scan3A_391 to %scan3A_393 step %scan3A_394 iter_args(%scan3A_456 = %scan3A_390) -> (i32)  : i32 {
          %mul3A_457 = arith.constant 16 : i32
          %mul3A_458 = arith.muli %scan3A_455, %mul3A_457 : i32
          %get3A_459 = arith.constant 0 : i32
          %get3A_460 = arith.index_cast %get3A_459 : i32 to index
          %get3A_461 = arith.index_cast %add3A_382 : i32 to index
          %get3A_462 = arith.index_cast %mul3A_458 : i32 to index
          %get3A_463 = tpu.vector_load %arg8[%get3A_460, %get3A_461, %get3A_462] {strides = array<i32>} : memref<2x8x512xi32, #tpu.memory_space<vmem>>, vector<16xi32>,
          %broadcast_in_dim3A = vector.shape_cast %get3A_463 : vector<16xi32> to vector<16x1xi32>
          %gather3A = vector.shape_cast %broadcast_in_dim3A : vector<16x1xi32> to vector<16xi32>
          %gather3A_464 = tpu.dynamic_gather %get3A_5[%gather3A] in [0] : vector<16xf32>, vector<16xi32> -> vector<16xf32>
          %mul3A_465 = arith.constant 16 : i32
          %mul3A_466 = arith.muli %scan3A_455, %mul3A_465 : i32
          %swap3A = arith.constant 0 : i32
          %swap3A_467 = arith.constant 0 : i32
          %swap3A_468 = arith.index_cast %swap3A : i32 to index
          %swap3A_469 = arith.index_cast %swap3A_467 : i32 to index
          %swap3A_470 = arith.index_cast %mul3A_466 : i32 to index
          %swap3A_471 = tpu.vector_load %arg9[%swap3A_468, %swap3A_469, %swap3A_470] {strides = array<i32>} : memref<2x16x512xf32, #tpu.memory_space<vmem>>, vector<16xf32>,
          tpu.vector_store %arg9[%swap3A_468, %swap3A_469, %swap3A_470], %gather3A_464 {strides = array<i32>} : memref<2x16x512xf32, #tpu.memory_space<vmem>>, vector<16xf32>,
          %broadcast_in_dim3A_472 = vector.shape_cast %get3A_463 : vector<16xi32> to vector<16x1xi32>
          %gather3A_473 = vector.shape_cast %broadcast_in_dim3A_472 : vector<16x1xi32> to vector<16xi32>
          %gather3A_474 = tpu.dynamic_gather %get3A_9[%gather3A_473] in [0] : vector<16xf32>, vector<16xi32> -> vector<16xf32>
          %mul3A_475 = arith.constant 16 : i32
          %mul3A_476 = arith.muli %scan3A_455, %mul3A_475 : i32
          %swap3A_477 = arith.constant 0 : i32
          %swap3A_478 = arith.constant 1 : i32
          %swap3A_479 = arith.index_cast %swap3A_477 : i32 to index
          %swap3A_480 = arith.index_cast %swap3A_478 : i32 to index
          %swap3A_481 = arith.index_cast %mul3A_476 : i32 to index
          %swap3A_482 = tpu.vector_load %arg9[%swap3A_479, %swap3A_480, %swap3A_481] {strides = array<i32>} : memref<2x16x512xf32, #tpu.memory_space<vmem>>, vector<16xf32>,
          tpu.vector_store %arg9[%swap3A_479, %swap3A_480, %swap3A_481], %gather3A_474 {strides = array<i32>} : memref<2x16x512xf32, #tpu.memory_space<vmem>>, vector<16xf32>,
          %broadcast_in_dim3A_483 = vector.shape_cast %get3A_463 : vector<16xi32> to vector<16x1xi32>
          %gather3A_484 = vector.shape_cast %broadcast_in_dim3A_483 : vector<16x1xi32> to vector<16xi32>
          %gather3A_485 = tpu.dynamic_gather %get3A_13[%gather3A_484] in [0] : vector<16xf32>, vector<16xi32> -> vector<16xf32>
          %mul3A_486 = arith.constant 16 : i32
          %mul3A_487 = arith.muli %scan3A_455, %mul3A_486 : i32
          %swap3A_488 = arith.constant 0 : i32
          %swap3A_489 = arith.constant 2 : i32
          %swap3A_490 = arith.index_cast %swap3A_488 : i32 to index
          %swap3A_491 = arith.index_cast %swap3A_489 : i32 to index
          %swap3A_492 = arith.index_cast %mul3A_487 : i32 to index
          %swap3A_493 = tpu.vector_load %arg9[%swap3A_490, %swap3A_491, %swap3A_492] {strides = array<i32>} : memref<2x16x512xf32, #tpu.memory_space<vmem>>, vector<16xf32>,
          tpu.vector_store %arg9[%swap3A_490, %swap3A_491, %swap3A_492], %gather3A_485 {strides = array<i32>} : memref<2x16x512xf32, #tpu.memory_space<vmem>>, vector<16xf32>,
          %broadcast_in_dim3A_494 = vector.shape_cast %get3A_463 : vector<16xi32> to vector<16x1xi32>
          %gather3A_495 = vector.shape_cast %broadcast_in_dim3A_494 : vector<16x1xi32> to vector<16xi32>
          %gather3A_496 = tpu.dynamic_gather %get3A_17[%gather3A_495] in [0] : vector<16xf32>, vector<16xi32> -> vector<16xf32>
          %mul3A_497 = arith.constant 16 : i32
          %mul3A_498 = arith.muli %scan3A_455, %mul3A_497 : i32
          %swap3A_499 = arith.constant 0 : i32
          %swap3A_500 = arith.constant 3 : i32
          %swap3A_501 = arith.index_cast %swap3A_499 : i32 to index
          %swap3A_502 = arith.index_cast %swap3A_500 : i32 to index
          %swap3A_503 = arith.index_cast %mul3A_498 : i32 to index
          %swap3A_504 = tpu.vector_load %arg9[%swap3A_501, %swap3A_502, %swap3A_503] {strides = array<i32>} : memref<2x16x512xf32, #tpu.memory_space<vmem>>, vector<16xf32>,
          tpu.vector_store %arg9[%swap3A_501, %swap3A_502, %swap3A_503], %gather3A_496 {strides = array<i32>} : memref<2x16x512xf32, #tpu.memory_space<vmem>>, vector<16xf32>,
          %broadcast_in_dim3A_505 = vector.shape_cast %get3A_463 : vector<16xi32> to vector<16x1xi32>
          %gather3A_506 = vector.shape_cast %broadcast_in_dim3A_505 : vector<16x1xi32> to vector<16xi32>
          %gather3A_507 = tpu.dynamic_gather %get3A_21[%gather3A_506] in [0] : vector<16xf32>, vector<16xi32> -> vector<16xf32>
          %mul3A_508 = arith.constant 16 : i32
          %mul3A_509 = arith.muli %scan3A_455, %mul3A_508 : i32
          %swap3A_510 = arith.constant 0 : i32
          %swap3A_511 = arith.constant 4 : i32
          %swap3A_512 = arith.index_cast %swap3A_510 : i32 to index
          %swap3A_513 = arith.index_cast %swap3A_511 : i32 to index
          %swap3A_514 = arith.index_cast %mul3A_509 : i32 to index
          %swap3A_515 = tpu.vector_load %arg9[%swap3A_512, %swap3A_513, %swap3A_514] {strides = array<i32>} : memref<2x16x512xf32, #tpu.memory_space<vmem>>, vector<16xf32>,
          tpu.vector_store %arg9[%swap3A_512, %swap3A_513, %swap3A_514], %gather3A_507 {strides = array<i32>} : memref<2x16x512xf32, #tpu.memory_space<vmem>>, vector<16xf32>,
          %broadcast_in_dim3A_516 = vector.shape_cast %get3A_463 : vector<16xi32> to vector<16x1xi32>
          %gather3A_517 = vector.shape_cast %broadcast_in_dim3A_516 : vector<16x1xi32> to vector<16xi32>
          %gather3A_518 = tpu.dynamic_gather %get3A_25[%gather3A_517] in [0] : vector<16xf32>, vector<16xi32> -> vector<16xf32>
          %mul3A_519 = arith.constant 16 : i32
          %mul3A_520 = arith.muli %scan3A_455, %mul3A_519 : i32
          %swap3A_521 = arith.constant 0 : i32
          %swap3A_522 = arith.constant 5 : i32
          %swap3A_523 = arith.index_cast %swap3A_521 : i32 to index
          %swap3A_524 = arith.index_cast %swap3A_522 : i32 to index
          %swap3A_525 = arith.index_cast %mul3A_520 : i32 to index
          %swap3A_526 = tpu.vector_load %arg9[%swap3A_523, %swap3A_524, %swap3A_525] {strides = array<i32>} : memref<2x16x512xf32, #tpu.memory_space<vmem>>, vector<16xf32>,
          tpu.vector_store %arg9[%swap3A_523, %swap3A_524, %swap3A_525], %gather3A_518 {strides = array<i32>} : memref<2x16x512xf32, #tpu.memory_space<vmem>>, vector<16xf32>,
          %broadcast_in_dim3A_527 = vector.shape_cast %get3A_463 : vector<16xi32> to vector<16x1xi32>
          %gather3A_528 = vector.shape_cast %broadcast_in_dim3A_527 : vector<16x1xi32> to vector<16xi32>
          %gather3A_529 = tpu.dynamic_gather %get3A_29[%gather3A_528] in [0] : vector<16xf32>, vector<16xi32> -> vector<16xf32>
          %mul3A_530 = arith.constant 16 : i32
          %mul3A_531 = arith.muli %scan3A_455, %mul3A_530 : i32
          %swap3A_532 = arith.constant 0 : i32
          %swap3A_533 = arith.constant 6 : i32
          %swap3A_534 = arith.index_cast %swap3A_532 : i32 to index
          %swap3A_535 = arith.index_cast %swap3A_533 : i32 to index
          %swap3A_536 = arith.index_cast %mul3A_531 : i32 to index
          %swap3A_537 = tpu.vector_load %arg9[%swap3A_534, %swap3A_535, %swap3A_536] {strides = array<i32>} : memref<2x16x512xf32, #tpu.memory_space<vmem>>, vector<16xf32>,
          tpu.vector_store %arg9[%swap3A_534, %swap3A_535, %swap3A_536], %gather3A_529 {strides = array<i32>} : memref<2x16x512xf32, #tpu.memory_space<vmem>>, vector<16xf32>,
          %broadcast_in_dim3A_538 = vector.shape_cast %get3A_463 : vector<16xi32> to vector<16x1xi32>
          %gather3A_539 = vector.shape_cast %broadcast_in_dim3A_538 : vector<16x1xi32> to vector<16xi32>
          %gather3A_540 = tpu.dynamic_gather %get3A_33[%gather3A_539] in [0] : vector<16xf32>, vector<16xi32> -> vector<16xf32>
          %mul3A_541 = arith.constant 16 : i32
          %mul3A_542 = arith.muli %scan3A_455, %mul3A_541 : i32
          %swap3A_543 = arith.constant 0 : i32
          %swap3A_544 = arith.constant 7 : i32
          %swap3A_545 = arith.index_cast %swap3A_543 : i32 to index
          %swap3A_546 = arith.index_cast %swap3A_544 : i32 to index
          %swap3A_547 = arith.index_cast %mul3A_542 : i32 to index
          %swap3A_548 = tpu.vector_load %arg9[%swap3A_545, %swap3A_546, %swap3A_547] {strides = array<i32>} : memref<2x16x512xf32, #tpu.memory_space<vmem>>, vector<16xf32>,
          tpu.vector_store %arg9[%swap3A_545, %swap3A_546, %swap3A_547], %gather3A_540 {strides = array<i32>} : memref<2x16x512xf32, #tpu.memory_space<vmem>>, vector<16xf32>,
          %broadcast_in_dim3A_549 = vector.shape_cast %get3A_463 : vector<16xi32> to vector<16x1xi32>
          %gather3A_550 = vector.shape_cast %broadcast_in_dim3A_549 : vector<16x1xi32> to vector<16xi32>
          %gather3A_551 = tpu.dynamic_gather %get3A_37[%gather3A_550] in [0] : vector<16xf32>, vector<16xi32> -> vector<16xf32>
          %mul3A_552 = arith.constant 16 : i32
          %mul3A_553 = arith.muli %scan3A_455, %mul3A_552 : i32
          %swap3A_554 = arith.constant 0 : i32
          %swap3A_555 = arith.constant 8 : i32
          %swap3A_556 = arith.index_cast %swap3A_554 : i32 to index
          %swap3A_557 = arith.index_cast %swap3A_555 : i32 to index
          %swap3A_558 = arith.index_cast %mul3A_553 : i32 to index
          %swap3A_559 = tpu.vector_load %arg9[%swap3A_556, %swap3A_557, %swap3A_558] {strides = array<i32>} : memref<2x16x512xf32, #tpu.memory_space<vmem>>, vector<16xf32>,
          tpu.vector_store %arg9[%swap3A_556, %swap3A_557, %swap3A_558], %gather3A_551 {strides = array<i32>} : memref<2x16x512xf32, #tpu.memory_space<vmem>>, vector<16xf32>,
          %broadcast_in_dim3A_560 = vector.shape_cast %get3A_463 : vector<16xi32> to vector<16x1xi32>
          %gather3A_561 = vector.shape_cast %broadcast_in_dim3A_560 : vector<16x1xi32> to vector<16xi32>
          %gather3A_562 = tpu.dynamic_gather %get3A_41[%gather3A_561] in [0] : vector<16xf32>, vector<16xi32> -> vector<16xf32>
          %mul3A_563 = arith.constant 16 : i32
          %mul3A_564 = arith.muli %scan3A_455, %mul3A_563 : i32
          %swap3A_565 = arith.constant 0 : i32
          %swap3A_566 = arith.constant 9 : i32
          %swap3A_567 = arith.index_cast %swap3A_565 : i32 to index
          %swap3A_568 = arith.index_cast %swap3A_566 : i32 to index
          %swap3A_569 = arith.index_cast %mul3A_564 : i32 to index
          %swap3A_570 = tpu.vector_load %arg9[%swap3A_567, %swap3A_568, %swap3A_569] {strides = array<i32>} : memref<2x16x512xf32, #tpu.memory_space<vmem>>, vector<16xf32>,
          tpu.vector_store %arg9[%swap3A_567, %swap3A_568, %swap3A_569], %gather3A_562 {strides = array<i32>} : memref<2x16x512xf32, #tpu.memory_space<vmem>>, vector<16xf32>,
          %broadcast_in_dim3A_571 = vector.shape_cast %get3A_463 : vector<16xi32> to vector<16x1xi32>
          %gather3A_572 = vector.shape_cast %broadcast_in_dim3A_571 : vector<16x1xi32> to vector<16xi32>
          %gather3A_573 = tpu.dynamic_gather %get3A_45[%gather3A_572] in [0] : vector<16xf32>, vector<16xi32> -> vector<16xf32>
          %mul3A_574 = arith.constant 16 : i32
          %mul3A_575 = arith.muli %scan3A_455, %mul3A_574 : i32
          %swap3A_576 = arith.constant 0 : i32
          %swap3A_577 = arith.constant 10 : i32
          %swap3A_578 = arith.index_cast %swap3A_576 : i32 to index
          %swap3A_579 = arith.index_cast %swap3A_577 : i32 to index
          %swap3A_580 = arith.index_cast %mul3A_575 : i32 to index
          %swap3A_581 = tpu.vector_load %arg9[%swap3A_578, %swap3A_579, %swap3A_580] {strides = array<i32>} : memref<2x16x512xf32, #tpu.memory_space<vmem>>, vector<16xf32>,
          tpu.vector_store %arg9[%swap3A_578, %swap3A_579, %swap3A_580], %gather3A_573 {strides = array<i32>} : memref<2x16x512xf32, #tpu.memory_space<vmem>>, vector<16xf32>,
          %broadcast_in_dim3A_582 = vector.shape_cast %get3A_463 : vector<16xi32> to vector<16x1xi32>
          %gather3A_583 = vector.shape_cast %broadcast_in_dim3A_582 : vector<16x1xi32> to vector<16xi32>
          %gather3A_584 = tpu.dynamic_gather %get3A_49[%gather3A_583] in [0] : vector<16xf32>, vector<16xi32> -> vector<16xf32>
          %mul3A_585 = arith.constant 16 : i32
          %mul3A_586 = arith.muli %scan3A_455, %mul3A_585 : i32
          %swap3A_587 = arith.constant 0 : i32
          %swap3A_588 = arith.constant 11 : i32
          %swap3A_589 = arith.index_cast %swap3A_587 : i32 to index
          %swap3A_590 = arith.index_cast %swap3A_588 : i32 to index
          %swap3A_591 = arith.index_cast %mul3A_586 : i32 to index
          %swap3A_592 = tpu.vector_load %arg9[%swap3A_589, %swap3A_590, %swap3A_591] {strides = array<i32>} : memref<2x16x512xf32, #tpu.memory_space<vmem>>, vector<16xf32>,
          tpu.vector_store %arg9[%swap3A_589, %swap3A_590, %swap3A_591], %gather3A_584 {strides = array<i32>} : memref<2x16x512xf32, #tpu.memory_space<vmem>>, vector<16xf32>,
          %broadcast_in_dim3A_593 = vector.shape_cast %get3A_463 : vector<16xi32> to vector<16x1xi32>
          %gather3A_594 = vector.shape_cast %broadcast_in_dim3A_593 : vector<16x1xi32> to vector<16xi32>
          %gather3A_595 = tpu.dynamic_gather %get3A_53[%gather3A_594] in [0] : vector<16xf32>, vector<16xi32> -> vector<16xf32>
          %mul3A_596 = arith.constant 16 : i32
          %mul3A_597 = arith.muli %scan3A_455, %mul3A_596 : i32
          %swap3A_598 = arith.constant 0 : i32
          %swap3A_599 = arith.constant 12 : i32
          %swap3A_600 = arith.index_cast %swap3A_598 : i32 to index
          %swap3A_601 = arith.index_cast %swap3A_599 : i32 to index
          %swap3A_602 = arith.index_cast %mul3A_597 : i32 to index
          %swap3A_603 = tpu.vector_load %arg9[%swap3A_600, %swap3A_601, %swap3A_602] {strides = array<i32>} : memref<2x16x512xf32, #tpu.memory_space<vmem>>, vector<16xf32>,
          tpu.vector_store %arg9[%swap3A_600, %swap3A_601, %swap3A_602], %gather3A_595 {strides = array<i32>} : memref<2x16x512xf32, #tpu.memory_space<vmem>>, vector<16xf32>,
          %broadcast_in_dim3A_604 = vector.shape_cast %get3A_463 : vector<16xi32> to vector<16x1xi32>
          %gather3A_605 = vector.shape_cast %broadcast_in_dim3A_604 : vector<16x1xi32> to vector<16xi32>
          %gather3A_606 = tpu.dynamic_gather %get3A_57[%gather3A_605] in [0] : vector<16xf32>, vector<16xi32> -> vector<16xf32>
          %mul3A_607 = arith.constant 16 : i32
          %mul3A_608 = arith.muli %scan3A_455, %mul3A_607 : i32
          %swap3A_609 = arith.constant 0 : i32
          %swap3A_610 = arith.constant 13 : i32
          %swap3A_611 = arith.index_cast %swap3A_609 : i32 to index
          %swap3A_612 = arith.index_cast %swap3A_610 : i32 to index
          %swap3A_613 = arith.index_cast %mul3A_608 : i32 to index
          %swap3A_614 = tpu.vector_load %arg9[%swap3A_611, %swap3A_612, %swap3A_613] {strides = array<i32>} : memref<2x16x512xf32, #tpu.memory_space<vmem>>, vector<16xf32>,
          tpu.vector_store %arg9[%swap3A_611, %swap3A_612, %swap3A_613], %gather3A_606 {strides = array<i32>} : memref<2x16x512xf32, #tpu.memory_space<vmem>>, vector<16xf32>,
          %broadcast_in_dim3A_615 = vector.shape_cast %get3A_463 : vector<16xi32> to vector<16x1xi32>
          %gather3A_616 = vector.shape_cast %broadcast_in_dim3A_615 : vector<16x1xi32> to vector<16xi32>
          %gather3A_617 = tpu.dynamic_gather %get3A_61[%gather3A_616] in [0] : vector<16xf32>, vector<16xi32> -> vector<16xf32>
          %mul3A_618 = arith.constant 16 : i32
          %mul3A_619 = arith.muli %scan3A_455, %mul3A_618 : i32
          %swap3A_620 = arith.constant 0 : i32
          %swap3A_621 = arith.constant 14 : i32
          %swap3A_622 = arith.index_cast %swap3A_620 : i32 to index
          %swap3A_623 = arith.index_cast %swap3A_621 : i32 to index
          %swap3A_624 = arith.index_cast %mul3A_619 : i32 to index
          %swap3A_625 = tpu.vector_load %arg9[%swap3A_622, %swap3A_623, %swap3A_624] {strides = array<i32>} : memref<2x16x512xf32, #tpu.memory_space<vmem>>, vector<16xf32>,
          tpu.vector_store %arg9[%swap3A_622, %swap3A_623, %swap3A_624], %gather3A_617 {strides = array<i32>} : memref<2x16x512xf32, #tpu.memory_space<vmem>>, vector<16xf32>,
          %broadcast_in_dim3A_626 = vector.shape_cast %get3A_463 : vector<16xi32> to vector<16x1xi32>
          %gather3A_627 = vector.shape_cast %broadcast_in_dim3A_626 : vector<16x1xi32> to vector<16xi32>
          %gather3A_628 = tpu.dynamic_gather %get3A_65[%gather3A_627] in [0] : vector<16xf32>, vector<16xi32> -> vector<16xf32>
          %mul3A_629 = arith.constant 16 : i32
          %mul3A_630 = arith.muli %scan3A_455, %mul3A_629 : i32
          %swap3A_631 = arith.constant 0 : i32
          %swap3A_632 = arith.constant 15 : i32
          %swap3A_633 = arith.index_cast %swap3A_631 : i32 to index
          %swap3A_634 = arith.index_cast %swap3A_632 : i32 to index
          %swap3A_635 = arith.index_cast %mul3A_630 : i32 to index
          %swap3A_636 = tpu.vector_load %arg9[%swap3A_633, %swap3A_634, %swap3A_635] {strides = array<i32>} : memref<2x16x512xf32, #tpu.memory_space<vmem>>, vector<16xf32>,
          tpu.vector_store %arg9[%swap3A_633, %swap3A_634, %swap3A_635], %gather3A_628 {strides = array<i32>} : memref<2x16x512xf32, #tpu.memory_space<vmem>>, vector<16xf32>,
          %scan3A_637 = arith.constant 0 : i32
          scf.yield %scan3A_637 : i32
        }
        %scan3A_396 = arith.constant 32 : i32
        %mul3A_397 = arith.constant 8 : i32
        %mul3A_398 = arith.muli %mul3A_317, %mul3A_397 : i32
        %add3A_399 = arith.addi %mul3A_398, %add3A_382 : i32
        %dma_start3A_400 = arith.constant 0 : i32
        %dma_start3A_401 = arith.constant 0 : i32
        %dma_start3A_402 = arith.constant 0 : i32
        %dma_start3A_403 = tpu.memref_slice %arg9[%dma_start3A_400, %dma_start3A_401, %dma_start3A_402] : memref<2x16x512xf32, #tpu.memory_space<vmem>> -> memref<1x16x512xf32, #tpu.memory_space<vmem>>
        %dma_start3A_404 = tpu.memref_squeeze %dma_start3A_403 : memref<1x16x512xf32, #tpu.memory_space<vmem>> -> memref<16x512xf32, #tpu.memory_space<vmem>>
        %dma_start3A_405 = arith.constant 0 : i32
        %dma_start3A_406 = tpu.memref_slice %arg5[%add3A_399, %dma_start3A_405, %mul3A_2] : memref<200x16x16384xf32, #tpu.memory_space<hbm>> -> memref<1x16x512xf32, #tpu.memory_space<hbm>>
        %dma_start3A_407 = tpu.memref_squeeze %dma_start3A_406 : memref<1x16x512xf32, #tpu.memory_space<hbm>> -> memref<16x512xf32, #tpu.memory_space<hbm>>
        %dma_start3A_408 = arith.constant 0 : i32
        %dma_start3A_409 = tpu.memref_slice %arg5[%add3A_399, %dma_start3A_408, %mul3A_2] : memref<200x16x16384xf32, #tpu.memory_space<hbm>> -> memref<1x16x512xf32, #tpu.memory_space<hbm>>
        %dma_start3A_410 = tpu.memref_squeeze %dma_start3A_409 : memref<1x16x512xf32, #tpu.memory_space<hbm>> -> memref<16x512xf32, #tpu.memory_space<hbm>>
        %dma_start3A_411 = arith.constant 0 : i32
        %dma_start3A_412 = arith.constant 0 : i32
        %dma_start3A_413 = tpu.memref_slice %arg9[%dma_start3A_400, %dma_start3A_411, %dma_start3A_412] : memref<2x16x512xf32, #tpu.memory_space<vmem>> -> memref<1x16x512xf32, #tpu.memory_space<vmem>>
        %dma_start3A_414 = tpu.memref_squeeze %dma_start3A_413 : memref<1x16x512xf32, #tpu.memory_space<vmem>> -> memref<16x512xf32, #tpu.memory_space<vmem>>
        tpu.enqueue_dma source(%dma_start3A_414 : memref<16x512xf32, #tpu.memory_space<vmem>>) target(%dma_start3A_410 : memref<16x512xf32, #tpu.memory_space<hbm>>) target_semaphore(%arg12 : memref<!tpu.dma_semaphore, #tpu.memory_space<semaphore_mem>>)
        %mul3A_415 = arith.constant 2 : i32
        %mul3A_416 = arith.muli %mul3A_415, %scan3A_377 : i32
        %add3A_417 = arith.constant 1 : i32
        %add3A_418 = arith.addi %mul3A_416, %add3A_417 : i32
        %eq3A_419 = arith.constant 0 : i32
        %eq3A_420 = arith.cmpi eq, %mul3A_317, %eq3A_419 : i32
        %eq3A_421 = arith.constant 0 : i32
        %eq3A_422 = arith.cmpi eq, %scan3A_377, %eq3A_421 : i32
        %and3A_423 = arith.andi %eq3A_420, %eq3A_422 : i1
        %not3A_424 = arith.constant true
        %not3A_425 = arith.xori %and3A_423, %not3A_424 : i1
        %convert_element_type3A_426 = arith.extui %not3A_425 : i1 to i32
        %cond3A_427 = arith.constant 0 : i32
        %cond3A_428 = arith.cmpi ne, %convert_element_type3A_426, %cond3A_427 : i32
        scf.if %cond3A_428 {
          %dma_wait3A_455 = arith.constant 1 : i32
          %dma_wait3A_456 = arith.constant 0 : i32
          %dma_wait3A_457 = arith.constant 0 : i32
          %dma_wait3A_458 = arith.constant 0 : i32
          %dma_wait3A_459 = tpu.memref_slice %arg9[%dma_wait3A_455, %dma_wait3A_457, %dma_wait3A_458] : memref<2x16x512xf32, #tpu.memory_space<vmem>> -> memref<1x16x512xf32, #tpu.memory_space<vmem>>
          %dma_wait3A_460 = tpu.memref_squeeze %dma_wait3A_459 : memref<1x16x512xf32, #tpu.memory_space<vmem>> -> memref<16x512xf32, #tpu.memory_space<vmem>>
          %dma_wait3A_461 = arith.constant 0 : i32
          %dma_wait3A_462 = tpu.memref_slice %arg5[%dma_wait3A_456, %dma_wait3A_461, %mul3A_2] : memref<200x16x16384xf32, #tpu.memory_space<hbm>> -> memref<1x16x512xf32, #tpu.memory_space<hbm>>
          %dma_wait3A_463 = tpu.memref_squeeze %dma_wait3A_462 : memref<1x16x512xf32, #tpu.memory_space<hbm>> -> memref<16x512xf32, #tpu.memory_space<hbm>>
          %dma_wait3A_464 = arith.constant 0 : i32
          %dma_wait3A_465 = tpu.memref_slice %arg5[%dma_wait3A_456, %dma_wait3A_464, %mul3A_2] : memref<200x16x16384xf32, #tpu.memory_space<hbm>> -> memref<1x16x512xf32, #tpu.memory_space<hbm>>
          %dma_wait3A_466 = tpu.memref_squeeze %dma_wait3A_465 : memref<1x16x512xf32, #tpu.memory_space<hbm>> -> memref<16x512xf32, #tpu.memory_space<hbm>>
          %dma_wait3A_467 = arith.constant 0 : i32
          %dma_wait3A_468 = arith.constant 0 : i32
          %dma_wait3A_469 = tpu.memref_slice %arg9[%dma_wait3A_455, %dma_wait3A_467, %dma_wait3A_468] : memref<2x16x512xf32, #tpu.memory_space<vmem>> -> memref<1x16x512xf32, #tpu.memory_space<vmem>>
          %dma_wait3A_470 = tpu.memref_squeeze %dma_wait3A_469 : memref<1x16x512xf32, #tpu.memory_space<vmem>> -> memref<16x512xf32, #tpu.memory_space<vmem>>
          tpu.wait_dma2 semaphore(%arg13 : memref<!tpu.dma_semaphore, #tpu.memory_space<semaphore_mem>>) src(%dma_wait3A_470 : memref<16x512xf32, #tpu.memory_space<vmem>>) dst(%dma_wait3A_466 : memref<16x512xf32, #tpu.memory_space<hbm>>)
        } else {
        }
        %scan3A_429 = arith.constant 0 : i32
        %scan3A_430 = arith.constant 0 : i32
        %scan3A_431 = arith.constant 32 : i32
        %scan3A_432 = arith.addi %scan3A_430, %scan3A_431 : i32
        %scan3A_433 = arith.constant 1 : i32
        %scan3A_434 = scf.for %scan3A_455 = %scan3A_430 to %scan3A_432 step %scan3A_433 iter_args(%scan3A_456 = %scan3A_429) -> (i32)  : i32 {
          %mul3A_457 = arith.constant 16 : i32
          %mul3A_458 = arith.muli %scan3A_455, %mul3A_457 : i32
          %get3A_459 = arith.constant 0 : i32
          %get3A_460 = arith.index_cast %get3A_459 : i32 to index
          %get3A_461 = arith.index_cast %add3A_418 : i32 to index
          %get3A_462 = arith.index_cast %mul3A_458 : i32 to index
          %get3A_463 = tpu.vector_load %arg8[%get3A_460, %get3A_461, %get3A_462] {strides = array<i32>} : memref<2x8x512xi32, #tpu.memory_space<vmem>>, vector<16xi32>,
          %broadcast_in_dim3A = vector.shape_cast %get3A_463 : vector<16xi32> to vector<16x1xi32>
          %gather3A = vector.shape_cast %broadcast_in_dim3A : vector<16x1xi32> to vector<16xi32>
          %gather3A_464 = tpu.dynamic_gather %get3A_5[%gather3A] in [0] : vector<16xf32>, vector<16xi32> -> vector<16xf32>
          %mul3A_465 = arith.constant 16 : i32
          %mul3A_466 = arith.muli %scan3A_455, %mul3A_465 : i32
          %swap3A = arith.constant 1 : i32
          %swap3A_467 = arith.constant 0 : i32
          %swap3A_468 = arith.index_cast %swap3A : i32 to index
          %swap3A_469 = arith.index_cast %swap3A_467 : i32 to index
          %swap3A_470 = arith.index_cast %mul3A_466 : i32 to index
          %swap3A_471 = tpu.vector_load %arg9[%swap3A_468, %swap3A_469, %swap3A_470] {strides = array<i32>} : memref<2x16x512xf32, #tpu.memory_space<vmem>>, vector<16xf32>,
          tpu.vector_store %arg9[%swap3A_468, %swap3A_469, %swap3A_470], %gather3A_464 {strides = array<i32>} : memref<2x16x512xf32, #tpu.memory_space<vmem>>, vector<16xf32>,
          %broadcast_in_dim3A_472 = vector.shape_cast %get3A_463 : vector<16xi32> to vector<16x1xi32>
          %gather3A_473 = vector.shape_cast %broadcast_in_dim3A_472 : vector<16x1xi32> to vector<16xi32>
          %gather3A_474 = tpu.dynamic_gather %get3A_9[%gather3A_473] in [0] : vector<16xf32>, vector<16xi32> -> vector<16xf32>
          %mul3A_475 = arith.constant 16 : i32
          %mul3A_476 = arith.muli %scan3A_455, %mul3A_475 : i32
          %swap3A_477 = arith.constant 1 : i32
          %swap3A_478 = arith.constant 1 : i32
          %swap3A_479 = arith.index_cast %swap3A_477 : i32 to index
          %swap3A_480 = arith.index_cast %swap3A_478 : i32 to index
          %swap3A_481 = arith.index_cast %mul3A_476 : i32 to index
          %swap3A_482 = tpu.vector_load %arg9[%swap3A_479, %swap3A_480, %swap3A_481] {strides = array<i32>} : memref<2x16x512xf32, #tpu.memory_space<vmem>>, vector<16xf32>,
          tpu.vector_store %arg9[%swap3A_479, %swap3A_480, %swap3A_481], %gather3A_474 {strides = array<i32>} : memref<2x16x512xf32, #tpu.memory_space<vmem>>, vector<16xf32>,
          %broadcast_in_dim3A_483 = vector.shape_cast %get3A_463 : vector<16xi32> to vector<16x1xi32>
          %gather3A_484 = vector.shape_cast %broadcast_in_dim3A_483 : vector<16x1xi32> to vector<16xi32>
          %gather3A_485 = tpu.dynamic_gather %get3A_13[%gather3A_484] in [0] : vector<16xf32>, vector<16xi32> -> vector<16xf32>
          %mul3A_486 = arith.constant 16 : i32
          %mul3A_487 = arith.muli %scan3A_455, %mul3A_486 : i32
          %swap3A_488 = arith.constant 1 : i32
          %swap3A_489 = arith.constant 2 : i32
          %swap3A_490 = arith.index_cast %swap3A_488 : i32 to index
          %swap3A_491 = arith.index_cast %swap3A_489 : i32 to index
          %swap3A_492 = arith.index_cast %mul3A_487 : i32 to index
          %swap3A_493 = tpu.vector_load %arg9[%swap3A_490, %swap3A_491, %swap3A_492] {strides = array<i32>} : memref<2x16x512xf32, #tpu.memory_space<vmem>>, vector<16xf32>,
          tpu.vector_store %arg9[%swap3A_490, %swap3A_491, %swap3A_492], %gather3A_485 {strides = array<i32>} : memref<2x16x512xf32, #tpu.memory_space<vmem>>, vector<16xf32>,
          %broadcast_in_dim3A_494 = vector.shape_cast %get3A_463 : vector<16xi32> to vector<16x1xi32>
          %gather3A_495 = vector.shape_cast %broadcast_in_dim3A_494 : vector<16x1xi32> to vector<16xi32>
          %gather3A_496 = tpu.dynamic_gather %get3A_17[%gather3A_495] in [0] : vector<16xf32>, vector<16xi32> -> vector<16xf32>
          %mul3A_497 = arith.constant 16 : i32
          %mul3A_498 = arith.muli %scan3A_455, %mul3A_497 : i32
          %swap3A_499 = arith.constant 1 : i32
          %swap3A_500 = arith.constant 3 : i32
          %swap3A_501 = arith.index_cast %swap3A_499 : i32 to index
          %swap3A_502 = arith.index_cast %swap3A_500 : i32 to index
          %swap3A_503 = arith.index_cast %mul3A_498 : i32 to index
          %swap3A_504 = tpu.vector_load %arg9[%swap3A_501, %swap3A_502, %swap3A_503] {strides = array<i32>} : memref<2x16x512xf32, #tpu.memory_space<vmem>>, vector<16xf32>,
          tpu.vector_store %arg9[%swap3A_501, %swap3A_502, %swap3A_503], %gather3A_496 {strides = array<i32>} : memref<2x16x512xf32, #tpu.memory_space<vmem>>, vector<16xf32>,
          %broadcast_in_dim3A_505 = vector.shape_cast %get3A_463 : vector<16xi32> to vector<16x1xi32>
          %gather3A_506 = vector.shape_cast %broadcast_in_dim3A_505 : vector<16x1xi32> to vector<16xi32>
          %gather3A_507 = tpu.dynamic_gather %get3A_21[%gather3A_506] in [0] : vector<16xf32>, vector<16xi32> -> vector<16xf32>
          %mul3A_508 = arith.constant 16 : i32
          %mul3A_509 = arith.muli %scan3A_455, %mul3A_508 : i32
          %swap3A_510 = arith.constant 1 : i32
          %swap3A_511 = arith.constant 4 : i32
          %swap3A_512 = arith.index_cast %swap3A_510 : i32 to index
          %swap3A_513 = arith.index_cast %swap3A_511 : i32 to index
          %swap3A_514 = arith.index_cast %mul3A_509 : i32 to index
          %swap3A_515 = tpu.vector_load %arg9[%swap3A_512, %swap3A_513, %swap3A_514] {strides = array<i32>} : memref<2x16x512xf32, #tpu.memory_space<vmem>>, vector<16xf32>,
          tpu.vector_store %arg9[%swap3A_512, %swap3A_513, %swap3A_514], %gather3A_507 {strides = array<i32>} : memref<2x16x512xf32, #tpu.memory_space<vmem>>, vector<16xf32>,
          %broadcast_in_dim3A_516 = vector.shape_cast %get3A_463 : vector<16xi32> to vector<16x1xi32>
          %gather3A_517 = vector.shape_cast %broadcast_in_dim3A_516 : vector<16x1xi32> to vector<16xi32>
          %gather3A_518 = tpu.dynamic_gather %get3A_25[%gather3A_517] in [0] : vector<16xf32>, vector<16xi32> -> vector<16xf32>
          %mul3A_519 = arith.constant 16 : i32
          %mul3A_520 = arith.muli %scan3A_455, %mul3A_519 : i32
          %swap3A_521 = arith.constant 1 : i32
          %swap3A_522 = arith.constant 5 : i32
          %swap3A_523 = arith.index_cast %swap3A_521 : i32 to index
          %swap3A_524 = arith.index_cast %swap3A_522 : i32 to index
          %swap3A_525 = arith.index_cast %mul3A_520 : i32 to index
          %swap3A_526 = tpu.vector_load %arg9[%swap3A_523, %swap3A_524, %swap3A_525] {strides = array<i32>} : memref<2x16x512xf32, #tpu.memory_space<vmem>>, vector<16xf32>,
          tpu.vector_store %arg9[%swap3A_523, %swap3A_524, %swap3A_525], %gather3A_518 {strides = array<i32>} : memref<2x16x512xf32, #tpu.memory_space<vmem>>, vector<16xf32>,
          %broadcast_in_dim3A_527 = vector.shape_cast %get3A_463 : vector<16xi32> to vector<16x1xi32>
          %gather3A_528 = vector.shape_cast %broadcast_in_dim3A_527 : vector<16x1xi32> to vector<16xi32>
          %gather3A_529 = tpu.dynamic_gather %get3A_29[%gather3A_528] in [0] : vector<16xf32>, vector<16xi32> -> vector<16xf32>
          %mul3A_530 = arith.constant 16 : i32
          %mul3A_531 = arith.muli %scan3A_455, %mul3A_530 : i32
          %swap3A_532 = arith.constant 1 : i32
          %swap3A_533 = arith.constant 6 : i32
          %swap3A_534 = arith.index_cast %swap3A_532 : i32 to index
          %swap3A_535 = arith.index_cast %swap3A_533 : i32 to index
          %swap3A_536 = arith.index_cast %mul3A_531 : i32 to index
          %swap3A_537 = tpu.vector_load %arg9[%swap3A_534, %swap3A_535, %swap3A_536] {strides = array<i32>} : memref<2x16x512xf32, #tpu.memory_space<vmem>>, vector<16xf32>,
          tpu.vector_store %arg9[%swap3A_534, %swap3A_535, %swap3A_536], %gather3A_529 {strides = array<i32>} : memref<2x16x512xf32, #tpu.memory_space<vmem>>, vector<16xf32>,
          %broadcast_in_dim3A_538 = vector.shape_cast %get3A_463 : vector<16xi32> to vector<16x1xi32>
          %gather3A_539 = vector.shape_cast %broadcast_in_dim3A_538 : vector<16x1xi32> to vector<16xi32>
          %gather3A_540 = tpu.dynamic_gather %get3A_33[%gather3A_539] in [0] : vector<16xf32>, vector<16xi32> -> vector<16xf32>
          %mul3A_541 = arith.constant 16 : i32
          %mul3A_542 = arith.muli %scan3A_455, %mul3A_541 : i32
          %swap3A_543 = arith.constant 1 : i32
          %swap3A_544 = arith.constant 7 : i32
          %swap3A_545 = arith.index_cast %swap3A_543 : i32 to index
          %swap3A_546 = arith.index_cast %swap3A_544 : i32 to index
          %swap3A_547 = arith.index_cast %mul3A_542 : i32 to index
          %swap3A_548 = tpu.vector_load %arg9[%swap3A_545, %swap3A_546, %swap3A_547] {strides = array<i32>} : memref<2x16x512xf32, #tpu.memory_space<vmem>>, vector<16xf32>,
          tpu.vector_store %arg9[%swap3A_545, %swap3A_546, %swap3A_547], %gather3A_540 {strides = array<i32>} : memref<2x16x512xf32, #tpu.memory_space<vmem>>, vector<16xf32>,
          %broadcast_in_dim3A_549 = vector.shape_cast %get3A_463 : vector<16xi32> to vector<16x1xi32>
          %gather3A_550 = vector.shape_cast %broadcast_in_dim3A_549 : vector<16x1xi32> to vector<16xi32>
          %gather3A_551 = tpu.dynamic_gather %get3A_37[%gather3A_550] in [0] : vector<16xf32>, vector<16xi32> -> vector<16xf32>
          %mul3A_552 = arith.constant 16 : i32
          %mul3A_553 = arith.muli %scan3A_455, %mul3A_552 : i32
          %swap3A_554 = arith.constant 1 : i32
          %swap3A_555 = arith.constant 8 : i32
          %swap3A_556 = arith.index_cast %swap3A_554 : i32 to index
          %swap3A_557 = arith.index_cast %swap3A_555 : i32 to index
          %swap3A_558 = arith.index_cast %mul3A_553 : i32 to index
          %swap3A_559 = tpu.vector_load %arg9[%swap3A_556, %swap3A_557, %swap3A_558] {strides = array<i32>} : memref<2x16x512xf32, #tpu.memory_space<vmem>>, vector<16xf32>,
          tpu.vector_store %arg9[%swap3A_556, %swap3A_557, %swap3A_558], %gather3A_551 {strides = array<i32>} : memref<2x16x512xf32, #tpu.memory_space<vmem>>, vector<16xf32>,
          %broadcast_in_dim3A_560 = vector.shape_cast %get3A_463 : vector<16xi32> to vector<16x1xi32>
          %gather3A_561 = vector.shape_cast %broadcast_in_dim3A_560 : vector<16x1xi32> to vector<16xi32>
          %gather3A_562 = tpu.dynamic_gather %get3A_41[%gather3A_561] in [0] : vector<16xf32>, vector<16xi32> -> vector<16xf32>
          %mul3A_563 = arith.constant 16 : i32
          %mul3A_564 = arith.muli %scan3A_455, %mul3A_563 : i32
          %swap3A_565 = arith.constant 1 : i32
          %swap3A_566 = arith.constant 9 : i32
          %swap3A_567 = arith.index_cast %swap3A_565 : i32 to index
          %swap3A_568 = arith.index_cast %swap3A_566 : i32 to index
          %swap3A_569 = arith.index_cast %mul3A_564 : i32 to index
          %swap3A_570 = tpu.vector_load %arg9[%swap3A_567, %swap3A_568, %swap3A_569] {strides = array<i32>} : memref<2x16x512xf32, #tpu.memory_space<vmem>>, vector<16xf32>,
          tpu.vector_store %arg9[%swap3A_567, %swap3A_568, %swap3A_569], %gather3A_562 {strides = array<i32>} : memref<2x16x512xf32, #tpu.memory_space<vmem>>, vector<16xf32>,
          %broadcast_in_dim3A_571 = vector.shape_cast %get3A_463 : vector<16xi32> to vector<16x1xi32>
          %gather3A_572 = vector.shape_cast %broadcast_in_dim3A_571 : vector<16x1xi32> to vector<16xi32>
          %gather3A_573 = tpu.dynamic_gather %get3A_45[%gather3A_572] in [0] : vector<16xf32>, vector<16xi32> -> vector<16xf32>
          %mul3A_574 = arith.constant 16 : i32
          %mul3A_575 = arith.muli %scan3A_455, %mul3A_574 : i32
          %swap3A_576 = arith.constant 1 : i32
          %swap3A_577 = arith.constant 10 : i32
          %swap3A_578 = arith.index_cast %swap3A_576 : i32 to index
          %swap3A_579 = arith.index_cast %swap3A_577 : i32 to index
          %swap3A_580 = arith.index_cast %mul3A_575 : i32 to index
          %swap3A_581 = tpu.vector_load %arg9[%swap3A_578, %swap3A_579, %swap3A_580] {strides = array<i32>} : memref<2x16x512xf32, #tpu.memory_space<vmem>>, vector<16xf32>,
          tpu.vector_store %arg9[%swap3A_578, %swap3A_579, %swap3A_580], %gather3A_573 {strides = array<i32>} : memref<2x16x512xf32, #tpu.memory_space<vmem>>, vector<16xf32>,
          %broadcast_in_dim3A_582 = vector.shape_cast %get3A_463 : vector<16xi32> to vector<16x1xi32>
          %gather3A_583 = vector.shape_cast %broadcast_in_dim3A_582 : vector<16x1xi32> to vector<16xi32>
          %gather3A_584 = tpu.dynamic_gather %get3A_49[%gather3A_583] in [0] : vector<16xf32>, vector<16xi32> -> vector<16xf32>
          %mul3A_585 = arith.constant 16 : i32
          %mul3A_586 = arith.muli %scan3A_455, %mul3A_585 : i32
          %swap3A_587 = arith.constant 1 : i32
          %swap3A_588 = arith.constant 11 : i32
          %swap3A_589 = arith.index_cast %swap3A_587 : i32 to index
          %swap3A_590 = arith.index_cast %swap3A_588 : i32 to index
          %swap3A_591 = arith.index_cast %mul3A_586 : i32 to index
          %swap3A_592 = tpu.vector_load %arg9[%swap3A_589, %swap3A_590, %swap3A_591] {strides = array<i32>} : memref<2x16x512xf32, #tpu.memory_space<vmem>>, vector<16xf32>,
          tpu.vector_store %arg9[%swap3A_589, %swap3A_590, %swap3A_591], %gather3A_584 {strides = array<i32>} : memref<2x16x512xf32, #tpu.memory_space<vmem>>, vector<16xf32>,
          %broadcast_in_dim3A_593 = vector.shape_cast %get3A_463 : vector<16xi32> to vector<16x1xi32>
          %gather3A_594 = vector.shape_cast %broadcast_in_dim3A_593 : vector<16x1xi32> to vector<16xi32>
          %gather3A_595 = tpu.dynamic_gather %get3A_53[%gather3A_594] in [0] : vector<16xf32>, vector<16xi32> -> vector<16xf32>
          %mul3A_596 = arith.constant 16 : i32
          %mul3A_597 = arith.muli %scan3A_455, %mul3A_596 : i32
          %swap3A_598 = arith.constant 1 : i32
          %swap3A_599 = arith.constant 12 : i32
          %swap3A_600 = arith.index_cast %swap3A_598 : i32 to index
          %swap3A_601 = arith.index_cast %swap3A_599 : i32 to index
          %swap3A_602 = arith.index_cast %mul3A_597 : i32 to index
          %swap3A_603 = tpu.vector_load %arg9[%swap3A_600, %swap3A_601, %swap3A_602] {strides = array<i32>} : memref<2x16x512xf32, #tpu.memory_space<vmem>>, vector<16xf32>,
          tpu.vector_store %arg9[%swap3A_600, %swap3A_601, %swap3A_602], %gather3A_595 {strides = array<i32>} : memref<2x16x512xf32, #tpu.memory_space<vmem>>, vector<16xf32>,
          %broadcast_in_dim3A_604 = vector.shape_cast %get3A_463 : vector<16xi32> to vector<16x1xi32>
          %gather3A_605 = vector.shape_cast %broadcast_in_dim3A_604 : vector<16x1xi32> to vector<16xi32>
          %gather3A_606 = tpu.dynamic_gather %get3A_57[%gather3A_605] in [0] : vector<16xf32>, vector<16xi32> -> vector<16xf32>
          %mul3A_607 = arith.constant 16 : i32
          %mul3A_608 = arith.muli %scan3A_455, %mul3A_607 : i32
          %swap3A_609 = arith.constant 1 : i32
          %swap3A_610 = arith.constant 13 : i32
          %swap3A_611 = arith.index_cast %swap3A_609 : i32 to index
          %swap3A_612 = arith.index_cast %swap3A_610 : i32 to index
          %swap3A_613 = arith.index_cast %mul3A_608 : i32 to index
          %swap3A_614 = tpu.vector_load %arg9[%swap3A_611, %swap3A_612, %swap3A_613] {strides = array<i32>} : memref<2x16x512xf32, #tpu.memory_space<vmem>>, vector<16xf32>,
          tpu.vector_store %arg9[%swap3A_611, %swap3A_612, %swap3A_613], %gather3A_606 {strides = array<i32>} : memref<2x16x512xf32, #tpu.memory_space<vmem>>, vector<16xf32>,
          %broadcast_in_dim3A_615 = vector.shape_cast %get3A_463 : vector<16xi32> to vector<16x1xi32>
          %gather3A_616 = vector.shape_cast %broadcast_in_dim3A_615 : vector<16x1xi32> to vector<16xi32>
          %gather3A_617 = tpu.dynamic_gather %get3A_61[%gather3A_616] in [0] : vector<16xf32>, vector<16xi32> -> vector<16xf32>
          %mul3A_618 = arith.constant 16 : i32
          %mul3A_619 = arith.muli %scan3A_455, %mul3A_618 : i32
          %swap3A_620 = arith.constant 1 : i32
          %swap3A_621 = arith.constant 14 : i32
          %swap3A_622 = arith.index_cast %swap3A_620 : i32 to index
          %swap3A_623 = arith.index_cast %swap3A_621 : i32 to index
          %swap3A_624 = arith.index_cast %mul3A_619 : i32 to index
          %swap3A_625 = tpu.vector_load %arg9[%swap3A_622, %swap3A_623, %swap3A_624] {strides = array<i32>} : memref<2x16x512xf32, #tpu.memory_space<vmem>>, vector<16xf32>,
          tpu.vector_store %arg9[%swap3A_622, %swap3A_623, %swap3A_624], %gather3A_617 {strides = array<i32>} : memref<2x16x512xf32, #tpu.memory_space<vmem>>, vector<16xf32>,
          %broadcast_in_dim3A_626 = vector.shape_cast %get3A_463 : vector<16xi32> to vector<16x1xi32>
          %gather3A_627 = vector.shape_cast %broadcast_in_dim3A_626 : vector<16x1xi32> to vector<16xi32>
          %gather3A_628 = tpu.dynamic_gather %get3A_65[%gather3A_627] in [0] : vector<16xf32>, vector<16xi32> -> vector<16xf32>
          %mul3A_629 = arith.constant 16 : i32
          %mul3A_630 = arith.muli %scan3A_455, %mul3A_629 : i32
          %swap3A_631 = arith.constant 1 : i32
          %swap3A_632 = arith.constant 15 : i32
          %swap3A_633 = arith.index_cast %swap3A_631 : i32 to index
          %swap3A_634 = arith.index_cast %swap3A_632 : i32 to index
          %swap3A_635 = arith.index_cast %mul3A_630 : i32 to index
          %swap3A_636 = tpu.vector_load %arg9[%swap3A_633, %swap3A_634, %swap3A_635] {strides = array<i32>} : memref<2x16x512xf32, #tpu.memory_space<vmem>>, vector<16xf32>,
          tpu.vector_store %arg9[%swap3A_633, %swap3A_634, %swap3A_635], %gather3A_628 {strides = array<i32>} : memref<2x16x512xf32, #tpu.memory_space<vmem>>, vector<16xf32>,
          %scan3A_637 = arith.constant 0 : i32
          scf.yield %scan3A_637 : i32
        }
        %scan3A_435 = arith.constant 32 : i32
        %mul3A_436 = arith.constant 8 : i32
        %mul3A_437 = arith.muli %mul3A_317, %mul3A_436 : i32
        %add3A_438 = arith.addi %mul3A_437, %add3A_418 : i32
        %dma_start3A_439 = arith.constant 1 : i32
        %dma_start3A_440 = arith.constant 0 : i32
        %dma_start3A_441 = arith.constant 0 : i32
        %dma_start3A_442 = tpu.memref_slice %arg9[%dma_start3A_439, %dma_start3A_440, %dma_start3A_441] : memref<2x16x512xf32, #tpu.memory_space<vmem>> -> memref<1x16x512xf32, #tpu.memory_space<vmem>>
        %dma_start3A_443 = tpu.memref_squeeze %dma_start3A_442 : memref<1x16x512xf32, #tpu.memory_space<vmem>> -> memref<16x512xf32, #tpu.memory_space<vmem>>
        %dma_start3A_444 = arith.constant 0 : i32
        %dma_start3A_445 = tpu.memref_slice %arg5[%add3A_438, %dma_start3A_444, %mul3A_2] : memref<200x16x16384xf32, #tpu.memory_space<hbm>> -> memref<1x16x512xf32, #tpu.memory_space<hbm>>
        %dma_start3A_446 = tpu.memref_squeeze %dma_start3A_445 : memref<1x16x512xf32, #tpu.memory_space<hbm>> -> memref<16x512xf32, #tpu.memory_space<hbm>>
        %dma_start3A_447 = arith.constant 0 : i32
        %dma_start3A_448 = tpu.memref_slice %arg5[%add3A_438, %dma_start3A_447, %mul3A_2] : memref<200x16x16384xf32, #tpu.memory_space<hbm>> -> memref<1x16x512xf32, #tpu.memory_space<hbm>>
        %dma_start3A_449 = tpu.memref_squeeze %dma_start3A_448 : memref<1x16x512xf32, #tpu.memory_space<hbm>> -> memref<16x512xf32, #tpu.memory_space<hbm>>
        %dma_start3A_450 = arith.constant 0 : i32
        %dma_start3A_451 = arith.constant 0 : i32
        %dma_start3A_452 = tpu.memref_slice %arg9[%dma_start3A_439, %dma_start3A_450, %dma_start3A_451] : memref<2x16x512xf32, #tpu.memory_space<vmem>> -> memref<1x16x512xf32, #tpu.memory_space<vmem>>
        %dma_start3A_453 = tpu.memref_squeeze %dma_start3A_452 : memref<1x16x512xf32, #tpu.memory_space<vmem>> -> memref<16x512xf32, #tpu.memory_space<vmem>>
        tpu.enqueue_dma source(%dma_start3A_453 : memref<16x512xf32, #tpu.memory_space<vmem>>) target(%dma_start3A_449 : memref<16x512xf32, #tpu.memory_space<hbm>>) target_semaphore(%arg13 : memref<!tpu.dma_semaphore, #tpu.memory_space<semaphore_mem>>)
        %scan3A_454 = arith.constant 0 : i32
        scf.yield %scan3A_454 : i32
      }
      %scan3A_337 = arith.constant 4 : i32
      %add3A_338 = arith.constant 2 : i32
      %add3A_339 = arith.addi %mul3A_317, %add3A_338 : i32
      %lt3A_340 = arith.constant 25 : i32
      %lt3A_341 = arith.cmpi slt, %add3A_339, %lt3A_340 : i32
      %convert_element_type3A_342 = arith.extui %lt3A_341 : i1 to i32
      %cond3A_343 = arith.constant 0 : i32
      %cond3A_344 = arith.cmpi ne, %convert_element_type3A_342, %cond3A_343 : i32
      scf.if %cond3A_344 {
        %add3A_377 = arith.constant 2 : i32
        %add3A_378 = arith.addi %mul3A_317, %add3A_377 : i32
        %mul3A_379 = arith.constant 8 : i32
        %mul3A_380 = arith.muli %add3A_378, %mul3A_379 : i32
        %dma_start3A_381 = arith.constant 0 : i32
        %dma_start3A_382 = arith.constant 0 : i32
        %dma_start3A_383 = arith.constant 0 : i32
        %dma_start3A_384 = tpu.memref_slice %arg8[%dma_start3A_381, %dma_start3A_382, %dma_start3A_383] : memref<2x8x512xi32, #tpu.memory_space<vmem>> -> memref<1x8x512xi32, #tpu.memory_space<vmem>>
        %dma_start3A_385 = tpu.memref_squeeze %dma_start3A_384 : memref<1x8x512xi32, #tpu.memory_space<vmem>> -> memref<8x512xi32, #tpu.memory_space<vmem>>
        %dma_start3A_386 = tpu.memref_slice %arg2[%mul3A_380, %mul3A_2] : memref<200x16384xi32, #tpu.memory_space<hbm>> -> memref<8x512xi32, #tpu.memory_space<hbm>>
        %dma_start3A_387 = arith.constant 0 : i32
        %dma_start3A_388 = arith.constant 0 : i32
        %dma_start3A_389 = tpu.memref_slice %arg8[%dma_start3A_381, %dma_start3A_387, %dma_start3A_388] : memref<2x8x512xi32, #tpu.memory_space<vmem>> -> memref<1x8x512xi32, #tpu.memory_space<vmem>>
        %dma_start3A_390 = tpu.memref_squeeze %dma_start3A_389 : memref<1x8x512xi32, #tpu.memory_space<vmem>> -> memref<8x512xi32, #tpu.memory_space<vmem>>
        %dma_start3A_391 = tpu.memref_slice %arg2[%mul3A_380, %mul3A_2] : memref<200x16384xi32, #tpu.memory_space<hbm>> -> memref<8x512xi32, #tpu.memory_space<hbm>>
        tpu.enqueue_dma source(%dma_start3A_391 : memref<8x512xi32, #tpu.memory_space<hbm>>) target(%dma_start3A_390 : memref<8x512xi32, #tpu.memory_space<vmem>>) target_semaphore(%arg10 : memref<!tpu.dma_semaphore, #tpu.memory_space<semaphore_mem>>)
      } else {
      }
      %mul3A_345 = arith.constant 2 : i32
      %mul3A_346 = arith.muli %mul3A_345, %scan3A_314 : i32
      %add3A_347 = arith.constant 1 : i32
      %add3A_348 = arith.addi %mul3A_346, %add3A_347 : i32
      %dma_wait3A_349 = arith.constant 1 : i32
      %dma_wait3A_350 = arith.constant 0 : i32
      %dma_wait3A_351 = arith.constant 0 : i32
      %dma_wait3A_352 = tpu.memref_slice %arg8[%dma_wait3A_349, %dma_wait3A_350, %dma_wait3A_351] : memref<2x8x512xi32, #tpu.memory_space<vmem>> -> memref<1x8x512xi32, #tpu.memory_space<vmem>>
      %dma_wait3A_353 = tpu.memref_squeeze %dma_wait3A_352 : memref<1x8x512xi32, #tpu.memory_space<vmem>> -> memref<8x512xi32, #tpu.memory_space<vmem>>
      %dma_wait3A_354 = arith.constant 0 : i32
      %dma_wait3A_355 = tpu.memref_slice %arg2[%dma_wait3A_354, %mul3A_2] : memref<200x16384xi32, #tpu.memory_space<hbm>> -> memref<8x512xi32, #tpu.memory_space<hbm>>
      %dma_wait3A_356 = arith.constant 0 : i32
      %dma_wait3A_357 = arith.constant 0 : i32
      %dma_wait3A_358 = tpu.memref_slice %arg8[%dma_wait3A_349, %dma_wait3A_356, %dma_wait3A_357] : memref<2x8x512xi32, #tpu.memory_space<vmem>> -> memref<1x8x512xi32, #tpu.memory_space<vmem>>
      %dma_wait3A_359 = tpu.memref_squeeze %dma_wait3A_358 : memref<1x8x512xi32, #tpu.memory_space<vmem>> -> memref<8x512xi32, #tpu.memory_space<vmem>>
      %dma_wait3A_360 = arith.constant 0 : i32
      %dma_wait3A_361 = tpu.memref_slice %arg2[%dma_wait3A_360, %mul3A_2] : memref<200x16384xi32, #tpu.memory_space<hbm>> -> memref<8x512xi32, #tpu.memory_space<hbm>>
      tpu.wait_dma2 semaphore(%arg11 : memref<!tpu.dma_semaphore, #tpu.memory_space<semaphore_mem>>) src(%dma_wait3A_361 : memref<8x512xi32, #tpu.memory_space<hbm>>) dst(%dma_wait3A_359 : memref<8x512xi32, #tpu.memory_space<vmem>>)
      %scan3A_362 = arith.constant 0 : i32
      %scan3A_363 = arith.constant 0 : i32
      %scan3A_364 = arith.constant 4 : i32
      %scan3A_365 = arith.addi %scan3A_363, %scan3A_364 : i32
      %scan3A_366 = arith.constant 1 : i32
      %scan3A_367 = scf.for %scan3A_377 = %scan3A_363 to %scan3A_365 step %scan3A_366 iter_args(%scan3A_378 = %scan3A_362) -> (i32)  : i32 {
        %mul3A_379 = arith.constant 2 : i32
        %mul3A_380 = arith.muli %mul3A_379, %scan3A_377 : i32
        %add3A_381 = arith.constant 0 : i32
        %add3A_382 = arith.addi %mul3A_380, %add3A_381 : i32
        %eq3A = arith.constant 0 : i32
        %eq3A_383 = arith.cmpi eq, %add3A_348, %eq3A : i32
        %eq3A_384 = arith.constant 0 : i32
        %eq3A_385 = arith.cmpi eq, %scan3A_377, %eq3A_384 : i32
        %and3A = arith.andi %eq3A_383, %eq3A_385 : i1
        %not3A = arith.constant true
        %not3A_386 = arith.xori %and3A, %not3A : i1
        %convert_element_type3A_387 = arith.extui %not3A_386 : i1 to i32
        %cond3A_388 = arith.constant 0 : i32
        %cond3A_389 = arith.cmpi ne, %convert_element_type3A_387, %cond3A_388 : i32
        scf.if %cond3A_389 {
          %dma_wait3A_455 = arith.constant 0 : i32
          %dma_wait3A_456 = arith.constant 0 : i32
          %dma_wait3A_457 = arith.constant 0 : i32
          %dma_wait3A_458 = arith.constant 0 : i32
          %dma_wait3A_459 = tpu.memref_slice %arg9[%dma_wait3A_455, %dma_wait3A_457, %dma_wait3A_458] : memref<2x16x512xf32, #tpu.memory_space<vmem>> -> memref<1x16x512xf32, #tpu.memory_space<vmem>>
          %dma_wait3A_460 = tpu.memref_squeeze %dma_wait3A_459 : memref<1x16x512xf32, #tpu.memory_space<vmem>> -> memref<16x512xf32, #tpu.memory_space<vmem>>
          %dma_wait3A_461 = arith.constant 0 : i32
          %dma_wait3A_462 = tpu.memref_slice %arg5[%dma_wait3A_456, %dma_wait3A_461, %mul3A_2] : memref<200x16x16384xf32, #tpu.memory_space<hbm>> -> memref<1x16x512xf32, #tpu.memory_space<hbm>>
          %dma_wait3A_463 = tpu.memref_squeeze %dma_wait3A_462 : memref<1x16x512xf32, #tpu.memory_space<hbm>> -> memref<16x512xf32, #tpu.memory_space<hbm>>
          %dma_wait3A_464 = arith.constant 0 : i32
          %dma_wait3A_465 = tpu.memref_slice %arg5[%dma_wait3A_456, %dma_wait3A_464, %mul3A_2] : memref<200x16x16384xf32, #tpu.memory_space<hbm>> -> memref<1x16x512xf32, #tpu.memory_space<hbm>>
          %dma_wait3A_466 = tpu.memref_squeeze %dma_wait3A_465 : memref<1x16x512xf32, #tpu.memory_space<hbm>> -> memref<16x512xf32, #tpu.memory_space<hbm>>
          %dma_wait3A_467 = arith.constant 0 : i32
          %dma_wait3A_468 = arith.constant 0 : i32
          %dma_wait3A_469 = tpu.memref_slice %arg9[%dma_wait3A_455, %dma_wait3A_467, %dma_wait3A_468] : memref<2x16x512xf32, #tpu.memory_space<vmem>> -> memref<1x16x512xf32, #tpu.memory_space<vmem>>
          %dma_wait3A_470 = tpu.memref_squeeze %dma_wait3A_469 : memref<1x16x512xf32, #tpu.memory_space<vmem>> -> memref<16x512xf32, #tpu.memory_space<vmem>>
          tpu.wait_dma2 semaphore(%arg12 : memref<!tpu.dma_semaphore, #tpu.memory_space<semaphore_mem>>) src(%dma_wait3A_470 : memref<16x512xf32, #tpu.memory_space<vmem>>) dst(%dma_wait3A_466 : memref<16x512xf32, #tpu.memory_space<hbm>>)
        } else {
        }
        %scan3A_390 = arith.constant 0 : i32
        %scan3A_391 = arith.constant 0 : i32
        %scan3A_392 = arith.constant 32 : i32
        %scan3A_393 = arith.addi %scan3A_391, %scan3A_392 : i32
        %scan3A_394 = arith.constant 1 : i32
        %scan3A_395 = scf.for %scan3A_455 = %scan3A_391 to %scan3A_393 step %scan3A_394 iter_args(%scan3A_456 = %scan3A_390) -> (i32)  : i32 {
          %mul3A_457 = arith.constant 16 : i32
          %mul3A_458 = arith.muli %scan3A_455, %mul3A_457 : i32
          %get3A_459 = arith.constant 1 : i32
          %get3A_460 = arith.index_cast %get3A_459 : i32 to index
          %get3A_461 = arith.index_cast %add3A_382 : i32 to index
          %get3A_462 = arith.index_cast %mul3A_458 : i32 to index
          %get3A_463 = tpu.vector_load %arg8[%get3A_460, %get3A_461, %get3A_462] {strides = array<i32>} : memref<2x8x512xi32, #tpu.memory_space<vmem>>, vector<16xi32>,
          %broadcast_in_dim3A = vector.shape_cast %get3A_463 : vector<16xi32> to vector<16x1xi32>
          %gather3A = vector.shape_cast %broadcast_in_dim3A : vector<16x1xi32> to vector<16xi32>
          %gather3A_464 = tpu.dynamic_gather %get3A_5[%gather3A] in [0] : vector<16xf32>, vector<16xi32> -> vector<16xf32>
          %mul3A_465 = arith.constant 16 : i32
          %mul3A_466 = arith.muli %scan3A_455, %mul3A_465 : i32
          %swap3A = arith.constant 0 : i32
          %swap3A_467 = arith.constant 0 : i32
          %swap3A_468 = arith.index_cast %swap3A : i32 to index
          %swap3A_469 = arith.index_cast %swap3A_467 : i32 to index
          %swap3A_470 = arith.index_cast %mul3A_466 : i32 to index
          %swap3A_471 = tpu.vector_load %arg9[%swap3A_468, %swap3A_469, %swap3A_470] {strides = array<i32>} : memref<2x16x512xf32, #tpu.memory_space<vmem>>, vector<16xf32>,
          tpu.vector_store %arg9[%swap3A_468, %swap3A_469, %swap3A_470], %gather3A_464 {strides = array<i32>} : memref<2x16x512xf32, #tpu.memory_space<vmem>>, vector<16xf32>,
          %broadcast_in_dim3A_472 = vector.shape_cast %get3A_463 : vector<16xi32> to vector<16x1xi32>
          %gather3A_473 = vector.shape_cast %broadcast_in_dim3A_472 : vector<16x1xi32> to vector<16xi32>
          %gather3A_474 = tpu.dynamic_gather %get3A_9[%gather3A_473] in [0] : vector<16xf32>, vector<16xi32> -> vector<16xf32>
          %mul3A_475 = arith.constant 16 : i32
          %mul3A_476 = arith.muli %scan3A_455, %mul3A_475 : i32
          %swap3A_477 = arith.constant 0 : i32
          %swap3A_478 = arith.constant 1 : i32
          %swap3A_479 = arith.index_cast %swap3A_477 : i32 to index
          %swap3A_480 = arith.index_cast %swap3A_478 : i32 to index
          %swap3A_481 = arith.index_cast %mul3A_476 : i32 to index
          %swap3A_482 = tpu.vector_load %arg9[%swap3A_479, %swap3A_480, %swap3A_481] {strides = array<i32>} : memref<2x16x512xf32, #tpu.memory_space<vmem>>, vector<16xf32>,
          tpu.vector_store %arg9[%swap3A_479, %swap3A_480, %swap3A_481], %gather3A_474 {strides = array<i32>} : memref<2x16x512xf32, #tpu.memory_space<vmem>>, vector<16xf32>,
          %broadcast_in_dim3A_483 = vector.shape_cast %get3A_463 : vector<16xi32> to vector<16x1xi32>
          %gather3A_484 = vector.shape_cast %broadcast_in_dim3A_483 : vector<16x1xi32> to vector<16xi32>
          %gather3A_485 = tpu.dynamic_gather %get3A_13[%gather3A_484] in [0] : vector<16xf32>, vector<16xi32> -> vector<16xf32>
          %mul3A_486 = arith.constant 16 : i32
          %mul3A_487 = arith.muli %scan3A_455, %mul3A_486 : i32
          %swap3A_488 = arith.constant 0 : i32
          %swap3A_489 = arith.constant 2 : i32
          %swap3A_490 = arith.index_cast %swap3A_488 : i32 to index
          %swap3A_491 = arith.index_cast %swap3A_489 : i32 to index
          %swap3A_492 = arith.index_cast %mul3A_487 : i32 to index
          %swap3A_493 = tpu.vector_load %arg9[%swap3A_490, %swap3A_491, %swap3A_492] {strides = array<i32>} : memref<2x16x512xf32, #tpu.memory_space<vmem>>, vector<16xf32>,
          tpu.vector_store %arg9[%swap3A_490, %swap3A_491, %swap3A_492], %gather3A_485 {strides = array<i32>} : memref<2x16x512xf32, #tpu.memory_space<vmem>>, vector<16xf32>,
          %broadcast_in_dim3A_494 = vector.shape_cast %get3A_463 : vector<16xi32> to vector<16x1xi32>
          %gather3A_495 = vector.shape_cast %broadcast_in_dim3A_494 : vector<16x1xi32> to vector<16xi32>
          %gather3A_496 = tpu.dynamic_gather %get3A_17[%gather3A_495] in [0] : vector<16xf32>, vector<16xi32> -> vector<16xf32>
          %mul3A_497 = arith.constant 16 : i32
          %mul3A_498 = arith.muli %scan3A_455, %mul3A_497 : i32
          %swap3A_499 = arith.constant 0 : i32
          %swap3A_500 = arith.constant 3 : i32
          %swap3A_501 = arith.index_cast %swap3A_499 : i32 to index
          %swap3A_502 = arith.index_cast %swap3A_500 : i32 to index
          %swap3A_503 = arith.index_cast %mul3A_498 : i32 to index
          %swap3A_504 = tpu.vector_load %arg9[%swap3A_501, %swap3A_502, %swap3A_503] {strides = array<i32>} : memref<2x16x512xf32, #tpu.memory_space<vmem>>, vector<16xf32>,
          tpu.vector_store %arg9[%swap3A_501, %swap3A_502, %swap3A_503], %gather3A_496 {strides = array<i32>} : memref<2x16x512xf32, #tpu.memory_space<vmem>>, vector<16xf32>,
          %broadcast_in_dim3A_505 = vector.shape_cast %get3A_463 : vector<16xi32> to vector<16x1xi32>
          %gather3A_506 = vector.shape_cast %broadcast_in_dim3A_505 : vector<16x1xi32> to vector<16xi32>
          %gather3A_507 = tpu.dynamic_gather %get3A_21[%gather3A_506] in [0] : vector<16xf32>, vector<16xi32> -> vector<16xf32>
          %mul3A_508 = arith.constant 16 : i32
          %mul3A_509 = arith.muli %scan3A_455, %mul3A_508 : i32
          %swap3A_510 = arith.constant 0 : i32
          %swap3A_511 = arith.constant 4 : i32
          %swap3A_512 = arith.index_cast %swap3A_510 : i32 to index
          %swap3A_513 = arith.index_cast %swap3A_511 : i32 to index
          %swap3A_514 = arith.index_cast %mul3A_509 : i32 to index
          %swap3A_515 = tpu.vector_load %arg9[%swap3A_512, %swap3A_513, %swap3A_514] {strides = array<i32>} : memref<2x16x512xf32, #tpu.memory_space<vmem>>, vector<16xf32>,
          tpu.vector_store %arg9[%swap3A_512, %swap3A_513, %swap3A_514], %gather3A_507 {strides = array<i32>} : memref<2x16x512xf32, #tpu.memory_space<vmem>>, vector<16xf32>,
          %broadcast_in_dim3A_516 = vector.shape_cast %get3A_463 : vector<16xi32> to vector<16x1xi32>
          %gather3A_517 = vector.shape_cast %broadcast_in_dim3A_516 : vector<16x1xi32> to vector<16xi32>
          %gather3A_518 = tpu.dynamic_gather %get3A_25[%gather3A_517] in [0] : vector<16xf32>, vector<16xi32> -> vector<16xf32>
          %mul3A_519 = arith.constant 16 : i32
          %mul3A_520 = arith.muli %scan3A_455, %mul3A_519 : i32
          %swap3A_521 = arith.constant 0 : i32
          %swap3A_522 = arith.constant 5 : i32
          %swap3A_523 = arith.index_cast %swap3A_521 : i32 to index
          %swap3A_524 = arith.index_cast %swap3A_522 : i32 to index
          %swap3A_525 = arith.index_cast %mul3A_520 : i32 to index
          %swap3A_526 = tpu.vector_load %arg9[%swap3A_523, %swap3A_524, %swap3A_525] {strides = array<i32>} : memref<2x16x512xf32, #tpu.memory_space<vmem>>, vector<16xf32>,
          tpu.vector_store %arg9[%swap3A_523, %swap3A_524, %swap3A_525], %gather3A_518 {strides = array<i32>} : memref<2x16x512xf32, #tpu.memory_space<vmem>>, vector<16xf32>,
          %broadcast_in_dim3A_527 = vector.shape_cast %get3A_463 : vector<16xi32> to vector<16x1xi32>
          %gather3A_528 = vector.shape_cast %broadcast_in_dim3A_527 : vector<16x1xi32> to vector<16xi32>
          %gather3A_529 = tpu.dynamic_gather %get3A_29[%gather3A_528] in [0] : vector<16xf32>, vector<16xi32> -> vector<16xf32>
          %mul3A_530 = arith.constant 16 : i32
          %mul3A_531 = arith.muli %scan3A_455, %mul3A_530 : i32
          %swap3A_532 = arith.constant 0 : i32
          %swap3A_533 = arith.constant 6 : i32
          %swap3A_534 = arith.index_cast %swap3A_532 : i32 to index
          %swap3A_535 = arith.index_cast %swap3A_533 : i32 to index
          %swap3A_536 = arith.index_cast %mul3A_531 : i32 to index
          %swap3A_537 = tpu.vector_load %arg9[%swap3A_534, %swap3A_535, %swap3A_536] {strides = array<i32>} : memref<2x16x512xf32, #tpu.memory_space<vmem>>, vector<16xf32>,
          tpu.vector_store %arg9[%swap3A_534, %swap3A_535, %swap3A_536], %gather3A_529 {strides = array<i32>} : memref<2x16x512xf32, #tpu.memory_space<vmem>>, vector<16xf32>,
          %broadcast_in_dim3A_538 = vector.shape_cast %get3A_463 : vector<16xi32> to vector<16x1xi32>
          %gather3A_539 = vector.shape_cast %broadcast_in_dim3A_538 : vector<16x1xi32> to vector<16xi32>
          %gather3A_540 = tpu.dynamic_gather %get3A_33[%gather3A_539] in [0] : vector<16xf32>, vector<16xi32> -> vector<16xf32>
          %mul3A_541 = arith.constant 16 : i32
          %mul3A_542 = arith.muli %scan3A_455, %mul3A_541 : i32
          %swap3A_543 = arith.constant 0 : i32
          %swap3A_544 = arith.constant 7 : i32
          %swap3A_545 = arith.index_cast %swap3A_543 : i32 to index
          %swap3A_546 = arith.index_cast %swap3A_544 : i32 to index
          %swap3A_547 = arith.index_cast %mul3A_542 : i32 to index
          %swap3A_548 = tpu.vector_load %arg9[%swap3A_545, %swap3A_546, %swap3A_547] {strides = array<i32>} : memref<2x16x512xf32, #tpu.memory_space<vmem>>, vector<16xf32>,
          tpu.vector_store %arg9[%swap3A_545, %swap3A_546, %swap3A_547], %gather3A_540 {strides = array<i32>} : memref<2x16x512xf32, #tpu.memory_space<vmem>>, vector<16xf32>,
          %broadcast_in_dim3A_549 = vector.shape_cast %get3A_463 : vector<16xi32> to vector<16x1xi32>
          %gather3A_550 = vector.shape_cast %broadcast_in_dim3A_549 : vector<16x1xi32> to vector<16xi32>
          %gather3A_551 = tpu.dynamic_gather %get3A_37[%gather3A_550] in [0] : vector<16xf32>, vector<16xi32> -> vector<16xf32>
          %mul3A_552 = arith.constant 16 : i32
          %mul3A_553 = arith.muli %scan3A_455, %mul3A_552 : i32
          %swap3A_554 = arith.constant 0 : i32
          %swap3A_555 = arith.constant 8 : i32
          %swap3A_556 = arith.index_cast %swap3A_554 : i32 to index
          %swap3A_557 = arith.index_cast %swap3A_555 : i32 to index
          %swap3A_558 = arith.index_cast %mul3A_553 : i32 to index
          %swap3A_559 = tpu.vector_load %arg9[%swap3A_556, %swap3A_557, %swap3A_558] {strides = array<i32>} : memref<2x16x512xf32, #tpu.memory_space<vmem>>, vector<16xf32>,
          tpu.vector_store %arg9[%swap3A_556, %swap3A_557, %swap3A_558], %gather3A_551 {strides = array<i32>} : memref<2x16x512xf32, #tpu.memory_space<vmem>>, vector<16xf32>,
          %broadcast_in_dim3A_560 = vector.shape_cast %get3A_463 : vector<16xi32> to vector<16x1xi32>
          %gather3A_561 = vector.shape_cast %broadcast_in_dim3A_560 : vector<16x1xi32> to vector<16xi32>
          %gather3A_562 = tpu.dynamic_gather %get3A_41[%gather3A_561] in [0] : vector<16xf32>, vector<16xi32> -> vector<16xf32>
          %mul3A_563 = arith.constant 16 : i32
          %mul3A_564 = arith.muli %scan3A_455, %mul3A_563 : i32
          %swap3A_565 = arith.constant 0 : i32
          %swap3A_566 = arith.constant 9 : i32
          %swap3A_567 = arith.index_cast %swap3A_565 : i32 to index
          %swap3A_568 = arith.index_cast %swap3A_566 : i32 to index
          %swap3A_569 = arith.index_cast %mul3A_564 : i32 to index
          %swap3A_570 = tpu.vector_load %arg9[%swap3A_567, %swap3A_568, %swap3A_569] {strides = array<i32>} : memref<2x16x512xf32, #tpu.memory_space<vmem>>, vector<16xf32>,
          tpu.vector_store %arg9[%swap3A_567, %swap3A_568, %swap3A_569], %gather3A_562 {strides = array<i32>} : memref<2x16x512xf32, #tpu.memory_space<vmem>>, vector<16xf32>,
          %broadcast_in_dim3A_571 = vector.shape_cast %get3A_463 : vector<16xi32> to vector<16x1xi32>
          %gather3A_572 = vector.shape_cast %broadcast_in_dim3A_571 : vector<16x1xi32> to vector<16xi32>
          %gather3A_573 = tpu.dynamic_gather %get3A_45[%gather3A_572] in [0] : vector<16xf32>, vector<16xi32> -> vector<16xf32>
          %mul3A_574 = arith.constant 16 : i32
          %mul3A_575 = arith.muli %scan3A_455, %mul3A_574 : i32
          %swap3A_576 = arith.constant 0 : i32
          %swap3A_577 = arith.constant 10 : i32
          %swap3A_578 = arith.index_cast %swap3A_576 : i32 to index
          %swap3A_579 = arith.index_cast %swap3A_577 : i32 to index
          %swap3A_580 = arith.index_cast %mul3A_575 : i32 to index
          %swap3A_581 = tpu.vector_load %arg9[%swap3A_578, %swap3A_579, %swap3A_580] {strides = array<i32>} : memref<2x16x512xf32, #tpu.memory_space<vmem>>, vector<16xf32>,
          tpu.vector_store %arg9[%swap3A_578, %swap3A_579, %swap3A_580], %gather3A_573 {strides = array<i32>} : memref<2x16x512xf32, #tpu.memory_space<vmem>>, vector<16xf32>,
          %broadcast_in_dim3A_582 = vector.shape_cast %get3A_463 : vector<16xi32> to vector<16x1xi32>
          %gather3A_583 = vector.shape_cast %broadcast_in_dim3A_582 : vector<16x1xi32> to vector<16xi32>
          %gather3A_584 = tpu.dynamic_gather %get3A_49[%gather3A_583] in [0] : vector<16xf32>, vector<16xi32> -> vector<16xf32>
          %mul3A_585 = arith.constant 16 : i32
          %mul3A_586 = arith.muli %scan3A_455, %mul3A_585 : i32
          %swap3A_587 = arith.constant 0 : i32
          %swap3A_588 = arith.constant 11 : i32
          %swap3A_589 = arith.index_cast %swap3A_587 : i32 to index
          %swap3A_590 = arith.index_cast %swap3A_588 : i32 to index
          %swap3A_591 = arith.index_cast %mul3A_586 : i32 to index
          %swap3A_592 = tpu.vector_load %arg9[%swap3A_589, %swap3A_590, %swap3A_591] {strides = array<i32>} : memref<2x16x512xf32, #tpu.memory_space<vmem>>, vector<16xf32>,
          tpu.vector_store %arg9[%swap3A_589, %swap3A_590, %swap3A_591], %gather3A_584 {strides = array<i32>} : memref<2x16x512xf32, #tpu.memory_space<vmem>>, vector<16xf32>,
          %broadcast_in_dim3A_593 = vector.shape_cast %get3A_463 : vector<16xi32> to vector<16x1xi32>
          %gather3A_594 = vector.shape_cast %broadcast_in_dim3A_593 : vector<16x1xi32> to vector<16xi32>
          %gather3A_595 = tpu.dynamic_gather %get3A_53[%gather3A_594] in [0] : vector<16xf32>, vector<16xi32> -> vector<16xf32>
          %mul3A_596 = arith.constant 16 : i32
          %mul3A_597 = arith.muli %scan3A_455, %mul3A_596 : i32
          %swap3A_598 = arith.constant 0 : i32
          %swap3A_599 = arith.constant 12 : i32
          %swap3A_600 = arith.index_cast %swap3A_598 : i32 to index
          %swap3A_601 = arith.index_cast %swap3A_599 : i32 to index
          %swap3A_602 = arith.index_cast %mul3A_597 : i32 to index
          %swap3A_603 = tpu.vector_load %arg9[%swap3A_600, %swap3A_601, %swap3A_602] {strides = array<i32>} : memref<2x16x512xf32, #tpu.memory_space<vmem>>, vector<16xf32>,
          tpu.vector_store %arg9[%swap3A_600, %swap3A_601, %swap3A_602], %gather3A_595 {strides = array<i32>} : memref<2x16x512xf32, #tpu.memory_space<vmem>>, vector<16xf32>,
          %broadcast_in_dim3A_604 = vector.shape_cast %get3A_463 : vector<16xi32> to vector<16x1xi32>
          %gather3A_605 = vector.shape_cast %broadcast_in_dim3A_604 : vector<16x1xi32> to vector<16xi32>
          %gather3A_606 = tpu.dynamic_gather %get3A_57[%gather3A_605] in [0] : vector<16xf32>, vector<16xi32> -> vector<16xf32>
          %mul3A_607 = arith.constant 16 : i32
          %mul3A_608 = arith.muli %scan3A_455, %mul3A_607 : i32
          %swap3A_609 = arith.constant 0 : i32
          %swap3A_610 = arith.constant 13 : i32
          %swap3A_611 = arith.index_cast %swap3A_609 : i32 to index
          %swap3A_612 = arith.index_cast %swap3A_610 : i32 to index
          %swap3A_613 = arith.index_cast %mul3A_608 : i32 to index
          %swap3A_614 = tpu.vector_load %arg9[%swap3A_611, %swap3A_612, %swap3A_613] {strides = array<i32>} : memref<2x16x512xf32, #tpu.memory_space<vmem>>, vector<16xf32>,
          tpu.vector_store %arg9[%swap3A_611, %swap3A_612, %swap3A_613], %gather3A_606 {strides = array<i32>} : memref<2x16x512xf32, #tpu.memory_space<vmem>>, vector<16xf32>,
          %broadcast_in_dim3A_615 = vector.shape_cast %get3A_463 : vector<16xi32> to vector<16x1xi32>
          %gather3A_616 = vector.shape_cast %broadcast_in_dim3A_615 : vector<16x1xi32> to vector<16xi32>
          %gather3A_617 = tpu.dynamic_gather %get3A_61[%gather3A_616] in [0] : vector<16xf32>, vector<16xi32> -> vector<16xf32>
          %mul3A_618 = arith.constant 16 : i32
          %mul3A_619 = arith.muli %scan3A_455, %mul3A_618 : i32
          %swap3A_620 = arith.constant 0 : i32
          %swap3A_621 = arith.constant 14 : i32
          %swap3A_622 = arith.index_cast %swap3A_620 : i32 to index
          %swap3A_623 = arith.index_cast %swap3A_621 : i32 to index
          %swap3A_624 = arith.index_cast %mul3A_619 : i32 to index
          %swap3A_625 = tpu.vector_load %arg9[%swap3A_622, %swap3A_623, %swap3A_624] {strides = array<i32>} : memref<2x16x512xf32, #tpu.memory_space<vmem>>, vector<16xf32>,
          tpu.vector_store %arg9[%swap3A_622, %swap3A_623, %swap3A_624], %gather3A_617 {strides = array<i32>} : memref<2x16x512xf32, #tpu.memory_space<vmem>>, vector<16xf32>,
          %broadcast_in_dim3A_626 = vector.shape_cast %get3A_463 : vector<16xi32> to vector<16x1xi32>
          %gather3A_627 = vector.shape_cast %broadcast_in_dim3A_626 : vector<16x1xi32> to vector<16xi32>
          %gather3A_628 = tpu.dynamic_gather %get3A_65[%gather3A_627] in [0] : vector<16xf32>, vector<16xi32> -> vector<16xf32>
          %mul3A_629 = arith.constant 16 : i32
          %mul3A_630 = arith.muli %scan3A_455, %mul3A_629 : i32
          %swap3A_631 = arith.constant 0 : i32
          %swap3A_632 = arith.constant 15 : i32
          %swap3A_633 = arith.index_cast %swap3A_631 : i32 to index
          %swap3A_634 = arith.index_cast %swap3A_632 : i32 to index
          %swap3A_635 = arith.index_cast %mul3A_630 : i32 to index
          %swap3A_636 = tpu.vector_load %arg9[%swap3A_633, %swap3A_634, %swap3A_635] {strides = array<i32>} : memref<2x16x512xf32, #tpu.memory_space<vmem>>, vector<16xf32>,
          tpu.vector_store %arg9[%swap3A_633, %swap3A_634, %swap3A_635], %gather3A_628 {strides = array<i32>} : memref<2x16x512xf32, #tpu.memory_space<vmem>>, vector<16xf32>,
          %scan3A_637 = arith.constant 0 : i32
          scf.yield %scan3A_637 : i32
        }
        %scan3A_396 = arith.constant 32 : i32
        %mul3A_397 = arith.constant 8 : i32
        %mul3A_398 = arith.muli %add3A_348, %mul3A_397 : i32
        %add3A_399 = arith.addi %mul3A_398, %add3A_382 : i32
        %dma_start3A_400 = arith.constant 0 : i32
        %dma_start3A_401 = arith.constant 0 : i32
        %dma_start3A_402 = arith.constant 0 : i32
        %dma_start3A_403 = tpu.memref_slice %arg9[%dma_start3A_400, %dma_start3A_401, %dma_start3A_402] : memref<2x16x512xf32, #tpu.memory_space<vmem>> -> memref<1x16x512xf32, #tpu.memory_space<vmem>>
        %dma_start3A_404 = tpu.memref_squeeze %dma_start3A_403 : memref<1x16x512xf32, #tpu.memory_space<vmem>> -> memref<16x512xf32, #tpu.memory_space<vmem>>
        %dma_start3A_405 = arith.constant 0 : i32
        %dma_start3A_406 = tpu.memref_slice %arg5[%add3A_399, %dma_start3A_405, %mul3A_2] : memref<200x16x16384xf32, #tpu.memory_space<hbm>> -> memref<1x16x512xf32, #tpu.memory_space<hbm>>
        %dma_start3A_407 = tpu.memref_squeeze %dma_start3A_406 : memref<1x16x512xf32, #tpu.memory_space<hbm>> -> memref<16x512xf32, #tpu.memory_space<hbm>>
        %dma_start3A_408 = arith.constant 0 : i32
        %dma_start3A_409 = tpu.memref_slice %arg5[%add3A_399, %dma_start3A_408, %mul3A_2] : memref<200x16x16384xf32, #tpu.memory_space<hbm>> -> memref<1x16x512xf32, #tpu.memory_space<hbm>>
        %dma_start3A_410 = tpu.memref_squeeze %dma_start3A_409 : memref<1x16x512xf32, #tpu.memory_space<hbm>> -> memref<16x512xf32, #tpu.memory_space<hbm>>
        %dma_start3A_411 = arith.constant 0 : i32
        %dma_start3A_412 = arith.constant 0 : i32
        %dma_start3A_413 = tpu.memref_slice %arg9[%dma_start3A_400, %dma_start3A_411, %dma_start3A_412] : memref<2x16x512xf32, #tpu.memory_space<vmem>> -> memref<1x16x512xf32, #tpu.memory_space<vmem>>
        %dma_start3A_414 = tpu.memref_squeeze %dma_start3A_413 : memref<1x16x512xf32, #tpu.memory_space<vmem>> -> memref<16x512xf32, #tpu.memory_space<vmem>>
        tpu.enqueue_dma source(%dma_start3A_414 : memref<16x512xf32, #tpu.memory_space<vmem>>) target(%dma_start3A_410 : memref<16x512xf32, #tpu.memory_space<hbm>>) target_semaphore(%arg12 : memref<!tpu.dma_semaphore, #tpu.memory_space<semaphore_mem>>)
        %mul3A_415 = arith.constant 2 : i32
        %mul3A_416 = arith.muli %mul3A_415, %scan3A_377 : i32
        %add3A_417 = arith.constant 1 : i32
        %add3A_418 = arith.addi %mul3A_416, %add3A_417 : i32
        %eq3A_419 = arith.constant 0 : i32
        %eq3A_420 = arith.cmpi eq, %add3A_348, %eq3A_419 : i32
        %eq3A_421 = arith.constant 0 : i32
        %eq3A_422 = arith.cmpi eq, %scan3A_377, %eq3A_421 : i32
        %and3A_423 = arith.andi %eq3A_420, %eq3A_422 : i1
        %not3A_424 = arith.constant true
        %not3A_425 = arith.xori %and3A_423, %not3A_424 : i1
        %convert_element_type3A_426 = arith.extui %not3A_425 : i1 to i32
        %cond3A_427 = arith.constant 0 : i32
        %cond3A_428 = arith.cmpi ne, %convert_element_type3A_426, %cond3A_427 : i32
        scf.if %cond3A_428 {
          %dma_wait3A_455 = arith.constant 1 : i32
          %dma_wait3A_456 = arith.constant 0 : i32
          %dma_wait3A_457 = arith.constant 0 : i32
          %dma_wait3A_458 = arith.constant 0 : i32
          %dma_wait3A_459 = tpu.memref_slice %arg9[%dma_wait3A_455, %dma_wait3A_457, %dma_wait3A_458] : memref<2x16x512xf32, #tpu.memory_space<vmem>> -> memref<1x16x512xf32, #tpu.memory_space<vmem>>
          %dma_wait3A_460 = tpu.memref_squeeze %dma_wait3A_459 : memref<1x16x512xf32, #tpu.memory_space<vmem>> -> memref<16x512xf32, #tpu.memory_space<vmem>>
          %dma_wait3A_461 = arith.constant 0 : i32
          %dma_wait3A_462 = tpu.memref_slice %arg5[%dma_wait3A_456, %dma_wait3A_461, %mul3A_2] : memref<200x16x16384xf32, #tpu.memory_space<hbm>> -> memref<1x16x512xf32, #tpu.memory_space<hbm>>
          %dma_wait3A_463 = tpu.memref_squeeze %dma_wait3A_462 : memref<1x16x512xf32, #tpu.memory_space<hbm>> -> memref<16x512xf32, #tpu.memory_space<hbm>>
          %dma_wait3A_464 = arith.constant 0 : i32
          %dma_wait3A_465 = tpu.memref_slice %arg5[%dma_wait3A_456, %dma_wait3A_464, %mul3A_2] : memref<200x16x16384xf32, #tpu.memory_space<hbm>> -> memref<1x16x512xf32, #tpu.memory_space<hbm>>
          %dma_wait3A_466 = tpu.memref_squeeze %dma_wait3A_465 : memref<1x16x512xf32, #tpu.memory_space<hbm>> -> memref<16x512xf32, #tpu.memory_space<hbm>>
          %dma_wait3A_467 = arith.constant 0 : i32
          %dma_wait3A_468 = arith.constant 0 : i32
          %dma_wait3A_469 = tpu.memref_slice %arg9[%dma_wait3A_455, %dma_wait3A_467, %dma_wait3A_468] : memref<2x16x512xf32, #tpu.memory_space<vmem>> -> memref<1x16x512xf32, #tpu.memory_space<vmem>>
          %dma_wait3A_470 = tpu.memref_squeeze %dma_wait3A_469 : memref<1x16x512xf32, #tpu.memory_space<vmem>> -> memref<16x512xf32, #tpu.memory_space<vmem>>
          tpu.wait_dma2 semaphore(%arg13 : memref<!tpu.dma_semaphore, #tpu.memory_space<semaphore_mem>>) src(%dma_wait3A_470 : memref<16x512xf32, #tpu.memory_space<vmem>>) dst(%dma_wait3A_466 : memref<16x512xf32, #tpu.memory_space<hbm>>)
        } else {
        }
        %scan3A_429 = arith.constant 0 : i32
        %scan3A_430 = arith.constant 0 : i32
        %scan3A_431 = arith.constant 32 : i32
        %scan3A_432 = arith.addi %scan3A_430, %scan3A_431 : i32
        %scan3A_433 = arith.constant 1 : i32
        %scan3A_434 = scf.for %scan3A_455 = %scan3A_430 to %scan3A_432 step %scan3A_433 iter_args(%scan3A_456 = %scan3A_429) -> (i32)  : i32 {
          %mul3A_457 = arith.constant 16 : i32
          %mul3A_458 = arith.muli %scan3A_455, %mul3A_457 : i32
          %get3A_459 = arith.constant 1 : i32
          %get3A_460 = arith.index_cast %get3A_459 : i32 to index
          %get3A_461 = arith.index_cast %add3A_418 : i32 to index
          %get3A_462 = arith.index_cast %mul3A_458 : i32 to index
          %get3A_463 = tpu.vector_load %arg8[%get3A_460, %get3A_461, %get3A_462] {strides = array<i32>} : memref<2x8x512xi32, #tpu.memory_space<vmem>>, vector<16xi32>,
          %broadcast_in_dim3A = vector.shape_cast %get3A_463 : vector<16xi32> to vector<16x1xi32>
          %gather3A = vector.shape_cast %broadcast_in_dim3A : vector<16x1xi32> to vector<16xi32>
          %gather3A_464 = tpu.dynamic_gather %get3A_5[%gather3A] in [0] : vector<16xf32>, vector<16xi32> -> vector<16xf32>
          %mul3A_465 = arith.constant 16 : i32
          %mul3A_466 = arith.muli %scan3A_455, %mul3A_465 : i32
          %swap3A = arith.constant 1 : i32
          %swap3A_467 = arith.constant 0 : i32
          %swap3A_468 = arith.index_cast %swap3A : i32 to index
          %swap3A_469 = arith.index_cast %swap3A_467 : i32 to index
          %swap3A_470 = arith.index_cast %mul3A_466 : i32 to index
          %swap3A_471 = tpu.vector_load %arg9[%swap3A_468, %swap3A_469, %swap3A_470] {strides = array<i32>} : memref<2x16x512xf32, #tpu.memory_space<vmem>>, vector<16xf32>,
          tpu.vector_store %arg9[%swap3A_468, %swap3A_469, %swap3A_470], %gather3A_464 {strides = array<i32>} : memref<2x16x512xf32, #tpu.memory_space<vmem>>, vector<16xf32>,
          %broadcast_in_dim3A_472 = vector.shape_cast %get3A_463 : vector<16xi32> to vector<16x1xi32>
          %gather3A_473 = vector.shape_cast %broadcast_in_dim3A_472 : vector<16x1xi32> to vector<16xi32>
          %gather3A_474 = tpu.dynamic_gather %get3A_9[%gather3A_473] in [0] : vector<16xf32>, vector<16xi32> -> vector<16xf32>
          %mul3A_475 = arith.constant 16 : i32
          %mul3A_476 = arith.muli %scan3A_455, %mul3A_475 : i32
          %swap3A_477 = arith.constant 1 : i32
          %swap3A_478 = arith.constant 1 : i32
          %swap3A_479 = arith.index_cast %swap3A_477 : i32 to index
          %swap3A_480 = arith.index_cast %swap3A_478 : i32 to index
          %swap3A_481 = arith.index_cast %mul3A_476 : i32 to index
          %swap3A_482 = tpu.vector_load %arg9[%swap3A_479, %swap3A_480, %swap3A_481] {strides = array<i32>} : memref<2x16x512xf32, #tpu.memory_space<vmem>>, vector<16xf32>,
          tpu.vector_store %arg9[%swap3A_479, %swap3A_480, %swap3A_481], %gather3A_474 {strides = array<i32>} : memref<2x16x512xf32, #tpu.memory_space<vmem>>, vector<16xf32>,
          %broadcast_in_dim3A_483 = vector.shape_cast %get3A_463 : vector<16xi32> to vector<16x1xi32>
          %gather3A_484 = vector.shape_cast %broadcast_in_dim3A_483 : vector<16x1xi32> to vector<16xi32>
          %gather3A_485 = tpu.dynamic_gather %get3A_13[%gather3A_484] in [0] : vector<16xf32>, vector<16xi32> -> vector<16xf32>
          %mul3A_486 = arith.constant 16 : i32
          %mul3A_487 = arith.muli %scan3A_455, %mul3A_486 : i32
          %swap3A_488 = arith.constant 1 : i32
          %swap3A_489 = arith.constant 2 : i32
          %swap3A_490 = arith.index_cast %swap3A_488 : i32 to index
          %swap3A_491 = arith.index_cast %swap3A_489 : i32 to index
          %swap3A_492 = arith.index_cast %mul3A_487 : i32 to index
          %swap3A_493 = tpu.vector_load %arg9[%swap3A_490, %swap3A_491, %swap3A_492] {strides = array<i32>} : memref<2x16x512xf32, #tpu.memory_space<vmem>>, vector<16xf32>,
          tpu.vector_store %arg9[%swap3A_490, %swap3A_491, %swap3A_492], %gather3A_485 {strides = array<i32>} : memref<2x16x512xf32, #tpu.memory_space<vmem>>, vector<16xf32>,
          %broadcast_in_dim3A_494 = vector.shape_cast %get3A_463 : vector<16xi32> to vector<16x1xi32>
          %gather3A_495 = vector.shape_cast %broadcast_in_dim3A_494 : vector<16x1xi32> to vector<16xi32>
          %gather3A_496 = tpu.dynamic_gather %get3A_17[%gather3A_495] in [0] : vector<16xf32>, vector<16xi32> -> vector<16xf32>
          %mul3A_497 = arith.constant 16 : i32
          %mul3A_498 = arith.muli %scan3A_455, %mul3A_497 : i32
          %swap3A_499 = arith.constant 1 : i32
          %swap3A_500 = arith.constant 3 : i32
          %swap3A_501 = arith.index_cast %swap3A_499 : i32 to index
          %swap3A_502 = arith.index_cast %swap3A_500 : i32 to index
          %swap3A_503 = arith.index_cast %mul3A_498 : i32 to index
          %swap3A_504 = tpu.vector_load %arg9[%swap3A_501, %swap3A_502, %swap3A_503] {strides = array<i32>} : memref<2x16x512xf32, #tpu.memory_space<vmem>>, vector<16xf32>,
          tpu.vector_store %arg9[%swap3A_501, %swap3A_502, %swap3A_503], %gather3A_496 {strides = array<i32>} : memref<2x16x512xf32, #tpu.memory_space<vmem>>, vector<16xf32>,
          %broadcast_in_dim3A_505 = vector.shape_cast %get3A_463 : vector<16xi32> to vector<16x1xi32>
          %gather3A_506 = vector.shape_cast %broadcast_in_dim3A_505 : vector<16x1xi32> to vector<16xi32>
          %gather3A_507 = tpu.dynamic_gather %get3A_21[%gather3A_506] in [0] : vector<16xf32>, vector<16xi32> -> vector<16xf32>
          %mul3A_508 = arith.constant 16 : i32
          %mul3A_509 = arith.muli %scan3A_455, %mul3A_508 : i32
          %swap3A_510 = arith.constant 1 : i32
          %swap3A_511 = arith.constant 4 : i32
          %swap3A_512 = arith.index_cast %swap3A_510 : i32 to index
          %swap3A_513 = arith.index_cast %swap3A_511 : i32 to index
          %swap3A_514 = arith.index_cast %mul3A_509 : i32 to index
          %swap3A_515 = tpu.vector_load %arg9[%swap3A_512, %swap3A_513, %swap3A_514] {strides = array<i32>} : memref<2x16x512xf32, #tpu.memory_space<vmem>>, vector<16xf32>,
          tpu.vector_store %arg9[%swap3A_512, %swap3A_513, %swap3A_514], %gather3A_507 {strides = array<i32>} : memref<2x16x512xf32, #tpu.memory_space<vmem>>, vector<16xf32>,
          %broadcast_in_dim3A_516 = vector.shape_cast %get3A_463 : vector<16xi32> to vector<16x1xi32>
          %gather3A_517 = vector.shape_cast %broadcast_in_dim3A_516 : vector<16x1xi32> to vector<16xi32>
          %gather3A_518 = tpu.dynamic_gather %get3A_25[%gather3A_517] in [0] : vector<16xf32>, vector<16xi32> -> vector<16xf32>
          %mul3A_519 = arith.constant 16 : i32
          %mul3A_520 = arith.muli %scan3A_455, %mul3A_519 : i32
          %swap3A_521 = arith.constant 1 : i32
          %swap3A_522 = arith.constant 5 : i32
          %swap3A_523 = arith.index_cast %swap3A_521 : i32 to index
          %swap3A_524 = arith.index_cast %swap3A_522 : i32 to index
          %swap3A_525 = arith.index_cast %mul3A_520 : i32 to index
          %swap3A_526 = tpu.vector_load %arg9[%swap3A_523, %swap3A_524, %swap3A_525] {strides = array<i32>} : memref<2x16x512xf32, #tpu.memory_space<vmem>>, vector<16xf32>,
          tpu.vector_store %arg9[%swap3A_523, %swap3A_524, %swap3A_525], %gather3A_518 {strides = array<i32>} : memref<2x16x512xf32, #tpu.memory_space<vmem>>, vector<16xf32>,
          %broadcast_in_dim3A_527 = vector.shape_cast %get3A_463 : vector<16xi32> to vector<16x1xi32>
          %gather3A_528 = vector.shape_cast %broadcast_in_dim3A_527 : vector<16x1xi32> to vector<16xi32>
          %gather3A_529 = tpu.dynamic_gather %get3A_29[%gather3A_528] in [0] : vector<16xf32>, vector<16xi32> -> vector<16xf32>
          %mul3A_530 = arith.constant 16 : i32
          %mul3A_531 = arith.muli %scan3A_455, %mul3A_530 : i32
          %swap3A_532 = arith.constant 1 : i32
          %swap3A_533 = arith.constant 6 : i32
          %swap3A_534 = arith.index_cast %swap3A_532 : i32 to index
          %swap3A_535 = arith.index_cast %swap3A_533 : i32 to index
          %swap3A_536 = arith.index_cast %mul3A_531 : i32 to index
          %swap3A_537 = tpu.vector_load %arg9[%swap3A_534, %swap3A_535, %swap3A_536] {strides = array<i32>} : memref<2x16x512xf32, #tpu.memory_space<vmem>>, vector<16xf32>,
          tpu.vector_store %arg9[%swap3A_534, %swap3A_535, %swap3A_536], %gather3A_529 {strides = array<i32>} : memref<2x16x512xf32, #tpu.memory_space<vmem>>, vector<16xf32>,
          %broadcast_in_dim3A_538 = vector.shape_cast %get3A_463 : vector<16xi32> to vector<16x1xi32>
          %gather3A_539 = vector.shape_cast %broadcast_in_dim3A_538 : vector<16x1xi32> to vector<16xi32>
          %gather3A_540 = tpu.dynamic_gather %get3A_33[%gather3A_539] in [0] : vector<16xf32>, vector<16xi32> -> vector<16xf32>
          %mul3A_541 = arith.constant 16 : i32
          %mul3A_542 = arith.muli %scan3A_455, %mul3A_541 : i32
          %swap3A_543 = arith.constant 1 : i32
          %swap3A_544 = arith.constant 7 : i32
          %swap3A_545 = arith.index_cast %swap3A_543 : i32 to index
          %swap3A_546 = arith.index_cast %swap3A_544 : i32 to index
          %swap3A_547 = arith.index_cast %mul3A_542 : i32 to index
          %swap3A_548 = tpu.vector_load %arg9[%swap3A_545, %swap3A_546, %swap3A_547] {strides = array<i32>} : memref<2x16x512xf32, #tpu.memory_space<vmem>>, vector<16xf32>,
          tpu.vector_store %arg9[%swap3A_545, %swap3A_546, %swap3A_547], %gather3A_540 {strides = array<i32>} : memref<2x16x512xf32, #tpu.memory_space<vmem>>, vector<16xf32>,
          %broadcast_in_dim3A_549 = vector.shape_cast %get3A_463 : vector<16xi32> to vector<16x1xi32>
          %gather3A_550 = vector.shape_cast %broadcast_in_dim3A_549 : vector<16x1xi32> to vector<16xi32>
          %gather3A_551 = tpu.dynamic_gather %get3A_37[%gather3A_550] in [0] : vector<16xf32>, vector<16xi32> -> vector<16xf32>
          %mul3A_552 = arith.constant 16 : i32
          %mul3A_553 = arith.muli %scan3A_455, %mul3A_552 : i32
          %swap3A_554 = arith.constant 1 : i32
          %swap3A_555 = arith.constant 8 : i32
          %swap3A_556 = arith.index_cast %swap3A_554 : i32 to index
          %swap3A_557 = arith.index_cast %swap3A_555 : i32 to index
          %swap3A_558 = arith.index_cast %mul3A_553 : i32 to index
          %swap3A_559 = tpu.vector_load %arg9[%swap3A_556, %swap3A_557, %swap3A_558] {strides = array<i32>} : memref<2x16x512xf32, #tpu.memory_space<vmem>>, vector<16xf32>,
          tpu.vector_store %arg9[%swap3A_556, %swap3A_557, %swap3A_558], %gather3A_551 {strides = array<i32>} : memref<2x16x512xf32, #tpu.memory_space<vmem>>, vector<16xf32>,
          %broadcast_in_dim3A_560 = vector.shape_cast %get3A_463 : vector<16xi32> to vector<16x1xi32>
          %gather3A_561 = vector.shape_cast %broadcast_in_dim3A_560 : vector<16x1xi32> to vector<16xi32>
          %gather3A_562 = tpu.dynamic_gather %get3A_41[%gather3A_561] in [0] : vector<16xf32>, vector<16xi32> -> vector<16xf32>
          %mul3A_563 = arith.constant 16 : i32
          %mul3A_564 = arith.muli %scan3A_455, %mul3A_563 : i32
          %swap3A_565 = arith.constant 1 : i32
          %swap3A_566 = arith.constant 9 : i32
          %swap3A_567 = arith.index_cast %swap3A_565 : i32 to index
          %swap3A_568 = arith.index_cast %swap3A_566 : i32 to index
          %swap3A_569 = arith.index_cast %mul3A_564 : i32 to index
          %swap3A_570 = tpu.vector_load %arg9[%swap3A_567, %swap3A_568, %swap3A_569] {strides = array<i32>} : memref<2x16x512xf32, #tpu.memory_space<vmem>>, vector<16xf32>,
          tpu.vector_store %arg9[%swap3A_567, %swap3A_568, %swap3A_569], %gather3A_562 {strides = array<i32>} : memref<2x16x512xf32, #tpu.memory_space<vmem>>, vector<16xf32>,
          %broadcast_in_dim3A_571 = vector.shape_cast %get3A_463 : vector<16xi32> to vector<16x1xi32>
          %gather3A_572 = vector.shape_cast %broadcast_in_dim3A_571 : vector<16x1xi32> to vector<16xi32>
          %gather3A_573 = tpu.dynamic_gather %get3A_45[%gather3A_572] in [0] : vector<16xf32>, vector<16xi32> -> vector<16xf32>
          %mul3A_574 = arith.constant 16 : i32
          %mul3A_575 = arith.muli %scan3A_455, %mul3A_574 : i32
          %swap3A_576 = arith.constant 1 : i32
          %swap3A_577 = arith.constant 10 : i32
          %swap3A_578 = arith.index_cast %swap3A_576 : i32 to index
          %swap3A_579 = arith.index_cast %swap3A_577 : i32 to index
          %swap3A_580 = arith.index_cast %mul3A_575 : i32 to index
          %swap3A_581 = tpu.vector_load %arg9[%swap3A_578, %swap3A_579, %swap3A_580] {strides = array<i32>} : memref<2x16x512xf32, #tpu.memory_space<vmem>>, vector<16xf32>,
          tpu.vector_store %arg9[%swap3A_578, %swap3A_579, %swap3A_580], %gather3A_573 {strides = array<i32>} : memref<2x16x512xf32, #tpu.memory_space<vmem>>, vector<16xf32>,
          %broadcast_in_dim3A_582 = vector.shape_cast %get3A_463 : vector<16xi32> to vector<16x1xi32>
          %gather3A_583 = vector.shape_cast %broadcast_in_dim3A_582 : vector<16x1xi32> to vector<16xi32>
          %gather3A_584 = tpu.dynamic_gather %get3A_49[%gather3A_583] in [0] : vector<16xf32>, vector<16xi32> -> vector<16xf32>
          %mul3A_585 = arith.constant 16 : i32
          %mul3A_586 = arith.muli %scan3A_455, %mul3A_585 : i32
          %swap3A_587 = arith.constant 1 : i32
          %swap3A_588 = arith.constant 11 : i32
          %swap3A_589 = arith.index_cast %swap3A_587 : i32 to index
          %swap3A_590 = arith.index_cast %swap3A_588 : i32 to index
          %swap3A_591 = arith.index_cast %mul3A_586 : i32 to index
          %swap3A_592 = tpu.vector_load %arg9[%swap3A_589, %swap3A_590, %swap3A_591] {strides = array<i32>} : memref<2x16x512xf32, #tpu.memory_space<vmem>>, vector<16xf32>,
          tpu.vector_store %arg9[%swap3A_589, %swap3A_590, %swap3A_591], %gather3A_584 {strides = array<i32>} : memref<2x16x512xf32, #tpu.memory_space<vmem>>, vector<16xf32>,
          %broadcast_in_dim3A_593 = vector.shape_cast %get3A_463 : vector<16xi32> to vector<16x1xi32>
          %gather3A_594 = vector.shape_cast %broadcast_in_dim3A_593 : vector<16x1xi32> to vector<16xi32>
          %gather3A_595 = tpu.dynamic_gather %get3A_53[%gather3A_594] in [0] : vector<16xf32>, vector<16xi32> -> vector<16xf32>
          %mul3A_596 = arith.constant 16 : i32
          %mul3A_597 = arith.muli %scan3A_455, %mul3A_596 : i32
          %swap3A_598 = arith.constant 1 : i32
          %swap3A_599 = arith.constant 12 : i32
          %swap3A_600 = arith.index_cast %swap3A_598 : i32 to index
          %swap3A_601 = arith.index_cast %swap3A_599 : i32 to index
          %swap3A_602 = arith.index_cast %mul3A_597 : i32 to index
          %swap3A_603 = tpu.vector_load %arg9[%swap3A_600, %swap3A_601, %swap3A_602] {strides = array<i32>} : memref<2x16x512xf32, #tpu.memory_space<vmem>>, vector<16xf32>,
          tpu.vector_store %arg9[%swap3A_600, %swap3A_601, %swap3A_602], %gather3A_595 {strides = array<i32>} : memref<2x16x512xf32, #tpu.memory_space<vmem>>, vector<16xf32>,
          %broadcast_in_dim3A_604 = vector.shape_cast %get3A_463 : vector<16xi32> to vector<16x1xi32>
          %gather3A_605 = vector.shape_cast %broadcast_in_dim3A_604 : vector<16x1xi32> to vector<16xi32>
          %gather3A_606 = tpu.dynamic_gather %get3A_57[%gather3A_605] in [0] : vector<16xf32>, vector<16xi32> -> vector<16xf32>
          %mul3A_607 = arith.constant 16 : i32
          %mul3A_608 = arith.muli %scan3A_455, %mul3A_607 : i32
          %swap3A_609 = arith.constant 1 : i32
          %swap3A_610 = arith.constant 13 : i32
          %swap3A_611 = arith.index_cast %swap3A_609 : i32 to index
          %swap3A_612 = arith.index_cast %swap3A_610 : i32 to index
          %swap3A_613 = arith.index_cast %mul3A_608 : i32 to index
          %swap3A_614 = tpu.vector_load %arg9[%swap3A_611, %swap3A_612, %swap3A_613] {strides = array<i32>} : memref<2x16x512xf32, #tpu.memory_space<vmem>>, vector<16xf32>,
          tpu.vector_store %arg9[%swap3A_611, %swap3A_612, %swap3A_613], %gather3A_606 {strides = array<i32>} : memref<2x16x512xf32, #tpu.memory_space<vmem>>, vector<16xf32>,
          %broadcast_in_dim3A_615 = vector.shape_cast %get3A_463 : vector<16xi32> to vector<16x1xi32>
          %gather3A_616 = vector.shape_cast %broadcast_in_dim3A_615 : vector<16x1xi32> to vector<16xi32>
          %gather3A_617 = tpu.dynamic_gather %get3A_61[%gather3A_616] in [0] : vector<16xf32>, vector<16xi32> -> vector<16xf32>
          %mul3A_618 = arith.constant 16 : i32
          %mul3A_619 = arith.muli %scan3A_455, %mul3A_618 : i32
          %swap3A_620 = arith.constant 1 : i32
          %swap3A_621 = arith.constant 14 : i32
          %swap3A_622 = arith.index_cast %swap3A_620 : i32 to index
          %swap3A_623 = arith.index_cast %swap3A_621 : i32 to index
          %swap3A_624 = arith.index_cast %mul3A_619 : i32 to index
          %swap3A_625 = tpu.vector_load %arg9[%swap3A_622, %swap3A_623, %swap3A_624] {strides = array<i32>} : memref<2x16x512xf32, #tpu.memory_space<vmem>>, vector<16xf32>,
          tpu.vector_store %arg9[%swap3A_622, %swap3A_623, %swap3A_624], %gather3A_617 {strides = array<i32>} : memref<2x16x512xf32, #tpu.memory_space<vmem>>, vector<16xf32>,
          %broadcast_in_dim3A_626 = vector.shape_cast %get3A_463 : vector<16xi32> to vector<16x1xi32>
          %gather3A_627 = vector.shape_cast %broadcast_in_dim3A_626 : vector<16x1xi32> to vector<16xi32>
          %gather3A_628 = tpu.dynamic_gather %get3A_65[%gather3A_627] in [0] : vector<16xf32>, vector<16xi32> -> vector<16xf32>
          %mul3A_629 = arith.constant 16 : i32
          %mul3A_630 = arith.muli %scan3A_455, %mul3A_629 : i32
          %swap3A_631 = arith.constant 1 : i32
          %swap3A_632 = arith.constant 15 : i32
          %swap3A_633 = arith.index_cast %swap3A_631 : i32 to index
          %swap3A_634 = arith.index_cast %swap3A_632 : i32 to index
          %swap3A_635 = arith.index_cast %mul3A_630 : i32 to index
          %swap3A_636 = tpu.vector_load %arg9[%swap3A_633, %swap3A_634, %swap3A_635] {strides = array<i32>} : memref<2x16x512xf32, #tpu.memory_space<vmem>>, vector<16xf32>,
          tpu.vector_store %arg9[%swap3A_633, %swap3A_634, %swap3A_635], %gather3A_628 {strides = array<i32>} : memref<2x16x512xf32, #tpu.memory_space<vmem>>, vector<16xf32>,
          %scan3A_637 = arith.constant 0 : i32
          scf.yield %scan3A_637 : i32
        }
        %scan3A_435 = arith.constant 32 : i32
        %mul3A_436 = arith.constant 8 : i32
        %mul3A_437 = arith.muli %add3A_348, %mul3A_436 : i32
        %add3A_438 = arith.addi %mul3A_437, %add3A_418 : i32
        %dma_start3A_439 = arith.constant 1 : i32
        %dma_start3A_440 = arith.constant 0 : i32
        %dma_start3A_441 = arith.constant 0 : i32
        %dma_start3A_442 = tpu.memref_slice %arg9[%dma_start3A_439, %dma_start3A_440, %dma_start3A_441] : memref<2x16x512xf32, #tpu.memory_space<vmem>> -> memref<1x16x512xf32, #tpu.memory_space<vmem>>
        %dma_start3A_443 = tpu.memref_squeeze %dma_start3A_442 : memref<1x16x512xf32, #tpu.memory_space<vmem>> -> memref<16x512xf32, #tpu.memory_space<vmem>>
        %dma_start3A_444 = arith.constant 0 : i32
        %dma_start3A_445 = tpu.memref_slice %arg5[%add3A_438, %dma_start3A_444, %mul3A_2] : memref<200x16x16384xf32, #tpu.memory_space<hbm>> -> memref<1x16x512xf32, #tpu.memory_space<hbm>>
        %dma_start3A_446 = tpu.memref_squeeze %dma_start3A_445 : memref<1x16x512xf32, #tpu.memory_space<hbm>> -> memref<16x512xf32, #tpu.memory_space<hbm>>
        %dma_start3A_447 = arith.constant 0 : i32
        %dma_start3A_448 = tpu.memref_slice %arg5[%add3A_438, %dma_start3A_447, %mul3A_2] : memref<200x16x16384xf32, #tpu.memory_space<hbm>> -> memref<1x16x512xf32, #tpu.memory_space<hbm>>
        %dma_start3A_449 = tpu.memref_squeeze %dma_start3A_448 : memref<1x16x512xf32, #tpu.memory_space<hbm>> -> memref<16x512xf32, #tpu.memory_space<hbm>>
        %dma_start3A_450 = arith.constant 0 : i32
        %dma_start3A_451 = arith.constant 0 : i32
        %dma_start3A_452 = tpu.memref_slice %arg9[%dma_start3A_439, %dma_start3A_450, %dma_start3A_451] : memref<2x16x512xf32, #tpu.memory_space<vmem>> -> memref<1x16x512xf32, #tpu.memory_space<vmem>>
        %dma_start3A_453 = tpu.memref_squeeze %dma_start3A_452 : memref<1x16x512xf32, #tpu.memory_space<vmem>> -> memref<16x512xf32, #tpu.memory_space<vmem>>
        tpu.enqueue_dma source(%dma_start3A_453 : memref<16x512xf32, #tpu.memory_space<vmem>>) target(%dma_start3A_449 : memref<16x512xf32, #tpu.memory_space<hbm>>) target_semaphore(%arg13 : memref<!tpu.dma_semaphore, #tpu.memory_space<semaphore_mem>>)
        %scan3A_454 = arith.constant 0 : i32
        scf.yield %scan3A_454 : i32
      }
      %scan3A_368 = arith.constant 4 : i32
      %add3A_369 = arith.constant 2 : i32
      %add3A_370 = arith.addi %add3A_348, %add3A_369 : i32
      %lt3A_371 = arith.constant 25 : i32
      %lt3A_372 = arith.cmpi slt, %add3A_370, %lt3A_371 : i32
      %convert_element_type3A_373 = arith.extui %lt3A_372 : i1 to i32
      %cond3A_374 = arith.constant 0 : i32
      %cond3A_375 = arith.cmpi ne, %convert_element_type3A_373, %cond3A_374 : i32
      scf.if %cond3A_375 {
        %add3A_377 = arith.constant 2 : i32
        %add3A_378 = arith.addi %add3A_348, %add3A_377 : i32
        %mul3A_379 = arith.constant 8 : i32
        %mul3A_380 = arith.muli %add3A_378, %mul3A_379 : i32
        %dma_start3A_381 = arith.constant 1 : i32
        %dma_start3A_382 = arith.constant 0 : i32
        %dma_start3A_383 = arith.constant 0 : i32
        %dma_start3A_384 = tpu.memref_slice %arg8[%dma_start3A_381, %dma_start3A_382, %dma_start3A_383] : memref<2x8x512xi32, #tpu.memory_space<vmem>> -> memref<1x8x512xi32, #tpu.memory_space<vmem>>
        %dma_start3A_385 = tpu.memref_squeeze %dma_start3A_384 : memref<1x8x512xi32, #tpu.memory_space<vmem>> -> memref<8x512xi32, #tpu.memory_space<vmem>>
        %dma_start3A_386 = tpu.memref_slice %arg2[%mul3A_380, %mul3A_2] : memref<200x16384xi32, #tpu.memory_space<hbm>> -> memref<8x512xi32, #tpu.memory_space<hbm>>
        %dma_start3A_387 = arith.constant 0 : i32
        %dma_start3A_388 = arith.constant 0 : i32
        %dma_start3A_389 = tpu.memref_slice %arg8[%dma_start3A_381, %dma_start3A_387, %dma_start3A_388] : memref<2x8x512xi32, #tpu.memory_space<vmem>> -> memref<1x8x512xi32, #tpu.memory_space<vmem>>
        %dma_start3A_390 = tpu.memref_squeeze %dma_start3A_389 : memref<1x8x512xi32, #tpu.memory_space<vmem>> -> memref<8x512xi32, #tpu.memory_space<vmem>>
        %dma_start3A_391 = tpu.memref_slice %arg2[%mul3A_380, %mul3A_2] : memref<200x16384xi32, #tpu.memory_space<hbm>> -> memref<8x512xi32, #tpu.memory_space<hbm>>
        tpu.enqueue_dma source(%dma_start3A_391 : memref<8x512xi32, #tpu.memory_space<hbm>>) target(%dma_start3A_390 : memref<8x512xi32, #tpu.memory_space<vmem>>) target_semaphore(%arg11 : memref<!tpu.dma_semaphore, #tpu.memory_space<semaphore_mem>>)
      } else {
      }
      %scan3A_376 = arith.constant 0 : i32
      scf.yield %scan3A_376 : i32
    }
    %scan3A_96 = arith.constant 12 : i32
    %dma_wait3A = arith.constant 0 : i32
    %dma_wait3A_97 = arith.constant 0 : i32
    %dma_wait3A_98 = arith.constant 0 : i32
    %dma_wait3A_99 = tpu.memref_slice %arg8[%dma_wait3A, %dma_wait3A_97, %dma_wait3A_98] : memref<2x8x512xi32, #tpu.memory_space<vmem>> -> memref<1x8x512xi32, #tpu.memory_space<vmem>>
    %dma_wait3A_100 = tpu.memref_squeeze %dma_wait3A_99 : memref<1x8x512xi32, #tpu.memory_space<vmem>> -> memref<8x512xi32, #tpu.memory_space<vmem>>
    %dma_wait3A_101 = arith.constant 0 : i32
    %dma_wait3A_102 = tpu.memref_slice %arg2[%dma_wait3A_101, %mul3A_2] : memref<200x16384xi32, #tpu.memory_space<hbm>> -> memref<8x512xi32, #tpu.memory_space<hbm>>
    %dma_wait3A_103 = arith.constant 0 : i32
    %dma_wait3A_104 = arith.constant 0 : i32
    %dma_wait3A_105 = tpu.memref_slice %arg8[%dma_wait3A, %dma_wait3A_103, %dma_wait3A_104] : memref<2x8x512xi32, #tpu.memory_space<vmem>> -> memref<1x8x512xi32, #tpu.memory_space<vmem>>
    %dma_wait3A_106 = tpu.memref_squeeze %dma_wait3A_105 : memref<1x8x512xi32, #tpu.memory_space<vmem>> -> memref<8x512xi32, #tpu.memory_space<vmem>>
    %dma_wait3A_107 = arith.constant 0 : i32
    %dma_wait3A_108 = tpu.memref_slice %arg2[%dma_wait3A_107, %mul3A_2] : memref<200x16384xi32, #tpu.memory_space<hbm>> -> memref<8x512xi32, #tpu.memory_space<hbm>>
    tpu.wait_dma2 semaphore(%arg10 : memref<!tpu.dma_semaphore, #tpu.memory_space<semaphore_mem>>) src(%dma_wait3A_108 : memref<8x512xi32, #tpu.memory_space<hbm>>) dst(%dma_wait3A_106 : memref<8x512xi32, #tpu.memory_space<vmem>>)
    %scan3A_109 = arith.constant 24 : i32
    %scan3A_110 = arith.constant 0 : i32
    %scan3A_111 = arith.constant 0 : i32
    %scan3A_112 = arith.constant 4 : i32
    %scan3A_113 = arith.addi %scan3A_111, %scan3A_112 : i32
    %scan3A_114 = arith.constant 1 : i32
    %scan3A_115 = scf.for %scan3A_314 = %scan3A_111 to %scan3A_113 step %scan3A_114 iter_args(%scan3A_315 = %scan3A_110) -> (i32)  : i32 {
      %mul3A_316 = arith.constant 2 : i32
      %mul3A_317 = arith.muli %mul3A_316, %scan3A_314 : i32
      %add3A_318 = arith.constant 0 : i32
      %add3A_319 = arith.addi %mul3A_317, %add3A_318 : i32
      %eq3A = arith.constant 0 : i32
      %eq3A_320 = arith.cmpi eq, %scan3A_109, %eq3A : i32
      %eq3A_321 = arith.constant 0 : i32
      %eq3A_322 = arith.cmpi eq, %scan3A_314, %eq3A_321 : i32
      %and3A = arith.andi %eq3A_320, %eq3A_322 : i1
      %not3A = arith.constant true
      %not3A_323 = arith.xori %and3A, %not3A : i1
      %convert_element_type3A_324 = arith.extui %not3A_323 : i1 to i32
      %cond3A_325 = arith.constant 0 : i32
      %cond3A_326 = arith.cmpi ne, %convert_element_type3A_324, %cond3A_325 : i32
      scf.if %cond3A_326 {
        %dma_wait3A_392 = arith.constant 0 : i32
        %dma_wait3A_393 = arith.constant 0 : i32
        %dma_wait3A_394 = arith.constant 0 : i32
        %dma_wait3A_395 = arith.constant 0 : i32
        %dma_wait3A_396 = tpu.memref_slice %arg9[%dma_wait3A_392, %dma_wait3A_394, %dma_wait3A_395] : memref<2x16x512xf32, #tpu.memory_space<vmem>> -> memref<1x16x512xf32, #tpu.memory_space<vmem>>
        %dma_wait3A_397 = tpu.memref_squeeze %dma_wait3A_396 : memref<1x16x512xf32, #tpu.memory_space<vmem>> -> memref<16x512xf32, #tpu.memory_space<vmem>>
        %dma_wait3A_398 = arith.constant 0 : i32
        %dma_wait3A_399 = tpu.memref_slice %arg5[%dma_wait3A_393, %dma_wait3A_398, %mul3A_2] : memref<200x16x16384xf32, #tpu.memory_space<hbm>> -> memref<1x16x512xf32, #tpu.memory_space<hbm>>
        %dma_wait3A_400 = tpu.memref_squeeze %dma_wait3A_399 : memref<1x16x512xf32, #tpu.memory_space<hbm>> -> memref<16x512xf32, #tpu.memory_space<hbm>>
        %dma_wait3A_401 = arith.constant 0 : i32
        %dma_wait3A_402 = tpu.memref_slice %arg5[%dma_wait3A_393, %dma_wait3A_401, %mul3A_2] : memref<200x16x16384xf32, #tpu.memory_space<hbm>> -> memref<1x16x512xf32, #tpu.memory_space<hbm>>
        %dma_wait3A_403 = tpu.memref_squeeze %dma_wait3A_402 : memref<1x16x512xf32, #tpu.memory_space<hbm>> -> memref<16x512xf32, #tpu.memory_space<hbm>>
        %dma_wait3A_404 = arith.constant 0 : i32
        %dma_wait3A_405 = arith.constant 0 : i32
        %dma_wait3A_406 = tpu.memref_slice %arg9[%dma_wait3A_392, %dma_wait3A_404, %dma_wait3A_405] : memref<2x16x512xf32, #tpu.memory_space<vmem>> -> memref<1x16x512xf32, #tpu.memory_space<vmem>>
        %dma_wait3A_407 = tpu.memref_squeeze %dma_wait3A_406 : memref<1x16x512xf32, #tpu.memory_space<vmem>> -> memref<16x512xf32, #tpu.memory_space<vmem>>
        tpu.wait_dma2 semaphore(%arg12 : memref<!tpu.dma_semaphore, #tpu.memory_space<semaphore_mem>>) src(%dma_wait3A_407 : memref<16x512xf32, #tpu.memory_space<vmem>>) dst(%dma_wait3A_403 : memref<16x512xf32, #tpu.memory_space<hbm>>)
      } else {
      }
      %scan3A_327 = arith.constant 0 : i32
      %scan3A_328 = arith.constant 0 : i32
      %scan3A_329 = arith.constant 32 : i32
      %scan3A_330 = arith.addi %scan3A_328, %scan3A_329 : i32
      %scan3A_331 = arith.constant 1 : i32
      %scan3A_332 = scf.for %scan3A_392 = %scan3A_328 to %scan3A_330 step %scan3A_331 iter_args(%scan3A_393 = %scan3A_327) -> (i32)  : i32 {
        %mul3A_394 = arith.constant 16 : i32
        %mul3A_395 = arith.muli %scan3A_392, %mul3A_394 : i32
        %get3A_396 = arith.constant 0 : i32
        %get3A_397 = arith.index_cast %get3A_396 : i32 to index
        %get3A_398 = arith.index_cast %add3A_319 : i32 to index
        %get3A_399 = arith.index_cast %mul3A_395 : i32 to index
        %get3A_400 = tpu.vector_load %arg8[%get3A_397, %get3A_398, %get3A_399] {strides = array<i32>} : memref<2x8x512xi32, #tpu.memory_space<vmem>>, vector<16xi32>,
        %broadcast_in_dim3A = vector.shape_cast %get3A_400 : vector<16xi32> to vector<16x1xi32>
        %gather3A = vector.shape_cast %broadcast_in_dim3A : vector<16x1xi32> to vector<16xi32>
        %gather3A_401 = tpu.dynamic_gather %get3A_5[%gather3A] in [0] : vector<16xf32>, vector<16xi32> -> vector<16xf32>
        %mul3A_402 = arith.constant 16 : i32
        %mul3A_403 = arith.muli %scan3A_392, %mul3A_402 : i32
        %swap3A = arith.constant 0 : i32
        %swap3A_404 = arith.constant 0 : i32
        %swap3A_405 = arith.index_cast %swap3A : i32 to index
        %swap3A_406 = arith.index_cast %swap3A_404 : i32 to index
        %swap3A_407 = arith.index_cast %mul3A_403 : i32 to index
        %swap3A_408 = tpu.vector_load %arg9[%swap3A_405, %swap3A_406, %swap3A_407] {strides = array<i32>} : memref<2x16x512xf32, #tpu.memory_space<vmem>>, vector<16xf32>,
        tpu.vector_store %arg9[%swap3A_405, %swap3A_406, %swap3A_407], %gather3A_401 {strides = array<i32>} : memref<2x16x512xf32, #tpu.memory_space<vmem>>, vector<16xf32>,
        %broadcast_in_dim3A_409 = vector.shape_cast %get3A_400 : vector<16xi32> to vector<16x1xi32>
        %gather3A_410 = vector.shape_cast %broadcast_in_dim3A_409 : vector<16x1xi32> to vector<16xi32>
        %gather3A_411 = tpu.dynamic_gather %get3A_9[%gather3A_410] in [0] : vector<16xf32>, vector<16xi32> -> vector<16xf32>
        %mul3A_412 = arith.constant 16 : i32
        %mul3A_413 = arith.muli %scan3A_392, %mul3A_412 : i32
        %swap3A_414 = arith.constant 0 : i32
        %swap3A_415 = arith.constant 1 : i32
        %swap3A_416 = arith.index_cast %swap3A_414 : i32 to index
        %swap3A_417 = arith.index_cast %swap3A_415 : i32 to index
        %swap3A_418 = arith.index_cast %mul3A_413 : i32 to index
        %swap3A_419 = tpu.vector_load %arg9[%swap3A_416, %swap3A_417, %swap3A_418] {strides = array<i32>} : memref<2x16x512xf32, #tpu.memory_space<vmem>>, vector<16xf32>,
        tpu.vector_store %arg9[%swap3A_416, %swap3A_417, %swap3A_418], %gather3A_411 {strides = array<i32>} : memref<2x16x512xf32, #tpu.memory_space<vmem>>, vector<16xf32>,
        %broadcast_in_dim3A_420 = vector.shape_cast %get3A_400 : vector<16xi32> to vector<16x1xi32>
        %gather3A_421 = vector.shape_cast %broadcast_in_dim3A_420 : vector<16x1xi32> to vector<16xi32>
        %gather3A_422 = tpu.dynamic_gather %get3A_13[%gather3A_421] in [0] : vector<16xf32>, vector<16xi32> -> vector<16xf32>
        %mul3A_423 = arith.constant 16 : i32
        %mul3A_424 = arith.muli %scan3A_392, %mul3A_423 : i32
        %swap3A_425 = arith.constant 0 : i32
        %swap3A_426 = arith.constant 2 : i32
        %swap3A_427 = arith.index_cast %swap3A_425 : i32 to index
        %swap3A_428 = arith.index_cast %swap3A_426 : i32 to index
        %swap3A_429 = arith.index_cast %mul3A_424 : i32 to index
        %swap3A_430 = tpu.vector_load %arg9[%swap3A_427, %swap3A_428, %swap3A_429] {strides = array<i32>} : memref<2x16x512xf32, #tpu.memory_space<vmem>>, vector<16xf32>,
        tpu.vector_store %arg9[%swap3A_427, %swap3A_428, %swap3A_429], %gather3A_422 {strides = array<i32>} : memref<2x16x512xf32, #tpu.memory_space<vmem>>, vector<16xf32>,
        %broadcast_in_dim3A_431 = vector.shape_cast %get3A_400 : vector<16xi32> to vector<16x1xi32>
        %gather3A_432 = vector.shape_cast %broadcast_in_dim3A_431 : vector<16x1xi32> to vector<16xi32>
        %gather3A_433 = tpu.dynamic_gather %get3A_17[%gather3A_432] in [0] : vector<16xf32>, vector<16xi32> -> vector<16xf32>
        %mul3A_434 = arith.constant 16 : i32
        %mul3A_435 = arith.muli %scan3A_392, %mul3A_434 : i32
        %swap3A_436 = arith.constant 0 : i32
        %swap3A_437 = arith.constant 3 : i32
        %swap3A_438 = arith.index_cast %swap3A_436 : i32 to index
        %swap3A_439 = arith.index_cast %swap3A_437 : i32 to index
        %swap3A_440 = arith.index_cast %mul3A_435 : i32 to index
        %swap3A_441 = tpu.vector_load %arg9[%swap3A_438, %swap3A_439, %swap3A_440] {strides = array<i32>} : memref<2x16x512xf32, #tpu.memory_space<vmem>>, vector<16xf32>,
        tpu.vector_store %arg9[%swap3A_438, %swap3A_439, %swap3A_440], %gather3A_433 {strides = array<i32>} : memref<2x16x512xf32, #tpu.memory_space<vmem>>, vector<16xf32>,
        %broadcast_in_dim3A_442 = vector.shape_cast %get3A_400 : vector<16xi32> to vector<16x1xi32>
        %gather3A_443 = vector.shape_cast %broadcast_in_dim3A_442 : vector<16x1xi32> to vector<16xi32>
        %gather3A_444 = tpu.dynamic_gather %get3A_21[%gather3A_443] in [0] : vector<16xf32>, vector<16xi32> -> vector<16xf32>
        %mul3A_445 = arith.constant 16 : i32
        %mul3A_446 = arith.muli %scan3A_392, %mul3A_445 : i32
        %swap3A_447 = arith.constant 0 : i32
        %swap3A_448 = arith.constant 4 : i32
        %swap3A_449 = arith.index_cast %swap3A_447 : i32 to index
        %swap3A_450 = arith.index_cast %swap3A_448 : i32 to index
        %swap3A_451 = arith.index_cast %mul3A_446 : i32 to index
        %swap3A_452 = tpu.vector_load %arg9[%swap3A_449, %swap3A_450, %swap3A_451] {strides = array<i32>} : memref<2x16x512xf32, #tpu.memory_space<vmem>>, vector<16xf32>,
        tpu.vector_store %arg9[%swap3A_449, %swap3A_450, %swap3A_451], %gather3A_444 {strides = array<i32>} : memref<2x16x512xf32, #tpu.memory_space<vmem>>, vector<16xf32>,
        %broadcast_in_dim3A_453 = vector.shape_cast %get3A_400 : vector<16xi32> to vector<16x1xi32>
        %gather3A_454 = vector.shape_cast %broadcast_in_dim3A_453 : vector<16x1xi32> to vector<16xi32>
        %gather3A_455 = tpu.dynamic_gather %get3A_25[%gather3A_454] in [0] : vector<16xf32>, vector<16xi32> -> vector<16xf32>
        %mul3A_456 = arith.constant 16 : i32
        %mul3A_457 = arith.muli %scan3A_392, %mul3A_456 : i32
        %swap3A_458 = arith.constant 0 : i32
        %swap3A_459 = arith.constant 5 : i32
        %swap3A_460 = arith.index_cast %swap3A_458 : i32 to index
        %swap3A_461 = arith.index_cast %swap3A_459 : i32 to index
        %swap3A_462 = arith.index_cast %mul3A_457 : i32 to index
        %swap3A_463 = tpu.vector_load %arg9[%swap3A_460, %swap3A_461, %swap3A_462] {strides = array<i32>} : memref<2x16x512xf32, #tpu.memory_space<vmem>>, vector<16xf32>,
        tpu.vector_store %arg9[%swap3A_460, %swap3A_461, %swap3A_462], %gather3A_455 {strides = array<i32>} : memref<2x16x512xf32, #tpu.memory_space<vmem>>, vector<16xf32>,
        %broadcast_in_dim3A_464 = vector.shape_cast %get3A_400 : vector<16xi32> to vector<16x1xi32>
        %gather3A_465 = vector.shape_cast %broadcast_in_dim3A_464 : vector<16x1xi32> to vector<16xi32>
        %gather3A_466 = tpu.dynamic_gather %get3A_29[%gather3A_465] in [0] : vector<16xf32>, vector<16xi32> -> vector<16xf32>
        %mul3A_467 = arith.constant 16 : i32
        %mul3A_468 = arith.muli %scan3A_392, %mul3A_467 : i32
        %swap3A_469 = arith.constant 0 : i32
        %swap3A_470 = arith.constant 6 : i32
        %swap3A_471 = arith.index_cast %swap3A_469 : i32 to index
        %swap3A_472 = arith.index_cast %swap3A_470 : i32 to index
        %swap3A_473 = arith.index_cast %mul3A_468 : i32 to index
        %swap3A_474 = tpu.vector_load %arg9[%swap3A_471, %swap3A_472, %swap3A_473] {strides = array<i32>} : memref<2x16x512xf32, #tpu.memory_space<vmem>>, vector<16xf32>,
        tpu.vector_store %arg9[%swap3A_471, %swap3A_472, %swap3A_473], %gather3A_466 {strides = array<i32>} : memref<2x16x512xf32, #tpu.memory_space<vmem>>, vector<16xf32>,
        %broadcast_in_dim3A_475 = vector.shape_cast %get3A_400 : vector<16xi32> to vector<16x1xi32>
        %gather3A_476 = vector.shape_cast %broadcast_in_dim3A_475 : vector<16x1xi32> to vector<16xi32>
        %gather3A_477 = tpu.dynamic_gather %get3A_33[%gather3A_476] in [0] : vector<16xf32>, vector<16xi32> -> vector<16xf32>
        %mul3A_478 = arith.constant 16 : i32
        %mul3A_479 = arith.muli %scan3A_392, %mul3A_478 : i32
        %swap3A_480 = arith.constant 0 : i32
        %swap3A_481 = arith.constant 7 : i32
        %swap3A_482 = arith.index_cast %swap3A_480 : i32 to index
        %swap3A_483 = arith.index_cast %swap3A_481 : i32 to index
        %swap3A_484 = arith.index_cast %mul3A_479 : i32 to index
        %swap3A_485 = tpu.vector_load %arg9[%swap3A_482, %swap3A_483, %swap3A_484] {strides = array<i32>} : memref<2x16x512xf32, #tpu.memory_space<vmem>>, vector<16xf32>,
        tpu.vector_store %arg9[%swap3A_482, %swap3A_483, %swap3A_484], %gather3A_477 {strides = array<i32>} : memref<2x16x512xf32, #tpu.memory_space<vmem>>, vector<16xf32>,
        %broadcast_in_dim3A_486 = vector.shape_cast %get3A_400 : vector<16xi32> to vector<16x1xi32>
        %gather3A_487 = vector.shape_cast %broadcast_in_dim3A_486 : vector<16x1xi32> to vector<16xi32>
        %gather3A_488 = tpu.dynamic_gather %get3A_37[%gather3A_487] in [0] : vector<16xf32>, vector<16xi32> -> vector<16xf32>
        %mul3A_489 = arith.constant 16 : i32
        %mul3A_490 = arith.muli %scan3A_392, %mul3A_489 : i32
        %swap3A_491 = arith.constant 0 : i32
        %swap3A_492 = arith.constant 8 : i32
        %swap3A_493 = arith.index_cast %swap3A_491 : i32 to index
        %swap3A_494 = arith.index_cast %swap3A_492 : i32 to index
        %swap3A_495 = arith.index_cast %mul3A_490 : i32 to index
        %swap3A_496 = tpu.vector_load %arg9[%swap3A_493, %swap3A_494, %swap3A_495] {strides = array<i32>} : memref<2x16x512xf32, #tpu.memory_space<vmem>>, vector<16xf32>,
        tpu.vector_store %arg9[%swap3A_493, %swap3A_494, %swap3A_495], %gather3A_488 {strides = array<i32>} : memref<2x16x512xf32, #tpu.memory_space<vmem>>, vector<16xf32>,
        %broadcast_in_dim3A_497 = vector.shape_cast %get3A_400 : vector<16xi32> to vector<16x1xi32>
        %gather3A_498 = vector.shape_cast %broadcast_in_dim3A_497 : vector<16x1xi32> to vector<16xi32>
        %gather3A_499 = tpu.dynamic_gather %get3A_41[%gather3A_498] in [0] : vector<16xf32>, vector<16xi32> -> vector<16xf32>
        %mul3A_500 = arith.constant 16 : i32
        %mul3A_501 = arith.muli %scan3A_392, %mul3A_500 : i32
        %swap3A_502 = arith.constant 0 : i32
        %swap3A_503 = arith.constant 9 : i32
        %swap3A_504 = arith.index_cast %swap3A_502 : i32 to index
        %swap3A_505 = arith.index_cast %swap3A_503 : i32 to index
        %swap3A_506 = arith.index_cast %mul3A_501 : i32 to index
        %swap3A_507 = tpu.vector_load %arg9[%swap3A_504, %swap3A_505, %swap3A_506] {strides = array<i32>} : memref<2x16x512xf32, #tpu.memory_space<vmem>>, vector<16xf32>,
        tpu.vector_store %arg9[%swap3A_504, %swap3A_505, %swap3A_506], %gather3A_499 {strides = array<i32>} : memref<2x16x512xf32, #tpu.memory_space<vmem>>, vector<16xf32>,
        %broadcast_in_dim3A_508 = vector.shape_cast %get3A_400 : vector<16xi32> to vector<16x1xi32>
        %gather3A_509 = vector.shape_cast %broadcast_in_dim3A_508 : vector<16x1xi32> to vector<16xi32>
        %gather3A_510 = tpu.dynamic_gather %get3A_45[%gather3A_509] in [0] : vector<16xf32>, vector<16xi32> -> vector<16xf32>
        %mul3A_511 = arith.constant 16 : i32
        %mul3A_512 = arith.muli %scan3A_392, %mul3A_511 : i32
        %swap3A_513 = arith.constant 0 : i32
        %swap3A_514 = arith.constant 10 : i32
        %swap3A_515 = arith.index_cast %swap3A_513 : i32 to index
        %swap3A_516 = arith.index_cast %swap3A_514 : i32 to index
        %swap3A_517 = arith.index_cast %mul3A_512 : i32 to index
        %swap3A_518 = tpu.vector_load %arg9[%swap3A_515, %swap3A_516, %swap3A_517] {strides = array<i32>} : memref<2x16x512xf32, #tpu.memory_space<vmem>>, vector<16xf32>,
        tpu.vector_store %arg9[%swap3A_515, %swap3A_516, %swap3A_517], %gather3A_510 {strides = array<i32>} : memref<2x16x512xf32, #tpu.memory_space<vmem>>, vector<16xf32>,
        %broadcast_in_dim3A_519 = vector.shape_cast %get3A_400 : vector<16xi32> to vector<16x1xi32>
        %gather3A_520 = vector.shape_cast %broadcast_in_dim3A_519 : vector<16x1xi32> to vector<16xi32>
        %gather3A_521 = tpu.dynamic_gather %get3A_49[%gather3A_520] in [0] : vector<16xf32>, vector<16xi32> -> vector<16xf32>
        %mul3A_522 = arith.constant 16 : i32
        %mul3A_523 = arith.muli %scan3A_392, %mul3A_522 : i32
        %swap3A_524 = arith.constant 0 : i32
        %swap3A_525 = arith.constant 11 : i32
        %swap3A_526 = arith.index_cast %swap3A_524 : i32 to index
        %swap3A_527 = arith.index_cast %swap3A_525 : i32 to index
        %swap3A_528 = arith.index_cast %mul3A_523 : i32 to index
        %swap3A_529 = tpu.vector_load %arg9[%swap3A_526, %swap3A_527, %swap3A_528] {strides = array<i32>} : memref<2x16x512xf32, #tpu.memory_space<vmem>>, vector<16xf32>,
        tpu.vector_store %arg9[%swap3A_526, %swap3A_527, %swap3A_528], %gather3A_521 {strides = array<i32>} : memref<2x16x512xf32, #tpu.memory_space<vmem>>, vector<16xf32>,
        %broadcast_in_dim3A_530 = vector.shape_cast %get3A_400 : vector<16xi32> to vector<16x1xi32>
        %gather3A_531 = vector.shape_cast %broadcast_in_dim3A_530 : vector<16x1xi32> to vector<16xi32>
        %gather3A_532 = tpu.dynamic_gather %get3A_53[%gather3A_531] in [0] : vector<16xf32>, vector<16xi32> -> vector<16xf32>
        %mul3A_533 = arith.constant 16 : i32
        %mul3A_534 = arith.muli %scan3A_392, %mul3A_533 : i32
        %swap3A_535 = arith.constant 0 : i32
        %swap3A_536 = arith.constant 12 : i32
        %swap3A_537 = arith.index_cast %swap3A_535 : i32 to index
        %swap3A_538 = arith.index_cast %swap3A_536 : i32 to index
        %swap3A_539 = arith.index_cast %mul3A_534 : i32 to index
        %swap3A_540 = tpu.vector_load %arg9[%swap3A_537, %swap3A_538, %swap3A_539] {strides = array<i32>} : memref<2x16x512xf32, #tpu.memory_space<vmem>>, vector<16xf32>,
        tpu.vector_store %arg9[%swap3A_537, %swap3A_538, %swap3A_539], %gather3A_532 {strides = array<i32>} : memref<2x16x512xf32, #tpu.memory_space<vmem>>, vector<16xf32>,
        %broadcast_in_dim3A_541 = vector.shape_cast %get3A_400 : vector<16xi32> to vector<16x1xi32>
        %gather3A_542 = vector.shape_cast %broadcast_in_dim3A_541 : vector<16x1xi32> to vector<16xi32>
        %gather3A_543 = tpu.dynamic_gather %get3A_57[%gather3A_542] in [0] : vector<16xf32>, vector<16xi32> -> vector<16xf32>
        %mul3A_544 = arith.constant 16 : i32
        %mul3A_545 = arith.muli %scan3A_392, %mul3A_544 : i32
        %swap3A_546 = arith.constant 0 : i32
        %swap3A_547 = arith.constant 13 : i32
        %swap3A_548 = arith.index_cast %swap3A_546 : i32 to index
        %swap3A_549 = arith.index_cast %swap3A_547 : i32 to index
        %swap3A_550 = arith.index_cast %mul3A_545 : i32 to index
        %swap3A_551 = tpu.vector_load %arg9[%swap3A_548, %swap3A_549, %swap3A_550] {strides = array<i32>} : memref<2x16x512xf32, #tpu.memory_space<vmem>>, vector<16xf32>,
        tpu.vector_store %arg9[%swap3A_548, %swap3A_549, %swap3A_550], %gather3A_543 {strides = array<i32>} : memref<2x16x512xf32, #tpu.memory_space<vmem>>, vector<16xf32>,
        %broadcast_in_dim3A_552 = vector.shape_cast %get3A_400 : vector<16xi32> to vector<16x1xi32>
        %gather3A_553 = vector.shape_cast %broadcast_in_dim3A_552 : vector<16x1xi32> to vector<16xi32>
        %gather3A_554 = tpu.dynamic_gather %get3A_61[%gather3A_553] in [0] : vector<16xf32>, vector<16xi32> -> vector<16xf32>
        %mul3A_555 = arith.constant 16 : i32
        %mul3A_556 = arith.muli %scan3A_392, %mul3A_555 : i32
        %swap3A_557 = arith.constant 0 : i32
        %swap3A_558 = arith.constant 14 : i32
        %swap3A_559 = arith.index_cast %swap3A_557 : i32 to index
        %swap3A_560 = arith.index_cast %swap3A_558 : i32 to index
        %swap3A_561 = arith.index_cast %mul3A_556 : i32 to index
        %swap3A_562 = tpu.vector_load %arg9[%swap3A_559, %swap3A_560, %swap3A_561] {strides = array<i32>} : memref<2x16x512xf32, #tpu.memory_space<vmem>>, vector<16xf32>,
        tpu.vector_store %arg9[%swap3A_559, %swap3A_560, %swap3A_561], %gather3A_554 {strides = array<i32>} : memref<2x16x512xf32, #tpu.memory_space<vmem>>, vector<16xf32>,
        %broadcast_in_dim3A_563 = vector.shape_cast %get3A_400 : vector<16xi32> to vector<16x1xi32>
        %gather3A_564 = vector.shape_cast %broadcast_in_dim3A_563 : vector<16x1xi32> to vector<16xi32>
        %gather3A_565 = tpu.dynamic_gather %get3A_65[%gather3A_564] in [0] : vector<16xf32>, vector<16xi32> -> vector<16xf32>
        %mul3A_566 = arith.constant 16 : i32
        %mul3A_567 = arith.muli %scan3A_392, %mul3A_566 : i32
        %swap3A_568 = arith.constant 0 : i32
        %swap3A_569 = arith.constant 15 : i32
        %swap3A_570 = arith.index_cast %swap3A_568 : i32 to index
        %swap3A_571 = arith.index_cast %swap3A_569 : i32 to index
        %swap3A_572 = arith.index_cast %mul3A_567 : i32 to index
        %swap3A_573 = tpu.vector_load %arg9[%swap3A_570, %swap3A_571, %swap3A_572] {strides = array<i32>} : memref<2x16x512xf32, #tpu.memory_space<vmem>>, vector<16xf32>,
        tpu.vector_store %arg9[%swap3A_570, %swap3A_571, %swap3A_572], %gather3A_565 {strides = array<i32>} : memref<2x16x512xf32, #tpu.memory_space<vmem>>, vector<16xf32>,
        %scan3A_574 = arith.constant 0 : i32
        scf.yield %scan3A_574 : i32
      }
      %scan3A_333 = arith.constant 32 : i32
      %mul3A_334 = arith.constant 8 : i32
      %mul3A_335 = arith.muli %scan3A_109, %mul3A_334 : i32
      %add3A_336 = arith.addi %mul3A_335, %add3A_319 : i32
      %dma_start3A_337 = arith.constant 0 : i32
      %dma_start3A_338 = arith.constant 0 : i32
      %dma_start3A_339 = arith.constant 0 : i32
      %dma_start3A_340 = tpu.memref_slice %arg9[%dma_start3A_337, %dma_start3A_338, %dma_start3A_339] : memref<2x16x512xf32, #tpu.memory_space<vmem>> -> memref<1x16x512xf32, #tpu.memory_space<vmem>>
      %dma_start3A_341 = tpu.memref_squeeze %dma_start3A_340 : memref<1x16x512xf32, #tpu.memory_space<vmem>> -> memref<16x512xf32, #tpu.memory_space<vmem>>
      %dma_start3A_342 = arith.constant 0 : i32
      %dma_start3A_343 = tpu.memref_slice %arg5[%add3A_336, %dma_start3A_342, %mul3A_2] : memref<200x16x16384xf32, #tpu.memory_space<hbm>> -> memref<1x16x512xf32, #tpu.memory_space<hbm>>
      %dma_start3A_344 = tpu.memref_squeeze %dma_start3A_343 : memref<1x16x512xf32, #tpu.memory_space<hbm>> -> memref<16x512xf32, #tpu.memory_space<hbm>>
      %dma_start3A_345 = arith.constant 0 : i32
      %dma_start3A_346 = tpu.memref_slice %arg5[%add3A_336, %dma_start3A_345, %mul3A_2] : memref<200x16x16384xf32, #tpu.memory_space<hbm>> -> memref<1x16x512xf32, #tpu.memory_space<hbm>>
      %dma_start3A_347 = tpu.memref_squeeze %dma_start3A_346 : memref<1x16x512xf32, #tpu.memory_space<hbm>> -> memref<16x512xf32, #tpu.memory_space<hbm>>
      %dma_start3A_348 = arith.constant 0 : i32
      %dma_start3A_349 = arith.constant 0 : i32
      %dma_start3A_350 = tpu.memref_slice %arg9[%dma_start3A_337, %dma_start3A_348, %dma_start3A_349] : memref<2x16x512xf32, #tpu.memory_space<vmem>> -> memref<1x16x512xf32, #tpu.memory_space<vmem>>
      %dma_start3A_351 = tpu.memref_squeeze %dma_start3A_350 : memref<1x16x512xf32, #tpu.memory_space<vmem>> -> memref<16x512xf32, #tpu.memory_space<vmem>>
      tpu.enqueue_dma source(%dma_start3A_351 : memref<16x512xf32, #tpu.memory_space<vmem>>) target(%dma_start3A_347 : memref<16x512xf32, #tpu.memory_space<hbm>>) target_semaphore(%arg12 : memref<!tpu.dma_semaphore, #tpu.memory_space<semaphore_mem>>)
      %mul3A_352 = arith.constant 2 : i32
      %mul3A_353 = arith.muli %mul3A_352, %scan3A_314 : i32
      %add3A_354 = arith.constant 1 : i32
      %add3A_355 = arith.addi %mul3A_353, %add3A_354 : i32
      %eq3A_356 = arith.constant 0 : i32
      %eq3A_357 = arith.cmpi eq, %scan3A_109, %eq3A_356 : i32
      %eq3A_358 = arith.constant 0 : i32
      %eq3A_359 = arith.cmpi eq, %scan3A_314, %eq3A_358 : i32
      %and3A_360 = arith.andi %eq3A_357, %eq3A_359 : i1
      %not3A_361 = arith.constant true
      %not3A_362 = arith.xori %and3A_360, %not3A_361 : i1
      %convert_element_type3A_363 = arith.extui %not3A_362 : i1 to i32
      %cond3A_364 = arith.constant 0 : i32
      %cond3A_365 = arith.cmpi ne, %convert_element_type3A_363, %cond3A_364 : i32
      scf.if %cond3A_365 {
        %dma_wait3A_392 = arith.constant 1 : i32
        %dma_wait3A_393 = arith.constant 0 : i32
        %dma_wait3A_394 = arith.constant 0 : i32
        %dma_wait3A_395 = arith.constant 0 : i32
        %dma_wait3A_396 = tpu.memref_slice %arg9[%dma_wait3A_392, %dma_wait3A_394, %dma_wait3A_395] : memref<2x16x512xf32, #tpu.memory_space<vmem>> -> memref<1x16x512xf32, #tpu.memory_space<vmem>>
        %dma_wait3A_397 = tpu.memref_squeeze %dma_wait3A_396 : memref<1x16x512xf32, #tpu.memory_space<vmem>> -> memref<16x512xf32, #tpu.memory_space<vmem>>
        %dma_wait3A_398 = arith.constant 0 : i32
        %dma_wait3A_399 = tpu.memref_slice %arg5[%dma_wait3A_393, %dma_wait3A_398, %mul3A_2] : memref<200x16x16384xf32, #tpu.memory_space<hbm>> -> memref<1x16x512xf32, #tpu.memory_space<hbm>>
        %dma_wait3A_400 = tpu.memref_squeeze %dma_wait3A_399 : memref<1x16x512xf32, #tpu.memory_space<hbm>> -> memref<16x512xf32, #tpu.memory_space<hbm>>
        %dma_wait3A_401 = arith.constant 0 : i32
        %dma_wait3A_402 = tpu.memref_slice %arg5[%dma_wait3A_393, %dma_wait3A_401, %mul3A_2] : memref<200x16x16384xf32, #tpu.memory_space<hbm>> -> memref<1x16x512xf32, #tpu.memory_space<hbm>>
        %dma_wait3A_403 = tpu.memref_squeeze %dma_wait3A_402 : memref<1x16x512xf32, #tpu.memory_space<hbm>> -> memref<16x512xf32, #tpu.memory_space<hbm>>
        %dma_wait3A_404 = arith.constant 0 : i32
        %dma_wait3A_405 = arith.constant 0 : i32
        %dma_wait3A_406 = tpu.memref_slice %arg9[%dma_wait3A_392, %dma_wait3A_404, %dma_wait3A_405] : memref<2x16x512xf32, #tpu.memory_space<vmem>> -> memref<1x16x512xf32, #tpu.memory_space<vmem>>
        %dma_wait3A_407 = tpu.memref_squeeze %dma_wait3A_406 : memref<1x16x512xf32, #tpu.memory_space<vmem>> -> memref<16x512xf32, #tpu.memory_space<vmem>>
        tpu.wait_dma2 semaphore(%arg13 : memref<!tpu.dma_semaphore, #tpu.memory_space<semaphore_mem>>) src(%dma_wait3A_407 : memref<16x512xf32, #tpu.memory_space<vmem>>) dst(%dma_wait3A_403 : memref<16x512xf32, #tpu.memory_space<hbm>>)
      } else {
      }
      %scan3A_366 = arith.constant 0 : i32
      %scan3A_367 = arith.constant 0 : i32
      %scan3A_368 = arith.constant 32 : i32
      %scan3A_369 = arith.addi %scan3A_367, %scan3A_368 : i32
      %scan3A_370 = arith.constant 1 : i32
      %scan3A_371 = scf.for %scan3A_392 = %scan3A_367 to %scan3A_369 step %scan3A_370 iter_args(%scan3A_393 = %scan3A_366) -> (i32)  : i32 {
        %mul3A_394 = arith.constant 16 : i32
        %mul3A_395 = arith.muli %scan3A_392, %mul3A_394 : i32
        %get3A_396 = arith.constant 0 : i32
        %get3A_397 = arith.index_cast %get3A_396 : i32 to index
        %get3A_398 = arith.index_cast %add3A_355 : i32 to index
        %get3A_399 = arith.index_cast %mul3A_395 : i32 to index
        %get3A_400 = tpu.vector_load %arg8[%get3A_397, %get3A_398, %get3A_399] {strides = array<i32>} : memref<2x8x512xi32, #tpu.memory_space<vmem>>, vector<16xi32>,
        %broadcast_in_dim3A = vector.shape_cast %get3A_400 : vector<16xi32> to vector<16x1xi32>
        %gather3A = vector.shape_cast %broadcast_in_dim3A : vector<16x1xi32> to vector<16xi32>
        %gather3A_401 = tpu.dynamic_gather %get3A_5[%gather3A] in [0] : vector<16xf32>, vector<16xi32> -> vector<16xf32>
        %mul3A_402 = arith.constant 16 : i32
        %mul3A_403 = arith.muli %scan3A_392, %mul3A_402 : i32
        %swap3A = arith.constant 1 : i32
        %swap3A_404 = arith.constant 0 : i32
        %swap3A_405 = arith.index_cast %swap3A : i32 to index
        %swap3A_406 = arith.index_cast %swap3A_404 : i32 to index
        %swap3A_407 = arith.index_cast %mul3A_403 : i32 to index
        %swap3A_408 = tpu.vector_load %arg9[%swap3A_405, %swap3A_406, %swap3A_407] {strides = array<i32>} : memref<2x16x512xf32, #tpu.memory_space<vmem>>, vector<16xf32>,
        tpu.vector_store %arg9[%swap3A_405, %swap3A_406, %swap3A_407], %gather3A_401 {strides = array<i32>} : memref<2x16x512xf32, #tpu.memory_space<vmem>>, vector<16xf32>,
        %broadcast_in_dim3A_409 = vector.shape_cast %get3A_400 : vector<16xi32> to vector<16x1xi32>
        %gather3A_410 = vector.shape_cast %broadcast_in_dim3A_409 : vector<16x1xi32> to vector<16xi32>
        %gather3A_411 = tpu.dynamic_gather %get3A_9[%gather3A_410] in [0] : vector<16xf32>, vector<16xi32> -> vector<16xf32>
        %mul3A_412 = arith.constant 16 : i32
        %mul3A_413 = arith.muli %scan3A_392, %mul3A_412 : i32
        %swap3A_414 = arith.constant 1 : i32
        %swap3A_415 = arith.constant 1 : i32
        %swap3A_416 = arith.index_cast %swap3A_414 : i32 to index
        %swap3A_417 = arith.index_cast %swap3A_415 : i32 to index
        %swap3A_418 = arith.index_cast %mul3A_413 : i32 to index
        %swap3A_419 = tpu.vector_load %arg9[%swap3A_416, %swap3A_417, %swap3A_418] {strides = array<i32>} : memref<2x16x512xf32, #tpu.memory_space<vmem>>, vector<16xf32>,
        tpu.vector_store %arg9[%swap3A_416, %swap3A_417, %swap3A_418], %gather3A_411 {strides = array<i32>} : memref<2x16x512xf32, #tpu.memory_space<vmem>>, vector<16xf32>,
        %broadcast_in_dim3A_420 = vector.shape_cast %get3A_400 : vector<16xi32> to vector<16x1xi32>
        %gather3A_421 = vector.shape_cast %broadcast_in_dim3A_420 : vector<16x1xi32> to vector<16xi32>
        %gather3A_422 = tpu.dynamic_gather %get3A_13[%gather3A_421] in [0] : vector<16xf32>, vector<16xi32> -> vector<16xf32>
        %mul3A_423 = arith.constant 16 : i32
        %mul3A_424 = arith.muli %scan3A_392, %mul3A_423 : i32
        %swap3A_425 = arith.constant 1 : i32
        %swap3A_426 = arith.constant 2 : i32
        %swap3A_427 = arith.index_cast %swap3A_425 : i32 to index
        %swap3A_428 = arith.index_cast %swap3A_426 : i32 to index
        %swap3A_429 = arith.index_cast %mul3A_424 : i32 to index
        %swap3A_430 = tpu.vector_load %arg9[%swap3A_427, %swap3A_428, %swap3A_429] {strides = array<i32>} : memref<2x16x512xf32, #tpu.memory_space<vmem>>, vector<16xf32>,
        tpu.vector_store %arg9[%swap3A_427, %swap3A_428, %swap3A_429], %gather3A_422 {strides = array<i32>} : memref<2x16x512xf32, #tpu.memory_space<vmem>>, vector<16xf32>,
        %broadcast_in_dim3A_431 = vector.shape_cast %get3A_400 : vector<16xi32> to vector<16x1xi32>
        %gather3A_432 = vector.shape_cast %broadcast_in_dim3A_431 : vector<16x1xi32> to vector<16xi32>
        %gather3A_433 = tpu.dynamic_gather %get3A_17[%gather3A_432] in [0] : vector<16xf32>, vector<16xi32> -> vector<16xf32>
        %mul3A_434 = arith.constant 16 : i32
        %mul3A_435 = arith.muli %scan3A_392, %mul3A_434 : i32
        %swap3A_436 = arith.constant 1 : i32
        %swap3A_437 = arith.constant 3 : i32
        %swap3A_438 = arith.index_cast %swap3A_436 : i32 to index
        %swap3A_439 = arith.index_cast %swap3A_437 : i32 to index
        %swap3A_440 = arith.index_cast %mul3A_435 : i32 to index
        %swap3A_441 = tpu.vector_load %arg9[%swap3A_438, %swap3A_439, %swap3A_440] {strides = array<i32>} : memref<2x16x512xf32, #tpu.memory_space<vmem>>, vector<16xf32>,
        tpu.vector_store %arg9[%swap3A_438, %swap3A_439, %swap3A_440], %gather3A_433 {strides = array<i32>} : memref<2x16x512xf32, #tpu.memory_space<vmem>>, vector<16xf32>,
        %broadcast_in_dim3A_442 = vector.shape_cast %get3A_400 : vector<16xi32> to vector<16x1xi32>
        %gather3A_443 = vector.shape_cast %broadcast_in_dim3A_442 : vector<16x1xi32> to vector<16xi32>
        %gather3A_444 = tpu.dynamic_gather %get3A_21[%gather3A_443] in [0] : vector<16xf32>, vector<16xi32> -> vector<16xf32>
        %mul3A_445 = arith.constant 16 : i32
        %mul3A_446 = arith.muli %scan3A_392, %mul3A_445 : i32
        %swap3A_447 = arith.constant 1 : i32
        %swap3A_448 = arith.constant 4 : i32
        %swap3A_449 = arith.index_cast %swap3A_447 : i32 to index
        %swap3A_450 = arith.index_cast %swap3A_448 : i32 to index
        %swap3A_451 = arith.index_cast %mul3A_446 : i32 to index
        %swap3A_452 = tpu.vector_load %arg9[%swap3A_449, %swap3A_450, %swap3A_451] {strides = array<i32>} : memref<2x16x512xf32, #tpu.memory_space<vmem>>, vector<16xf32>,
        tpu.vector_store %arg9[%swap3A_449, %swap3A_450, %swap3A_451], %gather3A_444 {strides = array<i32>} : memref<2x16x512xf32, #tpu.memory_space<vmem>>, vector<16xf32>,
        %broadcast_in_dim3A_453 = vector.shape_cast %get3A_400 : vector<16xi32> to vector<16x1xi32>
        %gather3A_454 = vector.shape_cast %broadcast_in_dim3A_453 : vector<16x1xi32> to vector<16xi32>
        %gather3A_455 = tpu.dynamic_gather %get3A_25[%gather3A_454] in [0] : vector<16xf32>, vector<16xi32> -> vector<16xf32>
        %mul3A_456 = arith.constant 16 : i32
        %mul3A_457 = arith.muli %scan3A_392, %mul3A_456 : i32
        %swap3A_458 = arith.constant 1 : i32
        %swap3A_459 = arith.constant 5 : i32
        %swap3A_460 = arith.index_cast %swap3A_458 : i32 to index
        %swap3A_461 = arith.index_cast %swap3A_459 : i32 to index
        %swap3A_462 = arith.index_cast %mul3A_457 : i32 to index
        %swap3A_463 = tpu.vector_load %arg9[%swap3A_460, %swap3A_461, %swap3A_462] {strides = array<i32>} : memref<2x16x512xf32, #tpu.memory_space<vmem>>, vector<16xf32>,
        tpu.vector_store %arg9[%swap3A_460, %swap3A_461, %swap3A_462], %gather3A_455 {strides = array<i32>} : memref<2x16x512xf32, #tpu.memory_space<vmem>>, vector<16xf32>,
        %broadcast_in_dim3A_464 = vector.shape_cast %get3A_400 : vector<16xi32> to vector<16x1xi32>
        %gather3A_465 = vector.shape_cast %broadcast_in_dim3A_464 : vector<16x1xi32> to vector<16xi32>
        %gather3A_466 = tpu.dynamic_gather %get3A_29[%gather3A_465] in [0] : vector<16xf32>, vector<16xi32> -> vector<16xf32>
        %mul3A_467 = arith.constant 16 : i32
        %mul3A_468 = arith.muli %scan3A_392, %mul3A_467 : i32
        %swap3A_469 = arith.constant 1 : i32
        %swap3A_470 = arith.constant 6 : i32
        %swap3A_471 = arith.index_cast %swap3A_469 : i32 to index
        %swap3A_472 = arith.index_cast %swap3A_470 : i32 to index
        %swap3A_473 = arith.index_cast %mul3A_468 : i32 to index
        %swap3A_474 = tpu.vector_load %arg9[%swap3A_471, %swap3A_472, %swap3A_473] {strides = array<i32>} : memref<2x16x512xf32, #tpu.memory_space<vmem>>, vector<16xf32>,
        tpu.vector_store %arg9[%swap3A_471, %swap3A_472, %swap3A_473], %gather3A_466 {strides = array<i32>} : memref<2x16x512xf32, #tpu.memory_space<vmem>>, vector<16xf32>,
        %broadcast_in_dim3A_475 = vector.shape_cast %get3A_400 : vector<16xi32> to vector<16x1xi32>
        %gather3A_476 = vector.shape_cast %broadcast_in_dim3A_475 : vector<16x1xi32> to vector<16xi32>
        %gather3A_477 = tpu.dynamic_gather %get3A_33[%gather3A_476] in [0] : vector<16xf32>, vector<16xi32> -> vector<16xf32>
        %mul3A_478 = arith.constant 16 : i32
        %mul3A_479 = arith.muli %scan3A_392, %mul3A_478 : i32
        %swap3A_480 = arith.constant 1 : i32
        %swap3A_481 = arith.constant 7 : i32
        %swap3A_482 = arith.index_cast %swap3A_480 : i32 to index
        %swap3A_483 = arith.index_cast %swap3A_481 : i32 to index
        %swap3A_484 = arith.index_cast %mul3A_479 : i32 to index
        %swap3A_485 = tpu.vector_load %arg9[%swap3A_482, %swap3A_483, %swap3A_484] {strides = array<i32>} : memref<2x16x512xf32, #tpu.memory_space<vmem>>, vector<16xf32>,
        tpu.vector_store %arg9[%swap3A_482, %swap3A_483, %swap3A_484], %gather3A_477 {strides = array<i32>} : memref<2x16x512xf32, #tpu.memory_space<vmem>>, vector<16xf32>,
        %broadcast_in_dim3A_486 = vector.shape_cast %get3A_400 : vector<16xi32> to vector<16x1xi32>
        %gather3A_487 = vector.shape_cast %broadcast_in_dim3A_486 : vector<16x1xi32> to vector<16xi32>
        %gather3A_488 = tpu.dynamic_gather %get3A_37[%gather3A_487] in [0] : vector<16xf32>, vector<16xi32> -> vector<16xf32>
        %mul3A_489 = arith.constant 16 : i32
        %mul3A_490 = arith.muli %scan3A_392, %mul3A_489 : i32
        %swap3A_491 = arith.constant 1 : i32
        %swap3A_492 = arith.constant 8 : i32
        %swap3A_493 = arith.index_cast %swap3A_491 : i32 to index
        %swap3A_494 = arith.index_cast %swap3A_492 : i32 to index
        %swap3A_495 = arith.index_cast %mul3A_490 : i32 to index
        %swap3A_496 = tpu.vector_load %arg9[%swap3A_493, %swap3A_494, %swap3A_495] {strides = array<i32>} : memref<2x16x512xf32, #tpu.memory_space<vmem>>, vector<16xf32>,
        tpu.vector_store %arg9[%swap3A_493, %swap3A_494, %swap3A_495], %gather3A_488 {strides = array<i32>} : memref<2x16x512xf32, #tpu.memory_space<vmem>>, vector<16xf32>,
        %broadcast_in_dim3A_497 = vector.shape_cast %get3A_400 : vector<16xi32> to vector<16x1xi32>
        %gather3A_498 = vector.shape_cast %broadcast_in_dim3A_497 : vector<16x1xi32> to vector<16xi32>
        %gather3A_499 = tpu.dynamic_gather %get3A_41[%gather3A_498] in [0] : vector<16xf32>, vector<16xi32> -> vector<16xf32>
        %mul3A_500 = arith.constant 16 : i32
        %mul3A_501 = arith.muli %scan3A_392, %mul3A_500 : i32
        %swap3A_502 = arith.constant 1 : i32
        %swap3A_503 = arith.constant 9 : i32
        %swap3A_504 = arith.index_cast %swap3A_502 : i32 to index
        %swap3A_505 = arith.index_cast %swap3A_503 : i32 to index
        %swap3A_506 = arith.index_cast %mul3A_501 : i32 to index
        %swap3A_507 = tpu.vector_load %arg9[%swap3A_504, %swap3A_505, %swap3A_506] {strides = array<i32>} : memref<2x16x512xf32, #tpu.memory_space<vmem>>, vector<16xf32>,
        tpu.vector_store %arg9[%swap3A_504, %swap3A_505, %swap3A_506], %gather3A_499 {strides = array<i32>} : memref<2x16x512xf32, #tpu.memory_space<vmem>>, vector<16xf32>,
        %broadcast_in_dim3A_508 = vector.shape_cast %get3A_400 : vector<16xi32> to vector<16x1xi32>
        %gather3A_509 = vector.shape_cast %broadcast_in_dim3A_508 : vector<16x1xi32> to vector<16xi32>
        %gather3A_510 = tpu.dynamic_gather %get3A_45[%gather3A_509] in [0] : vector<16xf32>, vector<16xi32> -> vector<16xf32>
        %mul3A_511 = arith.constant 16 : i32
        %mul3A_512 = arith.muli %scan3A_392, %mul3A_511 : i32
        %swap3A_513 = arith.constant 1 : i32
        %swap3A_514 = arith.constant 10 : i32
        %swap3A_515 = arith.index_cast %swap3A_513 : i32 to index
        %swap3A_516 = arith.index_cast %swap3A_514 : i32 to index
        %swap3A_517 = arith.index_cast %mul3A_512 : i32 to index
        %swap3A_518 = tpu.vector_load %arg9[%swap3A_515, %swap3A_516, %swap3A_517] {strides = array<i32>} : memref<2x16x512xf32, #tpu.memory_space<vmem>>, vector<16xf32>,
        tpu.vector_store %arg9[%swap3A_515, %swap3A_516, %swap3A_517], %gather3A_510 {strides = array<i32>} : memref<2x16x512xf32, #tpu.memory_space<vmem>>, vector<16xf32>,
        %broadcast_in_dim3A_519 = vector.shape_cast %get3A_400 : vector<16xi32> to vector<16x1xi32>
        %gather3A_520 = vector.shape_cast %broadcast_in_dim3A_519 : vector<16x1xi32> to vector<16xi32>
        %gather3A_521 = tpu.dynamic_gather %get3A_49[%gather3A_520] in [0] : vector<16xf32>, vector<16xi32> -> vector<16xf32>
        %mul3A_522 = arith.constant 16 : i32
        %mul3A_523 = arith.muli %scan3A_392, %mul3A_522 : i32
        %swap3A_524 = arith.constant 1 : i32
        %swap3A_525 = arith.constant 11 : i32
        %swap3A_526 = arith.index_cast %swap3A_524 : i32 to index
        %swap3A_527 = arith.index_cast %swap3A_525 : i32 to index
        %swap3A_528 = arith.index_cast %mul3A_523 : i32 to index
        %swap3A_529 = tpu.vector_load %arg9[%swap3A_526, %swap3A_527, %swap3A_528] {strides = array<i32>} : memref<2x16x512xf32, #tpu.memory_space<vmem>>, vector<16xf32>,
        tpu.vector_store %arg9[%swap3A_526, %swap3A_527, %swap3A_528], %gather3A_521 {strides = array<i32>} : memref<2x16x512xf32, #tpu.memory_space<vmem>>, vector<16xf32>,
        %broadcast_in_dim3A_530 = vector.shape_cast %get3A_400 : vector<16xi32> to vector<16x1xi32>
        %gather3A_531 = vector.shape_cast %broadcast_in_dim3A_530 : vector<16x1xi32> to vector<16xi32>
        %gather3A_532 = tpu.dynamic_gather %get3A_53[%gather3A_531] in [0] : vector<16xf32>, vector<16xi32> -> vector<16xf32>
        %mul3A_533 = arith.constant 16 : i32
        %mul3A_534 = arith.muli %scan3A_392, %mul3A_533 : i32
        %swap3A_535 = arith.constant 1 : i32
        %swap3A_536 = arith.constant 12 : i32
        %swap3A_537 = arith.index_cast %swap3A_535 : i32 to index
        %swap3A_538 = arith.index_cast %swap3A_536 : i32 to index
        %swap3A_539 = arith.index_cast %mul3A_534 : i32 to index
        %swap3A_540 = tpu.vector_load %arg9[%swap3A_537, %swap3A_538, %swap3A_539] {strides = array<i32>} : memref<2x16x512xf32, #tpu.memory_space<vmem>>, vector<16xf32>,
        tpu.vector_store %arg9[%swap3A_537, %swap3A_538, %swap3A_539], %gather3A_532 {strides = array<i32>} : memref<2x16x512xf32, #tpu.memory_space<vmem>>, vector<16xf32>,
        %broadcast_in_dim3A_541 = vector.shape_cast %get3A_400 : vector<16xi32> to vector<16x1xi32>
        %gather3A_542 = vector.shape_cast %broadcast_in_dim3A_541 : vector<16x1xi32> to vector<16xi32>
        %gather3A_543 = tpu.dynamic_gather %get3A_57[%gather3A_542] in [0] : vector<16xf32>, vector<16xi32> -> vector<16xf32>
        %mul3A_544 = arith.constant 16 : i32
        %mul3A_545 = arith.muli %scan3A_392, %mul3A_544 : i32
        %swap3A_546 = arith.constant 1 : i32
        %swap3A_547 = arith.constant 13 : i32
        %swap3A_548 = arith.index_cast %swap3A_546 : i32 to index
        %swap3A_549 = arith.index_cast %swap3A_547 : i32 to index
        %swap3A_550 = arith.index_cast %mul3A_545 : i32 to index
        %swap3A_551 = tpu.vector_load %arg9[%swap3A_548, %swap3A_549, %swap3A_550] {strides = array<i32>} : memref<2x16x512xf32, #tpu.memory_space<vmem>>, vector<16xf32>,
        tpu.vector_store %arg9[%swap3A_548, %swap3A_549, %swap3A_550], %gather3A_543 {strides = array<i32>} : memref<2x16x512xf32, #tpu.memory_space<vmem>>, vector<16xf32>,
        %broadcast_in_dim3A_552 = vector.shape_cast %get3A_400 : vector<16xi32> to vector<16x1xi32>
        %gather3A_553 = vector.shape_cast %broadcast_in_dim3A_552 : vector<16x1xi32> to vector<16xi32>
        %gather3A_554 = tpu.dynamic_gather %get3A_61[%gather3A_553] in [0] : vector<16xf32>, vector<16xi32> -> vector<16xf32>
        %mul3A_555 = arith.constant 16 : i32
        %mul3A_556 = arith.muli %scan3A_392, %mul3A_555 : i32
        %swap3A_557 = arith.constant 1 : i32
        %swap3A_558 = arith.constant 14 : i32
        %swap3A_559 = arith.index_cast %swap3A_557 : i32 to index
        %swap3A_560 = arith.index_cast %swap3A_558 : i32 to index
        %swap3A_561 = arith.index_cast %mul3A_556 : i32 to index
        %swap3A_562 = tpu.vector_load %arg9[%swap3A_559, %swap3A_560, %swap3A_561] {strides = array<i32>} : memref<2x16x512xf32, #tpu.memory_space<vmem>>, vector<16xf32>,
        tpu.vector_store %arg9[%swap3A_559, %swap3A_560, %swap3A_561], %gather3A_554 {strides = array<i32>} : memref<2x16x512xf32, #tpu.memory_space<vmem>>, vector<16xf32>,
        %broadcast_in_dim3A_563 = vector.shape_cast %get3A_400 : vector<16xi32> to vector<16x1xi32>
        %gather3A_564 = vector.shape_cast %broadcast_in_dim3A_563 : vector<16x1xi32> to vector<16xi32>
        %gather3A_565 = tpu.dynamic_gather %get3A_65[%gather3A_564] in [0] : vector<16xf32>, vector<16xi32> -> vector<16xf32>
        %mul3A_566 = arith.constant 16 : i32
        %mul3A_567 = arith.muli %scan3A_392, %mul3A_566 : i32
        %swap3A_568 = arith.constant 1 : i32
        %swap3A_569 = arith.constant 15 : i32
        %swap3A_570 = arith.index_cast %swap3A_568 : i32 to index
        %swap3A_571 = arith.index_cast %swap3A_569 : i32 to index
        %swap3A_572 = arith.index_cast %mul3A_567 : i32 to index
        %swap3A_573 = tpu.vector_load %arg9[%swap3A_570, %swap3A_571, %swap3A_572] {strides = array<i32>} : memref<2x16x512xf32, #tpu.memory_space<vmem>>, vector<16xf32>,
        tpu.vector_store %arg9[%swap3A_570, %swap3A_571, %swap3A_572], %gather3A_565 {strides = array<i32>} : memref<2x16x512xf32, #tpu.memory_space<vmem>>, vector<16xf32>,
        %scan3A_574 = arith.constant 0 : i32
        scf.yield %scan3A_574 : i32
      }
      %scan3A_372 = arith.constant 32 : i32
      %mul3A_373 = arith.constant 8 : i32
      %mul3A_374 = arith.muli %scan3A_109, %mul3A_373 : i32
      %add3A_375 = arith.addi %mul3A_374, %add3A_355 : i32
      %dma_start3A_376 = arith.constant 1 : i32
      %dma_start3A_377 = arith.constant 0 : i32
      %dma_start3A_378 = arith.constant 0 : i32
      %dma_start3A_379 = tpu.memref_slice %arg9[%dma_start3A_376, %dma_start3A_377, %dma_start3A_378] : memref<2x16x512xf32, #tpu.memory_space<vmem>> -> memref<1x16x512xf32, #tpu.memory_space<vmem>>
      %dma_start3A_380 = tpu.memref_squeeze %dma_start3A_379 : memref<1x16x512xf32, #tpu.memory_space<vmem>> -> memref<16x512xf32, #tpu.memory_space<vmem>>
      %dma_start3A_381 = arith.constant 0 : i32
      %dma_start3A_382 = tpu.memref_slice %arg5[%add3A_375, %dma_start3A_381, %mul3A_2] : memref<200x16x16384xf32, #tpu.memory_space<hbm>> -> memref<1x16x512xf32, #tpu.memory_space<hbm>>
      %dma_start3A_383 = tpu.memref_squeeze %dma_start3A_382 : memref<1x16x512xf32, #tpu.memory_space<hbm>> -> memref<16x512xf32, #tpu.memory_space<hbm>>
      %dma_start3A_384 = arith.constant 0 : i32
      %dma_start3A_385 = tpu.memref_slice %arg5[%add3A_375, %dma_start3A_384, %mul3A_2] : memref<200x16x16384xf32, #tpu.memory_space<hbm>> -> memref<1x16x512xf32, #tpu.memory_space<hbm>>
      %dma_start3A_386 = tpu.memref_squeeze %dma_start3A_385 : memref<1x16x512xf32, #tpu.memory_space<hbm>> -> memref<16x512xf32, #tpu.memory_space<hbm>>
      %dma_start3A_387 = arith.constant 0 : i32
      %dma_start3A_388 = arith.constant 0 : i32
      %dma_start3A_389 = tpu.memref_slice %arg9[%dma_start3A_376, %dma_start3A_387, %dma_start3A_388] : memref<2x16x512xf32, #tpu.memory_space<vmem>> -> memref<1x16x512xf32, #tpu.memory_space<vmem>>
      %dma_start3A_390 = tpu.memref_squeeze %dma_start3A_389 : memref<1x16x512xf32, #tpu.memory_space<vmem>> -> memref<16x512xf32, #tpu.memory_space<vmem>>
      tpu.enqueue_dma source(%dma_start3A_390 : memref<16x512xf32, #tpu.memory_space<vmem>>) target(%dma_start3A_386 : memref<16x512xf32, #tpu.memory_space<hbm>>) target_semaphore(%arg13 : memref<!tpu.dma_semaphore, #tpu.memory_space<semaphore_mem>>)
      %scan3A_391 = arith.constant 0 : i32
      scf.yield %scan3A_391 : i32
    }
    %scan3A_116 = arith.constant 4 : i32
    %add3A_117 = arith.constant 24 : i32
    %add3A_118 = arith.constant 2 : i32
    %add3A_119 = arith.addi %add3A_117, %add3A_118 : i32
    %lt3A = arith.constant 25 : i32
    %lt3A_120 = arith.cmpi slt, %add3A_119, %lt3A : i32
    %convert_element_type3A = arith.extui %lt3A_120 : i1 to i32
    %cond3A = arith.constant 24 : i32
    %cond3A_121 = arith.constant 0 : i32
    %cond3A_122 = arith.cmpi ne, %convert_element_type3A, %cond3A_121 : i32
    scf.if %cond3A_122 {
      %add3A_314 = arith.constant 2 : i32
      %add3A_315 = arith.addi %cond3A, %add3A_314 : i32
      %mul3A_316 = arith.constant 8 : i32
      %mul3A_317 = arith.muli %add3A_315, %mul3A_316 : i32
      %dma_start3A_318 = arith.constant 0 : i32
      %dma_start3A_319 = arith.constant 0 : i32
      %dma_start3A_320 = arith.constant 0 : i32
      %dma_start3A_321 = tpu.memref_slice %arg8[%dma_start3A_318, %dma_start3A_319, %dma_start3A_320] : memref<2x8x512xi32, #tpu.memory_space<vmem>> -> memref<1x8x512xi32, #tpu.memory_space<vmem>>
      %dma_start3A_322 = tpu.memref_squeeze %dma_start3A_321 : memref<1x8x512xi32, #tpu.memory_space<vmem>> -> memref<8x512xi32, #tpu.memory_space<vmem>>
      %dma_start3A_323 = tpu.memref_slice %arg2[%mul3A_317, %mul3A_2] : memref<200x16384xi32, #tpu.memory_space<hbm>> -> memref<8x512xi32, #tpu.memory_space<hbm>>
      %dma_start3A_324 = arith.constant 0 : i32
      %dma_start3A_325 = arith.constant 0 : i32
      %dma_start3A_326 = tpu.memref_slice %arg8[%dma_start3A_318, %dma_start3A_324, %dma_start3A_325] : memref<2x8x512xi32, #tpu.memory_space<vmem>> -> memref<1x8x512xi32, #tpu.memory_space<vmem>>
      %dma_start3A_327 = tpu.memref_squeeze %dma_start3A_326 : memref<1x8x512xi32, #tpu.memory_space<vmem>> -> memref<8x512xi32, #tpu.memory_space<vmem>>
      %dma_start3A_328 = tpu.memref_slice %arg2[%mul3A_317, %mul3A_2] : memref<200x16384xi32, #tpu.memory_space<hbm>> -> memref<8x512xi32, #tpu.memory_space<hbm>>
      tpu.enqueue_dma source(%dma_start3A_328 : memref<8x512xi32, #tpu.memory_space<hbm>>) target(%dma_start3A_327 : memref<8x512xi32, #tpu.memory_space<vmem>>) target_semaphore(%arg10 : memref<!tpu.dma_semaphore, #tpu.memory_space<semaphore_mem>>)
    } else {
    }
    %dma_wait3A_123 = arith.constant 0 : i32
    %dma_wait3A_124 = arith.constant 0 : i32
    %dma_wait3A_125 = arith.constant 0 : i32
    %dma_wait3A_126 = arith.constant 0 : i32
    %dma_wait3A_127 = tpu.memref_slice %arg9[%dma_wait3A_123, %dma_wait3A_125, %dma_wait3A_126] : memref<2x16x512xf32, #tpu.memory_space<vmem>> -> memref<1x16x512xf32, #tpu.memory_space<vmem>>
    %dma_wait3A_128 = tpu.memref_squeeze %dma_wait3A_127 : memref<1x16x512xf32, #tpu.memory_space<vmem>> -> memref<16x512xf32, #tpu.memory_space<vmem>>
    %dma_wait3A_129 = arith.constant 0 : i32
    %dma_wait3A_130 = tpu.memref_slice %arg5[%dma_wait3A_124, %dma_wait3A_129, %mul3A_2] : memref<200x16x16384xf32, #tpu.memory_space<hbm>> -> memref<1x16x512xf32, #tpu.memory_space<hbm>>
    %dma_wait3A_131 = tpu.memref_squeeze %dma_wait3A_130 : memref<1x16x512xf32, #tpu.memory_space<hbm>> -> memref<16x512xf32, #tpu.memory_space<hbm>>
    %dma_wait3A_132 = arith.constant 0 : i32
    %dma_wait3A_133 = tpu.memref_slice %arg5[%dma_wait3A_124, %dma_wait3A_132, %mul3A_2] : memref<200x16x16384xf32, #tpu.memory_space<hbm>> -> memref<1x16x512xf32, #tpu.memory_space<hbm>>
    %dma_wait3A_134 = tpu.memref_squeeze %dma_wait3A_133 : memref<1x16x512xf32, #tpu.memory_space<hbm>> -> memref<16x512xf32, #tpu.memory_space<hbm>>
    %dma_wait3A_135 = arith.constant 0 : i32
    %dma_wait3A_136 = arith.constant 0 : i32
    %dma_wait3A_137 = tpu.memref_slice %arg9[%dma_wait3A_123, %dma_wait3A_135, %dma_wait3A_136] : memref<2x16x512xf32, #tpu.memory_space<vmem>> -> memref<1x16x512xf32, #tpu.memory_space<vmem>>
    %dma_wait3A_138 = tpu.memref_squeeze %dma_wait3A_137 : memref<1x16x512xf32, #tpu.memory_space<vmem>> -> memref<16x512xf32, #tpu.memory_space<vmem>>
    tpu.wait_dma2 semaphore(%arg12 : memref<!tpu.dma_semaphore, #tpu.memory_space<semaphore_mem>>) src(%dma_wait3A_138 : memref<16x512xf32, #tpu.memory_space<vmem>>) dst(%dma_wait3A_134 : memref<16x512xf32, #tpu.memory_space<hbm>>)
    %dma_wait3A_139 = arith.constant 1 : i32
    %dma_wait3A_140 = arith.constant 0 : i32
    %dma_wait3A_141 = arith.constant 0 : i32
    %dma_wait3A_142 = arith.constant 0 : i32
    %dma_wait3A_143 = tpu.memref_slice %arg9[%dma_wait3A_139, %dma_wait3A_141, %dma_wait3A_142] : memref<2x16x512xf32, #tpu.memory_space<vmem>> -> memref<1x16x512xf32, #tpu.memory_space<vmem>>
    %dma_wait3A_144 = tpu.memref_squeeze %dma_wait3A_143 : memref<1x16x512xf32, #tpu.memory_space<vmem>> -> memref<16x512xf32, #tpu.memory_space<vmem>>
    %dma_wait3A_145 = arith.constant 0 : i32
    %dma_wait3A_146 = tpu.memref_slice %arg5[%dma_wait3A_140, %dma_wait3A_145, %mul3A_2] : memref<200x16x16384xf32, #tpu.memory_space<hbm>> -> memref<1x16x512xf32, #tpu.memory_space<hbm>>
    %dma_wait3A_147 = tpu.memref_squeeze %dma_wait3A_146 : memref<1x16x512xf32, #tpu.memory_space<hbm>> -> memref<16x512xf32, #tpu.memory_space<hbm>>
    %dma_wait3A_148 = arith.constant 0 : i32
    %dma_wait3A_149 = tpu.memref_slice %arg5[%dma_wait3A_140, %dma_wait3A_148, %mul3A_2] : memref<200x16x16384xf32, #tpu.memory_space<hbm>> -> memref<1x16x512xf32, #tpu.memory_space<hbm>>
    %dma_wait3A_150 = tpu.memref_squeeze %dma_wait3A_149 : memref<1x16x512xf32, #tpu.memory_space<hbm>> -> memref<16x512xf32, #tpu.memory_space<hbm>>
    %dma_wait3A_151 = arith.constant 0 : i32
    %dma_wait3A_152 = arith.constant 0 : i32
    %dma_wait3A_153 = tpu.memref_slice %arg9[%dma_wait3A_139, %dma_wait3A_151, %dma_wait3A_152] : memref<2x16x512xf32, #tpu.memory_space<vmem>> -> memref<1x16x512xf32, #tpu.memory_space<vmem>>
    %dma_wait3A_154 = tpu.memref_squeeze %dma_wait3A_153 : memref<1x16x512xf32, #tpu.memory_space<vmem>> -> memref<16x512xf32, #tpu.memory_space<vmem>>
    tpu.wait_dma2 semaphore(%arg13 : memref<!tpu.dma_semaphore, #tpu.memory_space<semaphore_mem>>) src(%dma_wait3A_154 : memref<16x512xf32, #tpu.memory_space<vmem>>) dst(%dma_wait3A_150 : memref<16x512xf32, #tpu.memory_space<hbm>>)
    %get3A_155 = arith.constant 16 : i32
    %get3A_156 = arith.index_cast %get3A_155 : i32 to index
    %get3A_157 = arith.constant 0 : index
    %get3A_158 = tpu.vector_load %arg7[%get3A_156, %get3A_157] {strides = array<i32>} : memref<32x128xf32, #tpu.memory_space<vmem>>, vector<16xf32>,
    %get3A_159 = arith.constant 17 : i32
    %get3A_160 = arith.index_cast %get3A_159 : i32 to index
    %get3A_161 = arith.constant 0 : index
    %get3A_162 = tpu.vector_load %arg7[%get3A_160, %get3A_161] {strides = array<i32>} : memref<32x128xf32, #tpu.memory_space<vmem>>, vector<16xf32>,
    %get3A_163 = arith.constant 18 : i32
    %get3A_164 = arith.index_cast %get3A_163 : i32 to index
    %get3A_165 = arith.constant 0 : index
    %get3A_166 = tpu.vector_load %arg7[%get3A_164, %get3A_165] {strides = array<i32>} : memref<32x128xf32, #tpu.memory_space<vmem>>, vector<16xf32>,
    %get3A_167 = arith.constant 19 : i32
    %get3A_168 = arith.index_cast %get3A_167 : i32 to index
    %get3A_169 = arith.constant 0 : index
    %get3A_170 = tpu.vector_load %arg7[%get3A_168, %get3A_169] {strides = array<i32>} : memref<32x128xf32, #tpu.memory_space<vmem>>, vector<16xf32>,
    %get3A_171 = arith.constant 20 : i32
    %get3A_172 = arith.index_cast %get3A_171 : i32 to index
    %get3A_173 = arith.constant 0 : index
    %get3A_174 = tpu.vector_load %arg7[%get3A_172, %get3A_173] {strides = array<i32>} : memref<32x128xf32, #tpu.memory_space<vmem>>, vector<16xf32>,
    %get3A_175 = arith.constant 21 : i32
    %get3A_176 = arith.index_cast %get3A_175 : i32 to index
    %get3A_177 = arith.constant 0 : index
    %get3A_178 = tpu.vector_load %arg7[%get3A_176, %get3A_177] {strides = array<i32>} : memref<32x128xf32, #tpu.memory_space<vmem>>, vector<16xf32>,
    %get3A_179 = arith.constant 22 : i32
    %get3A_180 = arith.index_cast %get3A_179 : i32 to index
    %get3A_181 = arith.constant 0 : index
    %get3A_182 = tpu.vector_load %arg7[%get3A_180, %get3A_181] {strides = array<i32>} : memref<32x128xf32, #tpu.memory_space<vmem>>, vector<16xf32>,
    %get3A_183 = arith.constant 23 : i32
    %get3A_184 = arith.index_cast %get3A_183 : i32 to index
    %get3A_185 = arith.constant 0 : index
    %get3A_186 = tpu.vector_load %arg7[%get3A_184, %get3A_185] {strides = array<i32>} : memref<32x128xf32, #tpu.memory_space<vmem>>, vector<16xf32>,
    %get3A_187 = arith.constant 24 : i32
    %get3A_188 = arith.index_cast %get3A_187 : i32 to index
    %get3A_189 = arith.constant 0 : index
    %get3A_190 = tpu.vector_load %arg7[%get3A_188, %get3A_189] {strides = array<i32>} : memref<32x128xf32, #tpu.memory_space<vmem>>, vector<16xf32>,
    %get3A_191 = arith.constant 25 : i32
    %get3A_192 = arith.index_cast %get3A_191 : i32 to index
    %get3A_193 = arith.constant 0 : index
    %get3A_194 = tpu.vector_load %arg7[%get3A_192, %get3A_193] {strides = array<i32>} : memref<32x128xf32, #tpu.memory_space<vmem>>, vector<16xf32>,
    %get3A_195 = arith.constant 26 : i32
    %get3A_196 = arith.index_cast %get3A_195 : i32 to index
    %get3A_197 = arith.constant 0 : index
    %get3A_198 = tpu.vector_load %arg7[%get3A_196, %get3A_197] {strides = array<i32>} : memref<32x128xf32, #tpu.memory_space<vmem>>, vector<16xf32>,
    %get3A_199 = arith.constant 27 : i32
    %get3A_200 = arith.index_cast %get3A_199 : i32 to index
    %get3A_201 = arith.constant 0 : index
    %get3A_202 = tpu.vector_load %arg7[%get3A_200, %get3A_201] {strides = array<i32>} : memref<32x128xf32, #tpu.memory_space<vmem>>, vector<16xf32>,
    %get3A_203 = arith.constant 28 : i32
    %get3A_204 = arith.index_cast %get3A_203 : i32 to index
    %get3A_205 = arith.constant 0 : index
    %get3A_206 = tpu.vector_load %arg7[%get3A_204, %get3A_205] {strides = array<i32>} : memref<32x128xf32, #tpu.memory_space<vmem>>, vector<16xf32>,
    %get3A_207 = arith.constant 29 : i32
    %get3A_208 = arith.index_cast %get3A_207 : i32 to index
    %get3A_209 = arith.constant 0 : index
    %get3A_210 = tpu.vector_load %arg7[%get3A_208, %get3A_209] {strides = array<i32>} : memref<32x128xf32, #tpu.memory_space<vmem>>, vector<16xf32>,
    %get3A_211 = arith.constant 30 : i32
    %get3A_212 = arith.index_cast %get3A_211 : i32 to index
    %get3A_213 = arith.constant 0 : index
    %get3A_214 = tpu.vector_load %arg7[%get3A_212, %get3A_213] {strides = array<i32>} : memref<32x128xf32, #tpu.memory_space<vmem>>, vector<16xf32>,
    %get3A_215 = arith.constant 31 : i32
    %get3A_216 = arith.index_cast %get3A_215 : i32 to index
    %get3A_217 = arith.constant 0 : index
    %get3A_218 = tpu.vector_load %arg7[%get3A_216, %get3A_217] {strides = array<i32>} : memref<32x128xf32, #tpu.memory_space<vmem>>, vector<16xf32>,
    %dma_start3A_219 = arith.constant 0 : i32
    %dma_start3A_220 = arith.constant 0 : i32
    %dma_start3A_221 = arith.constant 0 : i32
    %dma_start3A_222 = tpu.memref_slice %arg8[%dma_start3A_219, %dma_start3A_220, %dma_start3A_221] : memref<2x8x512xi32, #tpu.memory_space<vmem>> -> memref<1x8x512xi32, #tpu.memory_space<vmem>>
    %dma_start3A_223 = tpu.memref_squeeze %dma_start3A_222 : memref<1x8x512xi32, #tpu.memory_space<vmem>> -> memref<8x512xi32, #tpu.memory_space<vmem>>
    %dma_start3A_224 = arith.constant 0 : i32
    %dma_start3A_225 = tpu.memref_slice %arg3[%dma_start3A_224, %mul3A_2] : memref<200x16384xi32, #tpu.memory_space<hbm>> -> memref<8x512xi32, #tpu.memory_space<hbm>>
    %dma_start3A_226 = arith.constant 0 : i32
    %dma_start3A_227 = arith.constant 0 : i32
    %dma_start3A_228 = tpu.memref_slice %arg8[%dma_start3A_219, %dma_start3A_226, %dma_start3A_227] : memref<2x8x512xi32, #tpu.memory_space<vmem>> -> memref<1x8x512xi32, #tpu.memory_space<vmem>>
    %dma_start3A_229 = tpu.memref_squeeze %dma_start3A_228 : memref<1x8x512xi32, #tpu.memory_space<vmem>> -> memref<8x512xi32, #tpu.memory_space<vmem>>
    %dma_start3A_230 = arith.constant 0 : i32
    %dma_start3A_231 = tpu.memref_slice %arg3[%dma_start3A_230, %mul3A_2] : memref<200x16384xi32, #tpu.memory_space<hbm>> -> memref<8x512xi32, #tpu.memory_space<hbm>>
    tpu.enqueue_dma source(%dma_start3A_231 : memref<8x512xi32, #tpu.memory_space<hbm>>) target(%dma_start3A_229 : memref<8x512xi32, #tpu.memory_space<vmem>>) target_semaphore(%arg10 : memref<!tpu.dma_semaphore, #tpu.memory_space<semaphore_mem>>)
    %dma_start3A_232 = arith.constant 1 : i32
    %dma_start3A_233 = arith.constant 0 : i32
    %dma_start3A_234 = arith.constant 0 : i32
    %dma_start3A_235 = tpu.memref_slice %arg8[%dma_start3A_232, %dma_start3A_233, %dma_start3A_234] : memref<2x8x512xi32, #tpu.memory_space<vmem>> -> memref<1x8x512xi32, #tpu.memory_space<vmem>>
    %dma_start3A_236 = tpu.memref_squeeze %dma_start3A_235 : memref<1x8x512xi32, #tpu.memory_space<vmem>> -> memref<8x512xi32, #tpu.memory_space<vmem>>
    %dma_start3A_237 = arith.constant 8 : i32
    %dma_start3A_238 = tpu.memref_slice %arg3[%dma_start3A_237, %mul3A_2] : memref<200x16384xi32, #tpu.memory_space<hbm>> -> memref<8x512xi32, #tpu.memory_space<hbm>>
    %dma_start3A_239 = arith.constant 0 : i32
    %dma_start3A_240 = arith.constant 0 : i32
    %dma_start3A_241 = tpu.memref_slice %arg8[%dma_start3A_232, %dma_start3A_239, %dma_start3A_240] : memref<2x8x512xi32, #tpu.memory_space<vmem>> -> memref<1x8x512xi32, #tpu.memory_space<vmem>>
    %dma_start3A_242 = tpu.memref_squeeze %dma_start3A_241 : memref<1x8x512xi32, #tpu.memory_space<vmem>> -> memref<8x512xi32, #tpu.memory_space<vmem>>
    %dma_start3A_243 = arith.constant 8 : i32
    %dma_start3A_244 = tpu.memref_slice %arg3[%dma_start3A_243, %mul3A_2] : memref<200x16384xi32, #tpu.memory_space<hbm>> -> memref<8x512xi32, #tpu.memory_space<hbm>>
    tpu.enqueue_dma source(%dma_start3A_244 : memref<8x512xi32, #tpu.memory_space<hbm>>) target(%dma_start3A_242 : memref<8x512xi32, #tpu.memory_space<vmem>>) target_semaphore(%arg11 : memref<!tpu.dma_semaphore, #tpu.memory_space<semaphore_mem>>)
    %scan3A_245 = arith.constant 0 : i32
    %scan3A_246 = arith.constant 0 : i32
    %scan3A_247 = arith.constant 12 : i32
    %scan3A_248 = arith.addi %scan3A_246, %scan3A_247 : i32
    %scan3A_249 = arith.constant 1 : i32
    %scan3A_250 = scf.for %scan3A_314 = %scan3A_246 to %scan3A_248 step %scan3A_249 iter_args(%scan3A_315 = %scan3A_245) -> (i32)  : i32 {
      %mul3A_316 = arith.constant 2 : i32
      %mul3A_317 = arith.muli %mul3A_316, %scan3A_314 : i32
      %dma_wait3A_318 = arith.constant 0 : i32
      %dma_wait3A_319 = arith.constant 0 : i32
      %dma_wait3A_320 = arith.constant 0 : i32
      %dma_wait3A_321 = tpu.memref_slice %arg8[%dma_wait3A_318, %dma_wait3A_319, %dma_wait3A_320] : memref<2x8x512xi32, #tpu.memory_space<vmem>> -> memref<1x8x512xi32, #tpu.memory_space<vmem>>
      %dma_wait3A_322 = tpu.memref_squeeze %dma_wait3A_321 : memref<1x8x512xi32, #tpu.memory_space<vmem>> -> memref<8x512xi32, #tpu.memory_space<vmem>>
      %dma_wait3A_323 = arith.constant 0 : i32
      %dma_wait3A_324 = tpu.memref_slice %arg3[%dma_wait3A_323, %mul3A_2] : memref<200x16384xi32, #tpu.memory_space<hbm>> -> memref<8x512xi32, #tpu.memory_space<hbm>>
      %dma_wait3A_325 = arith.constant 0 : i32
      %dma_wait3A_326 = arith.constant 0 : i32
      %dma_wait3A_327 = tpu.memref_slice %arg8[%dma_wait3A_318, %dma_wait3A_325, %dma_wait3A_326] : memref<2x8x512xi32, #tpu.memory_space<vmem>> -> memref<1x8x512xi32, #tpu.memory_space<vmem>>
      %dma_wait3A_328 = tpu.memref_squeeze %dma_wait3A_327 : memref<1x8x512xi32, #tpu.memory_space<vmem>> -> memref<8x512xi32, #tpu.memory_space<vmem>>
      %dma_wait3A_329 = arith.constant 0 : i32
      %dma_wait3A_330 = tpu.memref_slice %arg3[%dma_wait3A_329, %mul3A_2] : memref<200x16384xi32, #tpu.memory_space<hbm>> -> memref<8x512xi32, #tpu.memory_space<hbm>>
      tpu.wait_dma2 semaphore(%arg10 : memref<!tpu.dma_semaphore, #tpu.memory_space<semaphore_mem>>) src(%dma_wait3A_330 : memref<8x512xi32, #tpu.memory_space<hbm>>) dst(%dma_wait3A_328 : memref<8x512xi32, #tpu.memory_space<vmem>>)
      %scan3A_331 = arith.constant 0 : i32
      %scan3A_332 = arith.constant 0 : i32
      %scan3A_333 = arith.constant 4 : i32
      %scan3A_334 = arith.addi %scan3A_332, %scan3A_333 : i32
      %scan3A_335 = arith.constant 1 : i32
      %scan3A_336 = scf.for %scan3A_377 = %scan3A_332 to %scan3A_334 step %scan3A_335 iter_args(%scan3A_378 = %scan3A_331) -> (i32)  : i32 {
        %mul3A_379 = arith.constant 2 : i32
        %mul3A_380 = arith.muli %mul3A_379, %scan3A_377 : i32
        %add3A_381 = arith.constant 0 : i32
        %add3A_382 = arith.addi %mul3A_380, %add3A_381 : i32
        %eq3A = arith.constant 0 : i32
        %eq3A_383 = arith.cmpi eq, %mul3A_317, %eq3A : i32
        %eq3A_384 = arith.constant 0 : i32
        %eq3A_385 = arith.cmpi eq, %scan3A_377, %eq3A_384 : i32
        %and3A = arith.andi %eq3A_383, %eq3A_385 : i1
        %not3A = arith.constant true
        %not3A_386 = arith.xori %and3A, %not3A : i1
        %convert_element_type3A_387 = arith.extui %not3A_386 : i1 to i32
        %cond3A_388 = arith.constant 0 : i32
        %cond3A_389 = arith.cmpi ne, %convert_element_type3A_387, %cond3A_388 : i32
        scf.if %cond3A_389 {
          %dma_wait3A_455 = arith.constant 0 : i32
          %dma_wait3A_456 = arith.constant 0 : i32
          %dma_wait3A_457 = arith.constant 0 : i32
          %dma_wait3A_458 = arith.constant 0 : i32
          %dma_wait3A_459 = tpu.memref_slice %arg9[%dma_wait3A_455, %dma_wait3A_457, %dma_wait3A_458] : memref<2x16x512xf32, #tpu.memory_space<vmem>> -> memref<1x16x512xf32, #tpu.memory_space<vmem>>
          %dma_wait3A_460 = tpu.memref_squeeze %dma_wait3A_459 : memref<1x16x512xf32, #tpu.memory_space<vmem>> -> memref<16x512xf32, #tpu.memory_space<vmem>>
          %dma_wait3A_461 = arith.constant 0 : i32
          %dma_wait3A_462 = tpu.memref_slice %arg6[%dma_wait3A_456, %dma_wait3A_461, %mul3A_2] : memref<200x16x16384xf32, #tpu.memory_space<hbm>> -> memref<1x16x512xf32, #tpu.memory_space<hbm>>
          %dma_wait3A_463 = tpu.memref_squeeze %dma_wait3A_462 : memref<1x16x512xf32, #tpu.memory_space<hbm>> -> memref<16x512xf32, #tpu.memory_space<hbm>>
          %dma_wait3A_464 = arith.constant 0 : i32
          %dma_wait3A_465 = tpu.memref_slice %arg6[%dma_wait3A_456, %dma_wait3A_464, %mul3A_2] : memref<200x16x16384xf32, #tpu.memory_space<hbm>> -> memref<1x16x512xf32, #tpu.memory_space<hbm>>
          %dma_wait3A_466 = tpu.memref_squeeze %dma_wait3A_465 : memref<1x16x512xf32, #tpu.memory_space<hbm>> -> memref<16x512xf32, #tpu.memory_space<hbm>>
          %dma_wait3A_467 = arith.constant 0 : i32
          %dma_wait3A_468 = arith.constant 0 : i32
          %dma_wait3A_469 = tpu.memref_slice %arg9[%dma_wait3A_455, %dma_wait3A_467, %dma_wait3A_468] : memref<2x16x512xf32, #tpu.memory_space<vmem>> -> memref<1x16x512xf32, #tpu.memory_space<vmem>>
          %dma_wait3A_470 = tpu.memref_squeeze %dma_wait3A_469 : memref<1x16x512xf32, #tpu.memory_space<vmem>> -> memref<16x512xf32, #tpu.memory_space<vmem>>
          tpu.wait_dma2 semaphore(%arg12 : memref<!tpu.dma_semaphore, #tpu.memory_space<semaphore_mem>>) src(%dma_wait3A_470 : memref<16x512xf32, #tpu.memory_space<vmem>>) dst(%dma_wait3A_466 : memref<16x512xf32, #tpu.memory_space<hbm>>)
        } else {
        }
        %scan3A_390 = arith.constant 0 : i32
        %scan3A_391 = arith.constant 0 : i32
        %scan3A_392 = arith.constant 32 : i32
        %scan3A_393 = arith.addi %scan3A_391, %scan3A_392 : i32
        %scan3A_394 = arith.constant 1 : i32
        %scan3A_395 = scf.for %scan3A_455 = %scan3A_391 to %scan3A_393 step %scan3A_394 iter_args(%scan3A_456 = %scan3A_390) -> (i32)  : i32 {
          %mul3A_457 = arith.constant 16 : i32
          %mul3A_458 = arith.muli %scan3A_455, %mul3A_457 : i32
          %get3A_459 = arith.constant 0 : i32
          %get3A_460 = arith.index_cast %get3A_459 : i32 to index
          %get3A_461 = arith.index_cast %add3A_382 : i32 to index
          %get3A_462 = arith.index_cast %mul3A_458 : i32 to index
          %get3A_463 = tpu.vector_load %arg8[%get3A_460, %get3A_461, %get3A_462] {strides = array<i32>} : memref<2x8x512xi32, #tpu.memory_space<vmem>>, vector<16xi32>,
          %broadcast_in_dim3A = vector.shape_cast %get3A_463 : vector<16xi32> to vector<16x1xi32>
          %gather3A = vector.shape_cast %broadcast_in_dim3A : vector<16x1xi32> to vector<16xi32>
          %gather3A_464 = tpu.dynamic_gather %get3A_158[%gather3A] in [0] : vector<16xf32>, vector<16xi32> -> vector<16xf32>
          %mul3A_465 = arith.constant 16 : i32
          %mul3A_466 = arith.muli %scan3A_455, %mul3A_465 : i32
          %swap3A = arith.constant 0 : i32
          %swap3A_467 = arith.constant 0 : i32
          %swap3A_468 = arith.index_cast %swap3A : i32 to index
          %swap3A_469 = arith.index_cast %swap3A_467 : i32 to index
          %swap3A_470 = arith.index_cast %mul3A_466 : i32 to index
          %swap3A_471 = tpu.vector_load %arg9[%swap3A_468, %swap3A_469, %swap3A_470] {strides = array<i32>} : memref<2x16x512xf32, #tpu.memory_space<vmem>>, vector<16xf32>,
          tpu.vector_store %arg9[%swap3A_468, %swap3A_469, %swap3A_470], %gather3A_464 {strides = array<i32>} : memref<2x16x512xf32, #tpu.memory_space<vmem>>, vector<16xf32>,
          %broadcast_in_dim3A_472 = vector.shape_cast %get3A_463 : vector<16xi32> to vector<16x1xi32>
          %gather3A_473 = vector.shape_cast %broadcast_in_dim3A_472 : vector<16x1xi32> to vector<16xi32>
          %gather3A_474 = tpu.dynamic_gather %get3A_162[%gather3A_473] in [0] : vector<16xf32>, vector<16xi32> -> vector<16xf32>
          %mul3A_475 = arith.constant 16 : i32
          %mul3A_476 = arith.muli %scan3A_455, %mul3A_475 : i32
          %swap3A_477 = arith.constant 0 : i32
          %swap3A_478 = arith.constant 1 : i32
          %swap3A_479 = arith.index_cast %swap3A_477 : i32 to index
          %swap3A_480 = arith.index_cast %swap3A_478 : i32 to index
          %swap3A_481 = arith.index_cast %mul3A_476 : i32 to index
          %swap3A_482 = tpu.vector_load %arg9[%swap3A_479, %swap3A_480, %swap3A_481] {strides = array<i32>} : memref<2x16x512xf32, #tpu.memory_space<vmem>>, vector<16xf32>,
          tpu.vector_store %arg9[%swap3A_479, %swap3A_480, %swap3A_481], %gather3A_474 {strides = array<i32>} : memref<2x16x512xf32, #tpu.memory_space<vmem>>, vector<16xf32>,
          %broadcast_in_dim3A_483 = vector.shape_cast %get3A_463 : vector<16xi32> to vector<16x1xi32>
          %gather3A_484 = vector.shape_cast %broadcast_in_dim3A_483 : vector<16x1xi32> to vector<16xi32>
          %gather3A_485 = tpu.dynamic_gather %get3A_166[%gather3A_484] in [0] : vector<16xf32>, vector<16xi32> -> vector<16xf32>
          %mul3A_486 = arith.constant 16 : i32
          %mul3A_487 = arith.muli %scan3A_455, %mul3A_486 : i32
          %swap3A_488 = arith.constant 0 : i32
          %swap3A_489 = arith.constant 2 : i32
          %swap3A_490 = arith.index_cast %swap3A_488 : i32 to index
          %swap3A_491 = arith.index_cast %swap3A_489 : i32 to index
          %swap3A_492 = arith.index_cast %mul3A_487 : i32 to index
          %swap3A_493 = tpu.vector_load %arg9[%swap3A_490, %swap3A_491, %swap3A_492] {strides = array<i32>} : memref<2x16x512xf32, #tpu.memory_space<vmem>>, vector<16xf32>,
          tpu.vector_store %arg9[%swap3A_490, %swap3A_491, %swap3A_492], %gather3A_485 {strides = array<i32>} : memref<2x16x512xf32, #tpu.memory_space<vmem>>, vector<16xf32>,
          %broadcast_in_dim3A_494 = vector.shape_cast %get3A_463 : vector<16xi32> to vector<16x1xi32>
          %gather3A_495 = vector.shape_cast %broadcast_in_dim3A_494 : vector<16x1xi32> to vector<16xi32>
          %gather3A_496 = tpu.dynamic_gather %get3A_170[%gather3A_495] in [0] : vector<16xf32>, vector<16xi32> -> vector<16xf32>
          %mul3A_497 = arith.constant 16 : i32
          %mul3A_498 = arith.muli %scan3A_455, %mul3A_497 : i32
          %swap3A_499 = arith.constant 0 : i32
          %swap3A_500 = arith.constant 3 : i32
          %swap3A_501 = arith.index_cast %swap3A_499 : i32 to index
          %swap3A_502 = arith.index_cast %swap3A_500 : i32 to index
          %swap3A_503 = arith.index_cast %mul3A_498 : i32 to index
          %swap3A_504 = tpu.vector_load %arg9[%swap3A_501, %swap3A_502, %swap3A_503] {strides = array<i32>} : memref<2x16x512xf32, #tpu.memory_space<vmem>>, vector<16xf32>,
          tpu.vector_store %arg9[%swap3A_501, %swap3A_502, %swap3A_503], %gather3A_496 {strides = array<i32>} : memref<2x16x512xf32, #tpu.memory_space<vmem>>, vector<16xf32>,
          %broadcast_in_dim3A_505 = vector.shape_cast %get3A_463 : vector<16xi32> to vector<16x1xi32>
          %gather3A_506 = vector.shape_cast %broadcast_in_dim3A_505 : vector<16x1xi32> to vector<16xi32>
          %gather3A_507 = tpu.dynamic_gather %get3A_174[%gather3A_506] in [0] : vector<16xf32>, vector<16xi32> -> vector<16xf32>
          %mul3A_508 = arith.constant 16 : i32
          %mul3A_509 = arith.muli %scan3A_455, %mul3A_508 : i32
          %swap3A_510 = arith.constant 0 : i32
          %swap3A_511 = arith.constant 4 : i32
          %swap3A_512 = arith.index_cast %swap3A_510 : i32 to index
          %swap3A_513 = arith.index_cast %swap3A_511 : i32 to index
          %swap3A_514 = arith.index_cast %mul3A_509 : i32 to index
          %swap3A_515 = tpu.vector_load %arg9[%swap3A_512, %swap3A_513, %swap3A_514] {strides = array<i32>} : memref<2x16x512xf32, #tpu.memory_space<vmem>>, vector<16xf32>,
          tpu.vector_store %arg9[%swap3A_512, %swap3A_513, %swap3A_514], %gather3A_507 {strides = array<i32>} : memref<2x16x512xf32, #tpu.memory_space<vmem>>, vector<16xf32>,
          %broadcast_in_dim3A_516 = vector.shape_cast %get3A_463 : vector<16xi32> to vector<16x1xi32>
          %gather3A_517 = vector.shape_cast %broadcast_in_dim3A_516 : vector<16x1xi32> to vector<16xi32>
          %gather3A_518 = tpu.dynamic_gather %get3A_178[%gather3A_517] in [0] : vector<16xf32>, vector<16xi32> -> vector<16xf32>
          %mul3A_519 = arith.constant 16 : i32
          %mul3A_520 = arith.muli %scan3A_455, %mul3A_519 : i32
          %swap3A_521 = arith.constant 0 : i32
          %swap3A_522 = arith.constant 5 : i32
          %swap3A_523 = arith.index_cast %swap3A_521 : i32 to index
          %swap3A_524 = arith.index_cast %swap3A_522 : i32 to index
          %swap3A_525 = arith.index_cast %mul3A_520 : i32 to index
          %swap3A_526 = tpu.vector_load %arg9[%swap3A_523, %swap3A_524, %swap3A_525] {strides = array<i32>} : memref<2x16x512xf32, #tpu.memory_space<vmem>>, vector<16xf32>,
          tpu.vector_store %arg9[%swap3A_523, %swap3A_524, %swap3A_525], %gather3A_518 {strides = array<i32>} : memref<2x16x512xf32, #tpu.memory_space<vmem>>, vector<16xf32>,
          %broadcast_in_dim3A_527 = vector.shape_cast %get3A_463 : vector<16xi32> to vector<16x1xi32>
          %gather3A_528 = vector.shape_cast %broadcast_in_dim3A_527 : vector<16x1xi32> to vector<16xi32>
          %gather3A_529 = tpu.dynamic_gather %get3A_182[%gather3A_528] in [0] : vector<16xf32>, vector<16xi32> -> vector<16xf32>
          %mul3A_530 = arith.constant 16 : i32
          %mul3A_531 = arith.muli %scan3A_455, %mul3A_530 : i32
          %swap3A_532 = arith.constant 0 : i32
          %swap3A_533 = arith.constant 6 : i32
          %swap3A_534 = arith.index_cast %swap3A_532 : i32 to index
          %swap3A_535 = arith.index_cast %swap3A_533 : i32 to index
          %swap3A_536 = arith.index_cast %mul3A_531 : i32 to index
          %swap3A_537 = tpu.vector_load %arg9[%swap3A_534, %swap3A_535, %swap3A_536] {strides = array<i32>} : memref<2x16x512xf32, #tpu.memory_space<vmem>>, vector<16xf32>,
          tpu.vector_store %arg9[%swap3A_534, %swap3A_535, %swap3A_536], %gather3A_529 {strides = array<i32>} : memref<2x16x512xf32, #tpu.memory_space<vmem>>, vector<16xf32>,
          %broadcast_in_dim3A_538 = vector.shape_cast %get3A_463 : vector<16xi32> to vector<16x1xi32>
          %gather3A_539 = vector.shape_cast %broadcast_in_dim3A_538 : vector<16x1xi32> to vector<16xi32>
          %gather3A_540 = tpu.dynamic_gather %get3A_186[%gather3A_539] in [0] : vector<16xf32>, vector<16xi32> -> vector<16xf32>
          %mul3A_541 = arith.constant 16 : i32
          %mul3A_542 = arith.muli %scan3A_455, %mul3A_541 : i32
          %swap3A_543 = arith.constant 0 : i32
          %swap3A_544 = arith.constant 7 : i32
          %swap3A_545 = arith.index_cast %swap3A_543 : i32 to index
          %swap3A_546 = arith.index_cast %swap3A_544 : i32 to index
          %swap3A_547 = arith.index_cast %mul3A_542 : i32 to index
          %swap3A_548 = tpu.vector_load %arg9[%swap3A_545, %swap3A_546, %swap3A_547] {strides = array<i32>} : memref<2x16x512xf32, #tpu.memory_space<vmem>>, vector<16xf32>,
          tpu.vector_store %arg9[%swap3A_545, %swap3A_546, %swap3A_547], %gather3A_540 {strides = array<i32>} : memref<2x16x512xf32, #tpu.memory_space<vmem>>, vector<16xf32>,
          %broadcast_in_dim3A_549 = vector.shape_cast %get3A_463 : vector<16xi32> to vector<16x1xi32>
          %gather3A_550 = vector.shape_cast %broadcast_in_dim3A_549 : vector<16x1xi32> to vector<16xi32>
          %gather3A_551 = tpu.dynamic_gather %get3A_190[%gather3A_550] in [0] : vector<16xf32>, vector<16xi32> -> vector<16xf32>
          %mul3A_552 = arith.constant 16 : i32
          %mul3A_553 = arith.muli %scan3A_455, %mul3A_552 : i32
          %swap3A_554 = arith.constant 0 : i32
          %swap3A_555 = arith.constant 8 : i32
          %swap3A_556 = arith.index_cast %swap3A_554 : i32 to index
          %swap3A_557 = arith.index_cast %swap3A_555 : i32 to index
          %swap3A_558 = arith.index_cast %mul3A_553 : i32 to index
          %swap3A_559 = tpu.vector_load %arg9[%swap3A_556, %swap3A_557, %swap3A_558] {strides = array<i32>} : memref<2x16x512xf32, #tpu.memory_space<vmem>>, vector<16xf32>,
          tpu.vector_store %arg9[%swap3A_556, %swap3A_557, %swap3A_558], %gather3A_551 {strides = array<i32>} : memref<2x16x512xf32, #tpu.memory_space<vmem>>, vector<16xf32>,
          %broadcast_in_dim3A_560 = vector.shape_cast %get3A_463 : vector<16xi32> to vector<16x1xi32>
          %gather3A_561 = vector.shape_cast %broadcast_in_dim3A_560 : vector<16x1xi32> to vector<16xi32>
          %gather3A_562 = tpu.dynamic_gather %get3A_194[%gather3A_561] in [0] : vector<16xf32>, vector<16xi32> -> vector<16xf32>
          %mul3A_563 = arith.constant 16 : i32
          %mul3A_564 = arith.muli %scan3A_455, %mul3A_563 : i32
          %swap3A_565 = arith.constant 0 : i32
          %swap3A_566 = arith.constant 9 : i32
          %swap3A_567 = arith.index_cast %swap3A_565 : i32 to index
          %swap3A_568 = arith.index_cast %swap3A_566 : i32 to index
          %swap3A_569 = arith.index_cast %mul3A_564 : i32 to index
          %swap3A_570 = tpu.vector_load %arg9[%swap3A_567, %swap3A_568, %swap3A_569] {strides = array<i32>} : memref<2x16x512xf32, #tpu.memory_space<vmem>>, vector<16xf32>,
          tpu.vector_store %arg9[%swap3A_567, %swap3A_568, %swap3A_569], %gather3A_562 {strides = array<i32>} : memref<2x16x512xf32, #tpu.memory_space<vmem>>, vector<16xf32>,
          %broadcast_in_dim3A_571 = vector.shape_cast %get3A_463 : vector<16xi32> to vector<16x1xi32>
          %gather3A_572 = vector.shape_cast %broadcast_in_dim3A_571 : vector<16x1xi32> to vector<16xi32>
          %gather3A_573 = tpu.dynamic_gather %get3A_198[%gather3A_572] in [0] : vector<16xf32>, vector<16xi32> -> vector<16xf32>
          %mul3A_574 = arith.constant 16 : i32
          %mul3A_575 = arith.muli %scan3A_455, %mul3A_574 : i32
          %swap3A_576 = arith.constant 0 : i32
          %swap3A_577 = arith.constant 10 : i32
          %swap3A_578 = arith.index_cast %swap3A_576 : i32 to index
          %swap3A_579 = arith.index_cast %swap3A_577 : i32 to index
          %swap3A_580 = arith.index_cast %mul3A_575 : i32 to index
          %swap3A_581 = tpu.vector_load %arg9[%swap3A_578, %swap3A_579, %swap3A_580] {strides = array<i32>} : memref<2x16x512xf32, #tpu.memory_space<vmem>>, vector<16xf32>,
          tpu.vector_store %arg9[%swap3A_578, %swap3A_579, %swap3A_580], %gather3A_573 {strides = array<i32>} : memref<2x16x512xf32, #tpu.memory_space<vmem>>, vector<16xf32>,
          %broadcast_in_dim3A_582 = vector.shape_cast %get3A_463 : vector<16xi32> to vector<16x1xi32>
          %gather3A_583 = vector.shape_cast %broadcast_in_dim3A_582 : vector<16x1xi32> to vector<16xi32>
          %gather3A_584 = tpu.dynamic_gather %get3A_202[%gather3A_583] in [0] : vector<16xf32>, vector<16xi32> -> vector<16xf32>
          %mul3A_585 = arith.constant 16 : i32
          %mul3A_586 = arith.muli %scan3A_455, %mul3A_585 : i32
          %swap3A_587 = arith.constant 0 : i32
          %swap3A_588 = arith.constant 11 : i32
          %swap3A_589 = arith.index_cast %swap3A_587 : i32 to index
          %swap3A_590 = arith.index_cast %swap3A_588 : i32 to index
          %swap3A_591 = arith.index_cast %mul3A_586 : i32 to index
          %swap3A_592 = tpu.vector_load %arg9[%swap3A_589, %swap3A_590, %swap3A_591] {strides = array<i32>} : memref<2x16x512xf32, #tpu.memory_space<vmem>>, vector<16xf32>,
          tpu.vector_store %arg9[%swap3A_589, %swap3A_590, %swap3A_591], %gather3A_584 {strides = array<i32>} : memref<2x16x512xf32, #tpu.memory_space<vmem>>, vector<16xf32>,
          %broadcast_in_dim3A_593 = vector.shape_cast %get3A_463 : vector<16xi32> to vector<16x1xi32>
          %gather3A_594 = vector.shape_cast %broadcast_in_dim3A_593 : vector<16x1xi32> to vector<16xi32>
          %gather3A_595 = tpu.dynamic_gather %get3A_206[%gather3A_594] in [0] : vector<16xf32>, vector<16xi32> -> vector<16xf32>
          %mul3A_596 = arith.constant 16 : i32
          %mul3A_597 = arith.muli %scan3A_455, %mul3A_596 : i32
          %swap3A_598 = arith.constant 0 : i32
          %swap3A_599 = arith.constant 12 : i32
          %swap3A_600 = arith.index_cast %swap3A_598 : i32 to index
          %swap3A_601 = arith.index_cast %swap3A_599 : i32 to index
          %swap3A_602 = arith.index_cast %mul3A_597 : i32 to index
          %swap3A_603 = tpu.vector_load %arg9[%swap3A_600, %swap3A_601, %swap3A_602] {strides = array<i32>} : memref<2x16x512xf32, #tpu.memory_space<vmem>>, vector<16xf32>,
          tpu.vector_store %arg9[%swap3A_600, %swap3A_601, %swap3A_602], %gather3A_595 {strides = array<i32>} : memref<2x16x512xf32, #tpu.memory_space<vmem>>, vector<16xf32>,
          %broadcast_in_dim3A_604 = vector.shape_cast %get3A_463 : vector<16xi32> to vector<16x1xi32>
          %gather3A_605 = vector.shape_cast %broadcast_in_dim3A_604 : vector<16x1xi32> to vector<16xi32>
          %gather3A_606 = tpu.dynamic_gather %get3A_210[%gather3A_605] in [0] : vector<16xf32>, vector<16xi32> -> vector<16xf32>
          %mul3A_607 = arith.constant 16 : i32
          %mul3A_608 = arith.muli %scan3A_455, %mul3A_607 : i32
          %swap3A_609 = arith.constant 0 : i32
          %swap3A_610 = arith.constant 13 : i32
          %swap3A_611 = arith.index_cast %swap3A_609 : i32 to index
          %swap3A_612 = arith.index_cast %swap3A_610 : i32 to index
          %swap3A_613 = arith.index_cast %mul3A_608 : i32 to index
          %swap3A_614 = tpu.vector_load %arg9[%swap3A_611, %swap3A_612, %swap3A_613] {strides = array<i32>} : memref<2x16x512xf32, #tpu.memory_space<vmem>>, vector<16xf32>,
          tpu.vector_store %arg9[%swap3A_611, %swap3A_612, %swap3A_613], %gather3A_606 {strides = array<i32>} : memref<2x16x512xf32, #tpu.memory_space<vmem>>, vector<16xf32>,
          %broadcast_in_dim3A_615 = vector.shape_cast %get3A_463 : vector<16xi32> to vector<16x1xi32>
          %gather3A_616 = vector.shape_cast %broadcast_in_dim3A_615 : vector<16x1xi32> to vector<16xi32>
          %gather3A_617 = tpu.dynamic_gather %get3A_214[%gather3A_616] in [0] : vector<16xf32>, vector<16xi32> -> vector<16xf32>
          %mul3A_618 = arith.constant 16 : i32
          %mul3A_619 = arith.muli %scan3A_455, %mul3A_618 : i32
          %swap3A_620 = arith.constant 0 : i32
          %swap3A_621 = arith.constant 14 : i32
          %swap3A_622 = arith.index_cast %swap3A_620 : i32 to index
          %swap3A_623 = arith.index_cast %swap3A_621 : i32 to index
          %swap3A_624 = arith.index_cast %mul3A_619 : i32 to index
          %swap3A_625 = tpu.vector_load %arg9[%swap3A_622, %swap3A_623, %swap3A_624] {strides = array<i32>} : memref<2x16x512xf32, #tpu.memory_space<vmem>>, vector<16xf32>,
          tpu.vector_store %arg9[%swap3A_622, %swap3A_623, %swap3A_624], %gather3A_617 {strides = array<i32>} : memref<2x16x512xf32, #tpu.memory_space<vmem>>, vector<16xf32>,
          %broadcast_in_dim3A_626 = vector.shape_cast %get3A_463 : vector<16xi32> to vector<16x1xi32>
          %gather3A_627 = vector.shape_cast %broadcast_in_dim3A_626 : vector<16x1xi32> to vector<16xi32>
          %gather3A_628 = tpu.dynamic_gather %get3A_218[%gather3A_627] in [0] : vector<16xf32>, vector<16xi32> -> vector<16xf32>
          %mul3A_629 = arith.constant 16 : i32
          %mul3A_630 = arith.muli %scan3A_455, %mul3A_629 : i32
          %swap3A_631 = arith.constant 0 : i32
          %swap3A_632 = arith.constant 15 : i32
          %swap3A_633 = arith.index_cast %swap3A_631 : i32 to index
          %swap3A_634 = arith.index_cast %swap3A_632 : i32 to index
          %swap3A_635 = arith.index_cast %mul3A_630 : i32 to index
          %swap3A_636 = tpu.vector_load %arg9[%swap3A_633, %swap3A_634, %swap3A_635] {strides = array<i32>} : memref<2x16x512xf32, #tpu.memory_space<vmem>>, vector<16xf32>,
          tpu.vector_store %arg9[%swap3A_633, %swap3A_634, %swap3A_635], %gather3A_628 {strides = array<i32>} : memref<2x16x512xf32, #tpu.memory_space<vmem>>, vector<16xf32>,
          %scan3A_637 = arith.constant 0 : i32
          scf.yield %scan3A_637 : i32
        }
        %scan3A_396 = arith.constant 32 : i32
        %mul3A_397 = arith.constant 8 : i32
        %mul3A_398 = arith.muli %mul3A_317, %mul3A_397 : i32
        %add3A_399 = arith.addi %mul3A_398, %add3A_382 : i32
        %dma_start3A_400 = arith.constant 0 : i32
        %dma_start3A_401 = arith.constant 0 : i32
        %dma_start3A_402 = arith.constant 0 : i32
        %dma_start3A_403 = tpu.memref_slice %arg9[%dma_start3A_400, %dma_start3A_401, %dma_start3A_402] : memref<2x16x512xf32, #tpu.memory_space<vmem>> -> memref<1x16x512xf32, #tpu.memory_space<vmem>>
        %dma_start3A_404 = tpu.memref_squeeze %dma_start3A_403 : memref<1x16x512xf32, #tpu.memory_space<vmem>> -> memref<16x512xf32, #tpu.memory_space<vmem>>
        %dma_start3A_405 = arith.constant 0 : i32
        %dma_start3A_406 = tpu.memref_slice %arg6[%add3A_399, %dma_start3A_405, %mul3A_2] : memref<200x16x16384xf32, #tpu.memory_space<hbm>> -> memref<1x16x512xf32, #tpu.memory_space<hbm>>
        %dma_start3A_407 = tpu.memref_squeeze %dma_start3A_406 : memref<1x16x512xf32, #tpu.memory_space<hbm>> -> memref<16x512xf32, #tpu.memory_space<hbm>>
        %dma_start3A_408 = arith.constant 0 : i32
        %dma_start3A_409 = tpu.memref_slice %arg6[%add3A_399, %dma_start3A_408, %mul3A_2] : memref<200x16x16384xf32, #tpu.memory_space<hbm>> -> memref<1x16x512xf32, #tpu.memory_space<hbm>>
        %dma_start3A_410 = tpu.memref_squeeze %dma_start3A_409 : memref<1x16x512xf32, #tpu.memory_space<hbm>> -> memref<16x512xf32, #tpu.memory_space<hbm>>
        %dma_start3A_411 = arith.constant 0 : i32
        %dma_start3A_412 = arith.constant 0 : i32
        %dma_start3A_413 = tpu.memref_slice %arg9[%dma_start3A_400, %dma_start3A_411, %dma_start3A_412] : memref<2x16x512xf32, #tpu.memory_space<vmem>> -> memref<1x16x512xf32, #tpu.memory_space<vmem>>
        %dma_start3A_414 = tpu.memref_squeeze %dma_start3A_413 : memref<1x16x512xf32, #tpu.memory_space<vmem>> -> memref<16x512xf32, #tpu.memory_space<vmem>>
        tpu.enqueue_dma source(%dma_start3A_414 : memref<16x512xf32, #tpu.memory_space<vmem>>) target(%dma_start3A_410 : memref<16x512xf32, #tpu.memory_space<hbm>>) target_semaphore(%arg12 : memref<!tpu.dma_semaphore, #tpu.memory_space<semaphore_mem>>)
        %mul3A_415 = arith.constant 2 : i32
        %mul3A_416 = arith.muli %mul3A_415, %scan3A_377 : i32
        %add3A_417 = arith.constant 1 : i32
        %add3A_418 = arith.addi %mul3A_416, %add3A_417 : i32
        %eq3A_419 = arith.constant 0 : i32
        %eq3A_420 = arith.cmpi eq, %mul3A_317, %eq3A_419 : i32
        %eq3A_421 = arith.constant 0 : i32
        %eq3A_422 = arith.cmpi eq, %scan3A_377, %eq3A_421 : i32
        %and3A_423 = arith.andi %eq3A_420, %eq3A_422 : i1
        %not3A_424 = arith.constant true
        %not3A_425 = arith.xori %and3A_423, %not3A_424 : i1
        %convert_element_type3A_426 = arith.extui %not3A_425 : i1 to i32
        %cond3A_427 = arith.constant 0 : i32
        %cond3A_428 = arith.cmpi ne, %convert_element_type3A_426, %cond3A_427 : i32
        scf.if %cond3A_428 {
          %dma_wait3A_455 = arith.constant 1 : i32
          %dma_wait3A_456 = arith.constant 0 : i32
          %dma_wait3A_457 = arith.constant 0 : i32
          %dma_wait3A_458 = arith.constant 0 : i32
          %dma_wait3A_459 = tpu.memref_slice %arg9[%dma_wait3A_455, %dma_wait3A_457, %dma_wait3A_458] : memref<2x16x512xf32, #tpu.memory_space<vmem>> -> memref<1x16x512xf32, #tpu.memory_space<vmem>>
          %dma_wait3A_460 = tpu.memref_squeeze %dma_wait3A_459 : memref<1x16x512xf32, #tpu.memory_space<vmem>> -> memref<16x512xf32, #tpu.memory_space<vmem>>
          %dma_wait3A_461 = arith.constant 0 : i32
          %dma_wait3A_462 = tpu.memref_slice %arg6[%dma_wait3A_456, %dma_wait3A_461, %mul3A_2] : memref<200x16x16384xf32, #tpu.memory_space<hbm>> -> memref<1x16x512xf32, #tpu.memory_space<hbm>>
          %dma_wait3A_463 = tpu.memref_squeeze %dma_wait3A_462 : memref<1x16x512xf32, #tpu.memory_space<hbm>> -> memref<16x512xf32, #tpu.memory_space<hbm>>
          %dma_wait3A_464 = arith.constant 0 : i32
          %dma_wait3A_465 = tpu.memref_slice %arg6[%dma_wait3A_456, %dma_wait3A_464, %mul3A_2] : memref<200x16x16384xf32, #tpu.memory_space<hbm>> -> memref<1x16x512xf32, #tpu.memory_space<hbm>>
          %dma_wait3A_466 = tpu.memref_squeeze %dma_wait3A_465 : memref<1x16x512xf32, #tpu.memory_space<hbm>> -> memref<16x512xf32, #tpu.memory_space<hbm>>
          %dma_wait3A_467 = arith.constant 0 : i32
          %dma_wait3A_468 = arith.constant 0 : i32
          %dma_wait3A_469 = tpu.memref_slice %arg9[%dma_wait3A_455, %dma_wait3A_467, %dma_wait3A_468] : memref<2x16x512xf32, #tpu.memory_space<vmem>> -> memref<1x16x512xf32, #tpu.memory_space<vmem>>
          %dma_wait3A_470 = tpu.memref_squeeze %dma_wait3A_469 : memref<1x16x512xf32, #tpu.memory_space<vmem>> -> memref<16x512xf32, #tpu.memory_space<vmem>>
          tpu.wait_dma2 semaphore(%arg13 : memref<!tpu.dma_semaphore, #tpu.memory_space<semaphore_mem>>) src(%dma_wait3A_470 : memref<16x512xf32, #tpu.memory_space<vmem>>) dst(%dma_wait3A_466 : memref<16x512xf32, #tpu.memory_space<hbm>>)
        } else {
        }
        %scan3A_429 = arith.constant 0 : i32
        %scan3A_430 = arith.constant 0 : i32
        %scan3A_431 = arith.constant 32 : i32
        %scan3A_432 = arith.addi %scan3A_430, %scan3A_431 : i32
        %scan3A_433 = arith.constant 1 : i32
        %scan3A_434 = scf.for %scan3A_455 = %scan3A_430 to %scan3A_432 step %scan3A_433 iter_args(%scan3A_456 = %scan3A_429) -> (i32)  : i32 {
          %mul3A_457 = arith.constant 16 : i32
          %mul3A_458 = arith.muli %scan3A_455, %mul3A_457 : i32
          %get3A_459 = arith.constant 0 : i32
          %get3A_460 = arith.index_cast %get3A_459 : i32 to index
          %get3A_461 = arith.index_cast %add3A_418 : i32 to index
          %get3A_462 = arith.index_cast %mul3A_458 : i32 to index
          %get3A_463 = tpu.vector_load %arg8[%get3A_460, %get3A_461, %get3A_462] {strides = array<i32>} : memref<2x8x512xi32, #tpu.memory_space<vmem>>, vector<16xi32>,
          %broadcast_in_dim3A = vector.shape_cast %get3A_463 : vector<16xi32> to vector<16x1xi32>
          %gather3A = vector.shape_cast %broadcast_in_dim3A : vector<16x1xi32> to vector<16xi32>
          %gather3A_464 = tpu.dynamic_gather %get3A_158[%gather3A] in [0] : vector<16xf32>, vector<16xi32> -> vector<16xf32>
          %mul3A_465 = arith.constant 16 : i32
          %mul3A_466 = arith.muli %scan3A_455, %mul3A_465 : i32
          %swap3A = arith.constant 1 : i32
          %swap3A_467 = arith.constant 0 : i32
          %swap3A_468 = arith.index_cast %swap3A : i32 to index
          %swap3A_469 = arith.index_cast %swap3A_467 : i32 to index
          %swap3A_470 = arith.index_cast %mul3A_466 : i32 to index
          %swap3A_471 = tpu.vector_load %arg9[%swap3A_468, %swap3A_469, %swap3A_470] {strides = array<i32>} : memref<2x16x512xf32, #tpu.memory_space<vmem>>, vector<16xf32>,
          tpu.vector_store %arg9[%swap3A_468, %swap3A_469, %swap3A_470], %gather3A_464 {strides = array<i32>} : memref<2x16x512xf32, #tpu.memory_space<vmem>>, vector<16xf32>,
          %broadcast_in_dim3A_472 = vector.shape_cast %get3A_463 : vector<16xi32> to vector<16x1xi32>
          %gather3A_473 = vector.shape_cast %broadcast_in_dim3A_472 : vector<16x1xi32> to vector<16xi32>
          %gather3A_474 = tpu.dynamic_gather %get3A_162[%gather3A_473] in [0] : vector<16xf32>, vector<16xi32> -> vector<16xf32>
          %mul3A_475 = arith.constant 16 : i32
          %mul3A_476 = arith.muli %scan3A_455, %mul3A_475 : i32
          %swap3A_477 = arith.constant 1 : i32
          %swap3A_478 = arith.constant 1 : i32
          %swap3A_479 = arith.index_cast %swap3A_477 : i32 to index
          %swap3A_480 = arith.index_cast %swap3A_478 : i32 to index
          %swap3A_481 = arith.index_cast %mul3A_476 : i32 to index
          %swap3A_482 = tpu.vector_load %arg9[%swap3A_479, %swap3A_480, %swap3A_481] {strides = array<i32>} : memref<2x16x512xf32, #tpu.memory_space<vmem>>, vector<16xf32>,
          tpu.vector_store %arg9[%swap3A_479, %swap3A_480, %swap3A_481], %gather3A_474 {strides = array<i32>} : memref<2x16x512xf32, #tpu.memory_space<vmem>>, vector<16xf32>,
          %broadcast_in_dim3A_483 = vector.shape_cast %get3A_463 : vector<16xi32> to vector<16x1xi32>
          %gather3A_484 = vector.shape_cast %broadcast_in_dim3A_483 : vector<16x1xi32> to vector<16xi32>
          %gather3A_485 = tpu.dynamic_gather %get3A_166[%gather3A_484] in [0] : vector<16xf32>, vector<16xi32> -> vector<16xf32>
          %mul3A_486 = arith.constant 16 : i32
          %mul3A_487 = arith.muli %scan3A_455, %mul3A_486 : i32
          %swap3A_488 = arith.constant 1 : i32
          %swap3A_489 = arith.constant 2 : i32
          %swap3A_490 = arith.index_cast %swap3A_488 : i32 to index
          %swap3A_491 = arith.index_cast %swap3A_489 : i32 to index
          %swap3A_492 = arith.index_cast %mul3A_487 : i32 to index
          %swap3A_493 = tpu.vector_load %arg9[%swap3A_490, %swap3A_491, %swap3A_492] {strides = array<i32>} : memref<2x16x512xf32, #tpu.memory_space<vmem>>, vector<16xf32>,
          tpu.vector_store %arg9[%swap3A_490, %swap3A_491, %swap3A_492], %gather3A_485 {strides = array<i32>} : memref<2x16x512xf32, #tpu.memory_space<vmem>>, vector<16xf32>,
          %broadcast_in_dim3A_494 = vector.shape_cast %get3A_463 : vector<16xi32> to vector<16x1xi32>
          %gather3A_495 = vector.shape_cast %broadcast_in_dim3A_494 : vector<16x1xi32> to vector<16xi32>
          %gather3A_496 = tpu.dynamic_gather %get3A_170[%gather3A_495] in [0] : vector<16xf32>, vector<16xi32> -> vector<16xf32>
          %mul3A_497 = arith.constant 16 : i32
          %mul3A_498 = arith.muli %scan3A_455, %mul3A_497 : i32
          %swap3A_499 = arith.constant 1 : i32
          %swap3A_500 = arith.constant 3 : i32
          %swap3A_501 = arith.index_cast %swap3A_499 : i32 to index
          %swap3A_502 = arith.index_cast %swap3A_500 : i32 to index
          %swap3A_503 = arith.index_cast %mul3A_498 : i32 to index
          %swap3A_504 = tpu.vector_load %arg9[%swap3A_501, %swap3A_502, %swap3A_503] {strides = array<i32>} : memref<2x16x512xf32, #tpu.memory_space<vmem>>, vector<16xf32>,
          tpu.vector_store %arg9[%swap3A_501, %swap3A_502, %swap3A_503], %gather3A_496 {strides = array<i32>} : memref<2x16x512xf32, #tpu.memory_space<vmem>>, vector<16xf32>,
          %broadcast_in_dim3A_505 = vector.shape_cast %get3A_463 : vector<16xi32> to vector<16x1xi32>
          %gather3A_506 = vector.shape_cast %broadcast_in_dim3A_505 : vector<16x1xi32> to vector<16xi32>
          %gather3A_507 = tpu.dynamic_gather %get3A_174[%gather3A_506] in [0] : vector<16xf32>, vector<16xi32> -> vector<16xf32>
          %mul3A_508 = arith.constant 16 : i32
          %mul3A_509 = arith.muli %scan3A_455, %mul3A_508 : i32
          %swap3A_510 = arith.constant 1 : i32
          %swap3A_511 = arith.constant 4 : i32
          %swap3A_512 = arith.index_cast %swap3A_510 : i32 to index
          %swap3A_513 = arith.index_cast %swap3A_511 : i32 to index
          %swap3A_514 = arith.index_cast %mul3A_509 : i32 to index
          %swap3A_515 = tpu.vector_load %arg9[%swap3A_512, %swap3A_513, %swap3A_514] {strides = array<i32>} : memref<2x16x512xf32, #tpu.memory_space<vmem>>, vector<16xf32>,
          tpu.vector_store %arg9[%swap3A_512, %swap3A_513, %swap3A_514], %gather3A_507 {strides = array<i32>} : memref<2x16x512xf32, #tpu.memory_space<vmem>>, vector<16xf32>,
          %broadcast_in_dim3A_516 = vector.shape_cast %get3A_463 : vector<16xi32> to vector<16x1xi32>
          %gather3A_517 = vector.shape_cast %broadcast_in_dim3A_516 : vector<16x1xi32> to vector<16xi32>
          %gather3A_518 = tpu.dynamic_gather %get3A_178[%gather3A_517] in [0] : vector<16xf32>, vector<16xi32> -> vector<16xf32>
          %mul3A_519 = arith.constant 16 : i32
          %mul3A_520 = arith.muli %scan3A_455, %mul3A_519 : i32
          %swap3A_521 = arith.constant 1 : i32
          %swap3A_522 = arith.constant 5 : i32
          %swap3A_523 = arith.index_cast %swap3A_521 : i32 to index
          %swap3A_524 = arith.index_cast %swap3A_522 : i32 to index
          %swap3A_525 = arith.index_cast %mul3A_520 : i32 to index
          %swap3A_526 = tpu.vector_load %arg9[%swap3A_523, %swap3A_524, %swap3A_525] {strides = array<i32>} : memref<2x16x512xf32, #tpu.memory_space<vmem>>, vector<16xf32>,
          tpu.vector_store %arg9[%swap3A_523, %swap3A_524, %swap3A_525], %gather3A_518 {strides = array<i32>} : memref<2x16x512xf32, #tpu.memory_space<vmem>>, vector<16xf32>,
          %broadcast_in_dim3A_527 = vector.shape_cast %get3A_463 : vector<16xi32> to vector<16x1xi32>
          %gather3A_528 = vector.shape_cast %broadcast_in_dim3A_527 : vector<16x1xi32> to vector<16xi32>
          %gather3A_529 = tpu.dynamic_gather %get3A_182[%gather3A_528] in [0] : vector<16xf32>, vector<16xi32> -> vector<16xf32>
          %mul3A_530 = arith.constant 16 : i32
          %mul3A_531 = arith.muli %scan3A_455, %mul3A_530 : i32
          %swap3A_532 = arith.constant 1 : i32
          %swap3A_533 = arith.constant 6 : i32
          %swap3A_534 = arith.index_cast %swap3A_532 : i32 to index
          %swap3A_535 = arith.index_cast %swap3A_533 : i32 to index
          %swap3A_536 = arith.index_cast %mul3A_531 : i32 to index
          %swap3A_537 = tpu.vector_load %arg9[%swap3A_534, %swap3A_535, %swap3A_536] {strides = array<i32>} : memref<2x16x512xf32, #tpu.memory_space<vmem>>, vector<16xf32>,
          tpu.vector_store %arg9[%swap3A_534, %swap3A_535, %swap3A_536], %gather3A_529 {strides = array<i32>} : memref<2x16x512xf32, #tpu.memory_space<vmem>>, vector<16xf32>,
          %broadcast_in_dim3A_538 = vector.shape_cast %get3A_463 : vector<16xi32> to vector<16x1xi32>
          %gather3A_539 = vector.shape_cast %broadcast_in_dim3A_538 : vector<16x1xi32> to vector<16xi32>
          %gather3A_540 = tpu.dynamic_gather %get3A_186[%gather3A_539] in [0] : vector<16xf32>, vector<16xi32> -> vector<16xf32>
          %mul3A_541 = arith.constant 16 : i32
          %mul3A_542 = arith.muli %scan3A_455, %mul3A_541 : i32
          %swap3A_543 = arith.constant 1 : i32
          %swap3A_544 = arith.constant 7 : i32
          %swap3A_545 = arith.index_cast %swap3A_543 : i32 to index
          %swap3A_546 = arith.index_cast %swap3A_544 : i32 to index
          %swap3A_547 = arith.index_cast %mul3A_542 : i32 to index
          %swap3A_548 = tpu.vector_load %arg9[%swap3A_545, %swap3A_546, %swap3A_547] {strides = array<i32>} : memref<2x16x512xf32, #tpu.memory_space<vmem>>, vector<16xf32>,
          tpu.vector_store %arg9[%swap3A_545, %swap3A_546, %swap3A_547], %gather3A_540 {strides = array<i32>} : memref<2x16x512xf32, #tpu.memory_space<vmem>>, vector<16xf32>,
          %broadcast_in_dim3A_549 = vector.shape_cast %get3A_463 : vector<16xi32> to vector<16x1xi32>
          %gather3A_550 = vector.shape_cast %broadcast_in_dim3A_549 : vector<16x1xi32> to vector<16xi32>
          %gather3A_551 = tpu.dynamic_gather %get3A_190[%gather3A_550] in [0] : vector<16xf32>, vector<16xi32> -> vector<16xf32>
          %mul3A_552 = arith.constant 16 : i32
          %mul3A_553 = arith.muli %scan3A_455, %mul3A_552 : i32
          %swap3A_554 = arith.constant 1 : i32
          %swap3A_555 = arith.constant 8 : i32
          %swap3A_556 = arith.index_cast %swap3A_554 : i32 to index
          %swap3A_557 = arith.index_cast %swap3A_555 : i32 to index
          %swap3A_558 = arith.index_cast %mul3A_553 : i32 to index
          %swap3A_559 = tpu.vector_load %arg9[%swap3A_556, %swap3A_557, %swap3A_558] {strides = array<i32>} : memref<2x16x512xf32, #tpu.memory_space<vmem>>, vector<16xf32>,
          tpu.vector_store %arg9[%swap3A_556, %swap3A_557, %swap3A_558], %gather3A_551 {strides = array<i32>} : memref<2x16x512xf32, #tpu.memory_space<vmem>>, vector<16xf32>,
          %broadcast_in_dim3A_560 = vector.shape_cast %get3A_463 : vector<16xi32> to vector<16x1xi32>
          %gather3A_561 = vector.shape_cast %broadcast_in_dim3A_560 : vector<16x1xi32> to vector<16xi32>
          %gather3A_562 = tpu.dynamic_gather %get3A_194[%gather3A_561] in [0] : vector<16xf32>, vector<16xi32> -> vector<16xf32>
          %mul3A_563 = arith.constant 16 : i32
          %mul3A_564 = arith.muli %scan3A_455, %mul3A_563 : i32
          %swap3A_565 = arith.constant 1 : i32
          %swap3A_566 = arith.constant 9 : i32
          %swap3A_567 = arith.index_cast %swap3A_565 : i32 to index
          %swap3A_568 = arith.index_cast %swap3A_566 : i32 to index
          %swap3A_569 = arith.index_cast %mul3A_564 : i32 to index
          %swap3A_570 = tpu.vector_load %arg9[%swap3A_567, %swap3A_568, %swap3A_569] {strides = array<i32>} : memref<2x16x512xf32, #tpu.memory_space<vmem>>, vector<16xf32>,
          tpu.vector_store %arg9[%swap3A_567, %swap3A_568, %swap3A_569], %gather3A_562 {strides = array<i32>} : memref<2x16x512xf32, #tpu.memory_space<vmem>>, vector<16xf32>,
          %broadcast_in_dim3A_571 = vector.shape_cast %get3A_463 : vector<16xi32> to vector<16x1xi32>
          %gather3A_572 = vector.shape_cast %broadcast_in_dim3A_571 : vector<16x1xi32> to vector<16xi32>
          %gather3A_573 = tpu.dynamic_gather %get3A_198[%gather3A_572] in [0] : vector<16xf32>, vector<16xi32> -> vector<16xf32>
          %mul3A_574 = arith.constant 16 : i32
          %mul3A_575 = arith.muli %scan3A_455, %mul3A_574 : i32
          %swap3A_576 = arith.constant 1 : i32
          %swap3A_577 = arith.constant 10 : i32
          %swap3A_578 = arith.index_cast %swap3A_576 : i32 to index
          %swap3A_579 = arith.index_cast %swap3A_577 : i32 to index
          %swap3A_580 = arith.index_cast %mul3A_575 : i32 to index
          %swap3A_581 = tpu.vector_load %arg9[%swap3A_578, %swap3A_579, %swap3A_580] {strides = array<i32>} : memref<2x16x512xf32, #tpu.memory_space<vmem>>, vector<16xf32>,
          tpu.vector_store %arg9[%swap3A_578, %swap3A_579, %swap3A_580], %gather3A_573 {strides = array<i32>} : memref<2x16x512xf32, #tpu.memory_space<vmem>>, vector<16xf32>,
          %broadcast_in_dim3A_582 = vector.shape_cast %get3A_463 : vector<16xi32> to vector<16x1xi32>
          %gather3A_583 = vector.shape_cast %broadcast_in_dim3A_582 : vector<16x1xi32> to vector<16xi32>
          %gather3A_584 = tpu.dynamic_gather %get3A_202[%gather3A_583] in [0] : vector<16xf32>, vector<16xi32> -> vector<16xf32>
          %mul3A_585 = arith.constant 16 : i32
          %mul3A_586 = arith.muli %scan3A_455, %mul3A_585 : i32
          %swap3A_587 = arith.constant 1 : i32
          %swap3A_588 = arith.constant 11 : i32
          %swap3A_589 = arith.index_cast %swap3A_587 : i32 to index
          %swap3A_590 = arith.index_cast %swap3A_588 : i32 to index
          %swap3A_591 = arith.index_cast %mul3A_586 : i32 to index
          %swap3A_592 = tpu.vector_load %arg9[%swap3A_589, %swap3A_590, %swap3A_591] {strides = array<i32>} : memref<2x16x512xf32, #tpu.memory_space<vmem>>, vector<16xf32>,
          tpu.vector_store %arg9[%swap3A_589, %swap3A_590, %swap3A_591], %gather3A_584 {strides = array<i32>} : memref<2x16x512xf32, #tpu.memory_space<vmem>>, vector<16xf32>,
          %broadcast_in_dim3A_593 = vector.shape_cast %get3A_463 : vector<16xi32> to vector<16x1xi32>
          %gather3A_594 = vector.shape_cast %broadcast_in_dim3A_593 : vector<16x1xi32> to vector<16xi32>
          %gather3A_595 = tpu.dynamic_gather %get3A_206[%gather3A_594] in [0] : vector<16xf32>, vector<16xi32> -> vector<16xf32>
          %mul3A_596 = arith.constant 16 : i32
          %mul3A_597 = arith.muli %scan3A_455, %mul3A_596 : i32
          %swap3A_598 = arith.constant 1 : i32
          %swap3A_599 = arith.constant 12 : i32
          %swap3A_600 = arith.index_cast %swap3A_598 : i32 to index
          %swap3A_601 = arith.index_cast %swap3A_599 : i32 to index
          %swap3A_602 = arith.index_cast %mul3A_597 : i32 to index
          %swap3A_603 = tpu.vector_load %arg9[%swap3A_600, %swap3A_601, %swap3A_602] {strides = array<i32>} : memref<2x16x512xf32, #tpu.memory_space<vmem>>, vector<16xf32>,
          tpu.vector_store %arg9[%swap3A_600, %swap3A_601, %swap3A_602], %gather3A_595 {strides = array<i32>} : memref<2x16x512xf32, #tpu.memory_space<vmem>>, vector<16xf32>,
          %broadcast_in_dim3A_604 = vector.shape_cast %get3A_463 : vector<16xi32> to vector<16x1xi32>
          %gather3A_605 = vector.shape_cast %broadcast_in_dim3A_604 : vector<16x1xi32> to vector<16xi32>
          %gather3A_606 = tpu.dynamic_gather %get3A_210[%gather3A_605] in [0] : vector<16xf32>, vector<16xi32> -> vector<16xf32>
          %mul3A_607 = arith.constant 16 : i32
          %mul3A_608 = arith.muli %scan3A_455, %mul3A_607 : i32
          %swap3A_609 = arith.constant 1 : i32
          %swap3A_610 = arith.constant 13 : i32
          %swap3A_611 = arith.index_cast %swap3A_609 : i32 to index
          %swap3A_612 = arith.index_cast %swap3A_610 : i32 to index
          %swap3A_613 = arith.index_cast %mul3A_608 : i32 to index
          %swap3A_614 = tpu.vector_load %arg9[%swap3A_611, %swap3A_612, %swap3A_613] {strides = array<i32>} : memref<2x16x512xf32, #tpu.memory_space<vmem>>, vector<16xf32>,
          tpu.vector_store %arg9[%swap3A_611, %swap3A_612, %swap3A_613], %gather3A_606 {strides = array<i32>} : memref<2x16x512xf32, #tpu.memory_space<vmem>>, vector<16xf32>,
          %broadcast_in_dim3A_615 = vector.shape_cast %get3A_463 : vector<16xi32> to vector<16x1xi32>
          %gather3A_616 = vector.shape_cast %broadcast_in_dim3A_615 : vector<16x1xi32> to vector<16xi32>
          %gather3A_617 = tpu.dynamic_gather %get3A_214[%gather3A_616] in [0] : vector<16xf32>, vector<16xi32> -> vector<16xf32>
          %mul3A_618 = arith.constant 16 : i32
          %mul3A_619 = arith.muli %scan3A_455, %mul3A_618 : i32
          %swap3A_620 = arith.constant 1 : i32
          %swap3A_621 = arith.constant 14 : i32
          %swap3A_622 = arith.index_cast %swap3A_620 : i32 to index
          %swap3A_623 = arith.index_cast %swap3A_621 : i32 to index
          %swap3A_624 = arith.index_cast %mul3A_619 : i32 to index
          %swap3A_625 = tpu.vector_load %arg9[%swap3A_622, %swap3A_623, %swap3A_624] {strides = array<i32>} : memref<2x16x512xf32, #tpu.memory_space<vmem>>, vector<16xf32>,
          tpu.vector_store %arg9[%swap3A_622, %swap3A_623, %swap3A_624], %gather3A_617 {strides = array<i32>} : memref<2x16x512xf32, #tpu.memory_space<vmem>>, vector<16xf32>,
          %broadcast_in_dim3A_626 = vector.shape_cast %get3A_463 : vector<16xi32> to vector<16x1xi32>
          %gather3A_627 = vector.shape_cast %broadcast_in_dim3A_626 : vector<16x1xi32> to vector<16xi32>
          %gather3A_628 = tpu.dynamic_gather %get3A_218[%gather3A_627] in [0] : vector<16xf32>, vector<16xi32> -> vector<16xf32>
          %mul3A_629 = arith.constant 16 : i32
          %mul3A_630 = arith.muli %scan3A_455, %mul3A_629 : i32
          %swap3A_631 = arith.constant 1 : i32
          %swap3A_632 = arith.constant 15 : i32
          %swap3A_633 = arith.index_cast %swap3A_631 : i32 to index
          %swap3A_634 = arith.index_cast %swap3A_632 : i32 to index
          %swap3A_635 = arith.index_cast %mul3A_630 : i32 to index
          %swap3A_636 = tpu.vector_load %arg9[%swap3A_633, %swap3A_634, %swap3A_635] {strides = array<i32>} : memref<2x16x512xf32, #tpu.memory_space<vmem>>, vector<16xf32>,
          tpu.vector_store %arg9[%swap3A_633, %swap3A_634, %swap3A_635], %gather3A_628 {strides = array<i32>} : memref<2x16x512xf32, #tpu.memory_space<vmem>>, vector<16xf32>,
          %scan3A_637 = arith.constant 0 : i32
          scf.yield %scan3A_637 : i32
        }
        %scan3A_435 = arith.constant 32 : i32
        %mul3A_436 = arith.constant 8 : i32
        %mul3A_437 = arith.muli %mul3A_317, %mul3A_436 : i32
        %add3A_438 = arith.addi %mul3A_437, %add3A_418 : i32
        %dma_start3A_439 = arith.constant 1 : i32
        %dma_start3A_440 = arith.constant 0 : i32
        %dma_start3A_441 = arith.constant 0 : i32
        %dma_start3A_442 = tpu.memref_slice %arg9[%dma_start3A_439, %dma_start3A_440, %dma_start3A_441] : memref<2x16x512xf32, #tpu.memory_space<vmem>> -> memref<1x16x512xf32, #tpu.memory_space<vmem>>
        %dma_start3A_443 = tpu.memref_squeeze %dma_start3A_442 : memref<1x16x512xf32, #tpu.memory_space<vmem>> -> memref<16x512xf32, #tpu.memory_space<vmem>>
        %dma_start3A_444 = arith.constant 0 : i32
        %dma_start3A_445 = tpu.memref_slice %arg6[%add3A_438, %dma_start3A_444, %mul3A_2] : memref<200x16x16384xf32, #tpu.memory_space<hbm>> -> memref<1x16x512xf32, #tpu.memory_space<hbm>>
        %dma_start3A_446 = tpu.memref_squeeze %dma_start3A_445 : memref<1x16x512xf32, #tpu.memory_space<hbm>> -> memref<16x512xf32, #tpu.memory_space<hbm>>
        %dma_start3A_447 = arith.constant 0 : i32
        %dma_start3A_448 = tpu.memref_slice %arg6[%add3A_438, %dma_start3A_447, %mul3A_2] : memref<200x16x16384xf32, #tpu.memory_space<hbm>> -> memref<1x16x512xf32, #tpu.memory_space<hbm>>
        %dma_start3A_449 = tpu.memref_squeeze %dma_start3A_448 : memref<1x16x512xf32, #tpu.memory_space<hbm>> -> memref<16x512xf32, #tpu.memory_space<hbm>>
        %dma_start3A_450 = arith.constant 0 : i32
        %dma_start3A_451 = arith.constant 0 : i32
        %dma_start3A_452 = tpu.memref_slice %arg9[%dma_start3A_439, %dma_start3A_450, %dma_start3A_451] : memref<2x16x512xf32, #tpu.memory_space<vmem>> -> memref<1x16x512xf32, #tpu.memory_space<vmem>>
        %dma_start3A_453 = tpu.memref_squeeze %dma_start3A_452 : memref<1x16x512xf32, #tpu.memory_space<vmem>> -> memref<16x512xf32, #tpu.memory_space<vmem>>
        tpu.enqueue_dma source(%dma_start3A_453 : memref<16x512xf32, #tpu.memory_space<vmem>>) target(%dma_start3A_449 : memref<16x512xf32, #tpu.memory_space<hbm>>) target_semaphore(%arg13 : memref<!tpu.dma_semaphore, #tpu.memory_space<semaphore_mem>>)
        %scan3A_454 = arith.constant 0 : i32
        scf.yield %scan3A_454 : i32
      }
      %scan3A_337 = arith.constant 4 : i32
      %add3A_338 = arith.constant 2 : i32
      %add3A_339 = arith.addi %mul3A_317, %add3A_338 : i32
      %lt3A_340 = arith.constant 25 : i32
      %lt3A_341 = arith.cmpi slt, %add3A_339, %lt3A_340 : i32
      %convert_element_type3A_342 = arith.extui %lt3A_341 : i1 to i32
      %cond3A_343 = arith.constant 0 : i32
      %cond3A_344 = arith.cmpi ne, %convert_element_type3A_342, %cond3A_343 : i32
      scf.if %cond3A_344 {
        %add3A_377 = arith.constant 2 : i32
        %add3A_378 = arith.addi %mul3A_317, %add3A_377 : i32
        %mul3A_379 = arith.constant 8 : i32
        %mul3A_380 = arith.muli %add3A_378, %mul3A_379 : i32
        %dma_start3A_381 = arith.constant 0 : i32
        %dma_start3A_382 = arith.constant 0 : i32
        %dma_start3A_383 = arith.constant 0 : i32
        %dma_start3A_384 = tpu.memref_slice %arg8[%dma_start3A_381, %dma_start3A_382, %dma_start3A_383] : memref<2x8x512xi32, #tpu.memory_space<vmem>> -> memref<1x8x512xi32, #tpu.memory_space<vmem>>
        %dma_start3A_385 = tpu.memref_squeeze %dma_start3A_384 : memref<1x8x512xi32, #tpu.memory_space<vmem>> -> memref<8x512xi32, #tpu.memory_space<vmem>>
        %dma_start3A_386 = tpu.memref_slice %arg3[%mul3A_380, %mul3A_2] : memref<200x16384xi32, #tpu.memory_space<hbm>> -> memref<8x512xi32, #tpu.memory_space<hbm>>
        %dma_start3A_387 = arith.constant 0 : i32
        %dma_start3A_388 = arith.constant 0 : i32
        %dma_start3A_389 = tpu.memref_slice %arg8[%dma_start3A_381, %dma_start3A_387, %dma_start3A_388] : memref<2x8x512xi32, #tpu.memory_space<vmem>> -> memref<1x8x512xi32, #tpu.memory_space<vmem>>
        %dma_start3A_390 = tpu.memref_squeeze %dma_start3A_389 : memref<1x8x512xi32, #tpu.memory_space<vmem>> -> memref<8x512xi32, #tpu.memory_space<vmem>>
        %dma_start3A_391 = tpu.memref_slice %arg3[%mul3A_380, %mul3A_2] : memref<200x16384xi32, #tpu.memory_space<hbm>> -> memref<8x512xi32, #tpu.memory_space<hbm>>
        tpu.enqueue_dma source(%dma_start3A_391 : memref<8x512xi32, #tpu.memory_space<hbm>>) target(%dma_start3A_390 : memref<8x512xi32, #tpu.memory_space<vmem>>) target_semaphore(%arg10 : memref<!tpu.dma_semaphore, #tpu.memory_space<semaphore_mem>>)
      } else {
      }
      %mul3A_345 = arith.constant 2 : i32
      %mul3A_346 = arith.muli %mul3A_345, %scan3A_314 : i32
      %add3A_347 = arith.constant 1 : i32
      %add3A_348 = arith.addi %mul3A_346, %add3A_347 : i32
      %dma_wait3A_349 = arith.constant 1 : i32
      %dma_wait3A_350 = arith.constant 0 : i32
      %dma_wait3A_351 = arith.constant 0 : i32
      %dma_wait3A_352 = tpu.memref_slice %arg8[%dma_wait3A_349, %dma_wait3A_350, %dma_wait3A_351] : memref<2x8x512xi32, #tpu.memory_space<vmem>> -> memref<1x8x512xi32, #tpu.memory_space<vmem>>
      %dma_wait3A_353 = tpu.memref_squeeze %dma_wait3A_352 : memref<1x8x512xi32, #tpu.memory_space<vmem>> -> memref<8x512xi32, #tpu.memory_space<vmem>>
      %dma_wait3A_354 = arith.constant 0 : i32
      %dma_wait3A_355 = tpu.memref_slice %arg3[%dma_wait3A_354, %mul3A_2] : memref<200x16384xi32, #tpu.memory_space<hbm>> -> memref<8x512xi32, #tpu.memory_space<hbm>>
      %dma_wait3A_356 = arith.constant 0 : i32
      %dma_wait3A_357 = arith.constant 0 : i32
      %dma_wait3A_358 = tpu.memref_slice %arg8[%dma_wait3A_349, %dma_wait3A_356, %dma_wait3A_357] : memref<2x8x512xi32, #tpu.memory_space<vmem>> -> memref<1x8x512xi32, #tpu.memory_space<vmem>>
      %dma_wait3A_359 = tpu.memref_squeeze %dma_wait3A_358 : memref<1x8x512xi32, #tpu.memory_space<vmem>> -> memref<8x512xi32, #tpu.memory_space<vmem>>
      %dma_wait3A_360 = arith.constant 0 : i32
      %dma_wait3A_361 = tpu.memref_slice %arg3[%dma_wait3A_360, %mul3A_2] : memref<200x16384xi32, #tpu.memory_space<hbm>> -> memref<8x512xi32, #tpu.memory_space<hbm>>
      tpu.wait_dma2 semaphore(%arg11 : memref<!tpu.dma_semaphore, #tpu.memory_space<semaphore_mem>>) src(%dma_wait3A_361 : memref<8x512xi32, #tpu.memory_space<hbm>>) dst(%dma_wait3A_359 : memref<8x512xi32, #tpu.memory_space<vmem>>)
      %scan3A_362 = arith.constant 0 : i32
      %scan3A_363 = arith.constant 0 : i32
      %scan3A_364 = arith.constant 4 : i32
      %scan3A_365 = arith.addi %scan3A_363, %scan3A_364 : i32
      %scan3A_366 = arith.constant 1 : i32
      %scan3A_367 = scf.for %scan3A_377 = %scan3A_363 to %scan3A_365 step %scan3A_366 iter_args(%scan3A_378 = %scan3A_362) -> (i32)  : i32 {
        %mul3A_379 = arith.constant 2 : i32
        %mul3A_380 = arith.muli %mul3A_379, %scan3A_377 : i32
        %add3A_381 = arith.constant 0 : i32
        %add3A_382 = arith.addi %mul3A_380, %add3A_381 : i32
        %eq3A = arith.constant 0 : i32
        %eq3A_383 = arith.cmpi eq, %add3A_348, %eq3A : i32
        %eq3A_384 = arith.constant 0 : i32
        %eq3A_385 = arith.cmpi eq, %scan3A_377, %eq3A_384 : i32
        %and3A = arith.andi %eq3A_383, %eq3A_385 : i1
        %not3A = arith.constant true
        %not3A_386 = arith.xori %and3A, %not3A : i1
        %convert_element_type3A_387 = arith.extui %not3A_386 : i1 to i32
        %cond3A_388 = arith.constant 0 : i32
        %cond3A_389 = arith.cmpi ne, %convert_element_type3A_387, %cond3A_388 : i32
        scf.if %cond3A_389 {
          %dma_wait3A_455 = arith.constant 0 : i32
          %dma_wait3A_456 = arith.constant 0 : i32
          %dma_wait3A_457 = arith.constant 0 : i32
          %dma_wait3A_458 = arith.constant 0 : i32
          %dma_wait3A_459 = tpu.memref_slice %arg9[%dma_wait3A_455, %dma_wait3A_457, %dma_wait3A_458] : memref<2x16x512xf32, #tpu.memory_space<vmem>> -> memref<1x16x512xf32, #tpu.memory_space<vmem>>
          %dma_wait3A_460 = tpu.memref_squeeze %dma_wait3A_459 : memref<1x16x512xf32, #tpu.memory_space<vmem>> -> memref<16x512xf32, #tpu.memory_space<vmem>>
          %dma_wait3A_461 = arith.constant 0 : i32
          %dma_wait3A_462 = tpu.memref_slice %arg6[%dma_wait3A_456, %dma_wait3A_461, %mul3A_2] : memref<200x16x16384xf32, #tpu.memory_space<hbm>> -> memref<1x16x512xf32, #tpu.memory_space<hbm>>
          %dma_wait3A_463 = tpu.memref_squeeze %dma_wait3A_462 : memref<1x16x512xf32, #tpu.memory_space<hbm>> -> memref<16x512xf32, #tpu.memory_space<hbm>>
          %dma_wait3A_464 = arith.constant 0 : i32
          %dma_wait3A_465 = tpu.memref_slice %arg6[%dma_wait3A_456, %dma_wait3A_464, %mul3A_2] : memref<200x16x16384xf32, #tpu.memory_space<hbm>> -> memref<1x16x512xf32, #tpu.memory_space<hbm>>
          %dma_wait3A_466 = tpu.memref_squeeze %dma_wait3A_465 : memref<1x16x512xf32, #tpu.memory_space<hbm>> -> memref<16x512xf32, #tpu.memory_space<hbm>>
          %dma_wait3A_467 = arith.constant 0 : i32
          %dma_wait3A_468 = arith.constant 0 : i32
          %dma_wait3A_469 = tpu.memref_slice %arg9[%dma_wait3A_455, %dma_wait3A_467, %dma_wait3A_468] : memref<2x16x512xf32, #tpu.memory_space<vmem>> -> memref<1x16x512xf32, #tpu.memory_space<vmem>>
          %dma_wait3A_470 = tpu.memref_squeeze %dma_wait3A_469 : memref<1x16x512xf32, #tpu.memory_space<vmem>> -> memref<16x512xf32, #tpu.memory_space<vmem>>
          tpu.wait_dma2 semaphore(%arg12 : memref<!tpu.dma_semaphore, #tpu.memory_space<semaphore_mem>>) src(%dma_wait3A_470 : memref<16x512xf32, #tpu.memory_space<vmem>>) dst(%dma_wait3A_466 : memref<16x512xf32, #tpu.memory_space<hbm>>)
        } else {
        }
        %scan3A_390 = arith.constant 0 : i32
        %scan3A_391 = arith.constant 0 : i32
        %scan3A_392 = arith.constant 32 : i32
        %scan3A_393 = arith.addi %scan3A_391, %scan3A_392 : i32
        %scan3A_394 = arith.constant 1 : i32
        %scan3A_395 = scf.for %scan3A_455 = %scan3A_391 to %scan3A_393 step %scan3A_394 iter_args(%scan3A_456 = %scan3A_390) -> (i32)  : i32 {
          %mul3A_457 = arith.constant 16 : i32
          %mul3A_458 = arith.muli %scan3A_455, %mul3A_457 : i32
          %get3A_459 = arith.constant 1 : i32
          %get3A_460 = arith.index_cast %get3A_459 : i32 to index
          %get3A_461 = arith.index_cast %add3A_382 : i32 to index
          %get3A_462 = arith.index_cast %mul3A_458 : i32 to index
          %get3A_463 = tpu.vector_load %arg8[%get3A_460, %get3A_461, %get3A_462] {strides = array<i32>} : memref<2x8x512xi32, #tpu.memory_space<vmem>>, vector<16xi32>,
          %broadcast_in_dim3A = vector.shape_cast %get3A_463 : vector<16xi32> to vector<16x1xi32>
          %gather3A = vector.shape_cast %broadcast_in_dim3A : vector<16x1xi32> to vector<16xi32>
          %gather3A_464 = tpu.dynamic_gather %get3A_158[%gather3A] in [0] : vector<16xf32>, vector<16xi32> -> vector<16xf32>
          %mul3A_465 = arith.constant 16 : i32
          %mul3A_466 = arith.muli %scan3A_455, %mul3A_465 : i32
          %swap3A = arith.constant 0 : i32
          %swap3A_467 = arith.constant 0 : i32
          %swap3A_468 = arith.index_cast %swap3A : i32 to index
          %swap3A_469 = arith.index_cast %swap3A_467 : i32 to index
          %swap3A_470 = arith.index_cast %mul3A_466 : i32 to index
          %swap3A_471 = tpu.vector_load %arg9[%swap3A_468, %swap3A_469, %swap3A_470] {strides = array<i32>} : memref<2x16x512xf32, #tpu.memory_space<vmem>>, vector<16xf32>,
          tpu.vector_store %arg9[%swap3A_468, %swap3A_469, %swap3A_470], %gather3A_464 {strides = array<i32>} : memref<2x16x512xf32, #tpu.memory_space<vmem>>, vector<16xf32>,
          %broadcast_in_dim3A_472 = vector.shape_cast %get3A_463 : vector<16xi32> to vector<16x1xi32>
          %gather3A_473 = vector.shape_cast %broadcast_in_dim3A_472 : vector<16x1xi32> to vector<16xi32>
          %gather3A_474 = tpu.dynamic_gather %get3A_162[%gather3A_473] in [0] : vector<16xf32>, vector<16xi32> -> vector<16xf32>
          %mul3A_475 = arith.constant 16 : i32
          %mul3A_476 = arith.muli %scan3A_455, %mul3A_475 : i32
          %swap3A_477 = arith.constant 0 : i32
          %swap3A_478 = arith.constant 1 : i32
          %swap3A_479 = arith.index_cast %swap3A_477 : i32 to index
          %swap3A_480 = arith.index_cast %swap3A_478 : i32 to index
          %swap3A_481 = arith.index_cast %mul3A_476 : i32 to index
          %swap3A_482 = tpu.vector_load %arg9[%swap3A_479, %swap3A_480, %swap3A_481] {strides = array<i32>} : memref<2x16x512xf32, #tpu.memory_space<vmem>>, vector<16xf32>,
          tpu.vector_store %arg9[%swap3A_479, %swap3A_480, %swap3A_481], %gather3A_474 {strides = array<i32>} : memref<2x16x512xf32, #tpu.memory_space<vmem>>, vector<16xf32>,
          %broadcast_in_dim3A_483 = vector.shape_cast %get3A_463 : vector<16xi32> to vector<16x1xi32>
          %gather3A_484 = vector.shape_cast %broadcast_in_dim3A_483 : vector<16x1xi32> to vector<16xi32>
          %gather3A_485 = tpu.dynamic_gather %get3A_166[%gather3A_484] in [0] : vector<16xf32>, vector<16xi32> -> vector<16xf32>
          %mul3A_486 = arith.constant 16 : i32
          %mul3A_487 = arith.muli %scan3A_455, %mul3A_486 : i32
          %swap3A_488 = arith.constant 0 : i32
          %swap3A_489 = arith.constant 2 : i32
          %swap3A_490 = arith.index_cast %swap3A_488 : i32 to index
          %swap3A_491 = arith.index_cast %swap3A_489 : i32 to index
          %swap3A_492 = arith.index_cast %mul3A_487 : i32 to index
          %swap3A_493 = tpu.vector_load %arg9[%swap3A_490, %swap3A_491, %swap3A_492] {strides = array<i32>} : memref<2x16x512xf32, #tpu.memory_space<vmem>>, vector<16xf32>,
          tpu.vector_store %arg9[%swap3A_490, %swap3A_491, %swap3A_492], %gather3A_485 {strides = array<i32>} : memref<2x16x512xf32, #tpu.memory_space<vmem>>, vector<16xf32>,
          %broadcast_in_dim3A_494 = vector.shape_cast %get3A_463 : vector<16xi32> to vector<16x1xi32>
          %gather3A_495 = vector.shape_cast %broadcast_in_dim3A_494 : vector<16x1xi32> to vector<16xi32>
          %gather3A_496 = tpu.dynamic_gather %get3A_170[%gather3A_495] in [0] : vector<16xf32>, vector<16xi32> -> vector<16xf32>
          %mul3A_497 = arith.constant 16 : i32
          %mul3A_498 = arith.muli %scan3A_455, %mul3A_497 : i32
          %swap3A_499 = arith.constant 0 : i32
          %swap3A_500 = arith.constant 3 : i32
          %swap3A_501 = arith.index_cast %swap3A_499 : i32 to index
          %swap3A_502 = arith.index_cast %swap3A_500 : i32 to index
          %swap3A_503 = arith.index_cast %mul3A_498 : i32 to index
          %swap3A_504 = tpu.vector_load %arg9[%swap3A_501, %swap3A_502, %swap3A_503] {strides = array<i32>} : memref<2x16x512xf32, #tpu.memory_space<vmem>>, vector<16xf32>,
          tpu.vector_store %arg9[%swap3A_501, %swap3A_502, %swap3A_503], %gather3A_496 {strides = array<i32>} : memref<2x16x512xf32, #tpu.memory_space<vmem>>, vector<16xf32>,
          %broadcast_in_dim3A_505 = vector.shape_cast %get3A_463 : vector<16xi32> to vector<16x1xi32>
          %gather3A_506 = vector.shape_cast %broadcast_in_dim3A_505 : vector<16x1xi32> to vector<16xi32>
          %gather3A_507 = tpu.dynamic_gather %get3A_174[%gather3A_506] in [0] : vector<16xf32>, vector<16xi32> -> vector<16xf32>
          %mul3A_508 = arith.constant 16 : i32
          %mul3A_509 = arith.muli %scan3A_455, %mul3A_508 : i32
          %swap3A_510 = arith.constant 0 : i32
          %swap3A_511 = arith.constant 4 : i32
          %swap3A_512 = arith.index_cast %swap3A_510 : i32 to index
          %swap3A_513 = arith.index_cast %swap3A_511 : i32 to index
          %swap3A_514 = arith.index_cast %mul3A_509 : i32 to index
          %swap3A_515 = tpu.vector_load %arg9[%swap3A_512, %swap3A_513, %swap3A_514] {strides = array<i32>} : memref<2x16x512xf32, #tpu.memory_space<vmem>>, vector<16xf32>,
          tpu.vector_store %arg9[%swap3A_512, %swap3A_513, %swap3A_514], %gather3A_507 {strides = array<i32>} : memref<2x16x512xf32, #tpu.memory_space<vmem>>, vector<16xf32>,
          %broadcast_in_dim3A_516 = vector.shape_cast %get3A_463 : vector<16xi32> to vector<16x1xi32>
          %gather3A_517 = vector.shape_cast %broadcast_in_dim3A_516 : vector<16x1xi32> to vector<16xi32>
          %gather3A_518 = tpu.dynamic_gather %get3A_178[%gather3A_517] in [0] : vector<16xf32>, vector<16xi32> -> vector<16xf32>
          %mul3A_519 = arith.constant 16 : i32
          %mul3A_520 = arith.muli %scan3A_455, %mul3A_519 : i32
          %swap3A_521 = arith.constant 0 : i32
          %swap3A_522 = arith.constant 5 : i32
          %swap3A_523 = arith.index_cast %swap3A_521 : i32 to index
          %swap3A_524 = arith.index_cast %swap3A_522 : i32 to index
          %swap3A_525 = arith.index_cast %mul3A_520 : i32 to index
          %swap3A_526 = tpu.vector_load %arg9[%swap3A_523, %swap3A_524, %swap3A_525] {strides = array<i32>} : memref<2x16x512xf32, #tpu.memory_space<vmem>>, vector<16xf32>,
          tpu.vector_store %arg9[%swap3A_523, %swap3A_524, %swap3A_525], %gather3A_518 {strides = array<i32>} : memref<2x16x512xf32, #tpu.memory_space<vmem>>, vector<16xf32>,
          %broadcast_in_dim3A_527 = vector.shape_cast %get3A_463 : vector<16xi32> to vector<16x1xi32>
          %gather3A_528 = vector.shape_cast %broadcast_in_dim3A_527 : vector<16x1xi32> to vector<16xi32>
          %gather3A_529 = tpu.dynamic_gather %get3A_182[%gather3A_528] in [0] : vector<16xf32>, vector<16xi32> -> vector<16xf32>
          %mul3A_530 = arith.constant 16 : i32
          %mul3A_531 = arith.muli %scan3A_455, %mul3A_530 : i32
          %swap3A_532 = arith.constant 0 : i32
          %swap3A_533 = arith.constant 6 : i32
          %swap3A_534 = arith.index_cast %swap3A_532 : i32 to index
          %swap3A_535 = arith.index_cast %swap3A_533 : i32 to index
          %swap3A_536 = arith.index_cast %mul3A_531 : i32 to index
          %swap3A_537 = tpu.vector_load %arg9[%swap3A_534, %swap3A_535, %swap3A_536] {strides = array<i32>} : memref<2x16x512xf32, #tpu.memory_space<vmem>>, vector<16xf32>,
          tpu.vector_store %arg9[%swap3A_534, %swap3A_535, %swap3A_536], %gather3A_529 {strides = array<i32>} : memref<2x16x512xf32, #tpu.memory_space<vmem>>, vector<16xf32>,
          %broadcast_in_dim3A_538 = vector.shape_cast %get3A_463 : vector<16xi32> to vector<16x1xi32>
          %gather3A_539 = vector.shape_cast %broadcast_in_dim3A_538 : vector<16x1xi32> to vector<16xi32>
          %gather3A_540 = tpu.dynamic_gather %get3A_186[%gather3A_539] in [0] : vector<16xf32>, vector<16xi32> -> vector<16xf32>
          %mul3A_541 = arith.constant 16 : i32
          %mul3A_542 = arith.muli %scan3A_455, %mul3A_541 : i32
          %swap3A_543 = arith.constant 0 : i32
          %swap3A_544 = arith.constant 7 : i32
          %swap3A_545 = arith.index_cast %swap3A_543 : i32 to index
          %swap3A_546 = arith.index_cast %swap3A_544 : i32 to index
          %swap3A_547 = arith.index_cast %mul3A_542 : i32 to index
          %swap3A_548 = tpu.vector_load %arg9[%swap3A_545, %swap3A_546, %swap3A_547] {strides = array<i32>} : memref<2x16x512xf32, #tpu.memory_space<vmem>>, vector<16xf32>,
          tpu.vector_store %arg9[%swap3A_545, %swap3A_546, %swap3A_547], %gather3A_540 {strides = array<i32>} : memref<2x16x512xf32, #tpu.memory_space<vmem>>, vector<16xf32>,
          %broadcast_in_dim3A_549 = vector.shape_cast %get3A_463 : vector<16xi32> to vector<16x1xi32>
          %gather3A_550 = vector.shape_cast %broadcast_in_dim3A_549 : vector<16x1xi32> to vector<16xi32>
          %gather3A_551 = tpu.dynamic_gather %get3A_190[%gather3A_550] in [0] : vector<16xf32>, vector<16xi32> -> vector<16xf32>
          %mul3A_552 = arith.constant 16 : i32
          %mul3A_553 = arith.muli %scan3A_455, %mul3A_552 : i32
          %swap3A_554 = arith.constant 0 : i32
          %swap3A_555 = arith.constant 8 : i32
          %swap3A_556 = arith.index_cast %swap3A_554 : i32 to index
          %swap3A_557 = arith.index_cast %swap3A_555 : i32 to index
          %swap3A_558 = arith.index_cast %mul3A_553 : i32 to index
          %swap3A_559 = tpu.vector_load %arg9[%swap3A_556, %swap3A_557, %swap3A_558] {strides = array<i32>} : memref<2x16x512xf32, #tpu.memory_space<vmem>>, vector<16xf32>,
          tpu.vector_store %arg9[%swap3A_556, %swap3A_557, %swap3A_558], %gather3A_551 {strides = array<i32>} : memref<2x16x512xf32, #tpu.memory_space<vmem>>, vector<16xf32>,
          %broadcast_in_dim3A_560 = vector.shape_cast %get3A_463 : vector<16xi32> to vector<16x1xi32>
          %gather3A_561 = vector.shape_cast %broadcast_in_dim3A_560 : vector<16x1xi32> to vector<16xi32>
          %gather3A_562 = tpu.dynamic_gather %get3A_194[%gather3A_561] in [0] : vector<16xf32>, vector<16xi32> -> vector<16xf32>
          %mul3A_563 = arith.constant 16 : i32
          %mul3A_564 = arith.muli %scan3A_455, %mul3A_563 : i32
          %swap3A_565 = arith.constant 0 : i32
          %swap3A_566 = arith.constant 9 : i32
          %swap3A_567 = arith.index_cast %swap3A_565 : i32 to index
          %swap3A_568 = arith.index_cast %swap3A_566 : i32 to index
          %swap3A_569 = arith.index_cast %mul3A_564 : i32 to index
          %swap3A_570 = tpu.vector_load %arg9[%swap3A_567, %swap3A_568, %swap3A_569] {strides = array<i32>} : memref<2x16x512xf32, #tpu.memory_space<vmem>>, vector<16xf32>,
          tpu.vector_store %arg9[%swap3A_567, %swap3A_568, %swap3A_569], %gather3A_562 {strides = array<i32>} : memref<2x16x512xf32, #tpu.memory_space<vmem>>, vector<16xf32>,
          %broadcast_in_dim3A_571 = vector.shape_cast %get3A_463 : vector<16xi32> to vector<16x1xi32>
          %gather3A_572 = vector.shape_cast %broadcast_in_dim3A_571 : vector<16x1xi32> to vector<16xi32>
          %gather3A_573 = tpu.dynamic_gather %get3A_198[%gather3A_572] in [0] : vector<16xf32>, vector<16xi32> -> vector<16xf32>
          %mul3A_574 = arith.constant 16 : i32
          %mul3A_575 = arith.muli %scan3A_455, %mul3A_574 : i32
          %swap3A_576 = arith.constant 0 : i32
          %swap3A_577 = arith.constant 10 : i32
          %swap3A_578 = arith.index_cast %swap3A_576 : i32 to index
          %swap3A_579 = arith.index_cast %swap3A_577 : i32 to index
          %swap3A_580 = arith.index_cast %mul3A_575 : i32 to index
          %swap3A_581 = tpu.vector_load %arg9[%swap3A_578, %swap3A_579, %swap3A_580] {strides = array<i32>} : memref<2x16x512xf32, #tpu.memory_space<vmem>>, vector<16xf32>,
          tpu.vector_store %arg9[%swap3A_578, %swap3A_579, %swap3A_580], %gather3A_573 {strides = array<i32>} : memref<2x16x512xf32, #tpu.memory_space<vmem>>, vector<16xf32>,
          %broadcast_in_dim3A_582 = vector.shape_cast %get3A_463 : vector<16xi32> to vector<16x1xi32>
          %gather3A_583 = vector.shape_cast %broadcast_in_dim3A_582 : vector<16x1xi32> to vector<16xi32>
          %gather3A_584 = tpu.dynamic_gather %get3A_202[%gather3A_583] in [0] : vector<16xf32>, vector<16xi32> -> vector<16xf32>
          %mul3A_585 = arith.constant 16 : i32
          %mul3A_586 = arith.muli %scan3A_455, %mul3A_585 : i32
          %swap3A_587 = arith.constant 0 : i32
          %swap3A_588 = arith.constant 11 : i32
          %swap3A_589 = arith.index_cast %swap3A_587 : i32 to index
          %swap3A_590 = arith.index_cast %swap3A_588 : i32 to index
          %swap3A_591 = arith.index_cast %mul3A_586 : i32 to index
          %swap3A_592 = tpu.vector_load %arg9[%swap3A_589, %swap3A_590, %swap3A_591] {strides = array<i32>} : memref<2x16x512xf32, #tpu.memory_space<vmem>>, vector<16xf32>,
          tpu.vector_store %arg9[%swap3A_589, %swap3A_590, %swap3A_591], %gather3A_584 {strides = array<i32>} : memref<2x16x512xf32, #tpu.memory_space<vmem>>, vector<16xf32>,
          %broadcast_in_dim3A_593 = vector.shape_cast %get3A_463 : vector<16xi32> to vector<16x1xi32>
          %gather3A_594 = vector.shape_cast %broadcast_in_dim3A_593 : vector<16x1xi32> to vector<16xi32>
          %gather3A_595 = tpu.dynamic_gather %get3A_206[%gather3A_594] in [0] : vector<16xf32>, vector<16xi32> -> vector<16xf32>
          %mul3A_596 = arith.constant 16 : i32
          %mul3A_597 = arith.muli %scan3A_455, %mul3A_596 : i32
          %swap3A_598 = arith.constant 0 : i32
          %swap3A_599 = arith.constant 12 : i32
          %swap3A_600 = arith.index_cast %swap3A_598 : i32 to index
          %swap3A_601 = arith.index_cast %swap3A_599 : i32 to index
          %swap3A_602 = arith.index_cast %mul3A_597 : i32 to index
          %swap3A_603 = tpu.vector_load %arg9[%swap3A_600, %swap3A_601, %swap3A_602] {strides = array<i32>} : memref<2x16x512xf32, #tpu.memory_space<vmem>>, vector<16xf32>,
          tpu.vector_store %arg9[%swap3A_600, %swap3A_601, %swap3A_602], %gather3A_595 {strides = array<i32>} : memref<2x16x512xf32, #tpu.memory_space<vmem>>, vector<16xf32>,
          %broadcast_in_dim3A_604 = vector.shape_cast %get3A_463 : vector<16xi32> to vector<16x1xi32>
          %gather3A_605 = vector.shape_cast %broadcast_in_dim3A_604 : vector<16x1xi32> to vector<16xi32>
          %gather3A_606 = tpu.dynamic_gather %get3A_210[%gather3A_605] in [0] : vector<16xf32>, vector<16xi32> -> vector<16xf32>
          %mul3A_607 = arith.constant 16 : i32
          %mul3A_608 = arith.muli %scan3A_455, %mul3A_607 : i32
          %swap3A_609 = arith.constant 0 : i32
          %swap3A_610 = arith.constant 13 : i32
          %swap3A_611 = arith.index_cast %swap3A_609 : i32 to index
          %swap3A_612 = arith.index_cast %swap3A_610 : i32 to index
          %swap3A_613 = arith.index_cast %mul3A_608 : i32 to index
          %swap3A_614 = tpu.vector_load %arg9[%swap3A_611, %swap3A_612, %swap3A_613] {strides = array<i32>} : memref<2x16x512xf32, #tpu.memory_space<vmem>>, vector<16xf32>,
          tpu.vector_store %arg9[%swap3A_611, %swap3A_612, %swap3A_613], %gather3A_606 {strides = array<i32>} : memref<2x16x512xf32, #tpu.memory_space<vmem>>, vector<16xf32>,
          %broadcast_in_dim3A_615 = vector.shape_cast %get3A_463 : vector<16xi32> to vector<16x1xi32>
          %gather3A_616 = vector.shape_cast %broadcast_in_dim3A_615 : vector<16x1xi32> to vector<16xi32>
          %gather3A_617 = tpu.dynamic_gather %get3A_214[%gather3A_616] in [0] : vector<16xf32>, vector<16xi32> -> vector<16xf32>
          %mul3A_618 = arith.constant 16 : i32
          %mul3A_619 = arith.muli %scan3A_455, %mul3A_618 : i32
          %swap3A_620 = arith.constant 0 : i32
          %swap3A_621 = arith.constant 14 : i32
          %swap3A_622 = arith.index_cast %swap3A_620 : i32 to index
          %swap3A_623 = arith.index_cast %swap3A_621 : i32 to index
          %swap3A_624 = arith.index_cast %mul3A_619 : i32 to index
          %swap3A_625 = tpu.vector_load %arg9[%swap3A_622, %swap3A_623, %swap3A_624] {strides = array<i32>} : memref<2x16x512xf32, #tpu.memory_space<vmem>>, vector<16xf32>,
          tpu.vector_store %arg9[%swap3A_622, %swap3A_623, %swap3A_624], %gather3A_617 {strides = array<i32>} : memref<2x16x512xf32, #tpu.memory_space<vmem>>, vector<16xf32>,
          %broadcast_in_dim3A_626 = vector.shape_cast %get3A_463 : vector<16xi32> to vector<16x1xi32>
          %gather3A_627 = vector.shape_cast %broadcast_in_dim3A_626 : vector<16x1xi32> to vector<16xi32>
          %gather3A_628 = tpu.dynamic_gather %get3A_218[%gather3A_627] in [0] : vector<16xf32>, vector<16xi32> -> vector<16xf32>
          %mul3A_629 = arith.constant 16 : i32
          %mul3A_630 = arith.muli %scan3A_455, %mul3A_629 : i32
          %swap3A_631 = arith.constant 0 : i32
          %swap3A_632 = arith.constant 15 : i32
          %swap3A_633 = arith.index_cast %swap3A_631 : i32 to index
          %swap3A_634 = arith.index_cast %swap3A_632 : i32 to index
          %swap3A_635 = arith.index_cast %mul3A_630 : i32 to index
          %swap3A_636 = tpu.vector_load %arg9[%swap3A_633, %swap3A_634, %swap3A_635] {strides = array<i32>} : memref<2x16x512xf32, #tpu.memory_space<vmem>>, vector<16xf32>,
          tpu.vector_store %arg9[%swap3A_633, %swap3A_634, %swap3A_635], %gather3A_628 {strides = array<i32>} : memref<2x16x512xf32, #tpu.memory_space<vmem>>, vector<16xf32>,
          %scan3A_637 = arith.constant 0 : i32
          scf.yield %scan3A_637 : i32
        }
        %scan3A_396 = arith.constant 32 : i32
        %mul3A_397 = arith.constant 8 : i32
        %mul3A_398 = arith.muli %add3A_348, %mul3A_397 : i32
        %add3A_399 = arith.addi %mul3A_398, %add3A_382 : i32
        %dma_start3A_400 = arith.constant 0 : i32
        %dma_start3A_401 = arith.constant 0 : i32
        %dma_start3A_402 = arith.constant 0 : i32
        %dma_start3A_403 = tpu.memref_slice %arg9[%dma_start3A_400, %dma_start3A_401, %dma_start3A_402] : memref<2x16x512xf32, #tpu.memory_space<vmem>> -> memref<1x16x512xf32, #tpu.memory_space<vmem>>
        %dma_start3A_404 = tpu.memref_squeeze %dma_start3A_403 : memref<1x16x512xf32, #tpu.memory_space<vmem>> -> memref<16x512xf32, #tpu.memory_space<vmem>>
        %dma_start3A_405 = arith.constant 0 : i32
        %dma_start3A_406 = tpu.memref_slice %arg6[%add3A_399, %dma_start3A_405, %mul3A_2] : memref<200x16x16384xf32, #tpu.memory_space<hbm>> -> memref<1x16x512xf32, #tpu.memory_space<hbm>>
        %dma_start3A_407 = tpu.memref_squeeze %dma_start3A_406 : memref<1x16x512xf32, #tpu.memory_space<hbm>> -> memref<16x512xf32, #tpu.memory_space<hbm>>
        %dma_start3A_408 = arith.constant 0 : i32
        %dma_start3A_409 = tpu.memref_slice %arg6[%add3A_399, %dma_start3A_408, %mul3A_2] : memref<200x16x16384xf32, #tpu.memory_space<hbm>> -> memref<1x16x512xf32, #tpu.memory_space<hbm>>
        %dma_start3A_410 = tpu.memref_squeeze %dma_start3A_409 : memref<1x16x512xf32, #tpu.memory_space<hbm>> -> memref<16x512xf32, #tpu.memory_space<hbm>>
        %dma_start3A_411 = arith.constant 0 : i32
        %dma_start3A_412 = arith.constant 0 : i32
        %dma_start3A_413 = tpu.memref_slice %arg9[%dma_start3A_400, %dma_start3A_411, %dma_start3A_412] : memref<2x16x512xf32, #tpu.memory_space<vmem>> -> memref<1x16x512xf32, #tpu.memory_space<vmem>>
        %dma_start3A_414 = tpu.memref_squeeze %dma_start3A_413 : memref<1x16x512xf32, #tpu.memory_space<vmem>> -> memref<16x512xf32, #tpu.memory_space<vmem>>
        tpu.enqueue_dma source(%dma_start3A_414 : memref<16x512xf32, #tpu.memory_space<vmem>>) target(%dma_start3A_410 : memref<16x512xf32, #tpu.memory_space<hbm>>) target_semaphore(%arg12 : memref<!tpu.dma_semaphore, #tpu.memory_space<semaphore_mem>>)
        %mul3A_415 = arith.constant 2 : i32
        %mul3A_416 = arith.muli %mul3A_415, %scan3A_377 : i32
        %add3A_417 = arith.constant 1 : i32
        %add3A_418 = arith.addi %mul3A_416, %add3A_417 : i32
        %eq3A_419 = arith.constant 0 : i32
        %eq3A_420 = arith.cmpi eq, %add3A_348, %eq3A_419 : i32
        %eq3A_421 = arith.constant 0 : i32
        %eq3A_422 = arith.cmpi eq, %scan3A_377, %eq3A_421 : i32
        %and3A_423 = arith.andi %eq3A_420, %eq3A_422 : i1
        %not3A_424 = arith.constant true
        %not3A_425 = arith.xori %and3A_423, %not3A_424 : i1
        %convert_element_type3A_426 = arith.extui %not3A_425 : i1 to i32
        %cond3A_427 = arith.constant 0 : i32
        %cond3A_428 = arith.cmpi ne, %convert_element_type3A_426, %cond3A_427 : i32
        scf.if %cond3A_428 {
          %dma_wait3A_455 = arith.constant 1 : i32
          %dma_wait3A_456 = arith.constant 0 : i32
          %dma_wait3A_457 = arith.constant 0 : i32
          %dma_wait3A_458 = arith.constant 0 : i32
          %dma_wait3A_459 = tpu.memref_slice %arg9[%dma_wait3A_455, %dma_wait3A_457, %dma_wait3A_458] : memref<2x16x512xf32, #tpu.memory_space<vmem>> -> memref<1x16x512xf32, #tpu.memory_space<vmem>>
          %dma_wait3A_460 = tpu.memref_squeeze %dma_wait3A_459 : memref<1x16x512xf32, #tpu.memory_space<vmem>> -> memref<16x512xf32, #tpu.memory_space<vmem>>
          %dma_wait3A_461 = arith.constant 0 : i32
          %dma_wait3A_462 = tpu.memref_slice %arg6[%dma_wait3A_456, %dma_wait3A_461, %mul3A_2] : memref<200x16x16384xf32, #tpu.memory_space<hbm>> -> memref<1x16x512xf32, #tpu.memory_space<hbm>>
          %dma_wait3A_463 = tpu.memref_squeeze %dma_wait3A_462 : memref<1x16x512xf32, #tpu.memory_space<hbm>> -> memref<16x512xf32, #tpu.memory_space<hbm>>
          %dma_wait3A_464 = arith.constant 0 : i32
          %dma_wait3A_465 = tpu.memref_slice %arg6[%dma_wait3A_456, %dma_wait3A_464, %mul3A_2] : memref<200x16x16384xf32, #tpu.memory_space<hbm>> -> memref<1x16x512xf32, #tpu.memory_space<hbm>>
          %dma_wait3A_466 = tpu.memref_squeeze %dma_wait3A_465 : memref<1x16x512xf32, #tpu.memory_space<hbm>> -> memref<16x512xf32, #tpu.memory_space<hbm>>
          %dma_wait3A_467 = arith.constant 0 : i32
          %dma_wait3A_468 = arith.constant 0 : i32
          %dma_wait3A_469 = tpu.memref_slice %arg9[%dma_wait3A_455, %dma_wait3A_467, %dma_wait3A_468] : memref<2x16x512xf32, #tpu.memory_space<vmem>> -> memref<1x16x512xf32, #tpu.memory_space<vmem>>
          %dma_wait3A_470 = tpu.memref_squeeze %dma_wait3A_469 : memref<1x16x512xf32, #tpu.memory_space<vmem>> -> memref<16x512xf32, #tpu.memory_space<vmem>>
          tpu.wait_dma2 semaphore(%arg13 : memref<!tpu.dma_semaphore, #tpu.memory_space<semaphore_mem>>) src(%dma_wait3A_470 : memref<16x512xf32, #tpu.memory_space<vmem>>) dst(%dma_wait3A_466 : memref<16x512xf32, #tpu.memory_space<hbm>>)
        } else {
        }
        %scan3A_429 = arith.constant 0 : i32
        %scan3A_430 = arith.constant 0 : i32
        %scan3A_431 = arith.constant 32 : i32
        %scan3A_432 = arith.addi %scan3A_430, %scan3A_431 : i32
        %scan3A_433 = arith.constant 1 : i32
        %scan3A_434 = scf.for %scan3A_455 = %scan3A_430 to %scan3A_432 step %scan3A_433 iter_args(%scan3A_456 = %scan3A_429) -> (i32)  : i32 {
          %mul3A_457 = arith.constant 16 : i32
          %mul3A_458 = arith.muli %scan3A_455, %mul3A_457 : i32
          %get3A_459 = arith.constant 1 : i32
          %get3A_460 = arith.index_cast %get3A_459 : i32 to index
          %get3A_461 = arith.index_cast %add3A_418 : i32 to index
          %get3A_462 = arith.index_cast %mul3A_458 : i32 to index
          %get3A_463 = tpu.vector_load %arg8[%get3A_460, %get3A_461, %get3A_462] {strides = array<i32>} : memref<2x8x512xi32, #tpu.memory_space<vmem>>, vector<16xi32>,
          %broadcast_in_dim3A = vector.shape_cast %get3A_463 : vector<16xi32> to vector<16x1xi32>
          %gather3A = vector.shape_cast %broadcast_in_dim3A : vector<16x1xi32> to vector<16xi32>
          %gather3A_464 = tpu.dynamic_gather %get3A_158[%gather3A] in [0] : vector<16xf32>, vector<16xi32> -> vector<16xf32>
          %mul3A_465 = arith.constant 16 : i32
          %mul3A_466 = arith.muli %scan3A_455, %mul3A_465 : i32
          %swap3A = arith.constant 1 : i32
          %swap3A_467 = arith.constant 0 : i32
          %swap3A_468 = arith.index_cast %swap3A : i32 to index
          %swap3A_469 = arith.index_cast %swap3A_467 : i32 to index
          %swap3A_470 = arith.index_cast %mul3A_466 : i32 to index
          %swap3A_471 = tpu.vector_load %arg9[%swap3A_468, %swap3A_469, %swap3A_470] {strides = array<i32>} : memref<2x16x512xf32, #tpu.memory_space<vmem>>, vector<16xf32>,
          tpu.vector_store %arg9[%swap3A_468, %swap3A_469, %swap3A_470], %gather3A_464 {strides = array<i32>} : memref<2x16x512xf32, #tpu.memory_space<vmem>>, vector<16xf32>,
          %broadcast_in_dim3A_472 = vector.shape_cast %get3A_463 : vector<16xi32> to vector<16x1xi32>
          %gather3A_473 = vector.shape_cast %broadcast_in_dim3A_472 : vector<16x1xi32> to vector<16xi32>
          %gather3A_474 = tpu.dynamic_gather %get3A_162[%gather3A_473] in [0] : vector<16xf32>, vector<16xi32> -> vector<16xf32>
          %mul3A_475 = arith.constant 16 : i32
          %mul3A_476 = arith.muli %scan3A_455, %mul3A_475 : i32
          %swap3A_477 = arith.constant 1 : i32
          %swap3A_478 = arith.constant 1 : i32
          %swap3A_479 = arith.index_cast %swap3A_477 : i32 to index
          %swap3A_480 = arith.index_cast %swap3A_478 : i32 to index
          %swap3A_481 = arith.index_cast %mul3A_476 : i32 to index
          %swap3A_482 = tpu.vector_load %arg9[%swap3A_479, %swap3A_480, %swap3A_481] {strides = array<i32>} : memref<2x16x512xf32, #tpu.memory_space<vmem>>, vector<16xf32>,
          tpu.vector_store %arg9[%swap3A_479, %swap3A_480, %swap3A_481], %gather3A_474 {strides = array<i32>} : memref<2x16x512xf32, #tpu.memory_space<vmem>>, vector<16xf32>,
          %broadcast_in_dim3A_483 = vector.shape_cast %get3A_463 : vector<16xi32> to vector<16x1xi32>
          %gather3A_484 = vector.shape_cast %broadcast_in_dim3A_483 : vector<16x1xi32> to vector<16xi32>
          %gather3A_485 = tpu.dynamic_gather %get3A_166[%gather3A_484] in [0] : vector<16xf32>, vector<16xi32> -> vector<16xf32>
          %mul3A_486 = arith.constant 16 : i32
          %mul3A_487 = arith.muli %scan3A_455, %mul3A_486 : i32
          %swap3A_488 = arith.constant 1 : i32
          %swap3A_489 = arith.constant 2 : i32
          %swap3A_490 = arith.index_cast %swap3A_488 : i32 to index
          %swap3A_491 = arith.index_cast %swap3A_489 : i32 to index
          %swap3A_492 = arith.index_cast %mul3A_487 : i32 to index
          %swap3A_493 = tpu.vector_load %arg9[%swap3A_490, %swap3A_491, %swap3A_492] {strides = array<i32>} : memref<2x16x512xf32, #tpu.memory_space<vmem>>, vector<16xf32>,
          tpu.vector_store %arg9[%swap3A_490, %swap3A_491, %swap3A_492], %gather3A_485 {strides = array<i32>} : memref<2x16x512xf32, #tpu.memory_space<vmem>>, vector<16xf32>,
          %broadcast_in_dim3A_494 = vector.shape_cast %get3A_463 : vector<16xi32> to vector<16x1xi32>
          %gather3A_495 = vector.shape_cast %broadcast_in_dim3A_494 : vector<16x1xi32> to vector<16xi32>
          %gather3A_496 = tpu.dynamic_gather %get3A_170[%gather3A_495] in [0] : vector<16xf32>, vector<16xi32> -> vector<16xf32>
          %mul3A_497 = arith.constant 16 : i32
          %mul3A_498 = arith.muli %scan3A_455, %mul3A_497 : i32
          %swap3A_499 = arith.constant 1 : i32
          %swap3A_500 = arith.constant 3 : i32
          %swap3A_501 = arith.index_cast %swap3A_499 : i32 to index
          %swap3A_502 = arith.index_cast %swap3A_500 : i32 to index
          %swap3A_503 = arith.index_cast %mul3A_498 : i32 to index
          %swap3A_504 = tpu.vector_load %arg9[%swap3A_501, %swap3A_502, %swap3A_503] {strides = array<i32>} : memref<2x16x512xf32, #tpu.memory_space<vmem>>, vector<16xf32>,
          tpu.vector_store %arg9[%swap3A_501, %swap3A_502, %swap3A_503], %gather3A_496 {strides = array<i32>} : memref<2x16x512xf32, #tpu.memory_space<vmem>>, vector<16xf32>,
          %broadcast_in_dim3A_505 = vector.shape_cast %get3A_463 : vector<16xi32> to vector<16x1xi32>
          %gather3A_506 = vector.shape_cast %broadcast_in_dim3A_505 : vector<16x1xi32> to vector<16xi32>
          %gather3A_507 = tpu.dynamic_gather %get3A_174[%gather3A_506] in [0] : vector<16xf32>, vector<16xi32> -> vector<16xf32>
          %mul3A_508 = arith.constant 16 : i32
          %mul3A_509 = arith.muli %scan3A_455, %mul3A_508 : i32
          %swap3A_510 = arith.constant 1 : i32
          %swap3A_511 = arith.constant 4 : i32
          %swap3A_512 = arith.index_cast %swap3A_510 : i32 to index
          %swap3A_513 = arith.index_cast %swap3A_511 : i32 to index
          %swap3A_514 = arith.index_cast %mul3A_509 : i32 to index
          %swap3A_515 = tpu.vector_load %arg9[%swap3A_512, %swap3A_513, %swap3A_514] {strides = array<i32>} : memref<2x16x512xf32, #tpu.memory_space<vmem>>, vector<16xf32>,
          tpu.vector_store %arg9[%swap3A_512, %swap3A_513, %swap3A_514], %gather3A_507 {strides = array<i32>} : memref<2x16x512xf32, #tpu.memory_space<vmem>>, vector<16xf32>,
          %broadcast_in_dim3A_516 = vector.shape_cast %get3A_463 : vector<16xi32> to vector<16x1xi32>
          %gather3A_517 = vector.shape_cast %broadcast_in_dim3A_516 : vector<16x1xi32> to vector<16xi32>
          %gather3A_518 = tpu.dynamic_gather %get3A_178[%gather3A_517] in [0] : vector<16xf32>, vector<16xi32> -> vector<16xf32>
          %mul3A_519 = arith.constant 16 : i32
          %mul3A_520 = arith.muli %scan3A_455, %mul3A_519 : i32
          %swap3A_521 = arith.constant 1 : i32
          %swap3A_522 = arith.constant 5 : i32
          %swap3A_523 = arith.index_cast %swap3A_521 : i32 to index
          %swap3A_524 = arith.index_cast %swap3A_522 : i32 to index
          %swap3A_525 = arith.index_cast %mul3A_520 : i32 to index
          %swap3A_526 = tpu.vector_load %arg9[%swap3A_523, %swap3A_524, %swap3A_525] {strides = array<i32>} : memref<2x16x512xf32, #tpu.memory_space<vmem>>, vector<16xf32>,
          tpu.vector_store %arg9[%swap3A_523, %swap3A_524, %swap3A_525], %gather3A_518 {strides = array<i32>} : memref<2x16x512xf32, #tpu.memory_space<vmem>>, vector<16xf32>,
          %broadcast_in_dim3A_527 = vector.shape_cast %get3A_463 : vector<16xi32> to vector<16x1xi32>
          %gather3A_528 = vector.shape_cast %broadcast_in_dim3A_527 : vector<16x1xi32> to vector<16xi32>
          %gather3A_529 = tpu.dynamic_gather %get3A_182[%gather3A_528] in [0] : vector<16xf32>, vector<16xi32> -> vector<16xf32>
          %mul3A_530 = arith.constant 16 : i32
          %mul3A_531 = arith.muli %scan3A_455, %mul3A_530 : i32
          %swap3A_532 = arith.constant 1 : i32
          %swap3A_533 = arith.constant 6 : i32
          %swap3A_534 = arith.index_cast %swap3A_532 : i32 to index
          %swap3A_535 = arith.index_cast %swap3A_533 : i32 to index
          %swap3A_536 = arith.index_cast %mul3A_531 : i32 to index
          %swap3A_537 = tpu.vector_load %arg9[%swap3A_534, %swap3A_535, %swap3A_536] {strides = array<i32>} : memref<2x16x512xf32, #tpu.memory_space<vmem>>, vector<16xf32>,
          tpu.vector_store %arg9[%swap3A_534, %swap3A_535, %swap3A_536], %gather3A_529 {strides = array<i32>} : memref<2x16x512xf32, #tpu.memory_space<vmem>>, vector<16xf32>,
          %broadcast_in_dim3A_538 = vector.shape_cast %get3A_463 : vector<16xi32> to vector<16x1xi32>
          %gather3A_539 = vector.shape_cast %broadcast_in_dim3A_538 : vector<16x1xi32> to vector<16xi32>
          %gather3A_540 = tpu.dynamic_gather %get3A_186[%gather3A_539] in [0] : vector<16xf32>, vector<16xi32> -> vector<16xf32>
          %mul3A_541 = arith.constant 16 : i32
          %mul3A_542 = arith.muli %scan3A_455, %mul3A_541 : i32
          %swap3A_543 = arith.constant 1 : i32
          %swap3A_544 = arith.constant 7 : i32
          %swap3A_545 = arith.index_cast %swap3A_543 : i32 to index
          %swap3A_546 = arith.index_cast %swap3A_544 : i32 to index
          %swap3A_547 = arith.index_cast %mul3A_542 : i32 to index
          %swap3A_548 = tpu.vector_load %arg9[%swap3A_545, %swap3A_546, %swap3A_547] {strides = array<i32>} : memref<2x16x512xf32, #tpu.memory_space<vmem>>, vector<16xf32>,
          tpu.vector_store %arg9[%swap3A_545, %swap3A_546, %swap3A_547], %gather3A_540 {strides = array<i32>} : memref<2x16x512xf32, #tpu.memory_space<vmem>>, vector<16xf32>,
          %broadcast_in_dim3A_549 = vector.shape_cast %get3A_463 : vector<16xi32> to vector<16x1xi32>
          %gather3A_550 = vector.shape_cast %broadcast_in_dim3A_549 : vector<16x1xi32> to vector<16xi32>
          %gather3A_551 = tpu.dynamic_gather %get3A_190[%gather3A_550] in [0] : vector<16xf32>, vector<16xi32> -> vector<16xf32>
          %mul3A_552 = arith.constant 16 : i32
          %mul3A_553 = arith.muli %scan3A_455, %mul3A_552 : i32
          %swap3A_554 = arith.constant 1 : i32
          %swap3A_555 = arith.constant 8 : i32
          %swap3A_556 = arith.index_cast %swap3A_554 : i32 to index
          %swap3A_557 = arith.index_cast %swap3A_555 : i32 to index
          %swap3A_558 = arith.index_cast %mul3A_553 : i32 to index
          %swap3A_559 = tpu.vector_load %arg9[%swap3A_556, %swap3A_557, %swap3A_558] {strides = array<i32>} : memref<2x16x512xf32, #tpu.memory_space<vmem>>, vector<16xf32>,
          tpu.vector_store %arg9[%swap3A_556, %swap3A_557, %swap3A_558], %gather3A_551 {strides = array<i32>} : memref<2x16x512xf32, #tpu.memory_space<vmem>>, vector<16xf32>,
          %broadcast_in_dim3A_560 = vector.shape_cast %get3A_463 : vector<16xi32> to vector<16x1xi32>
          %gather3A_561 = vector.shape_cast %broadcast_in_dim3A_560 : vector<16x1xi32> to vector<16xi32>
          %gather3A_562 = tpu.dynamic_gather %get3A_194[%gather3A_561] in [0] : vector<16xf32>, vector<16xi32> -> vector<16xf32>
          %mul3A_563 = arith.constant 16 : i32
          %mul3A_564 = arith.muli %scan3A_455, %mul3A_563 : i32
          %swap3A_565 = arith.constant 1 : i32
          %swap3A_566 = arith.constant 9 : i32
          %swap3A_567 = arith.index_cast %swap3A_565 : i32 to index
          %swap3A_568 = arith.index_cast %swap3A_566 : i32 to index
          %swap3A_569 = arith.index_cast %mul3A_564 : i32 to index
          %swap3A_570 = tpu.vector_load %arg9[%swap3A_567, %swap3A_568, %swap3A_569] {strides = array<i32>} : memref<2x16x512xf32, #tpu.memory_space<vmem>>, vector<16xf32>,
          tpu.vector_store %arg9[%swap3A_567, %swap3A_568, %swap3A_569], %gather3A_562 {strides = array<i32>} : memref<2x16x512xf32, #tpu.memory_space<vmem>>, vector<16xf32>,
          %broadcast_in_dim3A_571 = vector.shape_cast %get3A_463 : vector<16xi32> to vector<16x1xi32>
          %gather3A_572 = vector.shape_cast %broadcast_in_dim3A_571 : vector<16x1xi32> to vector<16xi32>
          %gather3A_573 = tpu.dynamic_gather %get3A_198[%gather3A_572] in [0] : vector<16xf32>, vector<16xi32> -> vector<16xf32>
          %mul3A_574 = arith.constant 16 : i32
          %mul3A_575 = arith.muli %scan3A_455, %mul3A_574 : i32
          %swap3A_576 = arith.constant 1 : i32
          %swap3A_577 = arith.constant 10 : i32
          %swap3A_578 = arith.index_cast %swap3A_576 : i32 to index
          %swap3A_579 = arith.index_cast %swap3A_577 : i32 to index
          %swap3A_580 = arith.index_cast %mul3A_575 : i32 to index
          %swap3A_581 = tpu.vector_load %arg9[%swap3A_578, %swap3A_579, %swap3A_580] {strides = array<i32>} : memref<2x16x512xf32, #tpu.memory_space<vmem>>, vector<16xf32>,
          tpu.vector_store %arg9[%swap3A_578, %swap3A_579, %swap3A_580], %gather3A_573 {strides = array<i32>} : memref<2x16x512xf32, #tpu.memory_space<vmem>>, vector<16xf32>,
          %broadcast_in_dim3A_582 = vector.shape_cast %get3A_463 : vector<16xi32> to vector<16x1xi32>
          %gather3A_583 = vector.shape_cast %broadcast_in_dim3A_582 : vector<16x1xi32> to vector<16xi32>
          %gather3A_584 = tpu.dynamic_gather %get3A_202[%gather3A_583] in [0] : vector<16xf32>, vector<16xi32> -> vector<16xf32>
          %mul3A_585 = arith.constant 16 : i32
          %mul3A_586 = arith.muli %scan3A_455, %mul3A_585 : i32
          %swap3A_587 = arith.constant 1 : i32
          %swap3A_588 = arith.constant 11 : i32
          %swap3A_589 = arith.index_cast %swap3A_587 : i32 to index
          %swap3A_590 = arith.index_cast %swap3A_588 : i32 to index
          %swap3A_591 = arith.index_cast %mul3A_586 : i32 to index
          %swap3A_592 = tpu.vector_load %arg9[%swap3A_589, %swap3A_590, %swap3A_591] {strides = array<i32>} : memref<2x16x512xf32, #tpu.memory_space<vmem>>, vector<16xf32>,
          tpu.vector_store %arg9[%swap3A_589, %swap3A_590, %swap3A_591], %gather3A_584 {strides = array<i32>} : memref<2x16x512xf32, #tpu.memory_space<vmem>>, vector<16xf32>,
          %broadcast_in_dim3A_593 = vector.shape_cast %get3A_463 : vector<16xi32> to vector<16x1xi32>
          %gather3A_594 = vector.shape_cast %broadcast_in_dim3A_593 : vector<16x1xi32> to vector<16xi32>
          %gather3A_595 = tpu.dynamic_gather %get3A_206[%gather3A_594] in [0] : vector<16xf32>, vector<16xi32> -> vector<16xf32>
          %mul3A_596 = arith.constant 16 : i32
          %mul3A_597 = arith.muli %scan3A_455, %mul3A_596 : i32
          %swap3A_598 = arith.constant 1 : i32
          %swap3A_599 = arith.constant 12 : i32
          %swap3A_600 = arith.index_cast %swap3A_598 : i32 to index
          %swap3A_601 = arith.index_cast %swap3A_599 : i32 to index
          %swap3A_602 = arith.index_cast %mul3A_597 : i32 to index
          %swap3A_603 = tpu.vector_load %arg9[%swap3A_600, %swap3A_601, %swap3A_602] {strides = array<i32>} : memref<2x16x512xf32, #tpu.memory_space<vmem>>, vector<16xf32>,
          tpu.vector_store %arg9[%swap3A_600, %swap3A_601, %swap3A_602], %gather3A_595 {strides = array<i32>} : memref<2x16x512xf32, #tpu.memory_space<vmem>>, vector<16xf32>,
          %broadcast_in_dim3A_604 = vector.shape_cast %get3A_463 : vector<16xi32> to vector<16x1xi32>
          %gather3A_605 = vector.shape_cast %broadcast_in_dim3A_604 : vector<16x1xi32> to vector<16xi32>
          %gather3A_606 = tpu.dynamic_gather %get3A_210[%gather3A_605] in [0] : vector<16xf32>, vector<16xi32> -> vector<16xf32>
          %mul3A_607 = arith.constant 16 : i32
          %mul3A_608 = arith.muli %scan3A_455, %mul3A_607 : i32
          %swap3A_609 = arith.constant 1 : i32
          %swap3A_610 = arith.constant 13 : i32
          %swap3A_611 = arith.index_cast %swap3A_609 : i32 to index
          %swap3A_612 = arith.index_cast %swap3A_610 : i32 to index
          %swap3A_613 = arith.index_cast %mul3A_608 : i32 to index
          %swap3A_614 = tpu.vector_load %arg9[%swap3A_611, %swap3A_612, %swap3A_613] {strides = array<i32>} : memref<2x16x512xf32, #tpu.memory_space<vmem>>, vector<16xf32>,
          tpu.vector_store %arg9[%swap3A_611, %swap3A_612, %swap3A_613], %gather3A_606 {strides = array<i32>} : memref<2x16x512xf32, #tpu.memory_space<vmem>>, vector<16xf32>,
          %broadcast_in_dim3A_615 = vector.shape_cast %get3A_463 : vector<16xi32> to vector<16x1xi32>
          %gather3A_616 = vector.shape_cast %broadcast_in_dim3A_615 : vector<16x1xi32> to vector<16xi32>
          %gather3A_617 = tpu.dynamic_gather %get3A_214[%gather3A_616] in [0] : vector<16xf32>, vector<16xi32> -> vector<16xf32>
          %mul3A_618 = arith.constant 16 : i32
          %mul3A_619 = arith.muli %scan3A_455, %mul3A_618 : i32
          %swap3A_620 = arith.constant 1 : i32
          %swap3A_621 = arith.constant 14 : i32
          %swap3A_622 = arith.index_cast %swap3A_620 : i32 to index
          %swap3A_623 = arith.index_cast %swap3A_621 : i32 to index
          %swap3A_624 = arith.index_cast %mul3A_619 : i32 to index
          %swap3A_625 = tpu.vector_load %arg9[%swap3A_622, %swap3A_623, %swap3A_624] {strides = array<i32>} : memref<2x16x512xf32, #tpu.memory_space<vmem>>, vector<16xf32>,
          tpu.vector_store %arg9[%swap3A_622, %swap3A_623, %swap3A_624], %gather3A_617 {strides = array<i32>} : memref<2x16x512xf32, #tpu.memory_space<vmem>>, vector<16xf32>,
          %broadcast_in_dim3A_626 = vector.shape_cast %get3A_463 : vector<16xi32> to vector<16x1xi32>
          %gather3A_627 = vector.shape_cast %broadcast_in_dim3A_626 : vector<16x1xi32> to vector<16xi32>
          %gather3A_628 = tpu.dynamic_gather %get3A_218[%gather3A_627] in [0] : vector<16xf32>, vector<16xi32> -> vector<16xf32>
          %mul3A_629 = arith.constant 16 : i32
          %mul3A_630 = arith.muli %scan3A_455, %mul3A_629 : i32
          %swap3A_631 = arith.constant 1 : i32
          %swap3A_632 = arith.constant 15 : i32
          %swap3A_633 = arith.index_cast %swap3A_631 : i32 to index
          %swap3A_634 = arith.index_cast %swap3A_632 : i32 to index
          %swap3A_635 = arith.index_cast %mul3A_630 : i32 to index
          %swap3A_636 = tpu.vector_load %arg9[%swap3A_633, %swap3A_634, %swap3A_635] {strides = array<i32>} : memref<2x16x512xf32, #tpu.memory_space<vmem>>, vector<16xf32>,
          tpu.vector_store %arg9[%swap3A_633, %swap3A_634, %swap3A_635], %gather3A_628 {strides = array<i32>} : memref<2x16x512xf32, #tpu.memory_space<vmem>>, vector<16xf32>,
          %scan3A_637 = arith.constant 0 : i32
          scf.yield %scan3A_637 : i32
        }
        %scan3A_435 = arith.constant 32 : i32
        %mul3A_436 = arith.constant 8 : i32
        %mul3A_437 = arith.muli %add3A_348, %mul3A_436 : i32
        %add3A_438 = arith.addi %mul3A_437, %add3A_418 : i32
        %dma_start3A_439 = arith.constant 1 : i32
        %dma_start3A_440 = arith.constant 0 : i32
        %dma_start3A_441 = arith.constant 0 : i32
        %dma_start3A_442 = tpu.memref_slice %arg9[%dma_start3A_439, %dma_start3A_440, %dma_start3A_441] : memref<2x16x512xf32, #tpu.memory_space<vmem>> -> memref<1x16x512xf32, #tpu.memory_space<vmem>>
        %dma_start3A_443 = tpu.memref_squeeze %dma_start3A_442 : memref<1x16x512xf32, #tpu.memory_space<vmem>> -> memref<16x512xf32, #tpu.memory_space<vmem>>
        %dma_start3A_444 = arith.constant 0 : i32
        %dma_start3A_445 = tpu.memref_slice %arg6[%add3A_438, %dma_start3A_444, %mul3A_2] : memref<200x16x16384xf32, #tpu.memory_space<hbm>> -> memref<1x16x512xf32, #tpu.memory_space<hbm>>
        %dma_start3A_446 = tpu.memref_squeeze %dma_start3A_445 : memref<1x16x512xf32, #tpu.memory_space<hbm>> -> memref<16x512xf32, #tpu.memory_space<hbm>>
        %dma_start3A_447 = arith.constant 0 : i32
        %dma_start3A_448 = tpu.memref_slice %arg6[%add3A_438, %dma_start3A_447, %mul3A_2] : memref<200x16x16384xf32, #tpu.memory_space<hbm>> -> memref<1x16x512xf32, #tpu.memory_space<hbm>>
        %dma_start3A_449 = tpu.memref_squeeze %dma_start3A_448 : memref<1x16x512xf32, #tpu.memory_space<hbm>> -> memref<16x512xf32, #tpu.memory_space<hbm>>
        %dma_start3A_450 = arith.constant 0 : i32
        %dma_start3A_451 = arith.constant 0 : i32
        %dma_start3A_452 = tpu.memref_slice %arg9[%dma_start3A_439, %dma_start3A_450, %dma_start3A_451] : memref<2x16x512xf32, #tpu.memory_space<vmem>> -> memref<1x16x512xf32, #tpu.memory_space<vmem>>
        %dma_start3A_453 = tpu.memref_squeeze %dma_start3A_452 : memref<1x16x512xf32, #tpu.memory_space<vmem>> -> memref<16x512xf32, #tpu.memory_space<vmem>>
        tpu.enqueue_dma source(%dma_start3A_453 : memref<16x512xf32, #tpu.memory_space<vmem>>) target(%dma_start3A_449 : memref<16x512xf32, #tpu.memory_space<hbm>>) target_semaphore(%arg13 : memref<!tpu.dma_semaphore, #tpu.memory_space<semaphore_mem>>)
        %scan3A_454 = arith.constant 0 : i32
        scf.yield %scan3A_454 : i32
      }
      %scan3A_368 = arith.constant 4 : i32
      %add3A_369 = arith.constant 2 : i32
      %add3A_370 = arith.addi %add3A_348, %add3A_369 : i32
      %lt3A_371 = arith.constant 25 : i32
      %lt3A_372 = arith.cmpi slt, %add3A_370, %lt3A_371 : i32
      %convert_element_type3A_373 = arith.extui %lt3A_372 : i1 to i32
      %cond3A_374 = arith.constant 0 : i32
      %cond3A_375 = arith.cmpi ne, %convert_element_type3A_373, %cond3A_374 : i32
      scf.if %cond3A_375 {
        %add3A_377 = arith.constant 2 : i32
        %add3A_378 = arith.addi %add3A_348, %add3A_377 : i32
        %mul3A_379 = arith.constant 8 : i32
        %mul3A_380 = arith.muli %add3A_378, %mul3A_379 : i32
        %dma_start3A_381 = arith.constant 1 : i32
        %dma_start3A_382 = arith.constant 0 : i32
        %dma_start3A_383 = arith.constant 0 : i32
        %dma_start3A_384 = tpu.memref_slice %arg8[%dma_start3A_381, %dma_start3A_382, %dma_start3A_383] : memref<2x8x512xi32, #tpu.memory_space<vmem>> -> memref<1x8x512xi32, #tpu.memory_space<vmem>>
        %dma_start3A_385 = tpu.memref_squeeze %dma_start3A_384 : memref<1x8x512xi32, #tpu.memory_space<vmem>> -> memref<8x512xi32, #tpu.memory_space<vmem>>
        %dma_start3A_386 = tpu.memref_slice %arg3[%mul3A_380, %mul3A_2] : memref<200x16384xi32, #tpu.memory_space<hbm>> -> memref<8x512xi32, #tpu.memory_space<hbm>>
        %dma_start3A_387 = arith.constant 0 : i32
        %dma_start3A_388 = arith.constant 0 : i32
        %dma_start3A_389 = tpu.memref_slice %arg8[%dma_start3A_381, %dma_start3A_387, %dma_start3A_388] : memref<2x8x512xi32, #tpu.memory_space<vmem>> -> memref<1x8x512xi32, #tpu.memory_space<vmem>>
        %dma_start3A_390 = tpu.memref_squeeze %dma_start3A_389 : memref<1x8x512xi32, #tpu.memory_space<vmem>> -> memref<8x512xi32, #tpu.memory_space<vmem>>
        %dma_start3A_391 = tpu.memref_slice %arg3[%mul3A_380, %mul3A_2] : memref<200x16384xi32, #tpu.memory_space<hbm>> -> memref<8x512xi32, #tpu.memory_space<hbm>>
        tpu.enqueue_dma source(%dma_start3A_391 : memref<8x512xi32, #tpu.memory_space<hbm>>) target(%dma_start3A_390 : memref<8x512xi32, #tpu.memory_space<vmem>>) target_semaphore(%arg11 : memref<!tpu.dma_semaphore, #tpu.memory_space<semaphore_mem>>)
      } else {
      }
      %scan3A_376 = arith.constant 0 : i32
      scf.yield %scan3A_376 : i32
    }
    %scan3A_251 = arith.constant 12 : i32
    %dma_wait3A_252 = arith.constant 0 : i32
    %dma_wait3A_253 = arith.constant 0 : i32
    %dma_wait3A_254 = arith.constant 0 : i32
    %dma_wait3A_255 = tpu.memref_slice %arg8[%dma_wait3A_252, %dma_wait3A_253, %dma_wait3A_254] : memref<2x8x512xi32, #tpu.memory_space<vmem>> -> memref<1x8x512xi32, #tpu.memory_space<vmem>>
    %dma_wait3A_256 = tpu.memref_squeeze %dma_wait3A_255 : memref<1x8x512xi32, #tpu.memory_space<vmem>> -> memref<8x512xi32, #tpu.memory_space<vmem>>
    %dma_wait3A_257 = arith.constant 0 : i32
    %dma_wait3A_258 = tpu.memref_slice %arg3[%dma_wait3A_257, %mul3A_2] : memref<200x16384xi32, #tpu.memory_space<hbm>> -> memref<8x512xi32, #tpu.memory_space<hbm>>
    %dma_wait3A_259 = arith.constant 0 : i32
    %dma_wait3A_260 = arith.constant 0 : i32
    %dma_wait3A_261 = tpu.memref_slice %arg8[%dma_wait3A_252, %dma_wait3A_259, %dma_wait3A_260] : memref<2x8x512xi32, #tpu.memory_space<vmem>> -> memref<1x8x512xi32, #tpu.memory_space<vmem>>
    %dma_wait3A_262 = tpu.memref_squeeze %dma_wait3A_261 : memref<1x8x512xi32, #tpu.memory_space<vmem>> -> memref<8x512xi32, #tpu.memory_space<vmem>>
    %dma_wait3A_263 = arith.constant 0 : i32
    %dma_wait3A_264 = tpu.memref_slice %arg3[%dma_wait3A_263, %mul3A_2] : memref<200x16384xi32, #tpu.memory_space<hbm>> -> memref<8x512xi32, #tpu.memory_space<hbm>>
    tpu.wait_dma2 semaphore(%arg10 : memref<!tpu.dma_semaphore, #tpu.memory_space<semaphore_mem>>) src(%dma_wait3A_264 : memref<8x512xi32, #tpu.memory_space<hbm>>) dst(%dma_wait3A_262 : memref<8x512xi32, #tpu.memory_space<vmem>>)
    %scan3A_265 = arith.constant 24 : i32
    %scan3A_266 = arith.constant 0 : i32
    %scan3A_267 = arith.constant 0 : i32
    %scan3A_268 = arith.constant 4 : i32
    %scan3A_269 = arith.addi %scan3A_267, %scan3A_268 : i32
    %scan3A_270 = arith.constant 1 : i32
    %scan3A_271 = scf.for %scan3A_314 = %scan3A_267 to %scan3A_269 step %scan3A_270 iter_args(%scan3A_315 = %scan3A_266) -> (i32)  : i32 {
      %mul3A_316 = arith.constant 2 : i32
      %mul3A_317 = arith.muli %mul3A_316, %scan3A_314 : i32
      %add3A_318 = arith.constant 0 : i32
      %add3A_319 = arith.addi %mul3A_317, %add3A_318 : i32
      %eq3A = arith.constant 0 : i32
      %eq3A_320 = arith.cmpi eq, %scan3A_265, %eq3A : i32
      %eq3A_321 = arith.constant 0 : i32
      %eq3A_322 = arith.cmpi eq, %scan3A_314, %eq3A_321 : i32
      %and3A = arith.andi %eq3A_320, %eq3A_322 : i1
      %not3A = arith.constant true
      %not3A_323 = arith.xori %and3A, %not3A : i1
      %convert_element_type3A_324 = arith.extui %not3A_323 : i1 to i32
      %cond3A_325 = arith.constant 0 : i32
      %cond3A_326 = arith.cmpi ne, %convert_element_type3A_324, %cond3A_325 : i32
      scf.if %cond3A_326 {
        %dma_wait3A_392 = arith.constant 0 : i32
        %dma_wait3A_393 = arith.constant 0 : i32
        %dma_wait3A_394 = arith.constant 0 : i32
        %dma_wait3A_395 = arith.constant 0 : i32
        %dma_wait3A_396 = tpu.memref_slice %arg9[%dma_wait3A_392, %dma_wait3A_394, %dma_wait3A_395] : memref<2x16x512xf32, #tpu.memory_space<vmem>> -> memref<1x16x512xf32, #tpu.memory_space<vmem>>
        %dma_wait3A_397 = tpu.memref_squeeze %dma_wait3A_396 : memref<1x16x512xf32, #tpu.memory_space<vmem>> -> memref<16x512xf32, #tpu.memory_space<vmem>>
        %dma_wait3A_398 = arith.constant 0 : i32
        %dma_wait3A_399 = tpu.memref_slice %arg6[%dma_wait3A_393, %dma_wait3A_398, %mul3A_2] : memref<200x16x16384xf32, #tpu.memory_space<hbm>> -> memref<1x16x512xf32, #tpu.memory_space<hbm>>
        %dma_wait3A_400 = tpu.memref_squeeze %dma_wait3A_399 : memref<1x16x512xf32, #tpu.memory_space<hbm>> -> memref<16x512xf32, #tpu.memory_space<hbm>>
        %dma_wait3A_401 = arith.constant 0 : i32
        %dma_wait3A_402 = tpu.memref_slice %arg6[%dma_wait3A_393, %dma_wait3A_401, %mul3A_2] : memref<200x16x16384xf32, #tpu.memory_space<hbm>> -> memref<1x16x512xf32, #tpu.memory_space<hbm>>
        %dma_wait3A_403 = tpu.memref_squeeze %dma_wait3A_402 : memref<1x16x512xf32, #tpu.memory_space<hbm>> -> memref<16x512xf32, #tpu.memory_space<hbm>>
        %dma_wait3A_404 = arith.constant 0 : i32
        %dma_wait3A_405 = arith.constant 0 : i32
        %dma_wait3A_406 = tpu.memref_slice %arg9[%dma_wait3A_392, %dma_wait3A_404, %dma_wait3A_405] : memref<2x16x512xf32, #tpu.memory_space<vmem>> -> memref<1x16x512xf32, #tpu.memory_space<vmem>>
        %dma_wait3A_407 = tpu.memref_squeeze %dma_wait3A_406 : memref<1x16x512xf32, #tpu.memory_space<vmem>> -> memref<16x512xf32, #tpu.memory_space<vmem>>
        tpu.wait_dma2 semaphore(%arg12 : memref<!tpu.dma_semaphore, #tpu.memory_space<semaphore_mem>>) src(%dma_wait3A_407 : memref<16x512xf32, #tpu.memory_space<vmem>>) dst(%dma_wait3A_403 : memref<16x512xf32, #tpu.memory_space<hbm>>)
      } else {
      }
      %scan3A_327 = arith.constant 0 : i32
      %scan3A_328 = arith.constant 0 : i32
      %scan3A_329 = arith.constant 32 : i32
      %scan3A_330 = arith.addi %scan3A_328, %scan3A_329 : i32
      %scan3A_331 = arith.constant 1 : i32
      %scan3A_332 = scf.for %scan3A_392 = %scan3A_328 to %scan3A_330 step %scan3A_331 iter_args(%scan3A_393 = %scan3A_327) -> (i32)  : i32 {
        %mul3A_394 = arith.constant 16 : i32
        %mul3A_395 = arith.muli %scan3A_392, %mul3A_394 : i32
        %get3A_396 = arith.constant 0 : i32
        %get3A_397 = arith.index_cast %get3A_396 : i32 to index
        %get3A_398 = arith.index_cast %add3A_319 : i32 to index
        %get3A_399 = arith.index_cast %mul3A_395 : i32 to index
        %get3A_400 = tpu.vector_load %arg8[%get3A_397, %get3A_398, %get3A_399] {strides = array<i32>} : memref<2x8x512xi32, #tpu.memory_space<vmem>>, vector<16xi32>,
        %broadcast_in_dim3A = vector.shape_cast %get3A_400 : vector<16xi32> to vector<16x1xi32>
        %gather3A = vector.shape_cast %broadcast_in_dim3A : vector<16x1xi32> to vector<16xi32>
        %gather3A_401 = tpu.dynamic_gather %get3A_158[%gather3A] in [0] : vector<16xf32>, vector<16xi32> -> vector<16xf32>
        %mul3A_402 = arith.constant 16 : i32
        %mul3A_403 = arith.muli %scan3A_392, %mul3A_402 : i32
        %swap3A = arith.constant 0 : i32
        %swap3A_404 = arith.constant 0 : i32
        %swap3A_405 = arith.index_cast %swap3A : i32 to index
        %swap3A_406 = arith.index_cast %swap3A_404 : i32 to index
        %swap3A_407 = arith.index_cast %mul3A_403 : i32 to index
        %swap3A_408 = tpu.vector_load %arg9[%swap3A_405, %swap3A_406, %swap3A_407] {strides = array<i32>} : memref<2x16x512xf32, #tpu.memory_space<vmem>>, vector<16xf32>,
        tpu.vector_store %arg9[%swap3A_405, %swap3A_406, %swap3A_407], %gather3A_401 {strides = array<i32>} : memref<2x16x512xf32, #tpu.memory_space<vmem>>, vector<16xf32>,
        %broadcast_in_dim3A_409 = vector.shape_cast %get3A_400 : vector<16xi32> to vector<16x1xi32>
        %gather3A_410 = vector.shape_cast %broadcast_in_dim3A_409 : vector<16x1xi32> to vector<16xi32>
        %gather3A_411 = tpu.dynamic_gather %get3A_162[%gather3A_410] in [0] : vector<16xf32>, vector<16xi32> -> vector<16xf32>
        %mul3A_412 = arith.constant 16 : i32
        %mul3A_413 = arith.muli %scan3A_392, %mul3A_412 : i32
        %swap3A_414 = arith.constant 0 : i32
        %swap3A_415 = arith.constant 1 : i32
        %swap3A_416 = arith.index_cast %swap3A_414 : i32 to index
        %swap3A_417 = arith.index_cast %swap3A_415 : i32 to index
        %swap3A_418 = arith.index_cast %mul3A_413 : i32 to index
        %swap3A_419 = tpu.vector_load %arg9[%swap3A_416, %swap3A_417, %swap3A_418] {strides = array<i32>} : memref<2x16x512xf32, #tpu.memory_space<vmem>>, vector<16xf32>,
        tpu.vector_store %arg9[%swap3A_416, %swap3A_417, %swap3A_418], %gather3A_411 {strides = array<i32>} : memref<2x16x512xf32, #tpu.memory_space<vmem>>, vector<16xf32>,
        %broadcast_in_dim3A_420 = vector.shape_cast %get3A_400 : vector<16xi32> to vector<16x1xi32>
        %gather3A_421 = vector.shape_cast %broadcast_in_dim3A_420 : vector<16x1xi32> to vector<16xi32>
        %gather3A_422 = tpu.dynamic_gather %get3A_166[%gather3A_421] in [0] : vector<16xf32>, vector<16xi32> -> vector<16xf32>
        %mul3A_423 = arith.constant 16 : i32
        %mul3A_424 = arith.muli %scan3A_392, %mul3A_423 : i32
        %swap3A_425 = arith.constant 0 : i32
        %swap3A_426 = arith.constant 2 : i32
        %swap3A_427 = arith.index_cast %swap3A_425 : i32 to index
        %swap3A_428 = arith.index_cast %swap3A_426 : i32 to index
        %swap3A_429 = arith.index_cast %mul3A_424 : i32 to index
        %swap3A_430 = tpu.vector_load %arg9[%swap3A_427, %swap3A_428, %swap3A_429] {strides = array<i32>} : memref<2x16x512xf32, #tpu.memory_space<vmem>>, vector<16xf32>,
        tpu.vector_store %arg9[%swap3A_427, %swap3A_428, %swap3A_429], %gather3A_422 {strides = array<i32>} : memref<2x16x512xf32, #tpu.memory_space<vmem>>, vector<16xf32>,
        %broadcast_in_dim3A_431 = vector.shape_cast %get3A_400 : vector<16xi32> to vector<16x1xi32>
        %gather3A_432 = vector.shape_cast %broadcast_in_dim3A_431 : vector<16x1xi32> to vector<16xi32>
        %gather3A_433 = tpu.dynamic_gather %get3A_170[%gather3A_432] in [0] : vector<16xf32>, vector<16xi32> -> vector<16xf32>
        %mul3A_434 = arith.constant 16 : i32
        %mul3A_435 = arith.muli %scan3A_392, %mul3A_434 : i32
        %swap3A_436 = arith.constant 0 : i32
        %swap3A_437 = arith.constant 3 : i32
        %swap3A_438 = arith.index_cast %swap3A_436 : i32 to index
        %swap3A_439 = arith.index_cast %swap3A_437 : i32 to index
        %swap3A_440 = arith.index_cast %mul3A_435 : i32 to index
        %swap3A_441 = tpu.vector_load %arg9[%swap3A_438, %swap3A_439, %swap3A_440] {strides = array<i32>} : memref<2x16x512xf32, #tpu.memory_space<vmem>>, vector<16xf32>,
        tpu.vector_store %arg9[%swap3A_438, %swap3A_439, %swap3A_440], %gather3A_433 {strides = array<i32>} : memref<2x16x512xf32, #tpu.memory_space<vmem>>, vector<16xf32>,
        %broadcast_in_dim3A_442 = vector.shape_cast %get3A_400 : vector<16xi32> to vector<16x1xi32>
        %gather3A_443 = vector.shape_cast %broadcast_in_dim3A_442 : vector<16x1xi32> to vector<16xi32>
        %gather3A_444 = tpu.dynamic_gather %get3A_174[%gather3A_443] in [0] : vector<16xf32>, vector<16xi32> -> vector<16xf32>
        %mul3A_445 = arith.constant 16 : i32
        %mul3A_446 = arith.muli %scan3A_392, %mul3A_445 : i32
        %swap3A_447 = arith.constant 0 : i32
        %swap3A_448 = arith.constant 4 : i32
        %swap3A_449 = arith.index_cast %swap3A_447 : i32 to index
        %swap3A_450 = arith.index_cast %swap3A_448 : i32 to index
        %swap3A_451 = arith.index_cast %mul3A_446 : i32 to index
        %swap3A_452 = tpu.vector_load %arg9[%swap3A_449, %swap3A_450, %swap3A_451] {strides = array<i32>} : memref<2x16x512xf32, #tpu.memory_space<vmem>>, vector<16xf32>,
        tpu.vector_store %arg9[%swap3A_449, %swap3A_450, %swap3A_451], %gather3A_444 {strides = array<i32>} : memref<2x16x512xf32, #tpu.memory_space<vmem>>, vector<16xf32>,
        %broadcast_in_dim3A_453 = vector.shape_cast %get3A_400 : vector<16xi32> to vector<16x1xi32>
        %gather3A_454 = vector.shape_cast %broadcast_in_dim3A_453 : vector<16x1xi32> to vector<16xi32>
        %gather3A_455 = tpu.dynamic_gather %get3A_178[%gather3A_454] in [0] : vector<16xf32>, vector<16xi32> -> vector<16xf32>
        %mul3A_456 = arith.constant 16 : i32
        %mul3A_457 = arith.muli %scan3A_392, %mul3A_456 : i32
        %swap3A_458 = arith.constant 0 : i32
        %swap3A_459 = arith.constant 5 : i32
        %swap3A_460 = arith.index_cast %swap3A_458 : i32 to index
        %swap3A_461 = arith.index_cast %swap3A_459 : i32 to index
        %swap3A_462 = arith.index_cast %mul3A_457 : i32 to index
        %swap3A_463 = tpu.vector_load %arg9[%swap3A_460, %swap3A_461, %swap3A_462] {strides = array<i32>} : memref<2x16x512xf32, #tpu.memory_space<vmem>>, vector<16xf32>,
        tpu.vector_store %arg9[%swap3A_460, %swap3A_461, %swap3A_462], %gather3A_455 {strides = array<i32>} : memref<2x16x512xf32, #tpu.memory_space<vmem>>, vector<16xf32>,
        %broadcast_in_dim3A_464 = vector.shape_cast %get3A_400 : vector<16xi32> to vector<16x1xi32>
        %gather3A_465 = vector.shape_cast %broadcast_in_dim3A_464 : vector<16x1xi32> to vector<16xi32>
        %gather3A_466 = tpu.dynamic_gather %get3A_182[%gather3A_465] in [0] : vector<16xf32>, vector<16xi32> -> vector<16xf32>
        %mul3A_467 = arith.constant 16 : i32
        %mul3A_468 = arith.muli %scan3A_392, %mul3A_467 : i32
        %swap3A_469 = arith.constant 0 : i32
        %swap3A_470 = arith.constant 6 : i32
        %swap3A_471 = arith.index_cast %swap3A_469 : i32 to index
        %swap3A_472 = arith.index_cast %swap3A_470 : i32 to index
        %swap3A_473 = arith.index_cast %mul3A_468 : i32 to index
        %swap3A_474 = tpu.vector_load %arg9[%swap3A_471, %swap3A_472, %swap3A_473] {strides = array<i32>} : memref<2x16x512xf32, #tpu.memory_space<vmem>>, vector<16xf32>,
        tpu.vector_store %arg9[%swap3A_471, %swap3A_472, %swap3A_473], %gather3A_466 {strides = array<i32>} : memref<2x16x512xf32, #tpu.memory_space<vmem>>, vector<16xf32>,
        %broadcast_in_dim3A_475 = vector.shape_cast %get3A_400 : vector<16xi32> to vector<16x1xi32>
        %gather3A_476 = vector.shape_cast %broadcast_in_dim3A_475 : vector<16x1xi32> to vector<16xi32>
        %gather3A_477 = tpu.dynamic_gather %get3A_186[%gather3A_476] in [0] : vector<16xf32>, vector<16xi32> -> vector<16xf32>
        %mul3A_478 = arith.constant 16 : i32
        %mul3A_479 = arith.muli %scan3A_392, %mul3A_478 : i32
        %swap3A_480 = arith.constant 0 : i32
        %swap3A_481 = arith.constant 7 : i32
        %swap3A_482 = arith.index_cast %swap3A_480 : i32 to index
        %swap3A_483 = arith.index_cast %swap3A_481 : i32 to index
        %swap3A_484 = arith.index_cast %mul3A_479 : i32 to index
        %swap3A_485 = tpu.vector_load %arg9[%swap3A_482, %swap3A_483, %swap3A_484] {strides = array<i32>} : memref<2x16x512xf32, #tpu.memory_space<vmem>>, vector<16xf32>,
        tpu.vector_store %arg9[%swap3A_482, %swap3A_483, %swap3A_484], %gather3A_477 {strides = array<i32>} : memref<2x16x512xf32, #tpu.memory_space<vmem>>, vector<16xf32>,
        %broadcast_in_dim3A_486 = vector.shape_cast %get3A_400 : vector<16xi32> to vector<16x1xi32>
        %gather3A_487 = vector.shape_cast %broadcast_in_dim3A_486 : vector<16x1xi32> to vector<16xi32>
        %gather3A_488 = tpu.dynamic_gather %get3A_190[%gather3A_487] in [0] : vector<16xf32>, vector<16xi32> -> vector<16xf32>
        %mul3A_489 = arith.constant 16 : i32
        %mul3A_490 = arith.muli %scan3A_392, %mul3A_489 : i32
        %swap3A_491 = arith.constant 0 : i32
        %swap3A_492 = arith.constant 8 : i32
        %swap3A_493 = arith.index_cast %swap3A_491 : i32 to index
        %swap3A_494 = arith.index_cast %swap3A_492 : i32 to index
        %swap3A_495 = arith.index_cast %mul3A_490 : i32 to index
        %swap3A_496 = tpu.vector_load %arg9[%swap3A_493, %swap3A_494, %swap3A_495] {strides = array<i32>} : memref<2x16x512xf32, #tpu.memory_space<vmem>>, vector<16xf32>,
        tpu.vector_store %arg9[%swap3A_493, %swap3A_494, %swap3A_495], %gather3A_488 {strides = array<i32>} : memref<2x16x512xf32, #tpu.memory_space<vmem>>, vector<16xf32>,
        %broadcast_in_dim3A_497 = vector.shape_cast %get3A_400 : vector<16xi32> to vector<16x1xi32>
        %gather3A_498 = vector.shape_cast %broadcast_in_dim3A_497 : vector<16x1xi32> to vector<16xi32>
        %gather3A_499 = tpu.dynamic_gather %get3A_194[%gather3A_498] in [0] : vector<16xf32>, vector<16xi32> -> vector<16xf32>
        %mul3A_500 = arith.constant 16 : i32
        %mul3A_501 = arith.muli %scan3A_392, %mul3A_500 : i32
        %swap3A_502 = arith.constant 0 : i32
        %swap3A_503 = arith.constant 9 : i32
        %swap3A_504 = arith.index_cast %swap3A_502 : i32 to index
        %swap3A_505 = arith.index_cast %swap3A_503 : i32 to index
        %swap3A_506 = arith.index_cast %mul3A_501 : i32 to index
        %swap3A_507 = tpu.vector_load %arg9[%swap3A_504, %swap3A_505, %swap3A_506] {strides = array<i32>} : memref<2x16x512xf32, #tpu.memory_space<vmem>>, vector<16xf32>,
        tpu.vector_store %arg9[%swap3A_504, %swap3A_505, %swap3A_506], %gather3A_499 {strides = array<i32>} : memref<2x16x512xf32, #tpu.memory_space<vmem>>, vector<16xf32>,
        %broadcast_in_dim3A_508 = vector.shape_cast %get3A_400 : vector<16xi32> to vector<16x1xi32>
        %gather3A_509 = vector.shape_cast %broadcast_in_dim3A_508 : vector<16x1xi32> to vector<16xi32>
        %gather3A_510 = tpu.dynamic_gather %get3A_198[%gather3A_509] in [0] : vector<16xf32>, vector<16xi32> -> vector<16xf32>
        %mul3A_511 = arith.constant 16 : i32
        %mul3A_512 = arith.muli %scan3A_392, %mul3A_511 : i32
        %swap3A_513 = arith.constant 0 : i32
        %swap3A_514 = arith.constant 10 : i32
        %swap3A_515 = arith.index_cast %swap3A_513 : i32 to index
        %swap3A_516 = arith.index_cast %swap3A_514 : i32 to index
        %swap3A_517 = arith.index_cast %mul3A_512 : i32 to index
        %swap3A_518 = tpu.vector_load %arg9[%swap3A_515, %swap3A_516, %swap3A_517] {strides = array<i32>} : memref<2x16x512xf32, #tpu.memory_space<vmem>>, vector<16xf32>,
        tpu.vector_store %arg9[%swap3A_515, %swap3A_516, %swap3A_517], %gather3A_510 {strides = array<i32>} : memref<2x16x512xf32, #tpu.memory_space<vmem>>, vector<16xf32>,
        %broadcast_in_dim3A_519 = vector.shape_cast %get3A_400 : vector<16xi32> to vector<16x1xi32>
        %gather3A_520 = vector.shape_cast %broadcast_in_dim3A_519 : vector<16x1xi32> to vector<16xi32>
        %gather3A_521 = tpu.dynamic_gather %get3A_202[%gather3A_520] in [0] : vector<16xf32>, vector<16xi32> -> vector<16xf32>
        %mul3A_522 = arith.constant 16 : i32
        %mul3A_523 = arith.muli %scan3A_392, %mul3A_522 : i32
        %swap3A_524 = arith.constant 0 : i32
        %swap3A_525 = arith.constant 11 : i32
        %swap3A_526 = arith.index_cast %swap3A_524 : i32 to index
        %swap3A_527 = arith.index_cast %swap3A_525 : i32 to index
        %swap3A_528 = arith.index_cast %mul3A_523 : i32 to index
        %swap3A_529 = tpu.vector_load %arg9[%swap3A_526, %swap3A_527, %swap3A_528] {strides = array<i32>} : memref<2x16x512xf32, #tpu.memory_space<vmem>>, vector<16xf32>,
        tpu.vector_store %arg9[%swap3A_526, %swap3A_527, %swap3A_528], %gather3A_521 {strides = array<i32>} : memref<2x16x512xf32, #tpu.memory_space<vmem>>, vector<16xf32>,
        %broadcast_in_dim3A_530 = vector.shape_cast %get3A_400 : vector<16xi32> to vector<16x1xi32>
        %gather3A_531 = vector.shape_cast %broadcast_in_dim3A_530 : vector<16x1xi32> to vector<16xi32>
        %gather3A_532 = tpu.dynamic_gather %get3A_206[%gather3A_531] in [0] : vector<16xf32>, vector<16xi32> -> vector<16xf32>
        %mul3A_533 = arith.constant 16 : i32
        %mul3A_534 = arith.muli %scan3A_392, %mul3A_533 : i32
        %swap3A_535 = arith.constant 0 : i32
        %swap3A_536 = arith.constant 12 : i32
        %swap3A_537 = arith.index_cast %swap3A_535 : i32 to index
        %swap3A_538 = arith.index_cast %swap3A_536 : i32 to index
        %swap3A_539 = arith.index_cast %mul3A_534 : i32 to index
        %swap3A_540 = tpu.vector_load %arg9[%swap3A_537, %swap3A_538, %swap3A_539] {strides = array<i32>} : memref<2x16x512xf32, #tpu.memory_space<vmem>>, vector<16xf32>,
        tpu.vector_store %arg9[%swap3A_537, %swap3A_538, %swap3A_539], %gather3A_532 {strides = array<i32>} : memref<2x16x512xf32, #tpu.memory_space<vmem>>, vector<16xf32>,
        %broadcast_in_dim3A_541 = vector.shape_cast %get3A_400 : vector<16xi32> to vector<16x1xi32>
        %gather3A_542 = vector.shape_cast %broadcast_in_dim3A_541 : vector<16x1xi32> to vector<16xi32>
        %gather3A_543 = tpu.dynamic_gather %get3A_210[%gather3A_542] in [0] : vector<16xf32>, vector<16xi32> -> vector<16xf32>
        %mul3A_544 = arith.constant 16 : i32
        %mul3A_545 = arith.muli %scan3A_392, %mul3A_544 : i32
        %swap3A_546 = arith.constant 0 : i32
        %swap3A_547 = arith.constant 13 : i32
        %swap3A_548 = arith.index_cast %swap3A_546 : i32 to index
        %swap3A_549 = arith.index_cast %swap3A_547 : i32 to index
        %swap3A_550 = arith.index_cast %mul3A_545 : i32 to index
        %swap3A_551 = tpu.vector_load %arg9[%swap3A_548, %swap3A_549, %swap3A_550] {strides = array<i32>} : memref<2x16x512xf32, #tpu.memory_space<vmem>>, vector<16xf32>,
        tpu.vector_store %arg9[%swap3A_548, %swap3A_549, %swap3A_550], %gather3A_543 {strides = array<i32>} : memref<2x16x512xf32, #tpu.memory_space<vmem>>, vector<16xf32>,
        %broadcast_in_dim3A_552 = vector.shape_cast %get3A_400 : vector<16xi32> to vector<16x1xi32>
        %gather3A_553 = vector.shape_cast %broadcast_in_dim3A_552 : vector<16x1xi32> to vector<16xi32>
        %gather3A_554 = tpu.dynamic_gather %get3A_214[%gather3A_553] in [0] : vector<16xf32>, vector<16xi32> -> vector<16xf32>
        %mul3A_555 = arith.constant 16 : i32
        %mul3A_556 = arith.muli %scan3A_392, %mul3A_555 : i32
        %swap3A_557 = arith.constant 0 : i32
        %swap3A_558 = arith.constant 14 : i32
        %swap3A_559 = arith.index_cast %swap3A_557 : i32 to index
        %swap3A_560 = arith.index_cast %swap3A_558 : i32 to index
        %swap3A_561 = arith.index_cast %mul3A_556 : i32 to index
        %swap3A_562 = tpu.vector_load %arg9[%swap3A_559, %swap3A_560, %swap3A_561] {strides = array<i32>} : memref<2x16x512xf32, #tpu.memory_space<vmem>>, vector<16xf32>,
        tpu.vector_store %arg9[%swap3A_559, %swap3A_560, %swap3A_561], %gather3A_554 {strides = array<i32>} : memref<2x16x512xf32, #tpu.memory_space<vmem>>, vector<16xf32>,
        %broadcast_in_dim3A_563 = vector.shape_cast %get3A_400 : vector<16xi32> to vector<16x1xi32>
        %gather3A_564 = vector.shape_cast %broadcast_in_dim3A_563 : vector<16x1xi32> to vector<16xi32>
        %gather3A_565 = tpu.dynamic_gather %get3A_218[%gather3A_564] in [0] : vector<16xf32>, vector<16xi32> -> vector<16xf32>
        %mul3A_566 = arith.constant 16 : i32
        %mul3A_567 = arith.muli %scan3A_392, %mul3A_566 : i32
        %swap3A_568 = arith.constant 0 : i32
        %swap3A_569 = arith.constant 15 : i32
        %swap3A_570 = arith.index_cast %swap3A_568 : i32 to index
        %swap3A_571 = arith.index_cast %swap3A_569 : i32 to index
        %swap3A_572 = arith.index_cast %mul3A_567 : i32 to index
        %swap3A_573 = tpu.vector_load %arg9[%swap3A_570, %swap3A_571, %swap3A_572] {strides = array<i32>} : memref<2x16x512xf32, #tpu.memory_space<vmem>>, vector<16xf32>,
        tpu.vector_store %arg9[%swap3A_570, %swap3A_571, %swap3A_572], %gather3A_565 {strides = array<i32>} : memref<2x16x512xf32, #tpu.memory_space<vmem>>, vector<16xf32>,
        %scan3A_574 = arith.constant 0 : i32
        scf.yield %scan3A_574 : i32
      }
      %scan3A_333 = arith.constant 32 : i32
      %mul3A_334 = arith.constant 8 : i32
      %mul3A_335 = arith.muli %scan3A_265, %mul3A_334 : i32
      %add3A_336 = arith.addi %mul3A_335, %add3A_319 : i32
      %dma_start3A_337 = arith.constant 0 : i32
      %dma_start3A_338 = arith.constant 0 : i32
      %dma_start3A_339 = arith.constant 0 : i32
      %dma_start3A_340 = tpu.memref_slice %arg9[%dma_start3A_337, %dma_start3A_338, %dma_start3A_339] : memref<2x16x512xf32, #tpu.memory_space<vmem>> -> memref<1x16x512xf32, #tpu.memory_space<vmem>>
      %dma_start3A_341 = tpu.memref_squeeze %dma_start3A_340 : memref<1x16x512xf32, #tpu.memory_space<vmem>> -> memref<16x512xf32, #tpu.memory_space<vmem>>
      %dma_start3A_342 = arith.constant 0 : i32
      %dma_start3A_343 = tpu.memref_slice %arg6[%add3A_336, %dma_start3A_342, %mul3A_2] : memref<200x16x16384xf32, #tpu.memory_space<hbm>> -> memref<1x16x512xf32, #tpu.memory_space<hbm>>
      %dma_start3A_344 = tpu.memref_squeeze %dma_start3A_343 : memref<1x16x512xf32, #tpu.memory_space<hbm>> -> memref<16x512xf32, #tpu.memory_space<hbm>>
      %dma_start3A_345 = arith.constant 0 : i32
      %dma_start3A_346 = tpu.memref_slice %arg6[%add3A_336, %dma_start3A_345, %mul3A_2] : memref<200x16x16384xf32, #tpu.memory_space<hbm>> -> memref<1x16x512xf32, #tpu.memory_space<hbm>>
      %dma_start3A_347 = tpu.memref_squeeze %dma_start3A_346 : memref<1x16x512xf32, #tpu.memory_space<hbm>> -> memref<16x512xf32, #tpu.memory_space<hbm>>
      %dma_start3A_348 = arith.constant 0 : i32
      %dma_start3A_349 = arith.constant 0 : i32
      %dma_start3A_350 = tpu.memref_slice %arg9[%dma_start3A_337, %dma_start3A_348, %dma_start3A_349] : memref<2x16x512xf32, #tpu.memory_space<vmem>> -> memref<1x16x512xf32, #tpu.memory_space<vmem>>
      %dma_start3A_351 = tpu.memref_squeeze %dma_start3A_350 : memref<1x16x512xf32, #tpu.memory_space<vmem>> -> memref<16x512xf32, #tpu.memory_space<vmem>>
      tpu.enqueue_dma source(%dma_start3A_351 : memref<16x512xf32, #tpu.memory_space<vmem>>) target(%dma_start3A_347 : memref<16x512xf32, #tpu.memory_space<hbm>>) target_semaphore(%arg12 : memref<!tpu.dma_semaphore, #tpu.memory_space<semaphore_mem>>)
      %mul3A_352 = arith.constant 2 : i32
      %mul3A_353 = arith.muli %mul3A_352, %scan3A_314 : i32
      %add3A_354 = arith.constant 1 : i32
      %add3A_355 = arith.addi %mul3A_353, %add3A_354 : i32
      %eq3A_356 = arith.constant 0 : i32
      %eq3A_357 = arith.cmpi eq, %scan3A_265, %eq3A_356 : i32
      %eq3A_358 = arith.constant 0 : i32
      %eq3A_359 = arith.cmpi eq, %scan3A_314, %eq3A_358 : i32
      %and3A_360 = arith.andi %eq3A_357, %eq3A_359 : i1
      %not3A_361 = arith.constant true
      %not3A_362 = arith.xori %and3A_360, %not3A_361 : i1
      %convert_element_type3A_363 = arith.extui %not3A_362 : i1 to i32
      %cond3A_364 = arith.constant 0 : i32
      %cond3A_365 = arith.cmpi ne, %convert_element_type3A_363, %cond3A_364 : i32
      scf.if %cond3A_365 {
        %dma_wait3A_392 = arith.constant 1 : i32
        %dma_wait3A_393 = arith.constant 0 : i32
        %dma_wait3A_394 = arith.constant 0 : i32
        %dma_wait3A_395 = arith.constant 0 : i32
        %dma_wait3A_396 = tpu.memref_slice %arg9[%dma_wait3A_392, %dma_wait3A_394, %dma_wait3A_395] : memref<2x16x512xf32, #tpu.memory_space<vmem>> -> memref<1x16x512xf32, #tpu.memory_space<vmem>>
        %dma_wait3A_397 = tpu.memref_squeeze %dma_wait3A_396 : memref<1x16x512xf32, #tpu.memory_space<vmem>> -> memref<16x512xf32, #tpu.memory_space<vmem>>
        %dma_wait3A_398 = arith.constant 0 : i32
        %dma_wait3A_399 = tpu.memref_slice %arg6[%dma_wait3A_393, %dma_wait3A_398, %mul3A_2] : memref<200x16x16384xf32, #tpu.memory_space<hbm>> -> memref<1x16x512xf32, #tpu.memory_space<hbm>>
        %dma_wait3A_400 = tpu.memref_squeeze %dma_wait3A_399 : memref<1x16x512xf32, #tpu.memory_space<hbm>> -> memref<16x512xf32, #tpu.memory_space<hbm>>
        %dma_wait3A_401 = arith.constant 0 : i32
        %dma_wait3A_402 = tpu.memref_slice %arg6[%dma_wait3A_393, %dma_wait3A_401, %mul3A_2] : memref<200x16x16384xf32, #tpu.memory_space<hbm>> -> memref<1x16x512xf32, #tpu.memory_space<hbm>>
        %dma_wait3A_403 = tpu.memref_squeeze %dma_wait3A_402 : memref<1x16x512xf32, #tpu.memory_space<hbm>> -> memref<16x512xf32, #tpu.memory_space<hbm>>
        %dma_wait3A_404 = arith.constant 0 : i32
        %dma_wait3A_405 = arith.constant 0 : i32
        %dma_wait3A_406 = tpu.memref_slice %arg9[%dma_wait3A_392, %dma_wait3A_404, %dma_wait3A_405] : memref<2x16x512xf32, #tpu.memory_space<vmem>> -> memref<1x16x512xf32, #tpu.memory_space<vmem>>
        %dma_wait3A_407 = tpu.memref_squeeze %dma_wait3A_406 : memref<1x16x512xf32, #tpu.memory_space<vmem>> -> memref<16x512xf32, #tpu.memory_space<vmem>>
        tpu.wait_dma2 semaphore(%arg13 : memref<!tpu.dma_semaphore, #tpu.memory_space<semaphore_mem>>) src(%dma_wait3A_407 : memref<16x512xf32, #tpu.memory_space<vmem>>) dst(%dma_wait3A_403 : memref<16x512xf32, #tpu.memory_space<hbm>>)
      } else {
      }
      %scan3A_366 = arith.constant 0 : i32
      %scan3A_367 = arith.constant 0 : i32
      %scan3A_368 = arith.constant 32 : i32
      %scan3A_369 = arith.addi %scan3A_367, %scan3A_368 : i32
      %scan3A_370 = arith.constant 1 : i32
      %scan3A_371 = scf.for %scan3A_392 = %scan3A_367 to %scan3A_369 step %scan3A_370 iter_args(%scan3A_393 = %scan3A_366) -> (i32)  : i32 {
        %mul3A_394 = arith.constant 16 : i32
        %mul3A_395 = arith.muli %scan3A_392, %mul3A_394 : i32
        %get3A_396 = arith.constant 0 : i32
        %get3A_397 = arith.index_cast %get3A_396 : i32 to index
        %get3A_398 = arith.index_cast %add3A_355 : i32 to index
        %get3A_399 = arith.index_cast %mul3A_395 : i32 to index
        %get3A_400 = tpu.vector_load %arg8[%get3A_397, %get3A_398, %get3A_399] {strides = array<i32>} : memref<2x8x512xi32, #tpu.memory_space<vmem>>, vector<16xi32>,
        %broadcast_in_dim3A = vector.shape_cast %get3A_400 : vector<16xi32> to vector<16x1xi32>
        %gather3A = vector.shape_cast %broadcast_in_dim3A : vector<16x1xi32> to vector<16xi32>
        %gather3A_401 = tpu.dynamic_gather %get3A_158[%gather3A] in [0] : vector<16xf32>, vector<16xi32> -> vector<16xf32>
        %mul3A_402 = arith.constant 16 : i32
        %mul3A_403 = arith.muli %scan3A_392, %mul3A_402 : i32
        %swap3A = arith.constant 1 : i32
        %swap3A_404 = arith.constant 0 : i32
        %swap3A_405 = arith.index_cast %swap3A : i32 to index
        %swap3A_406 = arith.index_cast %swap3A_404 : i32 to index
        %swap3A_407 = arith.index_cast %mul3A_403 : i32 to index
        %swap3A_408 = tpu.vector_load %arg9[%swap3A_405, %swap3A_406, %swap3A_407] {strides = array<i32>} : memref<2x16x512xf32, #tpu.memory_space<vmem>>, vector<16xf32>,
        tpu.vector_store %arg9[%swap3A_405, %swap3A_406, %swap3A_407], %gather3A_401 {strides = array<i32>} : memref<2x16x512xf32, #tpu.memory_space<vmem>>, vector<16xf32>,
        %broadcast_in_dim3A_409 = vector.shape_cast %get3A_400 : vector<16xi32> to vector<16x1xi32>
        %gather3A_410 = vector.shape_cast %broadcast_in_dim3A_409 : vector<16x1xi32> to vector<16xi32>
        %gather3A_411 = tpu.dynamic_gather %get3A_162[%gather3A_410] in [0] : vector<16xf32>, vector<16xi32> -> vector<16xf32>
        %mul3A_412 = arith.constant 16 : i32
        %mul3A_413 = arith.muli %scan3A_392, %mul3A_412 : i32
        %swap3A_414 = arith.constant 1 : i32
        %swap3A_415 = arith.constant 1 : i32
        %swap3A_416 = arith.index_cast %swap3A_414 : i32 to index
        %swap3A_417 = arith.index_cast %swap3A_415 : i32 to index
        %swap3A_418 = arith.index_cast %mul3A_413 : i32 to index
        %swap3A_419 = tpu.vector_load %arg9[%swap3A_416, %swap3A_417, %swap3A_418] {strides = array<i32>} : memref<2x16x512xf32, #tpu.memory_space<vmem>>, vector<16xf32>,
        tpu.vector_store %arg9[%swap3A_416, %swap3A_417, %swap3A_418], %gather3A_411 {strides = array<i32>} : memref<2x16x512xf32, #tpu.memory_space<vmem>>, vector<16xf32>,
        %broadcast_in_dim3A_420 = vector.shape_cast %get3A_400 : vector<16xi32> to vector<16x1xi32>
        %gather3A_421 = vector.shape_cast %broadcast_in_dim3A_420 : vector<16x1xi32> to vector<16xi32>
        %gather3A_422 = tpu.dynamic_gather %get3A_166[%gather3A_421] in [0] : vector<16xf32>, vector<16xi32> -> vector<16xf32>
        %mul3A_423 = arith.constant 16 : i32
        %mul3A_424 = arith.muli %scan3A_392, %mul3A_423 : i32
        %swap3A_425 = arith.constant 1 : i32
        %swap3A_426 = arith.constant 2 : i32
        %swap3A_427 = arith.index_cast %swap3A_425 : i32 to index
        %swap3A_428 = arith.index_cast %swap3A_426 : i32 to index
        %swap3A_429 = arith.index_cast %mul3A_424 : i32 to index
        %swap3A_430 = tpu.vector_load %arg9[%swap3A_427, %swap3A_428, %swap3A_429] {strides = array<i32>} : memref<2x16x512xf32, #tpu.memory_space<vmem>>, vector<16xf32>,
        tpu.vector_store %arg9[%swap3A_427, %swap3A_428, %swap3A_429], %gather3A_422 {strides = array<i32>} : memref<2x16x512xf32, #tpu.memory_space<vmem>>, vector<16xf32>,
        %broadcast_in_dim3A_431 = vector.shape_cast %get3A_400 : vector<16xi32> to vector<16x1xi32>
        %gather3A_432 = vector.shape_cast %broadcast_in_dim3A_431 : vector<16x1xi32> to vector<16xi32>
        %gather3A_433 = tpu.dynamic_gather %get3A_170[%gather3A_432] in [0] : vector<16xf32>, vector<16xi32> -> vector<16xf32>
        %mul3A_434 = arith.constant 16 : i32
        %mul3A_435 = arith.muli %scan3A_392, %mul3A_434 : i32
        %swap3A_436 = arith.constant 1 : i32
        %swap3A_437 = arith.constant 3 : i32
        %swap3A_438 = arith.index_cast %swap3A_436 : i32 to index
        %swap3A_439 = arith.index_cast %swap3A_437 : i32 to index
        %swap3A_440 = arith.index_cast %mul3A_435 : i32 to index
        %swap3A_441 = tpu.vector_load %arg9[%swap3A_438, %swap3A_439, %swap3A_440] {strides = array<i32>} : memref<2x16x512xf32, #tpu.memory_space<vmem>>, vector<16xf32>,
        tpu.vector_store %arg9[%swap3A_438, %swap3A_439, %swap3A_440], %gather3A_433 {strides = array<i32>} : memref<2x16x512xf32, #tpu.memory_space<vmem>>, vector<16xf32>,
        %broadcast_in_dim3A_442 = vector.shape_cast %get3A_400 : vector<16xi32> to vector<16x1xi32>
        %gather3A_443 = vector.shape_cast %broadcast_in_dim3A_442 : vector<16x1xi32> to vector<16xi32>
        %gather3A_444 = tpu.dynamic_gather %get3A_174[%gather3A_443] in [0] : vector<16xf32>, vector<16xi32> -> vector<16xf32>
        %mul3A_445 = arith.constant 16 : i32
        %mul3A_446 = arith.muli %scan3A_392, %mul3A_445 : i32
        %swap3A_447 = arith.constant 1 : i32
        %swap3A_448 = arith.constant 4 : i32
        %swap3A_449 = arith.index_cast %swap3A_447 : i32 to index
        %swap3A_450 = arith.index_cast %swap3A_448 : i32 to index
        %swap3A_451 = arith.index_cast %mul3A_446 : i32 to index
        %swap3A_452 = tpu.vector_load %arg9[%swap3A_449, %swap3A_450, %swap3A_451] {strides = array<i32>} : memref<2x16x512xf32, #tpu.memory_space<vmem>>, vector<16xf32>,
        tpu.vector_store %arg9[%swap3A_449, %swap3A_450, %swap3A_451], %gather3A_444 {strides = array<i32>} : memref<2x16x512xf32, #tpu.memory_space<vmem>>, vector<16xf32>,
        %broadcast_in_dim3A_453 = vector.shape_cast %get3A_400 : vector<16xi32> to vector<16x1xi32>
        %gather3A_454 = vector.shape_cast %broadcast_in_dim3A_453 : vector<16x1xi32> to vector<16xi32>
        %gather3A_455 = tpu.dynamic_gather %get3A_178[%gather3A_454] in [0] : vector<16xf32>, vector<16xi32> -> vector<16xf32>
        %mul3A_456 = arith.constant 16 : i32
        %mul3A_457 = arith.muli %scan3A_392, %mul3A_456 : i32
        %swap3A_458 = arith.constant 1 : i32
        %swap3A_459 = arith.constant 5 : i32
        %swap3A_460 = arith.index_cast %swap3A_458 : i32 to index
        %swap3A_461 = arith.index_cast %swap3A_459 : i32 to index
        %swap3A_462 = arith.index_cast %mul3A_457 : i32 to index
        %swap3A_463 = tpu.vector_load %arg9[%swap3A_460, %swap3A_461, %swap3A_462] {strides = array<i32>} : memref<2x16x512xf32, #tpu.memory_space<vmem>>, vector<16xf32>,
        tpu.vector_store %arg9[%swap3A_460, %swap3A_461, %swap3A_462], %gather3A_455 {strides = array<i32>} : memref<2x16x512xf32, #tpu.memory_space<vmem>>, vector<16xf32>,
        %broadcast_in_dim3A_464 = vector.shape_cast %get3A_400 : vector<16xi32> to vector<16x1xi32>
        %gather3A_465 = vector.shape_cast %broadcast_in_dim3A_464 : vector<16x1xi32> to vector<16xi32>
        %gather3A_466 = tpu.dynamic_gather %get3A_182[%gather3A_465] in [0] : vector<16xf32>, vector<16xi32> -> vector<16xf32>
        %mul3A_467 = arith.constant 16 : i32
        %mul3A_468 = arith.muli %scan3A_392, %mul3A_467 : i32
        %swap3A_469 = arith.constant 1 : i32
        %swap3A_470 = arith.constant 6 : i32
        %swap3A_471 = arith.index_cast %swap3A_469 : i32 to index
        %swap3A_472 = arith.index_cast %swap3A_470 : i32 to index
        %swap3A_473 = arith.index_cast %mul3A_468 : i32 to index
        %swap3A_474 = tpu.vector_load %arg9[%swap3A_471, %swap3A_472, %swap3A_473] {strides = array<i32>} : memref<2x16x512xf32, #tpu.memory_space<vmem>>, vector<16xf32>,
        tpu.vector_store %arg9[%swap3A_471, %swap3A_472, %swap3A_473], %gather3A_466 {strides = array<i32>} : memref<2x16x512xf32, #tpu.memory_space<vmem>>, vector<16xf32>,
        %broadcast_in_dim3A_475 = vector.shape_cast %get3A_400 : vector<16xi32> to vector<16x1xi32>
        %gather3A_476 = vector.shape_cast %broadcast_in_dim3A_475 : vector<16x1xi32> to vector<16xi32>
        %gather3A_477 = tpu.dynamic_gather %get3A_186[%gather3A_476] in [0] : vector<16xf32>, vector<16xi32> -> vector<16xf32>
        %mul3A_478 = arith.constant 16 : i32
        %mul3A_479 = arith.muli %scan3A_392, %mul3A_478 : i32
        %swap3A_480 = arith.constant 1 : i32
        %swap3A_481 = arith.constant 7 : i32
        %swap3A_482 = arith.index_cast %swap3A_480 : i32 to index
        %swap3A_483 = arith.index_cast %swap3A_481 : i32 to index
        %swap3A_484 = arith.index_cast %mul3A_479 : i32 to index
        %swap3A_485 = tpu.vector_load %arg9[%swap3A_482, %swap3A_483, %swap3A_484] {strides = array<i32>} : memref<2x16x512xf32, #tpu.memory_space<vmem>>, vector<16xf32>,
        tpu.vector_store %arg9[%swap3A_482, %swap3A_483, %swap3A_484], %gather3A_477 {strides = array<i32>} : memref<2x16x512xf32, #tpu.memory_space<vmem>>, vector<16xf32>,
        %broadcast_in_dim3A_486 = vector.shape_cast %get3A_400 : vector<16xi32> to vector<16x1xi32>
        %gather3A_487 = vector.shape_cast %broadcast_in_dim3A_486 : vector<16x1xi32> to vector<16xi32>
        %gather3A_488 = tpu.dynamic_gather %get3A_190[%gather3A_487] in [0] : vector<16xf32>, vector<16xi32> -> vector<16xf32>
        %mul3A_489 = arith.constant 16 : i32
        %mul3A_490 = arith.muli %scan3A_392, %mul3A_489 : i32
        %swap3A_491 = arith.constant 1 : i32
        %swap3A_492 = arith.constant 8 : i32
        %swap3A_493 = arith.index_cast %swap3A_491 : i32 to index
        %swap3A_494 = arith.index_cast %swap3A_492 : i32 to index
        %swap3A_495 = arith.index_cast %mul3A_490 : i32 to index
        %swap3A_496 = tpu.vector_load %arg9[%swap3A_493, %swap3A_494, %swap3A_495] {strides = array<i32>} : memref<2x16x512xf32, #tpu.memory_space<vmem>>, vector<16xf32>,
        tpu.vector_store %arg9[%swap3A_493, %swap3A_494, %swap3A_495], %gather3A_488 {strides = array<i32>} : memref<2x16x512xf32, #tpu.memory_space<vmem>>, vector<16xf32>,
        %broadcast_in_dim3A_497 = vector.shape_cast %get3A_400 : vector<16xi32> to vector<16x1xi32>
        %gather3A_498 = vector.shape_cast %broadcast_in_dim3A_497 : vector<16x1xi32> to vector<16xi32>
        %gather3A_499 = tpu.dynamic_gather %get3A_194[%gather3A_498] in [0] : vector<16xf32>, vector<16xi32> -> vector<16xf32>
        %mul3A_500 = arith.constant 16 : i32
        %mul3A_501 = arith.muli %scan3A_392, %mul3A_500 : i32
        %swap3A_502 = arith.constant 1 : i32
        %swap3A_503 = arith.constant 9 : i32
        %swap3A_504 = arith.index_cast %swap3A_502 : i32 to index
        %swap3A_505 = arith.index_cast %swap3A_503 : i32 to index
        %swap3A_506 = arith.index_cast %mul3A_501 : i32 to index
        %swap3A_507 = tpu.vector_load %arg9[%swap3A_504, %swap3A_505, %swap3A_506] {strides = array<i32>} : memref<2x16x512xf32, #tpu.memory_space<vmem>>, vector<16xf32>,
        tpu.vector_store %arg9[%swap3A_504, %swap3A_505, %swap3A_506], %gather3A_499 {strides = array<i32>} : memref<2x16x512xf32, #tpu.memory_space<vmem>>, vector<16xf32>,
        %broadcast_in_dim3A_508 = vector.shape_cast %get3A_400 : vector<16xi32> to vector<16x1xi32>
        %gather3A_509 = vector.shape_cast %broadcast_in_dim3A_508 : vector<16x1xi32> to vector<16xi32>
        %gather3A_510 = tpu.dynamic_gather %get3A_198[%gather3A_509] in [0] : vector<16xf32>, vector<16xi32> -> vector<16xf32>
        %mul3A_511 = arith.constant 16 : i32
        %mul3A_512 = arith.muli %scan3A_392, %mul3A_511 : i32
        %swap3A_513 = arith.constant 1 : i32
        %swap3A_514 = arith.constant 10 : i32
        %swap3A_515 = arith.index_cast %swap3A_513 : i32 to index
        %swap3A_516 = arith.index_cast %swap3A_514 : i32 to index
        %swap3A_517 = arith.index_cast %mul3A_512 : i32 to index
        %swap3A_518 = tpu.vector_load %arg9[%swap3A_515, %swap3A_516, %swap3A_517] {strides = array<i32>} : memref<2x16x512xf32, #tpu.memory_space<vmem>>, vector<16xf32>,
        tpu.vector_store %arg9[%swap3A_515, %swap3A_516, %swap3A_517], %gather3A_510 {strides = array<i32>} : memref<2x16x512xf32, #tpu.memory_space<vmem>>, vector<16xf32>,
        %broadcast_in_dim3A_519 = vector.shape_cast %get3A_400 : vector<16xi32> to vector<16x1xi32>
        %gather3A_520 = vector.shape_cast %broadcast_in_dim3A_519 : vector<16x1xi32> to vector<16xi32>
        %gather3A_521 = tpu.dynamic_gather %get3A_202[%gather3A_520] in [0] : vector<16xf32>, vector<16xi32> -> vector<16xf32>
        %mul3A_522 = arith.constant 16 : i32
        %mul3A_523 = arith.muli %scan3A_392, %mul3A_522 : i32
        %swap3A_524 = arith.constant 1 : i32
        %swap3A_525 = arith.constant 11 : i32
        %swap3A_526 = arith.index_cast %swap3A_524 : i32 to index
        %swap3A_527 = arith.index_cast %swap3A_525 : i32 to index
        %swap3A_528 = arith.index_cast %mul3A_523 : i32 to index
        %swap3A_529 = tpu.vector_load %arg9[%swap3A_526, %swap3A_527, %swap3A_528] {strides = array<i32>} : memref<2x16x512xf32, #tpu.memory_space<vmem>>, vector<16xf32>,
        tpu.vector_store %arg9[%swap3A_526, %swap3A_527, %swap3A_528], %gather3A_521 {strides = array<i32>} : memref<2x16x512xf32, #tpu.memory_space<vmem>>, vector<16xf32>,
        %broadcast_in_dim3A_530 = vector.shape_cast %get3A_400 : vector<16xi32> to vector<16x1xi32>
        %gather3A_531 = vector.shape_cast %broadcast_in_dim3A_530 : vector<16x1xi32> to vector<16xi32>
        %gather3A_532 = tpu.dynamic_gather %get3A_206[%gather3A_531] in [0] : vector<16xf32>, vector<16xi32> -> vector<16xf32>
        %mul3A_533 = arith.constant 16 : i32
        %mul3A_534 = arith.muli %scan3A_392, %mul3A_533 : i32
        %swap3A_535 = arith.constant 1 : i32
        %swap3A_536 = arith.constant 12 : i32
        %swap3A_537 = arith.index_cast %swap3A_535 : i32 to index
        %swap3A_538 = arith.index_cast %swap3A_536 : i32 to index
        %swap3A_539 = arith.index_cast %mul3A_534 : i32 to index
        %swap3A_540 = tpu.vector_load %arg9[%swap3A_537, %swap3A_538, %swap3A_539] {strides = array<i32>} : memref<2x16x512xf32, #tpu.memory_space<vmem>>, vector<16xf32>,
        tpu.vector_store %arg9[%swap3A_537, %swap3A_538, %swap3A_539], %gather3A_532 {strides = array<i32>} : memref<2x16x512xf32, #tpu.memory_space<vmem>>, vector<16xf32>,
        %broadcast_in_dim3A_541 = vector.shape_cast %get3A_400 : vector<16xi32> to vector<16x1xi32>
        %gather3A_542 = vector.shape_cast %broadcast_in_dim3A_541 : vector<16x1xi32> to vector<16xi32>
        %gather3A_543 = tpu.dynamic_gather %get3A_210[%gather3A_542] in [0] : vector<16xf32>, vector<16xi32> -> vector<16xf32>
        %mul3A_544 = arith.constant 16 : i32
        %mul3A_545 = arith.muli %scan3A_392, %mul3A_544 : i32
        %swap3A_546 = arith.constant 1 : i32
        %swap3A_547 = arith.constant 13 : i32
        %swap3A_548 = arith.index_cast %swap3A_546 : i32 to index
        %swap3A_549 = arith.index_cast %swap3A_547 : i32 to index
        %swap3A_550 = arith.index_cast %mul3A_545 : i32 to index
        %swap3A_551 = tpu.vector_load %arg9[%swap3A_548, %swap3A_549, %swap3A_550] {strides = array<i32>} : memref<2x16x512xf32, #tpu.memory_space<vmem>>, vector<16xf32>,
        tpu.vector_store %arg9[%swap3A_548, %swap3A_549, %swap3A_550], %gather3A_543 {strides = array<i32>} : memref<2x16x512xf32, #tpu.memory_space<vmem>>, vector<16xf32>,
        %broadcast_in_dim3A_552 = vector.shape_cast %get3A_400 : vector<16xi32> to vector<16x1xi32>
        %gather3A_553 = vector.shape_cast %broadcast_in_dim3A_552 : vector<16x1xi32> to vector<16xi32>
        %gather3A_554 = tpu.dynamic_gather %get3A_214[%gather3A_553] in [0] : vector<16xf32>, vector<16xi32> -> vector<16xf32>
        %mul3A_555 = arith.constant 16 : i32
        %mul3A_556 = arith.muli %scan3A_392, %mul3A_555 : i32
        %swap3A_557 = arith.constant 1 : i32
        %swap3A_558 = arith.constant 14 : i32
        %swap3A_559 = arith.index_cast %swap3A_557 : i32 to index
        %swap3A_560 = arith.index_cast %swap3A_558 : i32 to index
        %swap3A_561 = arith.index_cast %mul3A_556 : i32 to index
        %swap3A_562 = tpu.vector_load %arg9[%swap3A_559, %swap3A_560, %swap3A_561] {strides = array<i32>} : memref<2x16x512xf32, #tpu.memory_space<vmem>>, vector<16xf32>,
        tpu.vector_store %arg9[%swap3A_559, %swap3A_560, %swap3A_561], %gather3A_554 {strides = array<i32>} : memref<2x16x512xf32, #tpu.memory_space<vmem>>, vector<16xf32>,
        %broadcast_in_dim3A_563 = vector.shape_cast %get3A_400 : vector<16xi32> to vector<16x1xi32>
        %gather3A_564 = vector.shape_cast %broadcast_in_dim3A_563 : vector<16x1xi32> to vector<16xi32>
        %gather3A_565 = tpu.dynamic_gather %get3A_218[%gather3A_564] in [0] : vector<16xf32>, vector<16xi32> -> vector<16xf32>
        %mul3A_566 = arith.constant 16 : i32
        %mul3A_567 = arith.muli %scan3A_392, %mul3A_566 : i32
        %swap3A_568 = arith.constant 1 : i32
        %swap3A_569 = arith.constant 15 : i32
        %swap3A_570 = arith.index_cast %swap3A_568 : i32 to index
        %swap3A_571 = arith.index_cast %swap3A_569 : i32 to index
        %swap3A_572 = arith.index_cast %mul3A_567 : i32 to index
        %swap3A_573 = tpu.vector_load %arg9[%swap3A_570, %swap3A_571, %swap3A_572] {strides = array<i32>} : memref<2x16x512xf32, #tpu.memory_space<vmem>>, vector<16xf32>,
        tpu.vector_store %arg9[%swap3A_570, %swap3A_571, %swap3A_572], %gather3A_565 {strides = array<i32>} : memref<2x16x512xf32, #tpu.memory_space<vmem>>, vector<16xf32>,
        %scan3A_574 = arith.constant 0 : i32
        scf.yield %scan3A_574 : i32
      }
      %scan3A_372 = arith.constant 32 : i32
      %mul3A_373 = arith.constant 8 : i32
      %mul3A_374 = arith.muli %scan3A_265, %mul3A_373 : i32
      %add3A_375 = arith.addi %mul3A_374, %add3A_355 : i32
      %dma_start3A_376 = arith.constant 1 : i32
      %dma_start3A_377 = arith.constant 0 : i32
      %dma_start3A_378 = arith.constant 0 : i32
      %dma_start3A_379 = tpu.memref_slice %arg9[%dma_start3A_376, %dma_start3A_377, %dma_start3A_378] : memref<2x16x512xf32, #tpu.memory_space<vmem>> -> memref<1x16x512xf32, #tpu.memory_space<vmem>>
      %dma_start3A_380 = tpu.memref_squeeze %dma_start3A_379 : memref<1x16x512xf32, #tpu.memory_space<vmem>> -> memref<16x512xf32, #tpu.memory_space<vmem>>
      %dma_start3A_381 = arith.constant 0 : i32
      %dma_start3A_382 = tpu.memref_slice %arg6[%add3A_375, %dma_start3A_381, %mul3A_2] : memref<200x16x16384xf32, #tpu.memory_space<hbm>> -> memref<1x16x512xf32, #tpu.memory_space<hbm>>
      %dma_start3A_383 = tpu.memref_squeeze %dma_start3A_382 : memref<1x16x512xf32, #tpu.memory_space<hbm>> -> memref<16x512xf32, #tpu.memory_space<hbm>>
      %dma_start3A_384 = arith.constant 0 : i32
      %dma_start3A_385 = tpu.memref_slice %arg6[%add3A_375, %dma_start3A_384, %mul3A_2] : memref<200x16x16384xf32, #tpu.memory_space<hbm>> -> memref<1x16x512xf32, #tpu.memory_space<hbm>>
      %dma_start3A_386 = tpu.memref_squeeze %dma_start3A_385 : memref<1x16x512xf32, #tpu.memory_space<hbm>> -> memref<16x512xf32, #tpu.memory_space<hbm>>
      %dma_start3A_387 = arith.constant 0 : i32
      %dma_start3A_388 = arith.constant 0 : i32
      %dma_start3A_389 = tpu.memref_slice %arg9[%dma_start3A_376, %dma_start3A_387, %dma_start3A_388] : memref<2x16x512xf32, #tpu.memory_space<vmem>> -> memref<1x16x512xf32, #tpu.memory_space<vmem>>
      %dma_start3A_390 = tpu.memref_squeeze %dma_start3A_389 : memref<1x16x512xf32, #tpu.memory_space<vmem>> -> memref<16x512xf32, #tpu.memory_space<vmem>>
      tpu.enqueue_dma source(%dma_start3A_390 : memref<16x512xf32, #tpu.memory_space<vmem>>) target(%dma_start3A_386 : memref<16x512xf32, #tpu.memory_space<hbm>>) target_semaphore(%arg13 : memref<!tpu.dma_semaphore, #tpu.memory_space<semaphore_mem>>)
      %scan3A_391 = arith.constant 0 : i32
      scf.yield %scan3A_391 : i32
    }
    %scan3A_272 = arith.constant 4 : i32
    %add3A_273 = arith.constant 24 : i32
    %add3A_274 = arith.constant 2 : i32
    %add3A_275 = arith.addi %add3A_273, %add3A_274 : i32
    %lt3A_276 = arith.constant 25 : i32
    %lt3A_277 = arith.cmpi slt, %add3A_275, %lt3A_276 : i32
    %convert_element_type3A_278 = arith.extui %lt3A_277 : i1 to i32
    %cond3A_279 = arith.constant 24 : i32
    %cond3A_280 = arith.constant 0 : i32
    %cond3A_281 = arith.cmpi ne, %convert_element_type3A_278, %cond3A_280 : i32
    scf.if %cond3A_281 {
      %add3A_314 = arith.constant 2 : i32
      %add3A_315 = arith.addi %cond3A_279, %add3A_314 : i32
      %mul3A_316 = arith.constant 8 : i32
      %mul3A_317 = arith.muli %add3A_315, %mul3A_316 : i32
      %dma_start3A_318 = arith.constant 0 : i32
      %dma_start3A_319 = arith.constant 0 : i32
      %dma_start3A_320 = arith.constant 0 : i32
      %dma_start3A_321 = tpu.memref_slice %arg8[%dma_start3A_318, %dma_start3A_319, %dma_start3A_320] : memref<2x8x512xi32, #tpu.memory_space<vmem>> -> memref<1x8x512xi32, #tpu.memory_space<vmem>>
      %dma_start3A_322 = tpu.memref_squeeze %dma_start3A_321 : memref<1x8x512xi32, #tpu.memory_space<vmem>> -> memref<8x512xi32, #tpu.memory_space<vmem>>
      %dma_start3A_323 = tpu.memref_slice %arg3[%mul3A_317, %mul3A_2] : memref<200x16384xi32, #tpu.memory_space<hbm>> -> memref<8x512xi32, #tpu.memory_space<hbm>>
      %dma_start3A_324 = arith.constant 0 : i32
      %dma_start3A_325 = arith.constant 0 : i32
      %dma_start3A_326 = tpu.memref_slice %arg8[%dma_start3A_318, %dma_start3A_324, %dma_start3A_325] : memref<2x8x512xi32, #tpu.memory_space<vmem>> -> memref<1x8x512xi32, #tpu.memory_space<vmem>>
      %dma_start3A_327 = tpu.memref_squeeze %dma_start3A_326 : memref<1x8x512xi32, #tpu.memory_space<vmem>> -> memref<8x512xi32, #tpu.memory_space<vmem>>
      %dma_start3A_328 = tpu.memref_slice %arg3[%mul3A_317, %mul3A_2] : memref<200x16384xi32, #tpu.memory_space<hbm>> -> memref<8x512xi32, #tpu.memory_space<hbm>>
      tpu.enqueue_dma source(%dma_start3A_328 : memref<8x512xi32, #tpu.memory_space<hbm>>) target(%dma_start3A_327 : memref<8x512xi32, #tpu.memory_space<vmem>>) target_semaphore(%arg10 : memref<!tpu.dma_semaphore, #tpu.memory_space<semaphore_mem>>)
    } else {
    }
    %dma_wait3A_282 = arith.constant 0 : i32
    %dma_wait3A_283 = arith.constant 0 : i32
    %dma_wait3A_284 = arith.constant 0 : i32
    %dma_wait3A_285 = arith.constant 0 : i32
    %dma_wait3A_286 = tpu.memref_slice %arg9[%dma_wait3A_282, %dma_wait3A_284, %dma_wait3A_285] : memref<2x16x512xf32, #tpu.memory_space<vmem>> -> memref<1x16x512xf32, #tpu.memory_space<vmem>>
    %dma_wait3A_287 = tpu.memref_squeeze %dma_wait3A_286 : memref<1x16x512xf32, #tpu.memory_space<vmem>> -> memref<16x512xf32, #tpu.memory_space<vmem>>
    %dma_wait3A_288 = arith.constant 0 : i32
    %dma_wait3A_289 = tpu.memref_slice %arg6[%dma_wait3A_283, %dma_wait3A_288, %mul3A_2] : memref<200x16x16384xf32, #tpu.memory_space<hbm>> -> memref<1x16x512xf32, #tpu.memory_space<hbm>>
    %dma_wait3A_290 = tpu.memref_squeeze %dma_wait3A_289 : memref<1x16x512xf32, #tpu.memory_space<hbm>> -> memref<16x512xf32, #tpu.memory_space<hbm>>
    %dma_wait3A_291 = arith.constant 0 : i32
    %dma_wait3A_292 = tpu.memref_slice %arg6[%dma_wait3A_283, %dma_wait3A_291, %mul3A_2] : memref<200x16x16384xf32, #tpu.memory_space<hbm>> -> memref<1x16x512xf32, #tpu.memory_space<hbm>>
    %dma_wait3A_293 = tpu.memref_squeeze %dma_wait3A_292 : memref<1x16x512xf32, #tpu.memory_space<hbm>> -> memref<16x512xf32, #tpu.memory_space<hbm>>
    %dma_wait3A_294 = arith.constant 0 : i32
    %dma_wait3A_295 = arith.constant 0 : i32
    %dma_wait3A_296 = tpu.memref_slice %arg9[%dma_wait3A_282, %dma_wait3A_294, %dma_wait3A_295] : memref<2x16x512xf32, #tpu.memory_space<vmem>> -> memref<1x16x512xf32, #tpu.memory_space<vmem>>
    %dma_wait3A_297 = tpu.memref_squeeze %dma_wait3A_296 : memref<1x16x512xf32, #tpu.memory_space<vmem>> -> memref<16x512xf32, #tpu.memory_space<vmem>>
    tpu.wait_dma2 semaphore(%arg12 : memref<!tpu.dma_semaphore, #tpu.memory_space<semaphore_mem>>) src(%dma_wait3A_297 : memref<16x512xf32, #tpu.memory_space<vmem>>) dst(%dma_wait3A_293 : memref<16x512xf32, #tpu.memory_space<hbm>>)
    %dma_wait3A_298 = arith.constant 1 : i32
    %dma_wait3A_299 = arith.constant 0 : i32
    %dma_wait3A_300 = arith.constant 0 : i32
    %dma_wait3A_301 = arith.constant 0 : i32
    %dma_wait3A_302 = tpu.memref_slice %arg9[%dma_wait3A_298, %dma_wait3A_300, %dma_wait3A_301] : memref<2x16x512xf32, #tpu.memory_space<vmem>> -> memref<1x16x512xf32, #tpu.memory_space<vmem>>
    %dma_wait3A_303 = tpu.memref_squeeze %dma_wait3A_302 : memref<1x16x512xf32, #tpu.memory_space<vmem>> -> memref<16x512xf32, #tpu.memory_space<vmem>>
    %dma_wait3A_304 = arith.constant 0 : i32
    %dma_wait3A_305 = tpu.memref_slice %arg6[%dma_wait3A_299, %dma_wait3A_304, %mul3A_2] : memref<200x16x16384xf32, #tpu.memory_space<hbm>> -> memref<1x16x512xf32, #tpu.memory_space<hbm>>
    %dma_wait3A_306 = tpu.memref_squeeze %dma_wait3A_305 : memref<1x16x512xf32, #tpu.memory_space<hbm>> -> memref<16x512xf32, #tpu.memory_space<hbm>>
    %dma_wait3A_307 = arith.constant 0 : i32
    %dma_wait3A_308 = tpu.memref_slice %arg6[%dma_wait3A_299, %dma_wait3A_307, %mul3A_2] : memref<200x16x16384xf32, #tpu.memory_space<hbm>> -> memref<1x16x512xf32, #tpu.memory_space<hbm>>
    %dma_wait3A_309 = tpu.memref_squeeze %dma_wait3A_308 : memref<1x16x512xf32, #tpu.memory_space<hbm>> -> memref<16x512xf32, #tpu.memory_space<hbm>>
    %dma_wait3A_310 = arith.constant 0 : i32
    %dma_wait3A_311 = arith.constant 0 : i32
    %dma_wait3A_312 = tpu.memref_slice %arg9[%dma_wait3A_298, %dma_wait3A_310, %dma_wait3A_311] : memref<2x16x512xf32, #tpu.memory_space<vmem>> -> memref<1x16x512xf32, #tpu.memory_space<vmem>>
    %dma_wait3A_313 = tpu.memref_squeeze %dma_wait3A_312 : memref<1x16x512xf32, #tpu.memory_space<vmem>> -> memref<16x512xf32, #tpu.memory_space<vmem>>
    tpu.wait_dma2 semaphore(%arg13 : memref<!tpu.dma_semaphore, #tpu.memory_space<semaphore_mem>>) src(%dma_wait3A_313 : memref<16x512xf32, #tpu.memory_space<vmem>>) dst(%dma_wait3A_309 : memref<16x512xf32, #tpu.memory_space<hbm>>)
    return
  }
}

</mosaic_0001>

<sc_bundles>
// kernel: _run.3.cloned.1.call-start
scs
__scs_entry_jumppad:
0x0: {  	(pc) =	sbr.rel $0x88, $3  }
0x1: {  	(tag) =	ssettag $0x0;
	lr =	simm.s32 $0x1  }
0x2: {  	[smem:$0x3F9E] =	sst lr;
	_ =	strace $0xD0000000  }
0x3: {  	_ = 	snop  }
0x4: {  	_ = 	snop  }
0x5: {  	_ = 	snop  }
0x6: {  	_ = 	snop  }
0x7: {  	_ = 	snop  }
__scs_overlays_trampoline_lowered:
0x8: {  	[smem:$0x3FAD] =	sst s0  }
0x9: {  	[smem:$0x3FAE] =	sst s1  }
0xa: {  	[smem:$0x3FAF] =	sst s2  }
0xb: {  	[smem:$0x3FB0] =	sst s3  }
0xc: {  	[smem:$0x3FB1] =	sst s4  }
0xd: {  	[smem:$0x3FB2] =	sst s5  }
0xe: {  	[smem:$0x3FB3] =	sst s6  }
0xf: {  	[smem:$0x3FB4] =	sst s7  }
0x10: {  	[smem:$0x3FB5] =	sst s8  }
0x11: {  	[smem:$0x3FB6] =	sst s9;
	s0 =	simm.s32 @!p0 $0x0  }
0x12: {  	s1 =	sld [smem:$0x3F9C];
	s0 =	simm.s32 @p0 $0x1  }
0x13: {  	[smem:$0x3FB7] =	sst s0;
	s0 =	simm.s32 @!p1 $0x0  }
0x14: {  	s2 =	sld [smem:$0x3F9B];
	s0 =	simm.s32 @p1 $0x1  }
0x15: {  	[smem:$0x3FB8] =	sst s0;
	s0 =	simm.s32 @!p2 $0x0  }
0x16: {  	s3 =	sld [smem:$0x3FDB];
	s0 =	simm.s32 @p2 $0x1  }
0x17: {  	s4 =	simm.s32 $0x1BF5;
	[smem:$0x3FBA] =	sst s0  }
0x18: {  	s0 =	sld [smem:$0x3F9D];
	_ =	swait.ge [sflag:s4], $0x0  }
0x19: {  	s7 =	sld [smem:$0x3F9E]  }
0x1a: {  	s8 =	sadd.s32 $0xFFFFE003, lr  }
0x1b: {  	s9 =	sadd.s32 $0xFFFFFEF7, lr;
	s5 =	simm.s32 $0xFFFFFFFF;
	p2 =	slt.u32 s8, $0xFFFFF086  }
0x1c: {  	p1 =	slt.u32 s9, $0xF7A;
	s5 =	simm.s32 @!p2 $0x0  }
0x1d: {  	s5 =	simm.s32 @p1 $0x1;
	p0 =	seq.s32 s7, s2  }
0x1e: {  	s7 =	smul.u32 @!p0 $0xF7A, s2;
	p2 =	seq.s32 @!p0 s5, $0x0  }
0x1f: {  	s9 =	smul.u32 $0xF7A, s1;
	s8 =	simm.s32 @!p0 $0x1BF5;
	p2 =	por !p2, p0  }
0x20: {  	[sflag:s8] =	ssyncset.s32 @!p0 $0xFFFFF086;
	s6 =	sadd.s32 @!p0 s3, s7;
	s7 =	simm.s32 @!p0 $0x108  }
0x21: {  	s3 =	sadd.s32 s3, s9;
	s6 =	sadd.s32 @!p0 $0x88, s6;
	s7 =	simm.s32 @p2 $0x1082  }
0x22: {  	[simem:s7], [sflag:s8] =	dma.local @!p0 [hbm:s6], $0xF7A  }
0x23: {  	s9 =	sor.u32 $0xD0000000, s2;
	s6 =	simm.s32 $0x108;
	_ =	swait.ge @!p0 [sflag:s8], $0x0  }
0x24: {  	s3 =	sadd.s32 $0x88, s3;
	s6 =	simm.s32 @!p1 $0x1082;
	[sflag:s4] =	ssyncset.s32 $0xFFFFF086  }
0x25: {  	[simem:s6], [sflag:s4] =	dma.local [hbm:s3], $0xF7A  }
0x26: {  	[smem:$0x3F9E] =	sst s1;
	(tag) =	ssettag s2;
	_ =	strace s9  }
0x27: {  	s1 =	sld [smem:$0x3FAE]  }
0x28: {  	s2 =	sld [smem:$0x3FAF]  }
0x29: {  	s4 =	sld [smem:$0x3FB1]  }
0x2a: {  	p0 =	seq.s32 s5, $0x0;
	s5 =	sld [smem:$0x3FB2]  }
0x2b: {  	s6 =	sld [smem:$0x3FB3]  }
0x2c: {  	s7 =	sld [smem:$0x3FB4]  }
0x2d: {  	s3 =	simm.s32 $0x108;
	s8 =	sld [smem:$0x3FB5]  }
0x2e: {  	s3 =	simm.s32 @!p0 $0x1082;
	s9 =	sld [smem:$0x3FB6]  }
0x2f: {  	lr =	sadd.s32 s0, s3;
	s0 =	sld [smem:$0x3FAD]  }
0x30: {  	s3 =	sld [smem:$0x3FB0]  }
0x31: {  	[smem:$0x3FB9] =	sst s10  }
0x32: {  	s10 =	sld [smem:$0x3FB7];
	_ =	sdelay $0x3  }
0x33: {  	p0 =	seq.s32 s10, $0x1;
	s10 =	sld [smem:$0x3FB9];
	_ =	sdelay $0x3  }
0x34: {  	[smem:$0x3FB9] =	sst s10  }
0x35: {  	s10 =	sld [smem:$0x3FB8];
	_ =	sdelay $0x3  }
0x36: {  	p1 =	seq.s32 s10, $0x1;
	s10 =	sld [smem:$0x3FB9];
	_ =	sdelay $0x3  }
0x37: {  	[smem:$0x3FB9] =	sst s10  }
0x38: {  	s10 =	sld [smem:$0x3FBA]  }
0x39: {  	_ = 	snop;
	(pc) =	sbr.ind lr, $3  }
0x3a: {  	_ = 	snop  }
0x3b: {  	_ = 	snop  }
0x3c: {  	p2 =	seq.s32 s10, $0x1;
	s10 =	sld [smem:$0x3FB9]  }
0x3d: {  	_ =	shalt  }
0x3e: {  	_ =	shalt  }
0x3f: {  	_ =	shalt  }
0x40: {  	_ =	shalt  }
0x41: {  	_ =	shalt  }
0x42: {  	_ =	shalt  }
0x43: {  	_ =	shalt  }
0x44: {  	_ =	shalt  }
0x45: {  	_ =	shalt  }
0x46: {  	_ =	shalt  }
0x47: {  	_ =	shalt  }
0x48: {  	_ =	shalt  }
0x49: {  	_ =	shalt  }
0x4a: {  	_ =	shalt  }
0x4b: {  	_ =	shalt  }
0x4c: {  	_ =	shalt  }
0x4d: {  	_ =	shalt  }
0x4e: {  	_ =	shalt  }
0x4f: {  	_ =	shalt  }
0x50: {  	_ =	shalt  }
0x51: {  	_ =	shalt  }
0x52: {  	_ =	shalt  }
0x53: {  	_ =	shalt  }
0x54: {  	_ =	shalt  }
0x55: {  	_ =	shalt  }
0x56: {  	_ =	shalt  }
0x57: {  	_ =	shalt  }
0x58: {  	_ =	shalt  }
0x59: {  	_ =	shalt  }
0x5a: {  	_ =	shalt  }
0x5b: {  	_ =	shalt  }
0x5c: {  	_ =	shalt  }
0x5d: {  	_ =	shalt  }
0x5e: {  	_ =	shalt  }
0x5f: {  	_ =	shalt  }
0x60: {  	_ =	shalt  }
0x61: {  	_ =	shalt  }
0x62: {  	_ =	shalt  }
0x63: {  	_ =	shalt  }
0x64: {  	_ =	shalt  }
0x65: {  	_ =	shalt  }
0x66: {  	_ =	shalt  }
0x67: {  	_ =	shalt  }
0x68: {  	_ =	shalt  }
0x69: {  	_ =	shalt  }
0x6a: {  	_ =	shalt  }
0x6b: {  	_ =	shalt  }
0x6c: {  	_ =	shalt  }
0x6d: {  	_ =	shalt  }
0x6e: {  	_ =	shalt  }
0x6f: {  	_ =	shalt  }
0x70: {  	_ =	shalt  }
0x71: {  	_ =	shalt  }
0x72: {  	_ =	shalt  }
0x73: {  	_ =	shalt  }
0x74: {  	_ =	shalt  }
0x75: {  	_ =	shalt  }
0x76: {  	_ =	shalt  }
0x77: {  	_ =	shalt  }
0x78: {  	_ =	shalt  }
0x79: {  	_ =	shalt  }
0x7a: {  	_ =	shalt  }
0x7b: {  	_ =	shalt  }
0x7c: {  	_ =	shalt  }
0x7d: {  	_ =	shalt  }
0x7e: {  	_ =	shalt  }
0x7f: {  	_ =	shalt  }
0x80: {  	_ =	shalt  }
0x81: {  	_ =	shalt  }
0x82: {  	_ =	shalt  }
0x83: {  	_ =	shalt  }
0x84: {  	_ =	shalt  }
0x85: {  	_ =	shalt  }
0x86: {  	_ =	shalt  }
0x87: {  	_ =	shalt  }
.Lfunc_end0:
.L_simem_size_0:
called_computation_lowered:
.L_overlay_start_0:
0x88: {  	s2 =	sld [smem:$0x3FD9]  }
0x89: {  	s3 =	sld [smem:$0x3FFE];
	_ =	sdelay $0x1  }
0x8a: {  	s1 =	srdreg.scid  }
0x8b: {  	s0 =	sand.u32 $0x1, s1  }
0x8c: {  	s15 =	sshll.u32 s0, $0xA;
	s2 =	sadd.s32 s3, s2  }
0x8d: {  	s2 =	sadd.s32 s2, s15  }
0x8e: {  	[smem:$0x3FC5] =	sst s2  }
0x8f: {  	_ = 	snop  }
0x90: {  	s2 =	sld [smem:$0x3FD0]  }
0x91: {  	s16 =	sld [smem:$0x3FC9]  }
0x92: {  	s4 =	sld [smem:$0x3FC8]  }
0x93: {  	s6 =	simm.s32 $0xA;
	s7 =	simm.s32 $0x10;
	s5 =	sld [smem:$0x3FC7]  }
0x94: {  	[smem:s7], [sflag:s6] =	dma.local [hbm:s2], $0x1  }
0x95: {  	_ =	swait.eq [sflag:s6], $0x1  }
0x96: {  	[sflag:s6] =	ssyncset.done $0x0  }
0x97: {  	s17 =	sld [smem:$0x10];
	[sflag:s6] =	ssyncadd.s32 $0xFFFFFFFF  }
0x98: {  	s18 =	sld [smem:$0x11];
	(tm) =	ssettm $0x1  }
0x99: {  	s19 =	sld [smem:$0x3FFB];
	_ =	sdelay $0x3  }
0x9a: {  	_ =	strace s19  }
0x9b: {  	s7 =	sld [smem:$0x3FFC];
	_ =	sdelay $0x3  }
0x9c: {  	_ =	strace s7  }
0x9d: {  	s7 =	sld [smem:$0x3FFD];
	_ =	sdelay $0x3  }
0x9e: {  	_ =	strace s7  }
0x9f: {  	_ =	strace $0x8FFFFFFF  }
0xa0: {  	s20 =	sld [smem:$0x3FDB];
	_ =	sdelay $0x1  }
0xa1: {  	s8 =	simm.s32 $_scs_section_size  }
0xa2: {  	s9 =	simm.s32 $_size__tile_overlayer_lowered;
	s10 =	simm.s32 $_tile_overlayer_lowered  }
0xa3: {  	s23 =	simm.s32 $0x1BFF;
	s22 =	sshll.u32 s10, $0x1;
	s7 =	sadd.s32 s8, s20  }
0xa4: {  	s11 =	simm.s32 $0x0;
	s21 =	sshll.u32 s9, $0x1;
	s9 =	sadd.s32 s22, s7  }
0xa5: {  	[timem:s11], [sflag:s23] =	dma.local [hbm:s9], s21  }
0xa6: {  	_ =	swait.ge [sflag:s23], s21  }
0xa7: {  	s8 =	ssub.s32 $0x0, s21;
	[sflag:s23] =	ssyncset.done $0x0  }
0xa8: {  	[sflag:s23] =	ssyncadd.s32 s8;
	_ =	sdelay $0x1  }
0xa9: {  	s24 =	simm.s32 $0x1B8B  }
0xaa: {  	_ =	swait.ge [sflag:s24], $0x1  }
0xab: {  	[sflag:s24] =	ssyncset.done $0x0  }
0xac: {  	s25 =	simm.s32 $0x1B8E;
	[sflag:s24] =	ssyncadd.s32 $0xFFFFFFFF  }
0xad: {  	s26 =	simm.s32 $execute0_lowered;
	[smem:$0x3FD2] =	sst s25  }
0xae: {  	s8 =	sshll.u32 s26, $0x1;
	_ =	strace $0x80000046;
	[dreg:$0x1] =	wrdreg $0xFFFFFFFF  }
0xaf: {  	s28 =	simm.s32 $_size_execute0_lowered;
	s7 =	sadd.s32 s7, s8;
	[dreg:$0x0] =	wrdreg $0x0  }
0xb0: {  	s8 =	sshll.u32 s28, $0x1;
	[dreg:$0x2] =	wrdreg s7  }
0xb1: {  	[dreg:$0x3] =	wrdreg s8  }
0xb2: {  	[dreg:$0x4] =	wrdreg $0xC0  }
0xb3: {  	_ =	task [dreg:s11], $0x5FFFF  }
0xb4: {  	[dreg:$0x1] =	wrdreg $0xFFFFFFFF  }
0xb5: {  	[dreg:$0x0] =	wrdreg $0x60  }
0xb6: {  	[dreg:$0x2] =	wrdreg s16  }
0xb7: {  	[dreg:$0x3] =	wrdreg s4  }
0xb8: {  	[dreg:$0x4] =	wrdreg s5  }
0xb9: {  	[dreg:$0x5] =	wrdreg s17  }
0xba: {  	[dreg:$0x6] =	wrdreg s18  }
0xbb: {  	[dreg:$0x7] =	wrdreg $0x9  }
0xbc: {  	_ =	task.clear_ibuf [dreg:s11], $0x8FFFF;
	_ =	strace $0x90000046  }
0xbd: {  	s29 =	simm.s32 $0x9;
	_ =	strace $0x80000048  }
0xbe: {  	_ =	swait.ge [sflag:s29], $0x1  }
0xbf: {  	[sflag:s29] =	ssyncadd.s32 $0xFFFFFFFF  }
0xc0: {  	_ =	strace $0x90000048  }
0xc1: {  	_ =	sfence  }
0xc2: {  	s30 =	sld [smem:$0x0];
	_ =	sdelay $0x2  }
0xc3: {  	s31 =	sshll.u32 s1, $0xD;
	s1 =	sshrl.u32 s1, $0x2  }
0xc4: {  	s3 =	sand.u32 $0x4000, s31;
	s1 =	sadd.s32 s1, s30  }
0xc5: {  	s0 =	sor.u32 s3, s0;
	s1 =	sshll.u32 s1, $0x11  }
0xc6: {  	s0 =	sor.u32 s1, s0  }
0xc7: {  	s0 =	sadd.s32 $0x8F2B, s0  }
0xc8: {  	[sflag:s0] =	ssyncadd.remote.s32 $0x1  }
0xc9: {  	_ =	sfence.sel $0xFFFF  }
0xca: {  	[dreg:$0x0] =	wrdreg $0xFFFFFFFF;
	(pc) =	sbr.abs _section_cstart, $3  }
0xcb: {  	[dreg:$0x1] =	wrdreg $0xFFFFFFFF  }
0xcc: {  	_ =	task.clear_ibuf [dreg:s11], $0x2FFFF;
	_ =	strace $0x9FFFFFFF  }
0xcd: {  	(tm) =	ssettm $0x7FFFFFFF  }
tec
execute0_lowered:
.L_overlay_start_1:
0x0: {  	(tag) =	ssettag $0x1  }
0x1: {  	s3 =	rddreg [dreg:$0x0]  }
0x2: {  	s4 =	rddreg [dreg:$0x1]  }
0x3: {  	s5 =	rddreg [dreg:$0x3]  }
0x4: {  	s6 =	rddreg [dreg:$0x4]  }
0x5: {  	s0 =	srdreg.scid;
	s1 =	stileid.u32;
	s7 =	simm.s32 $0x0  }
0x6: {  	s21 =	simm.s32 $0x1000;
	s22 =	simm.s32 $0x2000;
	s28 =	simm.s32 $0x2  }
0x7: {  	s29 =	simm.s32 $0x3;
	s30 =	simm.s32 $0x4;
	s0 =	sand.u32 $0x1, s0  }
0x8: {  	s1 =	sshll.u32 s1, $0xD;
	[smem:$0x7FF] =	sst s7;
	s26 =	sadd.s32 $0x600000, s5  }
0x9: {  	s31 =	sadd.s32 $0x608000, s5;
	s17 =	sadd.s32 $0x600000, s6;
	s18 =	sadd.s32 $0x608000, s6  }
0xa: {  	s2 =	sshll.u32 s0, $0xC;
	_ =	strace $0x80000047;
	[dreg:$0x8] =	wrdreg s26  }
0xb: {  	s0 =	ssub.s32 $0x2, s0;
	[dreg:$0x9] =	wrdreg s31;
	s8 =	sor.u32 s2, s1  }
0xc: {  	s26 =	simm.s32 $0x5000;
	s23 =	sshrl.u32 s0, $0x1;
	s2 =	sshrl.u32 s8, $0x3  }
0xd: {  	s0 =	ssub.s32 s0, s23;
	s11 =	sor.u32 $0x40000, s8;
	s24 =	sadd.s32 s3, s2  }
0xe: {  	s25 =	sor.u32 $0x4000, s2;
	s2 =	sadd.s32 s4, s2;
	[dreg:$0x6] =	wrdreg s24  }
0xf: {  	s12 =	sor.u32 $0x60000, s8;
	s0 =	smax.u32 s0, $0x1;
	[dreg:$0xa] =	wrdreg s2  }
0x10: {  	s23 =	simm.s32 $0x1;
	s3 =	sadd.s32 s3, s25;
	[dreg:$0xc] =	wrdreg s0  }
0x11: {  	s1 =	sadd.s32 s4, s25;
	s24 =	simm.s32 $0x20000;
	[dreg:$0x7] =	wrdreg s3  }
0x12: {  	s25 =	simm.s32 $0x3000;
	[dreg:$0xb] =	wrdreg s1;
	s1 =	simm.s32 $0x0  }
.LBB2_1:
0x13: {  	[dreg:$0xd] =	wrdreg s1  }
0x14: {  	s0 =	rddreg [dreg:$0x2];
	s19 =	simm.s32 $0x5  }
0x15: {  	[tilespmem:s7], [sflag:$0x5] =	stream.linear.gather [hbm4b:s0+s7], $0x1000, $0x38;
	[tilespmem:$0x7000] =	vst v63  }
0x16: {  	_ =	swait.ge [sflag:s19], $0x1000  }
0x17: {  	[sflag:s19] =	ssyncset.done $0x0  }
0x18: {  	[sflag:s19] =	ssyncadd.s32 $0xFFFFF000  }
0x19: {  	v0 =	vld [tilespmem:$0x0]  }
0x1a: {  	v1 =	vld [tilespmem:$0x80]  }
0x1b: {  	v2 =	vld [tilespmem:$0x100]  }
0x1c: {  	v3 =	vld [tilespmem:$0x180]  }
0x1d: {  	v4 =	vld [tilespmem:$0x200]  }
0x1e: {  	v5 =	vld [tilespmem:$0x280]  }
0x1f: {  	v6 =	vld [tilespmem:$0x300]  }
0x20: {  	v7 =	vld [tilespmem:$0x380]  }
0x21: {  	v8 =	vld [tilespmem:$0x400]  }
0x22: {  	v9 =	vld [tilespmem:$0x480]  }
0x23: {  	v10 =	vld [tilespmem:$0x500]  }
0x24: {  	v11 =	vld [tilespmem:$0x580]  }
0x25: {  	v12 =	vld [tilespmem:$0x600]  }
0x26: {  	v13 =	vld [tilespmem:$0x680]  }
0x27: {  	s20 =	rddreg [dreg:$0x6];
	v14 =	vld [tilespmem:$0x700]  }
0x28: {  	v15 =	vld [tilespmem:$0x780];
	[tilespmem:s21], [sflag:$0x1] =	stream.linear.gather [hbm4b:s20+s7], $0x1000, $0x38  }
0x29: {  	s0 =	simm.s32 $0x0;
	s31 =	rddreg [dreg:$0x7]  }
0x2a: {  	[tilespmem:s22], [sflag:$0x2] =	stream.linear.gather [hbm4b:s31+s7], $0x1000, $0x38;
	[tilespmem:$0x7000] =	vst v63  }
.LBB2_2:
0x2b: {  	_ =	swait.ge [sflag:s23], $0x1000  }
0x2c: {  	s4 =	sshll.u32 s0, $0x4;
	[sflag:s23] =	ssyncset.done $0x0  }
0x2d: {  	s3 =	simm.s32 $0x0;
	s9 =	simm.s32 $0x0;
	[sflag:s23] =	ssyncadd.s32 $0xFFFFF000  }
.LBB2_3:
0x2e: {  	s1 =	sor.u32 s0, s9  }
0x2f: {  	s16 =	sshll.u32 s9, $0x8;
	p0 =	seq.s32 s1, $0x0  }
0x30: {  	s1 =	sand.u32 $0x3FFFFF00, s16;
	s2 =	simm.s32 @!p0 $0x3  }
0x31: {  	s19 =	sand.u32 $0xC00, s3;
	s16 =	sadd.s32 $0x1000, s1;
	_ =	swait.ge @!p0 [sflag:s2], $0x2000  }
0x32: {  	s10 =	sand.u32 $0x70, s3;
	s15 =	sadd.s32 s19, s16;
	[sflag:s2] =	ssyncset.done @!p0 $0x0  }
0x33: {  	s20 =	sadd.s32 s10, s15;
	[sflag:s2] =	ssyncadd.s32 @!p0 $0xFFFFE000  }
0x34: {  	v16 =	vld [tilespmem:s20+$0x0];
	_ =	sdelay $0x4  }
0x35: {  	v18 =	vperm.xlane v0, v16  }
0x36: {  	s15 =	sor.u32 s10, s19;
	v22 =	vperm.xlane v6, v16;
	v20 =	vperm.xlane v2, v16  }
0x37: {  	s31 =	simm.s32 $0x0;
	v17 =	vperm.xlane v4, v16;
	v21 =	vperm.xlane v3, v16;
	[tilespmem:s15+$0x3000] =	vst v18  }
0x38: {  	s10 =	sshll.u32 s9, $0x1;
	s19 =	sor.u32 s3, s3;
	s20 =	simm.s32 $0x10;
	v19 =	vperm.xlane v5, v16;
	v18 =	vperm.xlane v1, v16;
	[tilespmem:s15+$0x3300] =	vst v22  }
.LBB2_4:
0x39: {  	p1 =	sne.s32 s20, $0x1F0  }
0x3a: {  	[tilespmem:s15+$0x3100] =	vst v20;
	s31 =	sadd.s32 $0x80, s31;
	s1 =	smov.u32 s20;
	s20 =	sadd.s32 $0x10, s20  }
0x3b: {  	s2 =	sor.u32 s31, s1;
	[tilespmem:s15+$0x3180] =	vst v21  }
0x3c: {  	[tilespmem:s15+$0x3200] =	vst v17  }
0x3d: {  	v17 =	vperm.xlane v7, v16;
	[tilespmem:s15+$0x3080] =	vst v18  }
0x3e: {  	s13 =	sor.u32 $0x380, s19;
	s19 =	smov.u32 s2;
	v18 =	vperm.xlane v8, v16;
	[tilespmem:s15+$0x3280] =	vst v19  }
0x3f: {  	[tilespmem:s13+$0x3000] =	vst v17;
	v17 =	vperm.xlane v15, v16  }
0x40: {  	[tilespmem:s15+$0x4000] =	vst v18;
	v18 =	vperm.xlane v10, v16  }
0x41: {  	v19 =	vperm.xlane v14, v16;
	[tilespmem:s15+$0x4380] =	vst v17  }
0x42: {  	v17 =	vperm.xlane v9, v16;
	[tilespmem:s15+$0x4100] =	vst v18  }
0x43: {  	v20 =	vperm.xlane v13, v16;
	v18 =	vperm.xlane v12, v16;
	[tilespmem:s15+$0x4300] =	vst v19  }
0x44: {  	v16 =	vperm.xlane v11, v16;
	[tilespmem:s15+$0x4080] =	vst v17  }
0x45: {  	s2 =	sand.u32 $0xC00, s31;
	[tilespmem:s15+$0x4200] =	vst v18  }
0x46: {  	s1 =	sand.u32 $0x70, s1;
	s13 =	sadd.s32 s2, s16;
	[tilespmem:s15+$0x4280] =	vst v20  }
0x47: {  	s13 =	sadd.s32 s1, s13;
	[tilespmem:s15+$0x4180] =	vst v16  }
0x48: {  	v16 =	vld [tilespmem:s13+$0x0];
	_ =	sdelay $0x3  }
.Ltmp0:
0x49: {  	(pc) =	sbr.rel @p1 .LBB2_4-.Ltmp0, $4  }
0x4a: {  	v18 =	vperm.xlane v0, v16;
	v22 =	vperm.xlane v6, v16  }
0x4b: {  	s15 =	sor.u32 s1, s2;
	v20 =	vperm.xlane v2, v16;
	v17 =	vperm.xlane v4, v16  }
0x4c: {  	v21 =	vperm.xlane v3, v16;
	[tilespmem:s15+$0x3000] =	vst v18;
	v18 =	vperm.xlane v1, v16  }
0x4d: {  	v19 =	vperm.xlane v5, v16;
	[tilespmem:s15+$0x3300] =	vst v22  }
0x4e: {  	[tilespmem:s15+$0x3100] =	vst v20  }
0x4f: {  	[tilespmem:s15+$0x3180] =	vst v21  }
0x50: {  	[tilespmem:s15+$0x3200] =	vst v17  }
0x51: {  	[tilespmem:s15+$0x3080] =	vst v18;
	v17 =	vperm.xlane v7, v16  }
0x52: {  	s1 =	sor.u32 $0x380, s19;
	v18 =	vperm.xlane v8, v16;
	[tilespmem:s15+$0x3280] =	vst v19  }
0x53: {  	v19 =	vperm.xlane v14, v16;
	[tilespmem:s1+$0x3000] =	vst v17  }
0x54: {  	v17 =	vperm.xlane v15, v16;
	[tilespmem:s15+$0x4000] =	vst v18  }
0x55: {  	v18 =	vperm.xlane v10, v16;
	[tilespmem:s15+$0x4300] =	vst v19  }
0x56: {  	v19 =	vperm.xlane v13, v16;
	[tilespmem:s15+$0x4380] =	vst v17  }
0x57: {  	s14 =	sadd.s32 s4, s10;
	v17 =	vperm.xlane v9, v16;
	[tilespmem:s15+$0x4100] =	vst v18  }
0x58: {  	s1 =	sshll.u32 s14, $0x12;
	v18 =	vperm.xlane v12, v16;
	[tilespmem:s15+$0x4280] =	vst v19  }
0x59: {  	s1 =	sor.u32 s8, s1;
	v16 =	vperm.xlane v11, v16;
	[tilespmem:s15+$0x4080] =	vst v17  }
0x5a: {  	s10 =	sor.u32 $0x1, s10;
	s1 =	sshrl.u32 s1, $0x3;
	[tilespmem:s15+$0x4200] =	vst v18  }
0x5b: {  	s16 =	sshll.u32 s10, $0x7;
	s1 =	sadd.s32 s5, s1;
	[tilespmem:s15+$0x4180] =	vst v16  }
0x5c: {  	[hbm4b:s1+s21] =	stream.strided.scatter [tilespmem:s25], [sflag:$0x3], $0x2000, s24, s21, $0x38;
	[tilespmem:$0x7000] =	vst v63  }
0x5d: {  	s2 =	simm.s32 @!p0 $0x4;
	s13 =	simm.s32 $0x0;
	s1 =	sand.u32 $0x3FFFFF80, s16  }
0x5e: {  	s19 =	sand.u32 $0xC00, s13;
	_ =	swait.ge @!p0 [sflag:s2], $0x2000;
	s15 =	sadd.s32 $0x1000, s1  }
0x5f: {  	s13 =	sand.u32 $0x70, s13;
	[sflag:s2] =	ssyncset.done @!p0 $0x0;
	s16 =	sadd.s32 s19, s15  }
0x60: {  	[sflag:s2] =	ssyncadd.s32 @!p0 $0xFFFFE000;
	s20 =	sadd.s32 s13, s16  }
0x61: {  	v16 =	vld [tilespmem:s20+$0x0];
	_ =	sdelay $0x4  }
0x62: {  	v17 =	vperm.xlane v0, v16  }
0x63: {  	s16 =	sor.u32 s13, s19;
	v18 =	vperm.xlane v1, v16  }
0x64: {  	v19 =	vperm.xlane v2, v16;
	[tilespmem:s16+$0x5000] =	vst v17  }
0x65: {  	v17 =	vperm.xlane v3, v16;
	[tilespmem:s16+$0x5080] =	vst v18  }
0x66: {  	v18 =	vperm.xlane v4, v16;
	[tilespmem:s16+$0x5100] =	vst v19  }
0x67: {  	v19 =	vperm.xlane v5, v16;
	[tilespmem:s16+$0x5180] =	vst v17  }
0x68: {  	v17 =	vperm.xlane v6, v16;
	[tilespmem:s16+$0x5200] =	vst v18  }
0x69: {  	v18 =	vperm.xlane v7, v16;
	[tilespmem:s16+$0x5280] =	vst v19  }
0x6a: {  	v19 =	vperm.xlane v8, v16;
	[tilespmem:s16+$0x5300] =	vst v17  }
0x6b: {  	v17 =	vperm.xlane v9, v16;
	[tilespmem:s16+$0x5380] =	vst v18  }
0x6c: {  	v18 =	vperm.xlane v10, v16;
	[tilespmem:s16+$0x6000] =	vst v19  }
0x6d: {  	v19 =	vperm.xlane v11, v16;
	[tilespmem:s16+$0x6080] =	vst v17  }
0x6e: {  	v17 =	vperm.xlane v12, v16;
	[tilespmem:s16+$0x6100] =	vst v18  }
0x6f: {  	v18 =	vperm.xlane v13, v16;
	[tilespmem:s16+$0x6180] =	vst v19  }
0x70: {  	s19 =	simm.s32 $0x80;
	[tilespmem:s16+$0x6200] =	vst v17;
	v17 =	vperm.xlane v14, v16  }
0x71: {  	s31 =	simm.s32 $0x10;
	s1 =	sand.u32 $0xC00, s19;
	s20 =	simm.s32 $0x20;
	v16 =	vperm.xlane v15, v16;
	[tilespmem:s16+$0x6280] =	vst v18  }
.LBB2_6:
0x72: {  	p0 =	sne.s32 s20, $0x1F0;
	s2 =	sand.u32 $0x70, s31;
	s13 =	sadd.s32 s1, s15;
	[tilespmem:s16+$0x6300] =	vst v17  }
0x73: {  	s31 =	smov.u32 s20;
	s13 =	sadd.s32 s2, s13;
	[tilespmem:s16+$0x6380] =	vst v16  }
0x74: {  	v16 =	vld [tilespmem:s13+$0x0];
	_ =	sdelay $0x4  }
0x75: {  	v17 =	vperm.xlane v0, v16;
	v18 =	vperm.xlane v1, v16  }
0x76: {  	s16 =	sor.u32 s2, s1;
	v19 =	vperm.xlane v2, v16;
	v20 =	vperm.xlane v3, v16  }
0x77: {  	v21 =	vperm.xlane v5, v16;
	[tilespmem:s16+$0x5000] =	vst v17;
	v17 =	vperm.xlane v4, v16  }
0x78: {  	v22 =	vperm.xlane v7, v16;
	[tilespmem:s16+$0x5080] =	vst v18;
	v18 =	vperm.xlane v6, v16  }
0x79: {  	v23 =	vperm.xlane v9, v16;
	[tilespmem:s16+$0x5100] =	vst v19;
	v19 =	vperm.xlane v8, v16  }
0x7a: {  	v24 =	vperm.xlane v11, v16;
	[tilespmem:s16+$0x5180] =	vst v20;
	v20 =	vperm.xlane v10, v16  }
0x7b: {  	v25 =	vperm.xlane v12, v16;
	v26 =	vperm.xlane v13, v16;
	[tilespmem:s16+$0x5200] =	vst v17  }
0x7c: {  	v17 =	vperm.xlane v14, v16;
	v16 =	vperm.xlane v15, v16;
	[tilespmem:s16+$0x5280] =	vst v21  }
0x7d: {  	[tilespmem:s16+$0x5300] =	vst v18  }
0x7e: {  	[tilespmem:s16+$0x5380] =	vst v22  }
0x7f: {  	[tilespmem:s16+$0x6000] =	vst v19  }
.Ltmp1:
0x80: {  	[tilespmem:s16+$0x6080] =	vst v23;
	(pc) =	sbr.rel @p0 .LBB2_6-.Ltmp1, $4  }
0x81: {  	[tilespmem:s16+$0x6100] =	vst v20  }
0x82: {  	[tilespmem:s16+$0x6180] =	vst v24  }
0x83: {  	s19 =	sadd.s32 $0x80, s19;
	[tilespmem:s16+$0x6200] =	vst v25  }
0x84: {  	s20 =	sadd.s32 $0x10, s20;
	s1 =	sand.u32 $0xC00, s19;
	[tilespmem:s16+$0x6280] =	vst v26  }
0x85: {  	s2 =	sand.u32 $0x70, s31;
	s13 =	sadd.s32 s1, s15;
	[tilespmem:s16+$0x6300] =	vst v17  }
0x86: {  	[tilespmem:s16+$0x6380] =	vst v16;
	s13 =	sadd.s32 s2, s13  }
0x87: {  	v16 =	vld [tilespmem:s13+$0x0];
	_ =	sdelay $0x4  }
0x88: {  	v17 =	vperm.xlane v0, v16  }
0x89: {  	s19 =	sor.u32 s2, s1;
	v18 =	vperm.xlane v1, v16  }
0x8a: {  	v19 =	vperm.xlane v2, v16;
	[tilespmem:s19+$0x5000] =	vst v17  }
0x8b: {  	v56 =	vperm.xlane v4, v16;
	[tilespmem:s19+$0x5080] =	vst v18  }
0x8c: {  	v57 =	vperm.xlane v5, v16;
	[tilespmem:s19+$0x5100] =	vst v19  }
0x8d: {  	v58 =	vperm.xlane v7, v16;
	[tilespmem:s19+$0x5200] =	vst v56  }
0x8e: {  	v59 =	vperm.xlane v8, v16;
	[tilespmem:s19+$0x5280] =	vst v57  }
0x8f: {  	v60 =	vperm.xlane v10, v16;
	[tilespmem:s19+$0x5380] =	vst v58  }
0x90: {  	v17 =	vperm.xlane v3, v16;
	[tilespmem:s19+$0x6000] =	vst v59  }
0x91: {  	v61 =	vperm.xlane v11, v16;
	[tilespmem:s19+$0x6100] =	vst v60  }
0x92: {  	[tilespmem:s19+$0x5180] =	vst v17;
	v17 =	vperm.xlane v6, v16  }
0x93: {  	v62 =	vperm.xlane v13, v16;
	[tilespmem:s19+$0x6180] =	vst v61  }
0x94: {  	s9 =	sadd.s32 $0x1, s9;
	[tilespmem:s19+$0x5300] =	vst v17;
	v17 =	vperm.xlane v9, v16  }
0x95: {  	s20 =	sadd.s32 s4, s10;
	p0 =	sne.s32 s9, $0x4;
	v63 =	vperm.xlane v14, v16;
	[tilespmem:s19+$0x6280] =	vst v62  }
.Ltmp2:
0x96: {  	s2 =	sshll.u32 s20, $0x12;
	[tilespmem:s19+$0x6080] =	vst v17;
	v17 =	vperm.xlane v12, v16;
	(pc) =	sbr.rel @p0 .LBB2_3-.Ltmp2, $4  }
0x97: {  	s2 =	sor.u32 s8, s2;
	[tilespmem:s19+$0x6300] =	vst v63;
	v16 =	vperm.xlane v15, v16  }
0x98: {  	s2 =	sshrl.u32 s2, $0x3;
	[tilespmem:s19+$0x6200] =	vst v17  }
0x99: {  	s31 =	sadd.s32 s5, s2;
	[tilespmem:s19+$0x6380] =	vst v16  }
0x9a: {  	[hbm4b:s31+s21] =	stream.strided.scatter [tilespmem:s26], [sflag:$0x4], $0x2000, s24, s21, $0x38;
	[tilespmem:$0x7000] =	vst v63  }
0x9b: {  	s3 =	sshll.u32 s0, $0x12  }
0x9c: {  	s1 =	sadd.s32 s11, s3  }
0x9d: {  	s2 =	rddreg [dreg:$0x0];
	s1 =	sshrl.u32 s1, $0x3  }
0x9e: {  	s9 =	simm.s32 $0x0;
	s1 =	sadd.s32 s2, s1  }
0x9f: {  	[tilespmem:s21], [sflag:$0x1] =	stream.linear.gather [hbm4b:s1+s9], $0x1000, $0x38;
	[tilespmem:$0x7000] =	vst v63  }
0xa0: {  	_ =	swait.ge [sflag:s28], $0x1000  }
0xa1: {  	[sflag:s28] =	ssyncset.done $0x0  }
0xa2: {  	s4 =	sor.u32 $0x8, s4;
	s10 =	simm.s32 $0x0;
	[sflag:s28] =	ssyncadd.s32 $0xFFFFF000  }
.LBB2_9:
0xa3: {  	s1 =	sshll.u32 s10, $0x8  }
0xa4: {  	s1 =	sand.u32 $0x3FFFFF00, s1  }
0xa5: {  	_ =	swait.ge [sflag:s29], $0x2000;
	s20 =	sand.u32 $0xC00, s9;
	s16 =	sadd.s32 $0x2000, s1  }
0xa6: {  	s2 =	sand.u32 $0x70, s9;
	[sflag:s29] =	ssyncset.done $0x0;
	s13 =	sadd.s32 s20, s16  }
0xa7: {  	[sflag:s29] =	ssyncadd.s32 $0xFFFFE000;
	s13 =	sadd.s32 s2, s13  }
0xa8: {  	v16 =	vld [tilespmem:s13+$0x0];
	_ =	sdelay $0x4  }
0xa9: {  	v18 =	vperm.xlane v0, v16  }
0xaa: {  	s15 =	sor.u32 s2, s20;
	v22 =	vperm.xlane v6, v16;
	v20 =	vperm.xlane v2, v16  }
0xab: {  	v17 =	vperm.xlane v4, v16;
	v21 =	vperm.xlane v3, v16;
	[tilespmem:s15+$0x3000] =	vst v18  }
0xac: {  	s19 =	sor.u32 s9, s9;
	s31 =	simm.s32 $0x0;
	s20 =	simm.s32 $0x10;
	v19 =	vperm.xlane v5, v16;
	v18 =	vperm.xlane v1, v16;
	[tilespmem:s15+$0x3300] =	vst v22  }
.LBB2_10:
0xad: {  	p0 =	sne.s32 s20, $0x1F0  }
0xae: {  	[tilespmem:s15+$0x3100] =	vst v20;
	s31 =	sadd.s32 $0x80, s31;
	s1 =	smov.u32 s20;
	s20 =	sadd.s32 $0x10, s20  }
0xaf: {  	s2 =	sor.u32 s31, s1;
	[tilespmem:s15+$0x3180] =	vst v21  }
0xb0: {  	[tilespmem:s15+$0x3200] =	vst v17  }
0xb1: {  	v17 =	vperm.xlane v7, v16;
	[tilespmem:s15+$0x3080] =	vst v18  }
0xb2: {  	s13 =	sor.u32 $0x380, s19;
	s19 =	smov.u32 s2;
	v18 =	vperm.xlane v8, v16;
	[tilespmem:s15+$0x3280] =	vst v19  }
0xb3: {  	[tilespmem:s13+$0x3000] =	vst v17;
	v17 =	vperm.xlane v15, v16  }
0xb4: {  	[tilespmem:s15+$0x4000] =	vst v18;
	v18 =	vperm.xlane v10, v16  }
0xb5: {  	v19 =	vperm.xlane v14, v16;
	[tilespmem:s15+$0x4380] =	vst v17  }
0xb6: {  	v17 =	vperm.xlane v9, v16;
	[tilespmem:s15+$0x4100] =	vst v18  }
0xb7: {  	v20 =	vperm.xlane v13, v16;
	v18 =	vperm.xlane v12, v16;
	[tilespmem:s15+$0x4300] =	vst v19  }
0xb8: {  	v16 =	vperm.xlane v11, v16;
	[tilespmem:s15+$0x4080] =	vst v17  }
0xb9: {  	s2 =	sand.u32 $0xC00, s31;
	[tilespmem:s15+$0x4200] =	vst v18  }
0xba: {  	s1 =	sand.u32 $0x70, s1;
	s13 =	sadd.s32 s2, s16;
	[tilespmem:s15+$0x4280] =	vst v20  }
0xbb: {  	s13 =	sadd.s32 s1, s13;
	[tilespmem:s15+$0x4180] =	vst v16  }
0xbc: {  	v16 =	vld [tilespmem:s13+$0x0];
	_ =	sdelay $0x3  }
.Ltmp3:
0xbd: {  	(pc) =	sbr.rel @p0 .LBB2_10-.Ltmp3, $4  }
0xbe: {  	v18 =	vperm.xlane v0, v16;
	v22 =	vperm.xlane v6, v16  }
0xbf: {  	s15 =	sor.u32 s1, s2;
	v20 =	vperm.xlane v2, v16;
	v17 =	vperm.xlane v4, v16  }
0xc0: {  	v21 =	vperm.xlane v3, v16;
	[tilespmem:s15+$0x3000] =	vst v18;
	v18 =	vperm.xlane v1, v16  }
0xc1: {  	v19 =	vperm.xlane v5, v16;
	[tilespmem:s15+$0x3300] =	vst v22  }
0xc2: {  	[tilespmem:s15+$0x3100] =	vst v20  }
0xc3: {  	[tilespmem:s15+$0x3180] =	vst v21  }
0xc4: {  	[tilespmem:s15+$0x3200] =	vst v17  }
0xc5: {  	[tilespmem:s15+$0x3080] =	vst v18;
	v17 =	vperm.xlane v7, v16  }
0xc6: {  	s1 =	sor.u32 $0x380, s19;
	v18 =	vperm.xlane v8, v16;
	[tilespmem:s15+$0x3280] =	vst v19  }
0xc7: {  	v19 =	vperm.xlane v14, v16;
	[tilespmem:s1+$0x3000] =	vst v17  }
0xc8: {  	v17 =	vperm.xlane v15, v16;
	[tilespmem:s15+$0x4000] =	vst v18  }
0xc9: {  	v18 =	vperm.xlane v10, v16;
	[tilespmem:s15+$0x4300] =	vst v19  }
0xca: {  	s16 =	sshll.u32 s10, $0x1;
	v19 =	vperm.xlane v13, v16;
	[tilespmem:s15+$0x4380] =	vst v17  }
0xcb: {  	s1 =	sadd.s32 s4, s16;
	v17 =	vperm.xlane v9, v16;
	[tilespmem:s15+$0x4100] =	vst v18  }
0xcc: {  	s1 =	sshll.u32 s1, $0x12;
	v18 =	vperm.xlane v12, v16;
	[tilespmem:s15+$0x4280] =	vst v19  }
0xcd: {  	s1 =	sor.u32 s8, s1;
	v16 =	vperm.xlane v11, v16;
	[tilespmem:s15+$0x4080] =	vst v17  }
0xce: {  	s1 =	sshrl.u32 s1, $0x3;
	[tilespmem:s15+$0x4200] =	vst v18  }
0xcf: {  	s1 =	sadd.s32 s5, s1;
	[tilespmem:s15+$0x4180] =	vst v16;
	s15 =	sshllo.u32 s10, $0x1  }
0xd0: {  	[hbm4b:s1+s21] =	stream.strided.scatter [tilespmem:s25], [sflag:$0x3], $0x2000, s24, s21, $0x38;
	[tilespmem:$0x7000] =	vst v63  }
0xd1: {  	s19 =	sshll.u32 s15, $0x7  }
0xd2: {  	s2 =	simm.s32 $0x0;
	s1 =	sand.u32 $0x3FFFFF80, s19  }
0xd3: {  	s20 =	sand.u32 $0xC00, s2;
	_ =	swait.ge [sflag:s30], $0x2000;
	s16 =	sadd.s32 $0x2000, s1  }
0xd4: {  	s2 =	sand.u32 $0x70, s2;
	[sflag:s30] =	ssyncset.done $0x0;
	s13 =	sadd.s32 s20, s16  }
0xd5: {  	[sflag:s30] =	ssyncadd.s32 $0xFFFFE000;
	s13 =	sadd.s32 s2, s13  }
0xd6: {  	v16 =	vld [tilespmem:s13+$0x0];
	_ =	sdelay $0x4  }
0xd7: {  	v17 =	vperm.xlane v0, v16  }
0xd8: {  	s19 =	sor.u32 s2, s20;
	v18 =	vperm.xlane v1, v16  }
0xd9: {  	v19 =	vperm.xlane v2, v16;
	[tilespmem:s19+$0x5000] =	vst v17  }
0xda: {  	v17 =	vperm.xlane v3, v16;
	[tilespmem:s19+$0x5080] =	vst v18  }
0xdb: {  	v18 =	vperm.xlane v4, v16;
	[tilespmem:s19+$0x5100] =	vst v19  }
0xdc: {  	v19 =	vperm.xlane v5, v16;
	[tilespmem:s19+$0x5180] =	vst v17  }
0xdd: {  	v17 =	vperm.xlane v6, v16;
	[tilespmem:s19+$0x5200] =	vst v18  }
0xde: {  	v18 =	vperm.xlane v7, v16;
	[tilespmem:s19+$0x5280] =	vst v19  }
0xdf: {  	v19 =	vperm.xlane v8, v16;
	[tilespmem:s19+$0x5300] =	vst v17  }
0xe0: {  	v17 =	vperm.xlane v9, v16;
	[tilespmem:s19+$0x5380] =	vst v18  }
0xe1: {  	v18 =	vperm.xlane v10, v16;
	[tilespmem:s19+$0x6000] =	vst v19  }
0xe2: {  	v19 =	vperm.xlane v11, v16;
	[tilespmem:s19+$0x6080] =	vst v17  }
0xe3: {  	v17 =	vperm.xlane v12, v16;
	[tilespmem:s19+$0x6100] =	vst v18  }
0xe4: {  	v18 =	vperm.xlane v13, v16;
	[tilespmem:s19+$0x6180] =	vst v19  }
0xe5: {  	s20 =	simm.s32 $0x80;
	[tilespmem:s19+$0x6200] =	vst v17;
	v17 =	vperm.xlane v14, v16  }
0xe6: {  	s31 =	simm.s32 $0x20;
	s1 =	simm.s32 $0x10;
	s2 =	sand.u32 $0xC00, s20;
	v16 =	vperm.xlane v15, v16;
	[tilespmem:s19+$0x6280] =	vst v18  }
.LBB2_12:
0xe7: {  	p0 =	sne.s32 s31, $0x1F0;
	s13 =	sand.u32 $0x70, s1;
	s1 =	sadd.s32 s2, s16;
	[tilespmem:s19+$0x6300] =	vst v17  }
0xe8: {  	s14 =	sadd.s32 s13, s1;
	[tilespmem:s19+$0x6380] =	vst v16;
	s1 =	smov.u32 s31  }
0xe9: {  	v16 =	vld [tilespmem:s14+$0x0];
	_ =	sdelay $0x4  }
0xea: {  	v17 =	vperm.xlane v0, v16;
	v18 =	vperm.xlane v1, v16  }
0xeb: {  	s19 =	sor.u32 s13, s2;
	v19 =	vperm.xlane v2, v16;
	v20 =	vperm.xlane v3, v16  }
0xec: {  	v21 =	vperm.xlane v5, v16;
	[tilespmem:s19+$0x5000] =	vst v17;
	v17 =	vperm.xlane v4, v16  }
0xed: {  	v22 =	vperm.xlane v7, v16;
	[tilespmem:s19+$0x5080] =	vst v18;
	v18 =	vperm.xlane v6, v16  }
0xee: {  	v23 =	vperm.xlane v9, v16;
	[tilespmem:s19+$0x5100] =	vst v19;
	v19 =	vperm.xlane v8, v16  }
0xef: {  	v24 =	vperm.xlane v11, v16;
	[tilespmem:s19+$0x5180] =	vst v20;
	v20 =	vperm.xlane v10, v16  }
0xf0: {  	v25 =	vperm.xlane v12, v16;
	v26 =	vperm.xlane v13, v16;
	[tilespmem:s19+$0x5200] =	vst v17  }
0xf1: {  	v17 =	vperm.xlane v14, v16;
	v16 =	vperm.xlane v15, v16;
	[tilespmem:s19+$0x5280] =	vst v21  }
0xf2: {  	[tilespmem:s19+$0x5300] =	vst v18  }
0xf3: {  	[tilespmem:s19+$0x5380] =	vst v22  }
0xf4: {  	[tilespmem:s19+$0x6000] =	vst v19  }
.Ltmp4:
0xf5: {  	[tilespmem:s19+$0x6080] =	vst v23;
	(pc) =	sbr.rel @p0 .LBB2_12-.Ltmp4, $4  }
0xf6: {  	[tilespmem:s19+$0x6100] =	vst v20  }
0xf7: {  	[tilespmem:s19+$0x6180] =	vst v24  }
0xf8: {  	s20 =	sadd.s32 $0x80, s20;
	[tilespmem:s19+$0x6200] =	vst v25  }
0xf9: {  	s2 =	sand.u32 $0xC00, s20;
	s31 =	sadd.s32 $0x10, s31;
	[tilespmem:s19+$0x6280] =	vst v26  }
0xfa: {  	s1 =	sand.u32 $0x70, s1;
	s13 =	sadd.s32 s2, s16;
	[tilespmem:s19+$0x6300] =	vst v17  }
0xfb: {  	[tilespmem:s19+$0x6380] =	vst v16;
	s13 =	sadd.s32 s1, s13  }
0xfc: {  	v16 =	vld [tilespmem:s13+$0x0];
	_ =	sdelay $0x4  }
0xfd: {  	v17 =	vperm.xlane v0, v16  }
0xfe: {  	s1 =	sor.u32 s1, s2;
	v18 =	vperm.xlane v1, v16  }
0xff: {  	v19 =	vperm.xlane v2, v16;
	[tilespmem:s1+$0x5000] =	vst v17  }
0x100: {  	v56 =	vperm.xlane v4, v16;
	[tilespmem:s1+$0x5080] =	vst v18  }
0x101: {  	v57 =	vperm.xlane v5, v16;
	[tilespmem:s1+$0x5100] =	vst v19  }
0x102: {  	v58 =	vperm.xlane v7, v16;
	[tilespmem:s1+$0x5200] =	vst v56  }
0x103: {  	v59 =	vperm.xlane v8, v16;
	[tilespmem:s1+$0x5280] =	vst v57  }
0x104: {  	v60 =	vperm.xlane v10, v16;
	[tilespmem:s1+$0x5380] =	vst v58  }
0x105: {  	v17 =	vperm.xlane v3, v16;
	[tilespmem:s1+$0x6000] =	vst v59  }
0x106: {  	v61 =	vperm.xlane v11, v16;
	[tilespmem:s1+$0x6100] =	vst v60  }
0x107: {  	[tilespmem:s1+$0x5180] =	vst v17;
	v17 =	vperm.xlane v6, v16  }
0x108: {  	v62 =	vperm.xlane v13, v16;
	[tilespmem:s1+$0x6180] =	vst v61  }
0x109: {  	s10 =	sadd.s32 $0x1, s10;
	[tilespmem:s1+$0x5300] =	vst v17;
	v17 =	vperm.xlane v9, v16  }
0x10a: {  	s20 =	sadd.s32 s4, s15;
	p0 =	sne.s32 s10, $0x4;
	v63 =	vperm.xlane v14, v16;
	[tilespmem:s1+$0x6280] =	vst v62  }
.Ltmp5:
0x10b: {  	s2 =	sshll.u32 s20, $0x12;
	[tilespmem:s1+$0x6080] =	vst v17;
	v17 =	vperm.xlane v12, v16;
	(pc) =	sbr.rel @p0 .LBB2_9-.Ltmp5, $4  }
0x10c: {  	s2 =	sor.u32 s8, s2;
	[tilespmem:s1+$0x6300] =	vst v63;
	v16 =	vperm.xlane v15, v16  }
0x10d: {  	s2 =	sshrl.u32 s2, $0x3;
	[tilespmem:s1+$0x6200] =	vst v17  }
0x10e: {  	s31 =	sadd.s32 s5, s2;
	[tilespmem:s1+$0x6380] =	vst v16  }
0x10f: {  	[hbm4b:s31+s21] =	stream.strided.scatter [tilespmem:s26], [sflag:$0x4], $0x2000, s24, s21, $0x38;
	[tilespmem:$0x7000] =	vst v63  }
0x110: {  	p0 =	seq.s32 s0, $0xB  }
.Ltmp6:
0x111: {  	_ = 	snop;
	(pc) =	sbr.rel @p0 .LBB2_16-.Ltmp6, $1  }
0x112: {  	_ =	sdelay $0x3  }
.Ltmp7:
0x113: {  	(pc) =	sbr.rel .LBB2_2-.Ltmp7, $4  }
0x114: {  	s1 =	sadd.s32 s12, s3  }
0x115: {  	s2 =	rddreg [dreg:$0x0];
	s1 =	sshrl.u32 s1, $0x3  }
0x116: {  	s0 =	sadd.s32 $0x1, s0;
	s1 =	sadd.s32 s2, s1  }
0x117: {  	[tilespmem:s22], [sflag:$0x2] =	stream.linear.gather [hbm4b:s1+s7], $0x1000, $0x38;
	[tilespmem:$0x7000] =	vst v63  }
.LBB2_16:
0x118: {  	_ =	swait.ge [sflag:s23], $0x1000  }
0x119: {  	[sflag:s23] =	ssyncset.done $0x0  }
0x11a: {  	s0 =	simm.s32 $0x0;
	s3 =	simm.s32 $0x0;
	[sflag:s23] =	ssyncadd.s32 $0xFFFFF000  }
.LBB2_17:
0x11b: {  	s1 =	sshll.u32 s3, $0x8  }
0x11c: {  	s1 =	sand.u32 $0x3FFFFF00, s1  }
0x11d: {  	_ =	swait.ge [sflag:s29], $0x2000;
	s31 =	sand.u32 $0xC00, s0;
	s4 =	sadd.s32 $0x1000, s1  }
0x11e: {  	s2 =	sand.u32 $0x70, s0;
	[sflag:s29] =	ssyncset.done $0x0;
	s9 =	sadd.s32 s31, s4  }
0x11f: {  	[sflag:s29] =	ssyncadd.s32 $0xFFFFE000;
	s9 =	sadd.s32 s2, s9  }
0x120: {  	v16 =	vld [tilespmem:s9+$0x0];
	_ =	sdelay $0x4  }
0x121: {  	v18 =	vperm.xlane v0, v16  }
0x122: {  	s10 =	sor.u32 s2, s31;
	v22 =	vperm.xlane v6, v16;
	v20 =	vperm.xlane v2, v16  }
0x123: {  	v17 =	vperm.xlane v4, v16;
	v21 =	vperm.xlane v3, v16;
	[tilespmem:s10+$0x3000] =	vst v18  }
0x124: {  	s15 =	simm.s32 $0x10;
	s16 =	simm.s32 $0x0;
	s9 =	sor.u32 s0, s0;
	v19 =	vperm.xlane v5, v16;
	v18 =	vperm.xlane v1, v16;
	[tilespmem:s10+$0x3300] =	vst v22  }
.LBB2_18:
0x125: {  	p0 =	sne.s32 s15, $0x1F0  }
0x126: {  	[tilespmem:s10+$0x3100] =	vst v20;
	s16 =	sadd.s32 $0x80, s16;
	s1 =	smov.u32 s15;
	s15 =	sadd.s32 $0x10, s15  }
0x127: {  	s2 =	sor.u32 s16, s1;
	[tilespmem:s10+$0x3180] =	vst v21  }
0x128: {  	[tilespmem:s10+$0x3200] =	vst v17  }
0x129: {  	v17 =	vperm.xlane v7, v16;
	[tilespmem:s10+$0x3080] =	vst v18  }
0x12a: {  	s13 =	sor.u32 $0x380, s9;
	s9 =	smov.u32 s2;
	v18 =	vperm.xlane v8, v16;
	[tilespmem:s10+$0x3280] =	vst v19  }
0x12b: {  	[tilespmem:s13+$0x3000] =	vst v17;
	v17 =	vperm.xlane v15, v16  }
0x12c: {  	[tilespmem:s10+$0x4000] =	vst v18;
	v18 =	vperm.xlane v10, v16  }
0x12d: {  	v19 =	vperm.xlane v14, v16;
	[tilespmem:s10+$0x4380] =	vst v17  }
0x12e: {  	v17 =	vperm.xlane v9, v16;
	[tilespmem:s10+$0x4100] =	vst v18  }
0x12f: {  	v20 =	vperm.xlane v13, v16;
	v18 =	vperm.xlane v12, v16;
	[tilespmem:s10+$0x4300] =	vst v19  }
0x130: {  	v16 =	vperm.xlane v11, v16;
	[tilespmem:s10+$0x4080] =	vst v17  }
0x131: {  	s2 =	sand.u32 $0xC00, s16;
	[tilespmem:s10+$0x4200] =	vst v18  }
0x132: {  	s1 =	sand.u32 $0x70, s1;
	s13 =	sadd.s32 s2, s4;
	[tilespmem:s10+$0x4280] =	vst v20  }
0x133: {  	s13 =	sadd.s32 s1, s13;
	[tilespmem:s10+$0x4180] =	vst v16  }
0x134: {  	v16 =	vld [tilespmem:s13+$0x0];
	_ =	sdelay $0x3  }
.Ltmp8:
0x135: {  	(pc) =	sbr.rel @p0 .LBB2_18-.Ltmp8, $4  }
0x136: {  	v18 =	vperm.xlane v0, v16;
	v22 =	vperm.xlane v6, v16  }
0x137: {  	s10 =	sor.u32 s1, s2;
	v20 =	vperm.xlane v2, v16;
	v17 =	vperm.xlane v4, v16  }
0x138: {  	v21 =	vperm.xlane v3, v16;
	[tilespmem:s10+$0x3000] =	vst v18;
	v18 =	vperm.xlane v1, v16  }
0x139: {  	v19 =	vperm.xlane v5, v16;
	[tilespmem:s10+$0x3300] =	vst v22  }
0x13a: {  	[tilespmem:s10+$0x3100] =	vst v20  }
0x13b: {  	[tilespmem:s10+$0x3180] =	vst v21  }
0x13c: {  	[tilespmem:s10+$0x3200] =	vst v17  }
0x13d: {  	[tilespmem:s10+$0x3080] =	vst v18;
	v17 =	vperm.xlane v7, v16  }
0x13e: {  	s1 =	sor.u32 $0x380, s9;
	v18 =	vperm.xlane v8, v16;
	[tilespmem:s10+$0x3280] =	vst v19  }
0x13f: {  	v19 =	vperm.xlane v14, v16;
	[tilespmem:s1+$0x3000] =	vst v17  }
0x140: {  	v17 =	vperm.xlane v15, v16;
	[tilespmem:s10+$0x4000] =	vst v18  }
0x141: {  	v18 =	vperm.xlane v10, v16;
	[tilespmem:s10+$0x4300] =	vst v19  }
0x142: {  	v19 =	vperm.xlane v13, v16;
	[tilespmem:s10+$0x4380] =	vst v17  }
0x143: {  	v17 =	vperm.xlane v9, v16;
	[tilespmem:s10+$0x4100] =	vst v18  }
0x144: {  	s16 =	sshll.u32 s3, $0x13;
	v18 =	vperm.xlane v12, v16;
	[tilespmem:s10+$0x4280] =	vst v19  }
0x145: {  	s1 =	sor.u32 s8, s16;
	v16 =	vperm.xlane v11, v16;
	[tilespmem:s10+$0x4080] =	vst v17  }
0x146: {  	s19 =	rddreg [dreg:$0x8];
	s9 =	sshrl.u32 s1, $0x3;
	[tilespmem:s10+$0x4200] =	vst v18  }
0x147: {  	s20 =	simm.s32 $0x0;
	s1 =	sadd.s32 s9, s19;
	[tilespmem:s10+$0x4180] =	vst v16  }
0x148: {  	[hbm4b:s1+s21] =	stream.strided.scatter [tilespmem:s25], [sflag:$0x3], $0x2000, s24, s21, $0x38;
	[tilespmem:$0x7000] =	vst v63  }
0x149: {  	s2 =	sand.u32 $0xC00, s20;
	_ =	swait.ge [sflag:s30], $0x2000  }
0x14a: {  	s31 =	sadd.s32 s2, s4;
	s1 =	sand.u32 $0x70, s20;
	[sflag:s30] =	ssyncset.done $0x0  }
0x14b: {  	s10 =	sadd.s32 s1, s31;
	[sflag:s30] =	ssyncadd.s32 $0xFFFFE000  }
0x14c: {  	v16 =	vld [tilespmem:s10+$0x80];
	_ =	sdelay $0x4  }
0x14d: {  	v17 =	vperm.xlane v0, v16  }
0x14e: {  	s10 =	sor.u32 s1, s2;
	v18 =	vperm.xlane v1, v16  }
0x14f: {  	v19 =	vperm.xlane v2, v16;
	[tilespmem:s10+$0x5000] =	vst v17  }
0x150: {  	v17 =	vperm.xlane v3, v16;
	[tilespmem:s10+$0x5080] =	vst v18  }
0x151: {  	v18 =	vperm.xlane v4, v16;
	[tilespmem:s10+$0x5100] =	vst v19  }
0x152: {  	v19 =	vperm.xlane v5, v16;
	[tilespmem:s10+$0x5180] =	vst v17  }
0x153: {  	v17 =	vperm.xlane v6, v16;
	[tilespmem:s10+$0x5200] =	vst v18  }
0x154: {  	v18 =	vperm.xlane v7, v16;
	[tilespmem:s10+$0x5280] =	vst v19  }
0x155: {  	v19 =	vperm.xlane v8, v16;
	[tilespmem:s10+$0x5300] =	vst v17  }
0x156: {  	v17 =	vperm.xlane v9, v16;
	[tilespmem:s10+$0x5380] =	vst v18  }
0x157: {  	v18 =	vperm.xlane v10, v16;
	[tilespmem:s10+$0x6000] =	vst v19  }
0x158: {  	v19 =	vperm.xlane v11, v16;
	[tilespmem:s10+$0x6080] =	vst v17  }
0x159: {  	v17 =	vperm.xlane v12, v16;
	[tilespmem:s10+$0x6100] =	vst v18  }
0x15a: {  	v18 =	vperm.xlane v13, v16;
	[tilespmem:s10+$0x6180] =	vst v19  }
0x15b: {  	s15 =	simm.s32 $0x80;
	[tilespmem:s10+$0x6200] =	vst v17;
	v17 =	vperm.xlane v14, v16  }
0x15c: {  	s16 =	simm.s32 $0x20;
	s1 =	simm.s32 $0x10;
	s2 =	sand.u32 $0xC00, s15;
	v16 =	vperm.xlane v15, v16;
	[tilespmem:s10+$0x6280] =	vst v18  }
.LBB2_20:
0x15d: {  	p0 =	sne.s32 s16, $0x1F0;
	s13 =	sand.u32 $0x70, s1;
	s1 =	sadd.s32 s2, s4;
	[tilespmem:s10+$0x6300] =	vst v17  }
0x15e: {  	s14 =	sadd.s32 s13, s1;
	[tilespmem:s10+$0x6380] =	vst v16;
	s1 =	smov.u32 s16  }
0x15f: {  	v16 =	vld [tilespmem:s14+$0x80];
	_ =	sdelay $0x4  }
0x160: {  	v17 =	vperm.xlane v0, v16;
	v18 =	vperm.xlane v1, v16  }
0x161: {  	s10 =	sor.u32 s13, s2;
	v19 =	vperm.xlane v2, v16;
	v20 =	vperm.xlane v3, v16  }
0x162: {  	v21 =	vperm.xlane v5, v16;
	[tilespmem:s10+$0x5000] =	vst v17;
	v17 =	vperm.xlane v4, v16  }
0x163: {  	v22 =	vperm.xlane v7, v16;
	[tilespmem:s10+$0x5080] =	vst v18;
	v18 =	vperm.xlane v6, v16  }
0x164: {  	v23 =	vperm.xlane v9, v16;
	[tilespmem:s10+$0x5100] =	vst v19;
	v19 =	vperm.xlane v8, v16  }
0x165: {  	v24 =	vperm.xlane v11, v16;
	[tilespmem:s10+$0x5180] =	vst v20;
	v20 =	vperm.xlane v10, v16  }
0x166: {  	v25 =	vperm.xlane v12, v16;
	v26 =	vperm.xlane v13, v16;
	[tilespmem:s10+$0x5200] =	vst v17  }
0x167: {  	v17 =	vperm.xlane v14, v16;
	v16 =	vperm.xlane v15, v16;
	[tilespmem:s10+$0x5280] =	vst v21  }
0x168: {  	[tilespmem:s10+$0x5300] =	vst v18  }
0x169: {  	[tilespmem:s10+$0x5380] =	vst v22  }
0x16a: {  	[tilespmem:s10+$0x6000] =	vst v19  }
.Ltmp9:
0x16b: {  	[tilespmem:s10+$0x6080] =	vst v23;
	(pc) =	sbr.rel @p0 .LBB2_20-.Ltmp9, $4  }
0x16c: {  	[tilespmem:s10+$0x6100] =	vst v20  }
0x16d: {  	[tilespmem:s10+$0x6180] =	vst v24  }
0x16e: {  	s15 =	sadd.s32 $0x80, s15;
	[tilespmem:s10+$0x6200] =	vst v25  }
0x16f: {  	s2 =	sand.u32 $0xC00, s15;
	s16 =	sadd.s32 $0x10, s16;
	[tilespmem:s10+$0x6280] =	vst v26  }
0x170: {  	s1 =	sand.u32 $0x70, s1;
	s4 =	sadd.s32 s2, s4;
	[tilespmem:s10+$0x6300] =	vst v17  }
0x171: {  	[tilespmem:s10+$0x6380] =	vst v16;
	s4 =	sadd.s32 s1, s4  }
0x172: {  	v16 =	vld [tilespmem:s4+$0x80];
	_ =	sdelay $0x4  }
0x173: {  	v17 =	vperm.xlane v0, v16  }
0x174: {  	s1 =	sor.u32 s1, s2;
	v18 =	vperm.xlane v1, v16  }
0x175: {  	v19 =	vperm.xlane v2, v16;
	[tilespmem:s1+$0x5000] =	vst v17  }
0x176: {  	v56 =	vperm.xlane v4, v16;
	[tilespmem:s1+$0x5080] =	vst v18  }
0x177: {  	v57 =	vperm.xlane v5, v16;
	[tilespmem:s1+$0x5100] =	vst v19  }
0x178: {  	v58 =	vperm.xlane v7, v16;
	[tilespmem:s1+$0x5200] =	vst v56  }
0x179: {  	v59 =	vperm.xlane v8, v16;
	[tilespmem:s1+$0x5280] =	vst v57  }
0x17a: {  	v60 =	vperm.xlane v10, v16;
	[tilespmem:s1+$0x5380] =	vst v58  }
0x17b: {  	v17 =	vperm.xlane v3, v16;
	[tilespmem:s1+$0x6000] =	vst v59  }
0x17c: {  	v61 =	vperm.xlane v11, v16;
	[tilespmem:s1+$0x6100] =	vst v60  }
0x17d: {  	[tilespmem:s1+$0x5180] =	vst v17;
	v17 =	vperm.xlane v6, v16  }
0x17e: {  	v62 =	vperm.xlane v13, v16;
	[tilespmem:s1+$0x6180] =	vst v61  }
0x17f: {  	s3 =	sadd.s32 $0x1, s3;
	[tilespmem:s1+$0x5300] =	vst v17;
	v17 =	vperm.xlane v9, v16  }
0x180: {  	p0 =	sne.s32 s3, $0x4;
	v63 =	vperm.xlane v14, v16;
	[tilespmem:s1+$0x6280] =	vst v62  }
.Ltmp10:
0x181: {  	[tilespmem:s1+$0x6080] =	vst v17;
	v17 =	vperm.xlane v12, v16;
	(pc) =	sbr.rel @p0 .LBB2_17-.Ltmp10, $4  }
0x182: {  	[tilespmem:s1+$0x6300] =	vst v63;
	v16 =	vperm.xlane v15, v16  }
0x183: {  	s31 =	rddreg [dreg:$0x9];
	[tilespmem:s1+$0x6200] =	vst v17  }
0x184: {  	[tilespmem:s1+$0x6380] =	vst v16;
	s1 =	sadd.s32 s9, s31  }
0x185: {  	[hbm4b:s1+s21] =	stream.strided.scatter [tilespmem:s26], [sflag:$0x4], $0x2000, s24, s21, $0x38;
	[tilespmem:$0x7000] =	vst v63  }
0x186: {  	_ =	swait.ge [sflag:s29], $0x2000  }
0x187: {  	[sflag:s29] =	ssyncset.done $0x0  }
0x188: {  	[sflag:s29] =	ssyncadd.s32 $0xFFFFE000  }
0x189: {  	_ =	swait.ge [sflag:s30], $0x2000  }
0x18a: {  	[sflag:s30] =	ssyncset.done $0x0  }
0x18b: {  	[sflag:s30] =	ssyncadd.s32 $0xFFFFE000  }
0x18c: {  	v0 =	vld [tilespmem:$0x800]  }
0x18d: {  	v1 =	vld [tilespmem:$0x880]  }
0x18e: {  	v2 =	vld [tilespmem:$0x900]  }
0x18f: {  	v3 =	vld [tilespmem:$0x980]  }
0x190: {  	v4 =	vld [tilespmem:$0xA00]  }
0x191: {  	v5 =	vld [tilespmem:$0xA80]  }
0x192: {  	v6 =	vld [tilespmem:$0xB00]  }
0x193: {  	v7 =	vld [tilespmem:$0xB80]  }
0x194: {  	v8 =	vld [tilespmem:$0xC00]  }
0x195: {  	v9 =	vld [tilespmem:$0xC80]  }
0x196: {  	v10 =	vld [tilespmem:$0xD00]  }
0x197: {  	v11 =	vld [tilespmem:$0xD80]  }
0x198: {  	v12 =	vld [tilespmem:$0xE00]  }
0x199: {  	v13 =	vld [tilespmem:$0xE80]  }
0x19a: {  	s0 =	simm.s32 $0x0;
	s1 =	rddreg [dreg:$0xa];
	v14 =	vld [tilespmem:$0xF00]  }
0x19b: {  	v15 =	vld [tilespmem:$0xF80];
	[tilespmem:s21], [sflag:$0x1] =	stream.linear.gather [hbm4b:s1+s0], $0x1000, $0x38  }
0x19c: {  	s31 =	rddreg [dreg:$0xb]  }
0x19d: {  	[tilespmem:s22], [sflag:$0x2] =	stream.linear.gather [hbm4b:s31+s0], $0x1000, $0x38;
	[tilespmem:$0x7000] =	vst v63  }
.LBB2_23:
0x19e: {  	_ =	swait.ge [sflag:s23], $0x1000  }
0x19f: {  	[sflag:s23] =	ssyncset.done $0x0  }
0x1a0: {  	s3 =	sshll.u32 s0, $0x4;
	s4 =	simm.s32 $0x0;
	[sflag:s23] =	ssyncadd.s32 $0xFFFFF000  }
.LBB2_24:
0x1a1: {  	s1 =	sor.u32 s0, s4  }
0x1a2: {  	s19 =	sshll.u32 s4, $0x8;
	p0 =	seq.s32 s1, $0x0  }
0x1a3: {  	s15 =	simm.s32 $0x0;
	s1 =	sand.u32 $0x3FFFFF00, s19;
	s2 =	simm.s32 @!p0 $0x3  }
0x1a4: {  	s20 =	sand.u32 $0xC00, s15;
	s16 =	sadd.s32 $0x1000, s1;
	_ =	swait.ge @!p0 [sflag:s2], $0x2000  }
0x1a5: {  	s9 =	sand.u32 $0x70, s15;
	s10 =	sadd.s32 s20, s16;
	[sflag:s2] =	ssyncset.done @!p0 $0x0  }
0x1a6: {  	s31 =	sadd.s32 s9, s10;
	[sflag:s2] =	ssyncadd.s32 @!p0 $0xFFFFE000  }
0x1a7: {  	v16 =	vld [tilespmem:s31+$0x0];
	_ =	sdelay $0x4  }
0x1a8: {  	v18 =	vperm.xlane v0, v16  }
0x1a9: {  	s10 =	sor.u32 s9, s20;
	v22 =	vperm.xlane v6, v16;
	v20 =	vperm.xlane v2, v16  }
0x1aa: {  	v17 =	vperm.xlane v4, v16;
	v21 =	vperm.xlane v3, v16;
	[tilespmem:s10+$0x3000] =	vst v18  }
0x1ab: {  	s19 =	sor.u32 s15, s15;
	s9 =	sshll.u32 s4, $0x1;
	s20 =	simm.s32 $0x10;
	v19 =	vperm.xlane v5, v16;
	v18 =	vperm.xlane v1, v16;
	[tilespmem:s10+$0x3300] =	vst v22  }
.LBB2_25:
0x1ac: {  	p1 =	sne.s32 s20, $0x1F0  }
0x1ad: {  	[tilespmem:s10+$0x3100] =	vst v20;
	s15 =	sadd.s32 $0x80, s15;
	s1 =	smov.u32 s20;
	s20 =	sadd.s32 $0x10, s20  }
0x1ae: {  	s2 =	sor.u32 s15, s1;
	[tilespmem:s10+$0x3180] =	vst v21  }
0x1af: {  	[tilespmem:s10+$0x3200] =	vst v17  }
0x1b0: {  	v17 =	vperm.xlane v7, v16;
	[tilespmem:s10+$0x3080] =	vst v18  }
0x1b1: {  	s13 =	sor.u32 $0x380, s19;
	s19 =	smov.u32 s2;
	v18 =	vperm.xlane v8, v16;
	[tilespmem:s10+$0x3280] =	vst v19  }
0x1b2: {  	[tilespmem:s13+$0x3000] =	vst v17;
	v17 =	vperm.xlane v15, v16  }
0x1b3: {  	[tilespmem:s10+$0x4000] =	vst v18;
	v18 =	vperm.xlane v10, v16  }
0x1b4: {  	v19 =	vperm.xlane v14, v16;
	[tilespmem:s10+$0x4380] =	vst v17  }
0x1b5: {  	v17 =	vperm.xlane v9, v16;
	[tilespmem:s10+$0x4100] =	vst v18  }
0x1b6: {  	v20 =	vperm.xlane v13, v16;
	v18 =	vperm.xlane v12, v16;
	[tilespmem:s10+$0x4300] =	vst v19  }
0x1b7: {  	v16 =	vperm.xlane v11, v16;
	[tilespmem:s10+$0x4080] =	vst v17  }
0x1b8: {  	s2 =	sand.u32 $0xC00, s15;
	[tilespmem:s10+$0x4200] =	vst v18  }
0x1b9: {  	s1 =	sand.u32 $0x70, s1;
	s13 =	sadd.s32 s2, s16;
	[tilespmem:s10+$0x4280] =	vst v20  }
0x1ba: {  	s13 =	sadd.s32 s1, s13;
	[tilespmem:s10+$0x4180] =	vst v16  }
0x1bb: {  	v16 =	vld [tilespmem:s13+$0x0];
	_ =	sdelay $0x3  }
.Ltmp11:
0x1bc: {  	(pc) =	sbr.rel @p1 .LBB2_25-.Ltmp11, $4  }
0x1bd: {  	v18 =	vperm.xlane v0, v16;
	v22 =	vperm.xlane v6, v16  }
0x1be: {  	s10 =	sor.u32 s1, s2;
	v20 =	vperm.xlane v2, v16;
	v17 =	vperm.xlane v4, v16  }
0x1bf: {  	v21 =	vperm.xlane v3, v16;
	[tilespmem:s10+$0x3000] =	vst v18;
	v18 =	vperm.xlane v1, v16  }
0x1c0: {  	v19 =	vperm.xlane v5, v16;
	[tilespmem:s10+$0x3300] =	vst v22  }
0x1c1: {  	[tilespmem:s10+$0x3100] =	vst v20  }
0x1c2: {  	[tilespmem:s10+$0x3180] =	vst v21  }
0x1c3: {  	[tilespmem:s10+$0x3200] =	vst v17  }
0x1c4: {  	[tilespmem:s10+$0x3080] =	vst v18;
	v17 =	vperm.xlane v7, v16  }
0x1c5: {  	s1 =	sor.u32 $0x380, s19;
	v18 =	vperm.xlane v8, v16;
	[tilespmem:s10+$0x3280] =	vst v19  }
0x1c6: {  	v19 =	vperm.xlane v14, v16;
	[tilespmem:s1+$0x3000] =	vst v17  }
0x1c7: {  	v17 =	vperm.xlane v15, v16;
	[tilespmem:s10+$0x4000] =	vst v18  }
0x1c8: {  	v18 =	vperm.xlane v10, v16;
	[tilespmem:s10+$0x4300] =	vst v19  }
0x1c9: {  	v19 =	vperm.xlane v13, v16;
	[tilespmem:s10+$0x4380] =	vst v17  }
0x1ca: {  	s16 =	sadd.s32 s3, s9;
	v17 =	vperm.xlane v9, v16;
	[tilespmem:s10+$0x4100] =	vst v18  }
0x1cb: {  	s1 =	sshll.u32 s16, $0x12;
	v18 =	vperm.xlane v12, v16;
	[tilespmem:s10+$0x4280] =	vst v19  }
0x1cc: {  	s1 =	sor.u32 s8, s1;
	v16 =	vperm.xlane v11, v16;
	[tilespmem:s10+$0x4080] =	vst v17  }
0x1cd: {  	s9 =	sor.u32 $0x1, s9;
	s1 =	sshrl.u32 s1, $0x3;
	[tilespmem:s10+$0x4200] =	vst v18  }
0x1ce: {  	s19 =	sshll.u32 s9, $0x7;
	s1 =	sadd.s32 s6, s1;
	[tilespmem:s10+$0x4180] =	vst v16  }
0x1cf: {  	[hbm4b:s1+s21] =	stream.strided.scatter [tilespmem:s25], [sflag:$0x3], $0x2000, s24, s21, $0x38;
	[tilespmem:$0x7000] =	vst v63  }
0x1d0: {  	s2 =	simm.s32 @!p0 $0x4;
	s13 =	simm.s32 $0x0;
	s1 =	sand.u32 $0x3FFFFF80, s19  }
0x1d1: {  	s20 =	sand.u32 $0xC00, s13;
	_ =	swait.ge @!p0 [sflag:s2], $0x2000;
	s10 =	sadd.s32 $0x1000, s1  }
0x1d2: {  	s13 =	sand.u32 $0x70, s13;
	[sflag:s2] =	ssyncset.done @!p0 $0x0;
	s14 =	sadd.s32 s20, s10  }
0x1d3: {  	[sflag:s2] =	ssyncadd.s32 @!p0 $0xFFFFE000;
	s31 =	sadd.s32 s13, s14  }
0x1d4: {  	v16 =	vld [tilespmem:s31+$0x0];
	_ =	sdelay $0x4  }
0x1d5: {  	v17 =	vperm.xlane v0, v16  }
0x1d6: {  	s15 =	sor.u32 s13, s20;
	v18 =	vperm.xlane v1, v16  }
0x1d7: {  	v19 =	vperm.xlane v2, v16;
	[tilespmem:s15+$0x5000] =	vst v17  }
0x1d8: {  	v17 =	vperm.xlane v3, v16;
	[tilespmem:s15+$0x5080] =	vst v18  }
0x1d9: {  	v18 =	vperm.xlane v4, v16;
	[tilespmem:s15+$0x5100] =	vst v19  }
0x1da: {  	v19 =	vperm.xlane v5, v16;
	[tilespmem:s15+$0x5180] =	vst v17  }
0x1db: {  	v17 =	vperm.xlane v6, v16;
	[tilespmem:s15+$0x5200] =	vst v18  }
0x1dc: {  	v18 =	vperm.xlane v7, v16;
	[tilespmem:s15+$0x5280] =	vst v19  }
0x1dd: {  	v19 =	vperm.xlane v8, v16;
	[tilespmem:s15+$0x5300] =	vst v17  }
0x1de: {  	v17 =	vperm.xlane v9, v16;
	[tilespmem:s15+$0x5380] =	vst v18  }
0x1df: {  	v18 =	vperm.xlane v10, v16;
	[tilespmem:s15+$0x6000] =	vst v19  }
0x1e0: {  	v19 =	vperm.xlane v11, v16;
	[tilespmem:s15+$0x6080] =	vst v17  }
0x1e1: {  	v17 =	vperm.xlane v12, v16;
	[tilespmem:s15+$0x6100] =	vst v18  }
0x1e2: {  	v18 =	vperm.xlane v13, v16;
	[tilespmem:s15+$0x6180] =	vst v19  }
0x1e3: {  	s16 =	simm.s32 $0x80;
	[tilespmem:s15+$0x6200] =	vst v17;
	v17 =	vperm.xlane v14, v16  }
0x1e4: {  	s19 =	simm.s32 $0x20;
	s1 =	simm.s32 $0x10;
	s2 =	sand.u32 $0xC00, s16;
	v16 =	vperm.xlane v15, v16;
	[tilespmem:s15+$0x6280] =	vst v18  }
.LBB2_27:
0x1e5: {  	p0 =	sne.s32 s19, $0x1F0;
	s13 =	sand.u32 $0x70, s1;
	s1 =	sadd.s32 s2, s10;
	[tilespmem:s15+$0x6300] =	vst v17  }
0x1e6: {  	s14 =	sadd.s32 s13, s1;
	[tilespmem:s15+$0x6380] =	vst v16;
	s1 =	smov.u32 s19  }
0x1e7: {  	v16 =	vld [tilespmem:s14+$0x0];
	_ =	sdelay $0x4  }
0x1e8: {  	v17 =	vperm.xlane v0, v16;
	v18 =	vperm.xlane v1, v16  }
0x1e9: {  	s15 =	sor.u32 s13, s2;
	v19 =	vperm.xlane v2, v16;
	v20 =	vperm.xlane v3, v16  }
0x1ea: {  	v21 =	vperm.xlane v5, v16;
	[tilespmem:s15+$0x5000] =	vst v17;
	v17 =	vperm.xlane v4, v16  }
0x1eb: {  	v22 =	vperm.xlane v7, v16;
	[tilespmem:s15+$0x5080] =	vst v18;
	v18 =	vperm.xlane v6, v16  }
0x1ec: {  	v23 =	vperm.xlane v9, v16;
	[tilespmem:s15+$0x5100] =	vst v19;
	v19 =	vperm.xlane v8, v16  }
0x1ed: {  	v24 =	vperm.xlane v11, v16;
	[tilespmem:s15+$0x5180] =	vst v20;
	v20 =	vperm.xlane v10, v16  }
0x1ee: {  	v25 =	vperm.xlane v12, v16;
	v26 =	vperm.xlane v13, v16;
	[tilespmem:s15+$0x5200] =	vst v17  }
0x1ef: {  	v17 =	vperm.xlane v14, v16;
	v16 =	vperm.xlane v15, v16;
	[tilespmem:s15+$0x5280] =	vst v21  }
0x1f0: {  	[tilespmem:s15+$0x5300] =	vst v18  }
0x1f1: {  	[tilespmem:s15+$0x5380] =	vst v22  }
0x1f2: {  	[tilespmem:s15+$0x6000] =	vst v19  }
.Ltmp12:
0x1f3: {  	[tilespmem:s15+$0x6080] =	vst v23;
	(pc) =	sbr.rel @p0 .LBB2_27-.Ltmp12, $4  }
0x1f4: {  	[tilespmem:s15+$0x6100] =	vst v20  }
0x1f5: {  	[tilespmem:s15+$0x6180] =	vst v24  }
0x1f6: {  	s16 =	sadd.s32 $0x80, s16;
	[tilespmem:s15+$0x6200] =	vst v25  }
0x1f7: {  	s2 =	sand.u32 $0xC00, s16;
	s19 =	sadd.s32 $0x10, s19;
	[tilespmem:s15+$0x6280] =	vst v26  }
0x1f8: {  	s1 =	sand.u32 $0x70, s1;
	s10 =	sadd.s32 s2, s10;
	[tilespmem:s15+$0x6300] =	vst v17  }
0x1f9: {  	[tilespmem:s15+$0x6380] =	vst v16;
	s10 =	sadd.s32 s1, s10  }
0x1fa: {  	v16 =	vld [tilespmem:s10+$0x0];
	_ =	sdelay $0x4  }
0x1fb: {  	v17 =	vperm.xlane v0, v16  }
0x1fc: {  	s1 =	sor.u32 s1, s2;
	v18 =	vperm.xlane v1, v16  }
0x1fd: {  	v19 =	vperm.xlane v2, v16;
	[tilespmem:s1+$0x5000] =	vst v17  }
0x1fe: {  	v56 =	vperm.xlane v4, v16;
	[tilespmem:s1+$0x5080] =	vst v18  }
0x1ff: {  	v57 =	vperm.xlane v5, v16;
	[tilespmem:s1+$0x5100] =	vst v19  }
0x200: {  	v58 =	vperm.xlane v7, v16;
	[tilespmem:s1+$0x5200] =	vst v56  }
0x201: {  	v59 =	vperm.xlane v8, v16;
	[tilespmem:s1+$0x5280] =	vst v57  }
0x202: {  	v60 =	vperm.xlane v10, v16;
	[tilespmem:s1+$0x5380] =	vst v58  }
0x203: {  	v17 =	vperm.xlane v3, v16;
	[tilespmem:s1+$0x6000] =	vst v59  }
0x204: {  	v61 =	vperm.xlane v11, v16;
	[tilespmem:s1+$0x6100] =	vst v60  }
0x205: {  	[tilespmem:s1+$0x5180] =	vst v17;
	v17 =	vperm.xlane v6, v16  }
0x206: {  	v62 =	vperm.xlane v13, v16;
	[tilespmem:s1+$0x6180] =	vst v61  }
0x207: {  	s4 =	sadd.s32 $0x1, s4;
	[tilespmem:s1+$0x5300] =	vst v17;
	v17 =	vperm.xlane v9, v16  }
0x208: {  	s20 =	sadd.s32 s3, s9;
	p0 =	sne.s32 s4, $0x4;
	v63 =	vperm.xlane v14, v16;
	[tilespmem:s1+$0x6280] =	vst v62  }
.Ltmp13:
0x209: {  	s2 =	sshll.u32 s20, $0x12;
	[tilespmem:s1+$0x6080] =	vst v17;
	v17 =	vperm.xlane v12, v16;
	(pc) =	sbr.rel @p0 .LBB2_24-.Ltmp13, $4  }
0x20a: {  	s2 =	sor.u32 s8, s2;
	[tilespmem:s1+$0x6300] =	vst v63;
	v16 =	vperm.xlane v15, v16  }
0x20b: {  	s2 =	sshrl.u32 s2, $0x3;
	[tilespmem:s1+$0x6200] =	vst v17  }
0x20c: {  	s31 =	sadd.s32 s6, s2;
	[tilespmem:s1+$0x6380] =	vst v16  }
0x20d: {  	[hbm4b:s31+s21] =	stream.strided.scatter [tilespmem:s26], [sflag:$0x4], $0x2000, s24, s21, $0x38;
	[tilespmem:$0x7000] =	vst v63  }
0x20e: {  	s4 =	sshll.u32 s0, $0x12  }
0x20f: {  	s1 =	sadd.s32 s11, s4  }
0x210: {  	s2 =	rddreg [dreg:$0x1];
	s1 =	sshrl.u32 s1, $0x3  }
0x211: {  	s9 =	simm.s32 $0x0;
	s1 =	sadd.s32 s2, s1  }
0x212: {  	[tilespmem:s21], [sflag:$0x1] =	stream.linear.gather [hbm4b:s1+s9], $0x1000, $0x38;
	[tilespmem:$0x7000] =	vst v63  }
0x213: {  	_ =	swait.ge [sflag:s28], $0x1000  }
0x214: {  	[sflag:s28] =	ssyncset.done $0x0  }
0x215: {  	s3 =	sor.u32 $0x8, s3;
	s10 =	simm.s32 $0x0;
	[sflag:s28] =	ssyncadd.s32 $0xFFFFF000  }
.LBB2_30:
0x216: {  	s1 =	sshll.u32 s10, $0x8  }
0x217: {  	s1 =	sand.u32 $0x3FFFFF00, s1  }
0x218: {  	_ =	swait.ge [sflag:s29], $0x2000;
	s20 =	sand.u32 $0xC00, s9;
	s16 =	sadd.s32 $0x2000, s1  }
0x219: {  	s2 =	sand.u32 $0x70, s9;
	[sflag:s29] =	ssyncset.done $0x0;
	s13 =	sadd.s32 s20, s16  }
0x21a: {  	[sflag:s29] =	ssyncadd.s32 $0xFFFFE000;
	s13 =	sadd.s32 s2, s13  }
0x21b: {  	v16 =	vld [tilespmem:s13+$0x0];
	_ =	sdelay $0x4  }
0x21c: {  	v18 =	vperm.xlane v0, v16  }
0x21d: {  	s15 =	sor.u32 s2, s20;
	v22 =	vperm.xlane v6, v16;
	v20 =	vperm.xlane v2, v16  }
0x21e: {  	v17 =	vperm.xlane v4, v16;
	v21 =	vperm.xlane v3, v16;
	[tilespmem:s15+$0x3000] =	vst v18  }
0x21f: {  	s19 =	sor.u32 s9, s9;
	s31 =	simm.s32 $0x0;
	s20 =	simm.s32 $0x10;
	v19 =	vperm.xlane v5, v16;
	v18 =	vperm.xlane v1, v16;
	[tilespmem:s15+$0x3300] =	vst v22  }
.LBB2_31:
0x220: {  	p0 =	sne.s32 s20, $0x1F0  }
0x221: {  	[tilespmem:s15+$0x3100] =	vst v20;
	s31 =	sadd.s32 $0x80, s31;
	s1 =	smov.u32 s20;
	s20 =	sadd.s32 $0x10, s20  }
0x222: {  	s2 =	sor.u32 s31, s1;
	[tilespmem:s15+$0x3180] =	vst v21  }
0x223: {  	[tilespmem:s15+$0x3200] =	vst v17  }
0x224: {  	v17 =	vperm.xlane v7, v16;
	[tilespmem:s15+$0x3080] =	vst v18  }
0x225: {  	s13 =	sor.u32 $0x380, s19;
	s19 =	smov.u32 s2;
	v18 =	vperm.xlane v8, v16;
	[tilespmem:s15+$0x3280] =	vst v19  }
0x226: {  	[tilespmem:s13+$0x3000] =	vst v17;
	v17 =	vperm.xlane v15, v16  }
0x227: {  	[tilespmem:s15+$0x4000] =	vst v18;
	v18 =	vperm.xlane v10, v16  }
0x228: {  	v19 =	vperm.xlane v14, v16;
	[tilespmem:s15+$0x4380] =	vst v17  }
0x229: {  	v17 =	vperm.xlane v9, v16;
	[tilespmem:s15+$0x4100] =	vst v18  }
0x22a: {  	v20 =	vperm.xlane v13, v16;
	v18 =	vperm.xlane v12, v16;
	[tilespmem:s15+$0x4300] =	vst v19  }
0x22b: {  	v16 =	vperm.xlane v11, v16;
	[tilespmem:s15+$0x4080] =	vst v17  }
0x22c: {  	s2 =	sand.u32 $0xC00, s31;
	[tilespmem:s15+$0x4200] =	vst v18  }
0x22d: {  	s1 =	sand.u32 $0x70, s1;
	s13 =	sadd.s32 s2, s16;
	[tilespmem:s15+$0x4280] =	vst v20  }
0x22e: {  	s13 =	sadd.s32 s1, s13;
	[tilespmem:s15+$0x4180] =	vst v16  }
0x22f: {  	v16 =	vld [tilespmem:s13+$0x0];
	_ =	sdelay $0x3  }
.Ltmp14:
0x230: {  	(pc) =	sbr.rel @p0 .LBB2_31-.Ltmp14, $4  }
0x231: {  	v18 =	vperm.xlane v0, v16;
	v22 =	vperm.xlane v6, v16  }
0x232: {  	s15 =	sor.u32 s1, s2;
	v20 =	vperm.xlane v2, v16;
	v17 =	vperm.xlane v4, v16  }
0x233: {  	v21 =	vperm.xlane v3, v16;
	[tilespmem:s15+$0x3000] =	vst v18;
	v18 =	vperm.xlane v1, v16  }
0x234: {  	v19 =	vperm.xlane v5, v16;
	[tilespmem:s15+$0x3300] =	vst v22  }
0x235: {  	[tilespmem:s15+$0x3100] =	vst v20  }
0x236: {  	[tilespmem:s15+$0x3180] =	vst v21  }
0x237: {  	[tilespmem:s15+$0x3200] =	vst v17  }
0x238: {  	[tilespmem:s15+$0x3080] =	vst v18;
	v17 =	vperm.xlane v7, v16  }
0x239: {  	s1 =	sor.u32 $0x380, s19;
	v18 =	vperm.xlane v8, v16;
	[tilespmem:s15+$0x3280] =	vst v19  }
0x23a: {  	v19 =	vperm.xlane v14, v16;
	[tilespmem:s1+$0x3000] =	vst v17  }
0x23b: {  	v17 =	vperm.xlane v15, v16;
	[tilespmem:s15+$0x4000] =	vst v18  }
0x23c: {  	v18 =	vperm.xlane v10, v16;
	[tilespmem:s15+$0x4300] =	vst v19  }
0x23d: {  	s16 =	sshll.u32 s10, $0x1;
	v19 =	vperm.xlane v13, v16;
	[tilespmem:s15+$0x4380] =	vst v17  }
0x23e: {  	s1 =	sadd.s32 s3, s16;
	v17 =	vperm.xlane v9, v16;
	[tilespmem:s15+$0x4100] =	vst v18  }
0x23f: {  	s1 =	sshll.u32 s1, $0x12;
	v18 =	vperm.xlane v12, v16;
	[tilespmem:s15+$0x4280] =	vst v19  }
0x240: {  	s1 =	sor.u32 s8, s1;
	v16 =	vperm.xlane v11, v16;
	[tilespmem:s15+$0x4080] =	vst v17  }
0x241: {  	s1 =	sshrl.u32 s1, $0x3;
	[tilespmem:s15+$0x4200] =	vst v18  }
0x242: {  	s1 =	sadd.s32 s6, s1;
	[tilespmem:s15+$0x4180] =	vst v16;
	s15 =	sshllo.u32 s10, $0x1  }
0x243: {  	[hbm4b:s1+s21] =	stream.strided.scatter [tilespmem:s25], [sflag:$0x3], $0x2000, s24, s21, $0x38;
	[tilespmem:$0x7000] =	vst v63  }
0x244: {  	s19 =	sshll.u32 s15, $0x7  }
0x245: {  	s2 =	simm.s32 $0x0;
	s1 =	sand.u32 $0x3FFFFF80, s19  }
0x246: {  	s20 =	sand.u32 $0xC00, s2;
	_ =	swait.ge [sflag:s30], $0x2000;
	s16 =	sadd.s32 $0x2000, s1  }
0x247: {  	s2 =	sand.u32 $0x70, s2;
	[sflag:s30] =	ssyncset.done $0x0;
	s13 =	sadd.s32 s20, s16  }
0x248: {  	[sflag:s30] =	ssyncadd.s32 $0xFFFFE000;
	s13 =	sadd.s32 s2, s13  }
0x249: {  	v16 =	vld [tilespmem:s13+$0x0];
	_ =	sdelay $0x4  }
0x24a: {  	v17 =	vperm.xlane v0, v16  }
0x24b: {  	s19 =	sor.u32 s2, s20;
	v18 =	vperm.xlane v1, v16  }
0x24c: {  	v19 =	vperm.xlane v2, v16;
	[tilespmem:s19+$0x5000] =	vst v17  }
0x24d: {  	v17 =	vperm.xlane v3, v16;
	[tilespmem:s19+$0x5080] =	vst v18  }
0x24e: {  	v18 =	vperm.xlane v4, v16;
	[tilespmem:s19+$0x5100] =	vst v19  }
0x24f: {  	v19 =	vperm.xlane v5, v16;
	[tilespmem:s19+$0x5180] =	vst v17  }
0x250: {  	v17 =	vperm.xlane v6, v16;
	[tilespmem:s19+$0x5200] =	vst v18  }
0x251: {  	v18 =	vperm.xlane v7, v16;
	[tilespmem:s19+$0x5280] =	vst v19  }
0x252: {  	v19 =	vperm.xlane v8, v16;
	[tilespmem:s19+$0x5300] =	vst v17  }
0x253: {  	v17 =	vperm.xlane v9, v16;
	[tilespmem:s19+$0x5380] =	vst v18  }
0x254: {  	v18 =	vperm.xlane v10, v16;
	[tilespmem:s19+$0x6000] =	vst v19  }
0x255: {  	v19 =	vperm.xlane v11, v16;
	[tilespmem:s19+$0x6080] =	vst v17  }
0x256: {  	v17 =	vperm.xlane v12, v16;
	[tilespmem:s19+$0x6100] =	vst v18  }
0x257: {  	v18 =	vperm.xlane v13, v16;
	[tilespmem:s19+$0x6180] =	vst v19  }
0x258: {  	s20 =	simm.s32 $0x80;
	[tilespmem:s19+$0x6200] =	vst v17;
	v17 =	vperm.xlane v14, v16  }
0x259: {  	s31 =	simm.s32 $0x20;
	s1 =	simm.s32 $0x10;
	s2 =	sand.u32 $0xC00, s20;
	v16 =	vperm.xlane v15, v16;
	[tilespmem:s19+$0x6280] =	vst v18  }
.LBB2_33:
0x25a: {  	p0 =	sne.s32 s31, $0x1F0;
	s13 =	sand.u32 $0x70, s1;
	s1 =	sadd.s32 s2, s16;
	[tilespmem:s19+$0x6300] =	vst v17  }
0x25b: {  	s14 =	sadd.s32 s13, s1;
	[tilespmem:s19+$0x6380] =	vst v16;
	s1 =	smov.u32 s31  }
0x25c: {  	v16 =	vld [tilespmem:s14+$0x0];
	_ =	sdelay $0x4  }
0x25d: {  	v17 =	vperm.xlane v0, v16;
	v18 =	vperm.xlane v1, v16  }
0x25e: {  	s19 =	sor.u32 s13, s2;
	v19 =	vperm.xlane v2, v16;
	v20 =	vperm.xlane v3, v16  }
0x25f: {  	v21 =	vperm.xlane v5, v16;
	[tilespmem:s19+$0x5000] =	vst v17;
	v17 =	vperm.xlane v4, v16  }
0x260: {  	v22 =	vperm.xlane v7, v16;
	[tilespmem:s19+$0x5080] =	vst v18;
	v18 =	vperm.xlane v6, v16  }
0x261: {  	v23 =	vperm.xlane v9, v16;
	[tilespmem:s19+$0x5100] =	vst v19;
	v19 =	vperm.xlane v8, v16  }
0x262: {  	v24 =	vperm.xlane v11, v16;
	[tilespmem:s19+$0x5180] =	vst v20;
	v20 =	vperm.xlane v10, v16  }
0x263: {  	v25 =	vperm.xlane v12, v16;
	v26 =	vperm.xlane v13, v16;
	[tilespmem:s19+$0x5200] =	vst v17  }
0x264: {  	v17 =	vperm.xlane v14, v16;
	v16 =	vperm.xlane v15, v16;
	[tilespmem:s19+$0x5280] =	vst v21  }
0x265: {  	[tilespmem:s19+$0x5300] =	vst v18  }
0x266: {  	[tilespmem:s19+$0x5380] =	vst v22  }
0x267: {  	[tilespmem:s19+$0x6000] =	vst v19  }
.Ltmp15:
0x268: {  	[tilespmem:s19+$0x6080] =	vst v23;
	(pc) =	sbr.rel @p0 .LBB2_33-.Ltmp15, $4  }
0x269: {  	[tilespmem:s19+$0x6100] =	vst v20  }
0x26a: {  	[tilespmem:s19+$0x6180] =	vst v24  }
0x26b: {  	s20 =	sadd.s32 $0x80, s20;
	[tilespmem:s19+$0x6200] =	vst v25  }
0x26c: {  	s2 =	sand.u32 $0xC00, s20;
	s31 =	sadd.s32 $0x10, s31;
	[tilespmem:s19+$0x6280] =	vst v26  }
0x26d: {  	s1 =	sand.u32 $0x70, s1;
	s13 =	sadd.s32 s2, s16;
	[tilespmem:s19+$0x6300] =	vst v17  }
0x26e: {  	[tilespmem:s19+$0x6380] =	vst v16;
	s13 =	sadd.s32 s1, s13  }
0x26f: {  	v16 =	vld [tilespmem:s13+$0x0];
	_ =	sdelay $0x4  }
0x270: {  	v17 =	vperm.xlane v0, v16  }
0x271: {  	s1 =	sor.u32 s1, s2;
	v18 =	vperm.xlane v1, v16  }
0x272: {  	v19 =	vperm.xlane v2, v16;
	[tilespmem:s1+$0x5000] =	vst v17  }
0x273: {  	v56 =	vperm.xlane v4, v16;
	[tilespmem:s1+$0x5080] =	vst v18  }
0x274: {  	v57 =	vperm.xlane v5, v16;
	[tilespmem:s1+$0x5100] =	vst v19  }
0x275: {  	v58 =	vperm.xlane v7, v16;
	[tilespmem:s1+$0x5200] =	vst v56  }
0x276: {  	v59 =	vperm.xlane v8, v16;
	[tilespmem:s1+$0x5280] =	vst v57  }
0x277: {  	v60 =	vperm.xlane v10, v16;
	[tilespmem:s1+$0x5380] =	vst v58  }
0x278: {  	v17 =	vperm.xlane v3, v16;
	[tilespmem:s1+$0x6000] =	vst v59  }
0x279: {  	v61 =	vperm.xlane v11, v16;
	[tilespmem:s1+$0x6100] =	vst v60  }
0x27a: {  	[tilespmem:s1+$0x5180] =	vst v17;
	v17 =	vperm.xlane v6, v16  }
0x27b: {  	v62 =	vperm.xlane v13, v16;
	[tilespmem:s1+$0x6180] =	vst v61  }
0x27c: {  	s10 =	sadd.s32 $0x1, s10;
	[tilespmem:s1+$0x5300] =	vst v17;
	v17 =	vperm.xlane v9, v16  }
0x27d: {  	s20 =	sadd.s32 s3, s15;
	p0 =	sne.s32 s10, $0x4;
	v63 =	vperm.xlane v14, v16;
	[tilespmem:s1+$0x6280] =	vst v62  }
.Ltmp16:
0x27e: {  	s2 =	sshll.u32 s20, $0x12;
	[tilespmem:s1+$0x6080] =	vst v17;
	v17 =	vperm.xlane v12, v16;
	(pc) =	sbr.rel @p0 .LBB2_30-.Ltmp16, $4  }
0x27f: {  	s2 =	sor.u32 s8, s2;
	[tilespmem:s1+$0x6300] =	vst v63;
	v16 =	vperm.xlane v15, v16  }
0x280: {  	s2 =	sshrl.u32 s2, $0x3;
	[tilespmem:s1+$0x6200] =	vst v17  }
0x281: {  	s31 =	sadd.s32 s6, s2;
	[tilespmem:s1+$0x6380] =	vst v16  }
0x282: {  	[hbm4b:s31+s21] =	stream.strided.scatter [tilespmem:s26], [sflag:$0x4], $0x2000, s24, s21, $0x38;
	[tilespmem:$0x7000] =	vst v63  }
0x283: {  	p0 =	seq.s32 s0, $0xB  }
.Ltmp17:
0x284: {  	_ = 	snop;
	(pc) =	sbr.rel @p0 .LBB2_37-.Ltmp17, $1  }
0x285: {  	_ =	sdelay $0x3  }
.Ltmp18:
0x286: {  	(pc) =	sbr.rel .LBB2_23-.Ltmp18, $4  }
0x287: {  	s1 =	sadd.s32 s12, s4  }
0x288: {  	s2 =	rddreg [dreg:$0x1];
	s1 =	sshrl.u32 s1, $0x3  }
0x289: {  	s0 =	sadd.s32 $0x1, s0;
	s1 =	sadd.s32 s2, s1  }
0x28a: {  	[tilespmem:s22], [sflag:$0x2] =	stream.linear.gather [hbm4b:s1+s7], $0x1000, $0x38;
	[tilespmem:$0x7000] =	vst v63  }
.LBB2_37:
0x28b: {  	_ =	swait.ge [sflag:s23], $0x1000  }
0x28c: {  	[sflag:s23] =	ssyncset.done $0x0  }
0x28d: {  	s0 =	simm.s32 $0x0;
	s3 =	simm.s32 $0x0;
	[sflag:s23] =	ssyncadd.s32 $0xFFFFF000  }
.LBB2_38:
0x28e: {  	s1 =	sshll.u32 s3, $0x8  }
0x28f: {  	s1 =	sand.u32 $0x3FFFFF00, s1  }
0x290: {  	_ =	swait.ge [sflag:s29], $0x2000;
	s31 =	sand.u32 $0xC00, s0;
	s4 =	sadd.s32 $0x1000, s1  }
0x291: {  	s2 =	sand.u32 $0x70, s0;
	[sflag:s29] =	ssyncset.done $0x0;
	s9 =	sadd.s32 s31, s4  }
0x292: {  	[sflag:s29] =	ssyncadd.s32 $0xFFFFE000;
	s9 =	sadd.s32 s2, s9  }
0x293: {  	v16 =	vld [tilespmem:s9+$0x0];
	_ =	sdelay $0x4  }
0x294: {  	v18 =	vperm.xlane v0, v16  }
0x295: {  	s10 =	sor.u32 s2, s31;
	v22 =	vperm.xlane v6, v16;
	v20 =	vperm.xlane v2, v16  }
0x296: {  	v17 =	vperm.xlane v4, v16;
	v21 =	vperm.xlane v3, v16;
	[tilespmem:s10+$0x3000] =	vst v18  }
0x297: {  	s15 =	simm.s32 $0x10;
	s16 =	simm.s32 $0x0;
	s9 =	sor.u32 s0, s0;
	v19 =	vperm.xlane v5, v16;
	v18 =	vperm.xlane v1, v16;
	[tilespmem:s10+$0x3300] =	vst v22  }
.LBB2_39:
0x298: {  	p0 =	sne.s32 s15, $0x1F0  }
0x299: {  	[tilespmem:s10+$0x3100] =	vst v20;
	s16 =	sadd.s32 $0x80, s16;
	s1 =	smov.u32 s15;
	s15 =	sadd.s32 $0x10, s15  }
0x29a: {  	s2 =	sor.u32 s16, s1;
	[tilespmem:s10+$0x3180] =	vst v21  }
0x29b: {  	[tilespmem:s10+$0x3200] =	vst v17  }
0x29c: {  	v17 =	vperm.xlane v7, v16;
	[tilespmem:s10+$0x3080] =	vst v18  }
0x29d: {  	s13 =	sor.u32 $0x380, s9;
	s9 =	smov.u32 s2;
	v18 =	vperm.xlane v8, v16;
	[tilespmem:s10+$0x3280] =	vst v19  }
0x29e: {  	[tilespmem:s13+$0x3000] =	vst v17;
	v17 =	vperm.xlane v15, v16  }
0x29f: {  	[tilespmem:s10+$0x4000] =	vst v18;
	v18 =	vperm.xlane v10, v16  }
0x2a0: {  	v19 =	vperm.xlane v14, v16;
	[tilespmem:s10+$0x4380] =	vst v17  }
0x2a1: {  	v17 =	vperm.xlane v9, v16;
	[tilespmem:s10+$0x4100] =	vst v18  }
0x2a2: {  	v20 =	vperm.xlane v13, v16;
	v18 =	vperm.xlane v12, v16;
	[tilespmem:s10+$0x4300] =	vst v19  }
0x2a3: {  	v16 =	vperm.xlane v11, v16;
	[tilespmem:s10+$0x4080] =	vst v17  }
0x2a4: {  	s2 =	sand.u32 $0xC00, s16;
	[tilespmem:s10+$0x4200] =	vst v18  }
0x2a5: {  	s1 =	sand.u32 $0x70, s1;
	s13 =	sadd.s32 s2, s4;
	[tilespmem:s10+$0x4280] =	vst v20  }
0x2a6: {  	s13 =	sadd.s32 s1, s13;
	[tilespmem:s10+$0x4180] =	vst v16  }
0x2a7: {  	v16 =	vld [tilespmem:s13+$0x0];
	_ =	sdelay $0x3  }
.Ltmp19:
0x2a8: {  	(pc) =	sbr.rel @p0 .LBB2_39-.Ltmp19, $4  }
0x2a9: {  	v18 =	vperm.xlane v0, v16;
	v22 =	vperm.xlane v6, v16  }
0x2aa: {  	s10 =	sor.u32 s1, s2;
	v20 =	vperm.xlane v2, v16;
	v17 =	vperm.xlane v4, v16  }
0x2ab: {  	v21 =	vperm.xlane v3, v16;
	[tilespmem:s10+$0x3000] =	vst v18;
	v18 =	vperm.xlane v1, v16  }
0x2ac: {  	v19 =	vperm.xlane v5, v16;
	[tilespmem:s10+$0x3300] =	vst v22  }
0x2ad: {  	[tilespmem:s10+$0x3100] =	vst v20  }
0x2ae: {  	[tilespmem:s10+$0x3180] =	vst v21  }
0x2af: {  	[tilespmem:s10+$0x3200] =	vst v17  }
0x2b0: {  	[tilespmem:s10+$0x3080] =	vst v18;
	v17 =	vperm.xlane v7, v16  }
0x2b1: {  	s1 =	sor.u32 $0x380, s9;
	v18 =	vperm.xlane v8, v16;
	[tilespmem:s10+$0x3280] =	vst v19  }
0x2b2: {  	v19 =	vperm.xlane v14, v16;
	[tilespmem:s1+$0x3000] =	vst v17  }
0x2b3: {  	v17 =	vperm.xlane v15, v16;
	[tilespmem:s10+$0x4000] =	vst v18  }
0x2b4: {  	v18 =	vperm.xlane v10, v16;
	[tilespmem:s10+$0x4300] =	vst v19  }
0x2b5: {  	v19 =	vperm.xlane v13, v16;
	[tilespmem:s10+$0x4380] =	vst v17  }
0x2b6: {  	v17 =	vperm.xlane v9, v16;
	[tilespmem:s10+$0x4100] =	vst v18  }
0x2b7: {  	s19 =	sshll.u32 s3, $0x13;
	v18 =	vperm.xlane v12, v16;
	[tilespmem:s10+$0x4280] =	vst v19  }
0x2b8: {  	s1 =	sor.u32 s8, s19;
	v16 =	vperm.xlane v11, v16;
	[tilespmem:s10+$0x4080] =	vst v17  }
0x2b9: {  	s9 =	sshrl.u32 s1, $0x3;
	[tilespmem:s10+$0x4200] =	vst v18  }
0x2ba: {  	s20 =	simm.s32 $0x0;
	s1 =	sadd.s32 s9, s17;
	[tilespmem:s10+$0x4180] =	vst v16  }
0x2bb: {  	[hbm4b:s1+s21] =	stream.strided.scatter [tilespmem:s25], [sflag:$0x3], $0x2000, s24, s21, $0x38;
	[tilespmem:$0x7000] =	vst v63  }
0x2bc: {  	s2 =	sand.u32 $0xC00, s20;
	_ =	swait.ge [sflag:s30], $0x2000  }
0x2bd: {  	s31 =	sadd.s32 s2, s4;
	s1 =	sand.u32 $0x70, s20;
	[sflag:s30] =	ssyncset.done $0x0  }
0x2be: {  	s10 =	sadd.s32 s1, s31;
	[sflag:s30] =	ssyncadd.s32 $0xFFFFE000  }
0x2bf: {  	v16 =	vld [tilespmem:s10+$0x80];
	_ =	sdelay $0x4  }
0x2c0: {  	v17 =	vperm.xlane v0, v16  }
0x2c1: {  	s10 =	sor.u32 s1, s2;
	v18 =	vperm.xlane v1, v16  }
0x2c2: {  	v19 =	vperm.xlane v2, v16;
	[tilespmem:s10+$0x5000] =	vst v17  }
0x2c3: {  	v17 =	vperm.xlane v3, v16;
	[tilespmem:s10+$0x5080] =	vst v18  }
0x2c4: {  	v18 =	vperm.xlane v4, v16;
	[tilespmem:s10+$0x5100] =	vst v19  }
0x2c5: {  	v19 =	vperm.xlane v5, v16;
	[tilespmem:s10+$0x5180] =	vst v17  }
0x2c6: {  	v17 =	vperm.xlane v6, v16;
	[tilespmem:s10+$0x5200] =	vst v18  }
0x2c7: {  	v18 =	vperm.xlane v7, v16;
	[tilespmem:s10+$0x5280] =	vst v19  }
0x2c8: {  	v19 =	vperm.xlane v8, v16;
	[tilespmem:s10+$0x5300] =	vst v17  }
0x2c9: {  	v17 =	vperm.xlane v9, v16;
	[tilespmem:s10+$0x5380] =	vst v18  }
0x2ca: {  	v18 =	vperm.xlane v10, v16;
	[tilespmem:s10+$0x6000] =	vst v19  }
0x2cb: {  	v19 =	vperm.xlane v11, v16;
	[tilespmem:s10+$0x6080] =	vst v17  }
0x2cc: {  	v17 =	vperm.xlane v12, v16;
	[tilespmem:s10+$0x6100] =	vst v18  }
0x2cd: {  	v18 =	vperm.xlane v13, v16;
	[tilespmem:s10+$0x6180] =	vst v19  }
0x2ce: {  	s15 =	simm.s32 $0x80;
	[tilespmem:s10+$0x6200] =	vst v17;
	v17 =	vperm.xlane v14, v16  }
0x2cf: {  	s16 =	simm.s32 $0x20;
	s1 =	simm.s32 $0x10;
	s2 =	sand.u32 $0xC00, s15;
	v16 =	vperm.xlane v15, v16;
	[tilespmem:s10+$0x6280] =	vst v18  }
.LBB2_41:
0x2d0: {  	p0 =	sne.s32 s16, $0x1F0;
	s13 =	sand.u32 $0x70, s1;
	s1 =	sadd.s32 s2, s4;
	[tilespmem:s10+$0x6300] =	vst v17  }
0x2d1: {  	s14 =	sadd.s32 s13, s1;
	[tilespmem:s10+$0x6380] =	vst v16;
	s1 =	smov.u32 s16  }
0x2d2: {  	v16 =	vld [tilespmem:s14+$0x80];
	_ =	sdelay $0x4  }
0x2d3: {  	v17 =	vperm.xlane v0, v16;
	v18 =	vperm.xlane v1, v16  }
0x2d4: {  	s10 =	sor.u32 s13, s2;
	v19 =	vperm.xlane v2, v16;
	v20 =	vperm.xlane v3, v16  }
0x2d5: {  	v21 =	vperm.xlane v5, v16;
	[tilespmem:s10+$0x5000] =	vst v17;
	v17 =	vperm.xlane v4, v16  }
0x2d6: {  	v22 =	vperm.xlane v7, v16;
	[tilespmem:s10+$0x5080] =	vst v18;
	v18 =	vperm.xlane v6, v16  }
0x2d7: {  	v23 =	vperm.xlane v9, v16;
	[tilespmem:s10+$0x5100] =	vst v19;
	v19 =	vperm.xlane v8, v16  }
0x2d8: {  	v24 =	vperm.xlane v11, v16;
	[tilespmem:s10+$0x5180] =	vst v20;
	v20 =	vperm.xlane v10, v16  }
0x2d9: {  	v25 =	vperm.xlane v12, v16;
	v26 =	vperm.xlane v13, v16;
	[tilespmem:s10+$0x5200] =	vst v17  }
0x2da: {  	v17 =	vperm.xlane v14, v16;
	v16 =	vperm.xlane v15, v16;
	[tilespmem:s10+$0x5280] =	vst v21  }
0x2db: {  	[tilespmem:s10+$0x5300] =	vst v18  }
0x2dc: {  	[tilespmem:s10+$0x5380] =	vst v22  }
0x2dd: {  	[tilespmem:s10+$0x6000] =	vst v19  }
.Ltmp20:
0x2de: {  	[tilespmem:s10+$0x6080] =	vst v23;
	(pc) =	sbr.rel @p0 .LBB2_41-.Ltmp20, $4  }
0x2df: {  	[tilespmem:s10+$0x6100] =	vst v20  }
0x2e0: {  	[tilespmem:s10+$0x6180] =	vst v24  }
0x2e1: {  	s15 =	sadd.s32 $0x80, s15;
	[tilespmem:s10+$0x6200] =	vst v25  }
0x2e2: {  	s2 =	sand.u32 $0xC00, s15;
	s16 =	sadd.s32 $0x10, s16;
	[tilespmem:s10+$0x6280] =	vst v26  }
0x2e3: {  	s1 =	sand.u32 $0x70, s1;
	s4 =	sadd.s32 s2, s4;
	[tilespmem:s10+$0x6300] =	vst v17  }
0x2e4: {  	[tilespmem:s10+$0x6380] =	vst v16;
	s4 =	sadd.s32 s1, s4  }
0x2e5: {  	v16 =	vld [tilespmem:s4+$0x80];
	_ =	sdelay $0x4  }
0x2e6: {  	v17 =	vperm.xlane v0, v16  }
0x2e7: {  	s1 =	sor.u32 s1, s2;
	v18 =	vperm.xlane v1, v16  }
0x2e8: {  	v19 =	vperm.xlane v2, v16;
	[tilespmem:s1+$0x5000] =	vst v17  }
0x2e9: {  	v56 =	vperm.xlane v4, v16;
	[tilespmem:s1+$0x5080] =	vst v18  }
0x2ea: {  	v57 =	vperm.xlane v5, v16;
	[tilespmem:s1+$0x5100] =	vst v19  }
0x2eb: {  	v58 =	vperm.xlane v7, v16;
	[tilespmem:s1+$0x5200] =	vst v56  }
0x2ec: {  	v59 =	vperm.xlane v8, v16;
	[tilespmem:s1+$0x5280] =	vst v57  }
0x2ed: {  	v60 =	vperm.xlane v10, v16;
	[tilespmem:s1+$0x5380] =	vst v58  }
0x2ee: {  	v17 =	vperm.xlane v3, v16;
	[tilespmem:s1+$0x6000] =	vst v59  }
0x2ef: {  	v61 =	vperm.xlane v11, v16;
	[tilespmem:s1+$0x6100] =	vst v60  }
0x2f0: {  	[tilespmem:s1+$0x5180] =	vst v17;
	v17 =	vperm.xlane v6, v16  }
0x2f1: {  	v62 =	vperm.xlane v13, v16;
	[tilespmem:s1+$0x6180] =	vst v61  }
0x2f2: {  	s3 =	sadd.s32 $0x1, s3;
	[tilespmem:s1+$0x5300] =	vst v17;
	v17 =	vperm.xlane v9, v16  }
0x2f3: {  	p0 =	sne.s32 s3, $0x4;
	v63 =	vperm.xlane v14, v16;
	[tilespmem:s1+$0x6280] =	vst v62  }
.Ltmp21:
0x2f4: {  	[tilespmem:s1+$0x6080] =	vst v17;
	v17 =	vperm.xlane v12, v16;
	(pc) =	sbr.rel @p0 .LBB2_38-.Ltmp21, $4  }
0x2f5: {  	[tilespmem:s1+$0x6300] =	vst v63;
	v16 =	vperm.xlane v15, v16  }
0x2f6: {  	[tilespmem:s1+$0x6200] =	vst v17  }
0x2f7: {  	s31 =	sadd.s32 s9, s18;
	[tilespmem:s1+$0x6380] =	vst v16  }
0x2f8: {  	[hbm4b:s31+s21] =	stream.strided.scatter [tilespmem:s26], [sflag:$0x4], $0x2000, s24, s21, $0x38;
	[tilespmem:$0x7000] =	vst v63  }
0x2f9: {  	_ =	swait.ge [sflag:s29], $0x2000  }
0x2fa: {  	[sflag:s29] =	ssyncset.done $0x0  }
0x2fb: {  	[sflag:s29] =	ssyncadd.s32 $0xFFFFE000  }
0x2fc: {  	_ =	swait.ge [sflag:s30], $0x2000  }
0x2fd: {  	s1 =	rddreg [dreg:$0xd]  }
0x2fe: {  	s0 =	rddreg [dreg:$0xc];
	s1 =	sadd.s32 $0x1, s1  }
0x2ff: {  	p0 =	sne.s32 s1, s0  }
.Ltmp22:
0x300: {  	_ = 	snop;
	(pc) =	sbr.rel @p0 .LBB2_1-.Ltmp22, $3  }
0x301: {  	_ =	sdelay $0x1  }
0x302: {  	[sflag:s30] =	ssyncset.done $0x0  }
0x303: {  	[sflag:s30] =	ssyncadd.s32 $0xFFFFE000  }
0x304: {  	_ =	sfence.sel $0x180000  }
0x305: {  	[bflag:$0x0] =	sbarrier.arrive $0xFFFF  }
0x306: {  	_ =	strace $0x90000047  }
0x307: {  	s0 =	stileid.u32;
	[bflag:$0x2] =	sbarrier.arrive $0xFFFF  }
0x308: {  	p0 =	sne.s32 s0, $0x0;
	s0 =	rddreg [dreg:$0x5]  }
0x309: {  	s0 =	sadd.s32 @!p0 $0x100000, s0  }
0x30a: {  	[sflag:s0] =	ssyncadd.tile.s32 @!p0 $0x1;
	_ =	shalt  }
.Lfunc_end2:
_tile_overlayer_lowered:
.L_overlay_start_2:
0x30b: {  	(tag) =	ssettag $0x2  }
0x30c: {  	s0 =	rddreg [dreg:$0x0];
	s2 =	stileid.u32  }
0x30d: {  	s1 =	rddreg [dreg:$0x1];
	p0 =	sne.s32 s2, $0x0  }
0x30e: {  	s3 =	rddreg [dreg:$0x2];
	[bflag:$0x3] =	sbarrier.arrive $0xFFFF;
	s2 =	simm.s32 @!p0 $0x1C05  }
0x30f: {  	[timem:s3], [sflag:s2] =	dma.local @!p0 [hbm:s0], s1  }
0x310: {  	s0 =	simm.s32 @!p0 $0x5  }
0x311: {  	_ =	swait.ge @!p0 [sflag:s0], s1  }
0x312: {  	s1 =	ssub.s32 @!p0 $0x0, s1;
	[sflag:s0] =	ssyncset.done @!p0 $0x0  }
0x313: {  	[sflag:s0] =	ssyncadd.s32 @!p0 s1  }
0x314: {  	[bflag:$0x3] =	sbarrier.arrive $0xFFFF  }
0x315: {  	_ =	shalt  }

</sc_bundles>
